<compile_context>
chip_gen: v7x
topology: tpu7x:2x2x1
jax: 0.10.2.dev20260603
libtpu: 0.0.44.dev20260713+nightly
codegen_flags: <defaults>
</compile_context>

<pallas_src>
import jax
import jax.numpy as jnp
from jax.experimental import pallas as pl
from jax.experimental.pallas import tpu as pltpu
from jax.experimental.pallas import tpu_sc as plsc

C = 1024
H = 16
D = C // H
POS_DIM = 16
MAX_SAMPLES = 32
HALF_S = MAX_SAMPLES // 2
S = 2 * HALF_S + 1
MAX_FREQ = 16.0
MIN_FREQ = 1.0
SCALE = POS_DIM ** -0.5
L = 2048

PRE_BL = 256
POST_BL = 256
SP = 40

LS = 1152
G_BL = 128
G_W = 768

NC = 2
NS = 16
NW = NC * NS
NL = (L - LS) // NW


def _silu(v):
    return v * jax.nn.sigmoid(v)


def _pre_kernel(x_ref, wave_wT_ref, wave_b_ref, query_wT_ref, query_b_ref,
                kw_ref, attn_ref, idx_ref):
    i = pl.program_id(0)
    xb = x_ref[0]
    wave = _silu(jnp.dot(xb, wave_wT_ref[...], preferred_element_type=jnp.float32)
                 + wave_b_ref[...])
    queries = _silu(jnp.dot(xb, query_wT_ref[...], preferred_element_type=jnp.float32)
                    + query_b_ref[...])
    freq = jax.nn.sigmoid(wave[:, 0:H]) * (MAX_FREQ - MIN_FREQ) + MIN_FREQ
    phase = jnp.tanh(wave[:, H:2 * H]) * MAX_FREQ
    decay = jax.nn.sigmoid(wave[:, 2 * H:3 * H]) * 9.5 + 0.5
    freq_avg = jnp.mean(freq, axis=1, keepdims=True)
    phase_avg = jnp.mean(phase, axis=1, keepdims=True)
    decay_avg = jnp.mean(decay, axis=1, keepdims=True)
    qk = jnp.dot(queries, kw_ref[...], preferred_element_type=jnp.float32)

    stride = (jax.lax.broadcasted_iota(jnp.int32, (1, S), 1)
              - HALF_S).astype(jnp.float32)
    centers = (jax.lax.broadcasted_iota(jnp.int32, (PRE_BL, 1), 0)
               + i * PRE_BL).astype(jnp.float32)
    pos = centers + stride * freq_avg + phase_avg
    valid = (pos >= 0.0) & (pos < float(L))
    validf = valid.astype(jnp.float32)
    idx = jnp.clip(pos.astype(jnp.int32), 0, L - 1)
    rel = jnp.abs(stride) * freq_avg
    denv = jnp.exp(-rel / jnp.maximum(decay_avg, 0.1)) * validf
    relS = rel * SCALE

    for h in range(H):
        sc = qk[:, h:h + 1] * relS
        sc = jnp.where(valid, sc, -1e30)
        m = jnp.max(sc, axis=1, keepdims=True)
        e = jnp.exp(sc - m)
        a = e / jnp.sum(e, axis=1, keepdims=True)
        a = a * denv
        a = a / (jnp.sum(a, axis=1, keepdims=True) + 1e-8)
        attn_ref[:, h, 0:S] = a
    idx_ref[...] = jnp.concatenate(
        [idx, jnp.zeros((PRE_BL, SP - S), jnp.int32)], axis=1)


def _sc_gather_body(x_hbm, w_hbm, idxp_hbm, out_hbm,
                    idx_v, w_v, rows0, rows1, out_v, sem0, sem1):
    wid = jax.lax.axis_index("s") * NC + jax.lax.axis_index("c")
    obase = wid * NL
    base = LS + obase
    pltpu.sync_copy(idxp_hbm.at[pl.ds(base * SP, NL * SP)], idx_v)
    pltpu.sync_copy(w_hbm.at[pl.ds(base * H * SP, NL * H * SP)],
                    w_v.at[pl.ds(0, NL * H * SP)])

    def fire(li, rbuf, sem):
        pltpu.async_copy(x_hbm.at[idx_v.at[pl.ds(li * SP, S)]], rbuf, sem)

    def wait(li, rbuf, sem):
        pltpu.make_async_copy(
            x_hbm.at[idx_v.at[pl.ds(li * SP, S)]], rbuf, sem).wait()

    def compute(li, rbuf):
        dn = jax.lax.GatherDimensionNumbers(
            offset_dims=(), collapsed_slice_dims=(0,), start_index_map=(0,))

        def hbody(h, carry, rbuf=rbuf):
            woff = pl.multiple_of(li * (H * SP) + h * SP, 8)
            wr0 = w_v[pl.ds(woff, 16)]
            wr1 = w_v[pl.ds(woff + 16, 16)]
            wr2 = w_v[pl.ds(woff + 32, 16)]
            c0 = pl.multiple_of(h * D, 16)
            a0 = jnp.zeros((16,), jnp.float32)
            a1 = jnp.zeros((16,), jnp.float32)
            a2 = jnp.zeros((16,), jnp.float32)
            a3 = jnp.zeros((16,), jnp.float32)
            for s in range(S):
                wr = (wr0, wr1, wr2)[s // 16]
                wb = jax.lax.gather(
                    wr, jnp.full((16, 1), s % 16, jnp.int32), dn, (1,),
                    mode=jax.lax.GatherScatterMode.PROMISE_IN_BOUNDS)
                a0 = a0 + wb * rbuf[s, pl.ds(c0, 16)]
                a1 = a1 + wb * rbuf[s, pl.ds(c0 + 16, 16)]
                a2 = a2 + wb * rbuf[s, pl.ds(c0 + 32, 16)]
                a3 = a3 + wb * rbuf[s, pl.ds(c0 + 48, 16)]
            out_v[pl.ds(c0, 16)] = a0
            out_v[pl.ds(c0 + 16, 16)] = a1
            out_v[pl.ds(c0 + 32, 16)] = a2
            out_v[pl.ds(c0 + 48, 16)] = a3
            return carry

        jax.lax.fori_loop(0, H, hbody, 0)
        pltpu.sync_copy(out_v, out_hbm.at[pl.ds((obase + li) * C, C)])

    fire(0, rows0, sem0)

    def outer(g, carry):
        li0 = g * 2
        fire(li0 + 1, rows1, sem1)
        wait(li0, rows0, sem0)
        compute(li0, rows0)

        @pl.when(li0 + 2 < NL)
        def _():
            fire(li0 + 2, rows0, sem0)

        wait(li0 + 1, rows1, sem1)
        compute(li0 + 1, rows1)
        return carry

    jax.lax.fori_loop(0, NL // 2, outer, 0)


def _tc_gather_kernel(x_ref, attn_ref, idx_ref, out_ref):
    i = pl.program_id(0)
    l0 = i * G_BL
    w0 = pl.multiple_of(jnp.clip(l0 - 272, 0, L - G_W), 8)
    xw = x_ref[pl.ds(w0, G_W), :].astype(jnp.bfloat16)
    lane = jax.lax.broadcasted_iota(jnp.int32, (G_BL, G_W), 1)
    hsel = jax.lax.broadcasted_iota(jnp.int32, (H, C), 1) // D
    hrow = jax.lax.broadcasted_iota(jnp.int32, (H, C), 0)
    expand = (hsel == hrow).astype(jnp.float32)
    at2 = jnp.swapaxes(attn_ref[...], 1, 2)
    acc = jnp.zeros((G_BL, C), jnp.float32)
    for s in range(S):
        rel_idx = idx_ref[:, s:s + 1] - w0
        p = (rel_idx == lane).astype(jnp.bfloat16)
        ws = jnp.dot(at2[:, s, :], expand,
                     preferred_element_type=jnp.float32)
        acc = acc + jnp.dot(p, xw, preferred_element_type=jnp.float32) * ws
    out_ref[...] = acc


def _post_kernel(o_ref, se1_wT_ref, se1_b_ref, se2_wT_ref, se2_b_ref,
                 out_wT_ref, out_ref):
    o = o_ref[...]
    h1 = _silu(jnp.dot(o, se1_wT_ref[...], preferred_element_type=jnp.float32)
               + se1_b_ref[...])
    se = jax.nn.sigmoid(jnp.dot(h1, se2_wT_ref[...], preferred_element_type=jnp.float32)
                        + se2_b_ref[...])
    g = o * se
    out_ref[0] = _silu(jnp.dot(g, out_wT_ref[...], preferred_element_type=jnp.float32))


@jax.jit
def kernel(x, wave_w, wave_b, query_w, query_b, key_weight, out_w, se1_w,
           se1_b, se2_w, se2_b):
    B = x.shape[0]
    x2 = x.reshape(L, C)
    hmask = jnp.repeat(jnp.eye(H, dtype=jnp.float32), POS_DIM, axis=0)
    kw_mat = hmask * jnp.tile(key_weight, H)[:, None]

    n_pre = L // PRE_BL
    attn, idxp = pl.pallas_call(
        _pre_kernel,
        grid=(n_pre,),
        in_specs=[
            pl.BlockSpec((1, PRE_BL, C), lambda i: (0, i, 0)),
            pl.BlockSpec((C, 3 * H), lambda i: (0, 0)),
            pl.BlockSpec((1, 3 * H), lambda i: (0, 0)),
            pl.BlockSpec((C, H * POS_DIM), lambda i: (0, 0)),
            pl.BlockSpec((1, H * POS_DIM), lambda i: (0, 0)),
            pl.BlockSpec((H * POS_DIM, H), lambda i: (0, 0)),
        ],
        out_specs=[
            pl.BlockSpec((PRE_BL, H, SP), lambda i: (i, 0, 0)),
            pl.BlockSpec((PRE_BL, SP), lambda i: (i, 0)),
        ],
        out_shape=[
            jax.ShapeDtypeStruct((L, H, SP), jnp.float32),
            jax.ShapeDtypeStruct((L, SP), jnp.int32),
        ],
    )(x, wave_w.T, wave_b[None], query_w.T, query_b[None], kw_mat)

    attn_flat = attn.reshape(L * H * SP)
    idxp_flat = idxp.reshape(L * SP)

    sc_gather = pl.kernel(
        _sc_gather_body,
        out_type=jax.ShapeDtypeStruct(((L - LS) * C,), jnp.float32),
        mesh=plsc.VectorSubcoreMesh(core_axis_name="c", subcore_axis_name="s",
                                    num_cores=NC, num_subcores=NS),
        scratch_types=[
            pltpu.VMEM((NL * SP,), jnp.int32),
            pltpu.VMEM((NL * H * SP + 16,), jnp.float32),
            pltpu.VMEM((S, C), jnp.float32),
            pltpu.VMEM((S, C), jnp.float32),
            pltpu.VMEM((C,), jnp.float32),
            pltpu.SemaphoreType.DMA,
            pltpu.SemaphoreType.DMA,
        ],
    )
    out_sc = sc_gather(x2, attn_flat, idxp_flat).reshape(L - LS, C)

    n_g = LS // G_BL
    out_tc = pl.pallas_call(
        _tc_gather_kernel,
        grid=(n_g,),
        in_specs=[
            pl.BlockSpec((L, C), lambda i: (0, 0)),
            pl.BlockSpec((G_BL, H, SP), lambda i: (i, 0, 0)),
            pl.BlockSpec((G_BL, SP), lambda i: (i, 0)),
        ],
        out_specs=pl.BlockSpec((G_BL, C), lambda i: (i, 0)),
        out_shape=jax.ShapeDtypeStruct((LS, C), jnp.float32),
    )(x2, attn, idxp)

    out1 = jnp.concatenate([out_tc, out_sc], axis=0)

    n_post = L // POST_BL
    out = pl.pallas_call(
        _post_kernel,
        grid=(n_post,),
        in_specs=[
            pl.BlockSpec((POST_BL, C), lambda i: (i, 0)),
            pl.BlockSpec((C, C // 4), lambda i: (0, 0)),
            pl.BlockSpec((1, C // 4), lambda i: (0, 0)),
            pl.BlockSpec((C // 4, C), lambda i: (0, 0)),
            pl.BlockSpec((1, C), lambda i: (0, 0)),
            pl.BlockSpec((C, C), lambda i: (0, 0)),
        ],
        out_specs=pl.BlockSpec((1, POST_BL, C), lambda i: (0, i, 0)),
        out_shape=jax.ShapeDtypeStruct((B, L, C), jnp.float32),
    )(out1, se1_w.T, se1_b[None], se2_w.T, se2_b[None], out_w.T)
    return out

# --- scband reference (transcript-rebuilt; emitter-appended) ---
"""Pipeline reference for scband-triton-scatter-conv-25451976196327 (READ-ONLY COPY).

The authoritative reference and input builder live on the scoring server;
editing this copy changes nothing except your own understanding.
"""

import jax, jax.numpy as jnp
import numpy as np

C = 1024
H = 16
D = C // H
POS_DIM = 16
MAX_SAMPLES = 32
HALF_S = MAX_SAMPLES // 2
S = 2 * HALF_S + 1
MAX_FREQ = 16.0
MIN_FREQ = 1.0
SCALE = POS_DIM ** -0.5


def silu(v):
    return v * jax.nn.sigmoid(v)


def setup_inputs(seed: int = 0) -> dict:
    key = jax.random.key(seed)
    ks = jax.random.split(key, 11)
    B, L = 1, 2048
    x = jax.random.normal(ks[0], (B, L, C), dtype=jnp.float32)
    wave_w = jax.random.normal(ks[1], (3 * H, C), dtype=jnp.float32) * 0.02
    wave_b = jax.random.normal(ks[2], (3 * H,), dtype=jnp.float32) * 0.02
    query_w = jax.random.normal(ks[3], (H * POS_DIM, C), dtype=jnp.float32) * 0.02
    query_b = jax.random.normal(ks[4], (H * POS_DIM,), dtype=jnp.float32) * 0.02
    key_weight = jax.random.normal(ks[5], (POS_DIM,), dtype=jnp.float32) * 0.02
    out_w = jax.random.normal(ks[6], (C, C), dtype=jnp.float32) * 0.02
    se1_w = jax.random.normal(ks[7], (C // 4, C), dtype=jnp.float32) * 0.02
    se1_b = jax.random.normal(ks[8], (C // 4,), dtype=jnp.float32) * 0.02
    se2_w = jax.random.normal(ks[9], (C, C // 4), dtype=jnp.float32) * 0.02
    se2_b = jax.random.normal(ks[10], (C,), dtype=jnp.float32) * 0.02
    return {"x": x, "wave_w": wave_w, "wave_b": wave_b, "query_w": query_w,
            "query_b": query_b, "key_weight": key_weight, "out_w": out_w,
            "se1_w": se1_w, "se1_b": se1_b, "se2_w": se2_w, "se2_b": se2_b}


def reference(x, wave_w, wave_b, query_w, query_b, key_weight, out_w, se1_w, se1_b, se2_w, se2_b):
    B, L, _ = x.shape
    stride_grid = jnp.arange(-HALF_S, HALF_S + 1, dtype=jnp.float32)
    wave = silu(x @ wave_w.T + wave_b).reshape(B, L, 3, H).transpose(0, 1, 3, 2)
    queries = silu(x @ query_w.T + query_b).reshape(B, L, H, POS_DIM)
    freq = jax.nn.sigmoid(wave[..., 0]) * (MAX_FREQ - MIN_FREQ) + MIN_FREQ
    phase = jnp.tanh(wave[..., 1]) * MAX_FREQ
    decay = jax.nn.sigmoid(wave[..., 2]) * 9.5 + 0.5
    freq_avg = freq.mean(axis=2)
    phase_avg = phase.mean(axis=2)
    decay_avg = decay.mean(axis=2)
    centers = jnp.arange(L, dtype=x.dtype)
    sample_pos = centers[None, :, None] + stride_grid[None, None, :] * freq_avg[..., None] + phase_avg[..., None]
    valid_mask = (sample_pos >= 0) & (sample_pos < L)
    sample_idx = jnp.clip(sample_pos.astype(jnp.int32), 0, L - 1)
    batch_idx = jnp.arange(B)[:, None, None]
    values = x[batch_idx, sample_idx]
    values = values.reshape(B, L, S, H, D).transpose(0, 1, 3, 2, 4)
    rel_dist = jnp.broadcast_to(jnp.abs(stride_grid)[None, None, None, :] * freq_avg[:, :, None, None], (B, L, H, S))
    keys = key_weight[None, None, None, None, :] * rel_dist[..., None]
    scores = jnp.einsum('blhd,blhsd->blhs', queries, keys) * SCALE
    decay_env = jnp.exp(-rel_dist / jnp.clip(decay_avg[:, :, None, None], 0.1, None))
    valid = jnp.broadcast_to(valid_mask[:, :, None, :], (B, L, H, S))
    scores = jnp.where(valid, scores, -jnp.inf)
    attn = jax.nn.softmax(scores, axis=-1) * decay_env * valid.astype(x.dtype)
    attn = attn / (attn.sum(axis=-1, keepdims=True) + 1e-08)
    out = jnp.einsum('blhsd,blhs->blhd', values, attn).reshape(B, L, C)
    se = jax.nn.sigmoid(silu(out @ se1_w.T + se1_b) @ se2_w.T + se2_b)
    out = out * se
    out = silu(out @ out_w.T)
    return out

if __name__ == "__main__":
    import jax
    _d = setup_inputs()
    print(jax.jit(kernel)(*tuple(_d.values())))

</pallas_src>

<mosaic_0001>
#map = affine_map<(d0, d1) -> (0, 0)>
#map1 = affine_map<(d0, d1) -> (0)>
module attributes {stable_mosaic.version = 14 : i64} {
  func.func @_sc_gather_body(%arg0: i32, %arg1: i32, %arg2: memref<2048x1024xf32, #tpu.memory_space<hbm>>, %arg3: memref<1310720xf32, #tpu.memory_space<hbm>>, %arg4: memref<81920xi32, #tpu.memory_space<hbm>>, %arg5: memref<917504xf32, #tpu.memory_space<hbm>>, %arg6: memref<1120xi32, #tpu.memory_space<vmem>>, %arg7: memref<17936xf32, #tpu.memory_space<vmem>>, %arg8: memref<33x1024xf32, #tpu.memory_space<vmem>>, %arg9: memref<33x1024xf32, #tpu.memory_space<vmem>>, %arg10: memref<1024xf32, #tpu.memory_space<vmem>>, %arg11: memref<!tpu.dma_semaphore, #tpu.memory_space<semaphore_mem>>, %arg12: memref<!tpu.dma_semaphore, #tpu.memory_space<semaphore_mem>>) attributes {dimension_semantics = [#tpu.dimension_semantics<core_parallel>, #tpu.dimension_semantics<subcore_parallel>], iteration_bounds = array<i64: 2, 16>, scalar_prefetch = 0 : i64, scratch_operands = 7 : i64, tpu.core_type = #tpu.core_type<sc_vector_subcore>, window_params = [{transform_indices = #map}, {transform_indices = #map1}, {transform_indices = #map1}, {transform_indices = #map1}]} {
    %mul3A = arith.constant 2 : i32
    %mul3A_0 = arith.muli %arg1, %mul3A : i32
    %add3A = arith.addi %mul3A_0, %arg0 : i32
    %mul3A_1 = arith.constant 28 : i32
    %mul3A_2 = arith.muli %add3A, %mul3A_1 : i32
    %add3A_3 = arith.constant 1152 : i32
    %add3A_4 = arith.addi %add3A_3, %mul3A_2 : i32
    %mul3A_5 = arith.constant 40 : i32
    %mul3A_6 = arith.muli %add3A_4, %mul3A_5 : i32
    "tpu.region"() ({
      %run_scoped3A = tpu.sem_alloc : memref<!tpu.dma_semaphore, #tpu.memory_space<semaphore_mem>>
      %dma_start3A_20 = tpu.memref_slice %arg4[%mul3A_6] : memref<81920xi32, #tpu.memory_space<hbm>> -> memref<1120xi32, #tpu.memory_space<hbm>>
      %dma_start3A_21 = tpu.memref_slice %arg4[%mul3A_6] : memref<81920xi32, #tpu.memory_space<hbm>> -> memref<1120xi32, #tpu.memory_space<hbm>>
      tpu.enqueue_dma source(%dma_start3A_21 : memref<1120xi32, #tpu.memory_space<hbm>>) target(%arg6 : memref<1120xi32, #tpu.memory_space<vmem>>) target_semaphore(%run_scoped3A : memref<!tpu.dma_semaphore, #tpu.memory_space<semaphore_mem>>)
      %dma_wait3A = tpu.memref_slice %arg4[%mul3A_6] : memref<81920xi32, #tpu.memory_space<hbm>> -> memref<1120xi32, #tpu.memory_space<hbm>>
      %dma_wait3A_22 = tpu.memref_slice %arg4[%mul3A_6] : memref<81920xi32, #tpu.memory_space<hbm>> -> memref<1120xi32, #tpu.memory_space<hbm>>
      tpu.wait_dma2 semaphore(%run_scoped3A : memref<!tpu.dma_semaphore, #tpu.memory_space<semaphore_mem>>) src(%dma_wait3A_22 : memref<1120xi32, #tpu.memory_space<hbm>>) dst(%arg6 : memref<1120xi32, #tpu.memory_space<vmem>>)
      tpu.yield
    }) : () -> ()
    %mul3A_7 = arith.constant 16 : i32
    %mul3A_8 = arith.muli %add3A_4, %mul3A_7 : i32
    %mul3A_9 = arith.constant 40 : i32
    %mul3A_10 = arith.muli %mul3A_8, %mul3A_9 : i32
    "tpu.region"() ({
      %run_scoped3A = tpu.sem_alloc : memref<!tpu.dma_semaphore, #tpu.memory_space<semaphore_mem>>
      %dma_start3A_20 = arith.constant 0 : i32
      %dma_start3A_21 = tpu.memref_slice %arg7[%dma_start3A_20] : memref<17936xf32, #tpu.memory_space<vmem>> -> memref<17920xf32, #tpu.memory_space<vmem>>
      %dma_start3A_22 = tpu.memref_slice %arg3[%mul3A_10] : memref<1310720xf32, #tpu.memory_space<hbm>> -> memref<17920xf32, #tpu.memory_space<hbm>>
      %dma_start3A_23 = arith.constant 0 : i32
      %dma_start3A_24 = tpu.memref_slice %arg7[%dma_start3A_23] : memref<17936xf32, #tpu.memory_space<vmem>> -> memref<17920xf32, #tpu.memory_space<vmem>>
      %dma_start3A_25 = tpu.memref_slice %arg3[%mul3A_10] : memref<1310720xf32, #tpu.memory_space<hbm>> -> memref<17920xf32, #tpu.memory_space<hbm>>
      tpu.enqueue_dma source(%dma_start3A_25 : memref<17920xf32, #tpu.memory_space<hbm>>) target(%dma_start3A_24 : memref<17920xf32, #tpu.memory_space<vmem>>) target_semaphore(%run_scoped3A : memref<!tpu.dma_semaphore, #tpu.memory_space<semaphore_mem>>)
      %dma_wait3A = arith.constant 0 : i32
      %dma_wait3A_26 = tpu.memref_slice %arg7[%dma_wait3A] : memref<17936xf32, #tpu.memory_space<vmem>> -> memref<17920xf32, #tpu.memory_space<vmem>>
      %dma_wait3A_27 = tpu.memref_slice %arg3[%mul3A_10] : memref<1310720xf32, #tpu.memory_space<hbm>> -> memref<17920xf32, #tpu.memory_space<hbm>>
      %dma_wait3A_28 = arith.constant 0 : i32
      %dma_wait3A_29 = tpu.memref_slice %arg7[%dma_wait3A_28] : memref<17936xf32, #tpu.memory_space<vmem>> -> memref<17920xf32, #tpu.memory_space<vmem>>
      %dma_wait3A_30 = tpu.memref_slice %arg3[%mul3A_10] : memref<1310720xf32, #tpu.memory_space<hbm>> -> memref<17920xf32, #tpu.memory_space<hbm>>
      tpu.wait_dma2 semaphore(%run_scoped3A : memref<!tpu.dma_semaphore, #tpu.memory_space<semaphore_mem>>) src(%dma_wait3A_30 : memref<17920xf32, #tpu.memory_space<hbm>>) dst(%dma_wait3A_29 : memref<17920xf32, #tpu.memory_space<vmem>>)
      tpu.yield
    }) : () -> ()
    %dma_start3A = arith.constant 0 : i32
    %dma_start3A_11 = tpu.memref_slice %arg6[%dma_start3A] : memref<1120xi32, #tpu.memory_space<vmem>> -> memref<33xi32, #tpu.memory_space<vmem>>
    %dma_start3A_12 = arith.constant 0 : i32
    %dma_start3A_13 = arith.constant 0 : i32
    %dma_start3A_14 = tpu.memref_slice %arg2[%dma_start3A_12, %dma_start3A_13] : memref<2048x1024xf32, #tpu.memory_space<hbm>> -> memref<2048x1024xf32, #tpu.memory_space<hbm>>
    tpu.enqueue_indirect_dma source(%dma_start3A_14 : memref<2048x1024xf32, #tpu.memory_space<hbm>>) target(%arg8 : memref<33x1024xf32, #tpu.memory_space<vmem>>) offsets(%dma_start3A_11 : memref<33xi32, #tpu.memory_space<vmem>>) semaphore(%arg11 : memref<!tpu.dma_semaphore, #tpu.memory_space<semaphore_mem>>)
    %scan3A = arith.constant 0 : i32
    %scan3A_15 = arith.constant 0 : i32
    %scan3A_16 = arith.constant 14 : i32
    %scan3A_17 = arith.addi %scan3A_15, %scan3A_16 : i32
    %scan3A_18 = arith.constant 1 : i32
    scf.for %scan3A_20 = %scan3A_15 to %scan3A_17 step %scan3A_18  : i32 {
      %mul3A_21 = arith.constant 2 : i32
      %mul3A_22 = arith.muli %scan3A_20, %mul3A_21 : i32
      %add3A_23 = arith.constant 1 : i32
      %add3A_24 = arith.addi %mul3A_22, %add3A_23 : i32
      %mul3A_25 = arith.constant 40 : i32
      %mul3A_26 = arith.muli %add3A_24, %mul3A_25 : i32
      %dma_start3A_27 = tpu.memref_slice %arg6[%mul3A_26] : memref<1120xi32, #tpu.memory_space<vmem>> -> memref<33xi32, #tpu.memory_space<vmem>>
      %dma_start3A_28 = arith.constant 0 : i32
      %dma_start3A_29 = arith.constant 0 : i32
      %dma_start3A_30 = tpu.memref_slice %arg2[%dma_start3A_28, %dma_start3A_29] : memref<2048x1024xf32, #tpu.memory_space<hbm>> -> memref<2048x1024xf32, #tpu.memory_space<hbm>>
      tpu.enqueue_indirect_dma source(%dma_start3A_30 : memref<2048x1024xf32, #tpu.memory_space<hbm>>) target(%arg9 : memref<33x1024xf32, #tpu.memory_space<vmem>>) offsets(%dma_start3A_27 : memref<33xi32, #tpu.memory_space<vmem>>) semaphore(%arg12 : memref<!tpu.dma_semaphore, #tpu.memory_space<semaphore_mem>>)
      %mul3A_31 = arith.constant 40 : i32
      %mul3A_32 = arith.muli %mul3A_22, %mul3A_31 : i32
      %dma_wait3A = tpu.memref_slice %arg6[%mul3A_32] : memref<1120xi32, #tpu.memory_space<vmem>> -> memref<33xi32, #tpu.memory_space<vmem>>
      %dma_wait3A_33 = arith.constant 0 : i32
      %dma_wait3A_34 = arith.constant 0 : i32
      %dma_wait3A_35 = tpu.memref_slice %arg2[%dma_wait3A_33, %dma_wait3A_34] : memref<2048x1024xf32, #tpu.memory_space<hbm>> -> memref<2048x1024xf32, #tpu.memory_space<hbm>>
      tpu.wait_indirect_dma semaphore(%arg11 : memref<!tpu.dma_semaphore, #tpu.memory_space<semaphore_mem>>) src(%dma_wait3A_35 : memref<2048x1024xf32, #tpu.memory_space<hbm>>) dst(%arg8 : memref<33x1024xf32, #tpu.memory_space<vmem>>)
      %scan3A_36 = arith.constant 0 : i32
      %scan3A_37 = arith.constant 0 : i32
      %scan3A_38 = arith.constant 16 : i32
      %scan3A_39 = arith.addi %scan3A_37, %scan3A_38 : i32
      %scan3A_40 = arith.constant 1 : i32
      scf.for %scan3A_68 = %scan3A_37 to %scan3A_39 step %scan3A_40  : i32 {
        %mul3A_69 = arith.constant 640 : i32
        %mul3A_70 = arith.muli %mul3A_22, %mul3A_69 : i32
        %mul3A_71 = arith.constant 40 : i32
        %mul3A_72 = arith.muli %scan3A_68, %mul3A_71 : i32
        %add3A_73 = arith.addi %mul3A_70, %mul3A_72 : i32
        %multiple_of3A = tpu.assume_multiple %add3A_73, 8 : i32
        %get3A = arith.index_cast %multiple_of3A : i32 to index
        %get3A_74 = tpu.vector_load %arg7[%get3A] {strides = array<i32>} : memref<17936xf32, #tpu.memory_space<vmem>>, vector<16xf32>,
        %get3A_75 = vector.shape_cast %get3A_74 : vector<16xf32> to vector<16xf32>
        %add3A_76 = arith.constant 16 : i32
        %add3A_77 = arith.addi %multiple_of3A, %add3A_76 : i32
        %get3A_78 = arith.index_cast %add3A_77 : i32 to index
        %get3A_79 = tpu.vector_load %arg7[%get3A_78] {strides = array<i32>} : memref<17936xf32, #tpu.memory_space<vmem>>, vector<16xf32>,
        %get3A_80 = vector.shape_cast %get3A_79 : vector<16xf32> to vector<16xf32>
        %add3A_81 = arith.constant 32 : i32
        %add3A_82 = arith.addi %multiple_of3A, %add3A_81 : i32
        %get3A_83 = arith.index_cast %add3A_82 : i32 to index
        %get3A_84 = tpu.vector_load %arg7[%get3A_83] {strides = array<i32>} : memref<17936xf32, #tpu.memory_space<vmem>>, vector<16xf32>,
        %get3A_85 = vector.shape_cast %get3A_84 : vector<16xf32> to vector<16xf32>
        %mul3A_86 = arith.constant 64 : i32
        %mul3A_87 = arith.muli %scan3A_68, %mul3A_86 : i32
        %multiple_of3A_88 = tpu.assume_multiple %mul3A_87, 16 : i32
        %broadcast_in_dim3A = arith.constant 0.000000e+00 : f32
        %broadcast_in_dim3A_89 = vector.broadcast %broadcast_in_dim3A : f32 to vector<16xf32>
        %broadcast_in_dim3A_90 = arith.constant 0.000000e+00 : f32
        %broadcast_in_dim3A_91 = vector.broadcast %broadcast_in_dim3A_90 : f32 to vector<16xf32>
        %broadcast_in_dim3A_92 = arith.constant 0.000000e+00 : f32
        %broadcast_in_dim3A_93 = vector.broadcast %broadcast_in_dim3A_92 : f32 to vector<16xf32>
        %broadcast_in_dim3A_94 = arith.constant 0.000000e+00 : f32
        %broadcast_in_dim3A_95 = vector.broadcast %broadcast_in_dim3A_94 : f32 to vector<16xf32>
        %broadcast_in_dim3A_96 = arith.constant 0 : i32
        %broadcast_in_dim3A_97 = vector.broadcast %broadcast_in_dim3A_96 : i32 to vector<16x1xi32>
        %gather3A = vector.shape_cast %broadcast_in_dim3A_97 : vector<16x1xi32> to vector<16xi32>
        %gather3A_98 = tpu.dynamic_gather %get3A_75[%gather3A] in [0] : vector<16xf32>, vector<16xi32> -> vector<16xf32>
        %get3A_99 = arith.constant 0 : i32
        %get3A_100 = arith.index_cast %get3A_99 : i32 to index
        %get3A_101 = arith.index_cast %multiple_of3A_88 : i32 to index
        %get3A_102 = tpu.vector_load %arg8[%get3A_100, %get3A_101] {strides = array<i32>} : memref<33x1024xf32, #tpu.memory_space<vmem>>, vector<1x16xf32>,
        %get3A_103 = vector.shape_cast %get3A_102 : vector<1x16xf32> to vector<16xf32>
        %mul3A_104 = arith.mulf %gather3A_98, %get3A_103 : vector<16xf32>
        %add3A_105 = arith.addf %broadcast_in_dim3A_89, %mul3A_104 : vector<16xf32>
        %add3A_106 = arith.constant 16 : i32
        %add3A_107 = arith.addi %multiple_of3A_88, %add3A_106 : i32
        %get3A_108 = arith.constant 0 : i32
        %get3A_109 = arith.index_cast %get3A_108 : i32 to index
        %get3A_110 = arith.index_cast %add3A_107 : i32 to index
        %get3A_111 = tpu.vector_load %arg8[%get3A_109, %get3A_110] {strides = array<i32>} : memref<33x1024xf32, #tpu.memory_space<vmem>>, vector<1x16xf32>,
        %get3A_112 = vector.shape_cast %get3A_111 : vector<1x16xf32> to vector<16xf32>
        %mul3A_113 = arith.mulf %gather3A_98, %get3A_112 : vector<16xf32>
        %add3A_114 = arith.addf %broadcast_in_dim3A_91, %mul3A_113 : vector<16xf32>
        %add3A_115 = arith.constant 32 : i32
        %add3A_116 = arith.addi %multiple_of3A_88, %add3A_115 : i32
        %get3A_117 = arith.constant 0 : i32
        %get3A_118 = arith.index_cast %get3A_117 : i32 to index
        %get3A_119 = arith.index_cast %add3A_116 : i32 to index
        %get3A_120 = tpu.vector_load %arg8[%get3A_118, %get3A_119] {strides = array<i32>} : memref<33x1024xf32, #tpu.memory_space<vmem>>, vector<1x16xf32>,
        %get3A_121 = vector.shape_cast %get3A_120 : vector<1x16xf32> to vector<16xf32>
        %mul3A_122 = arith.mulf %gather3A_98, %get3A_121 : vector<16xf32>
        %add3A_123 = arith.addf %broadcast_in_dim3A_93, %mul3A_122 : vector<16xf32>
        %add3A_124 = arith.constant 48 : i32
        %add3A_125 = arith.addi %multiple_of3A_88, %add3A_124 : i32
        %get3A_126 = arith.constant 0 : i32
        %get3A_127 = arith.index_cast %get3A_126 : i32 to index
        %get3A_128 = arith.index_cast %add3A_125 : i32 to index
        %get3A_129 = tpu.vector_load %arg8[%get3A_127, %get3A_128] {strides = array<i32>} : memref<33x1024xf32, #tpu.memory_space<vmem>>, vector<1x16xf32>,
        %get3A_130 = vector.shape_cast %get3A_129 : vector<1x16xf32> to vector<16xf32>
        %mul3A_131 = arith.mulf %gather3A_98, %get3A_130 : vector<16xf32>
        %add3A_132 = arith.addf %broadcast_in_dim3A_95, %mul3A_131 : vector<16xf32>
        %broadcast_in_dim3A_133 = arith.constant 1 : i32
        %broadcast_in_dim3A_134 = vector.broadcast %broadcast_in_dim3A_133 : i32 to vector<16x1xi32>
        %gather3A_135 = vector.shape_cast %broadcast_in_dim3A_134 : vector<16x1xi32> to vector<16xi32>
        %gather3A_136 = tpu.dynamic_gather %get3A_75[%gather3A_135] in [0] : vector<16xf32>, vector<16xi32> -> vector<16xf32>
        %get3A_137 = arith.constant 1 : i32
        %get3A_138 = arith.index_cast %get3A_137 : i32 to index
        %get3A_139 = arith.index_cast %multiple_of3A_88 : i32 to index
        %get3A_140 = tpu.vector_load %arg8[%get3A_138, %get3A_139] {strides = array<i32>} : memref<33x1024xf32, #tpu.memory_space<vmem>>, vector<1x16xf32>,
        %get3A_141 = vector.shape_cast %get3A_140 : vector<1x16xf32> to vector<16xf32>
        %mul3A_142 = arith.mulf %gather3A_136, %get3A_141 : vector<16xf32>
        %add3A_143 = arith.addf %add3A_105, %mul3A_142 : vector<16xf32>
        %add3A_144 = arith.constant 16 : i32
        %add3A_145 = arith.addi %multiple_of3A_88, %add3A_144 : i32
        %get3A_146 = arith.constant 1 : i32
        %get3A_147 = arith.index_cast %get3A_146 : i32 to index
        %get3A_148 = arith.index_cast %add3A_145 : i32 to index
        %get3A_149 = tpu.vector_load %arg8[%get3A_147, %get3A_148] {strides = array<i32>} : memref<33x1024xf32, #tpu.memory_space<vmem>>, vector<1x16xf32>,
        %get3A_150 = vector.shape_cast %get3A_149 : vector<1x16xf32> to vector<16xf32>
        %mul3A_151 = arith.mulf %gather3A_136, %get3A_150 : vector<16xf32>
        %add3A_152 = arith.addf %add3A_114, %mul3A_151 : vector<16xf32>
        %add3A_153 = arith.constant 32 : i32
        %add3A_154 = arith.addi %multiple_of3A_88, %add3A_153 : i32
        %get3A_155 = arith.constant 1 : i32
        %get3A_156 = arith.index_cast %get3A_155 : i32 to index
        %get3A_157 = arith.index_cast %add3A_154 : i32 to index
        %get3A_158 = tpu.vector_load %arg8[%get3A_156, %get3A_157] {strides = array<i32>} : memref<33x1024xf32, #tpu.memory_space<vmem>>, vector<1x16xf32>,
        %get3A_159 = vector.shape_cast %get3A_158 : vector<1x16xf32> to vector<16xf32>
        %mul3A_160 = arith.mulf %gather3A_136, %get3A_159 : vector<16xf32>
        %add3A_161 = arith.addf %add3A_123, %mul3A_160 : vector<16xf32>
        %add3A_162 = arith.constant 48 : i32
        %add3A_163 = arith.addi %multiple_of3A_88, %add3A_162 : i32
        %get3A_164 = arith.constant 1 : i32
        %get3A_165 = arith.index_cast %get3A_164 : i32 to index
        %get3A_166 = arith.index_cast %add3A_163 : i32 to index
        %get3A_167 = tpu.vector_load %arg8[%get3A_165, %get3A_166] {strides = array<i32>} : memref<33x1024xf32, #tpu.memory_space<vmem>>, vector<1x16xf32>,
        %get3A_168 = vector.shape_cast %get3A_167 : vector<1x16xf32> to vector<16xf32>
        %mul3A_169 = arith.mulf %gather3A_136, %get3A_168 : vector<16xf32>
        %add3A_170 = arith.addf %add3A_132, %mul3A_169 : vector<16xf32>
        %broadcast_in_dim3A_171 = arith.constant 2 : i32
        %broadcast_in_dim3A_172 = vector.broadcast %broadcast_in_dim3A_171 : i32 to vector<16x1xi32>
        %gather3A_173 = vector.shape_cast %broadcast_in_dim3A_172 : vector<16x1xi32> to vector<16xi32>
        %gather3A_174 = tpu.dynamic_gather %get3A_75[%gather3A_173] in [0] : vector<16xf32>, vector<16xi32> -> vector<16xf32>
        %get3A_175 = arith.constant 2 : i32
        %get3A_176 = arith.index_cast %get3A_175 : i32 to index
        %get3A_177 = arith.index_cast %multiple_of3A_88 : i32 to index
        %get3A_178 = tpu.vector_load %arg8[%get3A_176, %get3A_177] {strides = array<i32>} : memref<33x1024xf32, #tpu.memory_space<vmem>>, vector<1x16xf32>,
        %get3A_179 = vector.shape_cast %get3A_178 : vector<1x16xf32> to vector<16xf32>
        %mul3A_180 = arith.mulf %gather3A_174, %get3A_179 : vector<16xf32>
        %add3A_181 = arith.addf %add3A_143, %mul3A_180 : vector<16xf32>
        %add3A_182 = arith.constant 16 : i32
        %add3A_183 = arith.addi %multiple_of3A_88, %add3A_182 : i32
        %get3A_184 = arith.constant 2 : i32
        %get3A_185 = arith.index_cast %get3A_184 : i32 to index
        %get3A_186 = arith.index_cast %add3A_183 : i32 to index
        %get3A_187 = tpu.vector_load %arg8[%get3A_185, %get3A_186] {strides = array<i32>} : memref<33x1024xf32, #tpu.memory_space<vmem>>, vector<1x16xf32>,
        %get3A_188 = vector.shape_cast %get3A_187 : vector<1x16xf32> to vector<16xf32>
        %mul3A_189 = arith.mulf %gather3A_174, %get3A_188 : vector<16xf32>
        %add3A_190 = arith.addf %add3A_152, %mul3A_189 : vector<16xf32>
        %add3A_191 = arith.constant 32 : i32
        %add3A_192 = arith.addi %multiple_of3A_88, %add3A_191 : i32
        %get3A_193 = arith.constant 2 : i32
        %get3A_194 = arith.index_cast %get3A_193 : i32 to index
        %get3A_195 = arith.index_cast %add3A_192 : i32 to index
        %get3A_196 = tpu.vector_load %arg8[%get3A_194, %get3A_195] {strides = array<i32>} : memref<33x1024xf32, #tpu.memory_space<vmem>>, vector<1x16xf32>,
        %get3A_197 = vector.shape_cast %get3A_196 : vector<1x16xf32> to vector<16xf32>
        %mul3A_198 = arith.mulf %gather3A_174, %get3A_197 : vector<16xf32>
        %add3A_199 = arith.addf %add3A_161, %mul3A_198 : vector<16xf32>
        %add3A_200 = arith.constant 48 : i32
        %add3A_201 = arith.addi %multiple_of3A_88, %add3A_200 : i32
        %get3A_202 = arith.constant 2 : i32
        %get3A_203 = arith.index_cast %get3A_202 : i32 to index
        %get3A_204 = arith.index_cast %add3A_201 : i32 to index
        %get3A_205 = tpu.vector_load %arg8[%get3A_203, %get3A_204] {strides = array<i32>} : memref<33x1024xf32, #tpu.memory_space<vmem>>, vector<1x16xf32>,
        %get3A_206 = vector.shape_cast %get3A_205 : vector<1x16xf32> to vector<16xf32>
        %mul3A_207 = arith.mulf %gather3A_174, %get3A_206 : vector<16xf32>
        %add3A_208 = arith.addf %add3A_170, %mul3A_207 : vector<16xf32>
        %broadcast_in_dim3A_209 = arith.constant 3 : i32
        %broadcast_in_dim3A_210 = vector.broadcast %broadcast_in_dim3A_209 : i32 to vector<16x1xi32>
        %gather3A_211 = vector.shape_cast %broadcast_in_dim3A_210 : vector<16x1xi32> to vector<16xi32>
        %gather3A_212 = tpu.dynamic_gather %get3A_75[%gather3A_211] in [0] : vector<16xf32>, vector<16xi32> -> vector<16xf32>
        %get3A_213 = arith.constant 3 : i32
        %get3A_214 = arith.index_cast %get3A_213 : i32 to index
        %get3A_215 = arith.index_cast %multiple_of3A_88 : i32 to index
        %get3A_216 = tpu.vector_load %arg8[%get3A_214, %get3A_215] {strides = array<i32>} : memref<33x1024xf32, #tpu.memory_space<vmem>>, vector<1x16xf32>,
        %get3A_217 = vector.shape_cast %get3A_216 : vector<1x16xf32> to vector<16xf32>
        %mul3A_218 = arith.mulf %gather3A_212, %get3A_217 : vector<16xf32>
        %add3A_219 = arith.addf %add3A_181, %mul3A_218 : vector<16xf32>
        %add3A_220 = arith.constant 16 : i32
        %add3A_221 = arith.addi %multiple_of3A_88, %add3A_220 : i32
        %get3A_222 = arith.constant 3 : i32
        %get3A_223 = arith.index_cast %get3A_222 : i32 to index
        %get3A_224 = arith.index_cast %add3A_221 : i32 to index
        %get3A_225 = tpu.vector_load %arg8[%get3A_223, %get3A_224] {strides = array<i32>} : memref<33x1024xf32, #tpu.memory_space<vmem>>, vector<1x16xf32>,
        %get3A_226 = vector.shape_cast %get3A_225 : vector<1x16xf32> to vector<16xf32>
        %mul3A_227 = arith.mulf %gather3A_212, %get3A_226 : vector<16xf32>
        %add3A_228 = arith.addf %add3A_190, %mul3A_227 : vector<16xf32>
        %add3A_229 = arith.constant 32 : i32
        %add3A_230 = arith.addi %multiple_of3A_88, %add3A_229 : i32
        %get3A_231 = arith.constant 3 : i32
        %get3A_232 = arith.index_cast %get3A_231 : i32 to index
        %get3A_233 = arith.index_cast %add3A_230 : i32 to index
        %get3A_234 = tpu.vector_load %arg8[%get3A_232, %get3A_233] {strides = array<i32>} : memref<33x1024xf32, #tpu.memory_space<vmem>>, vector<1x16xf32>,
        %get3A_235 = vector.shape_cast %get3A_234 : vector<1x16xf32> to vector<16xf32>
        %mul3A_236 = arith.mulf %gather3A_212, %get3A_235 : vector<16xf32>
        %add3A_237 = arith.addf %add3A_199, %mul3A_236 : vector<16xf32>
        %add3A_238 = arith.constant 48 : i32
        %add3A_239 = arith.addi %multiple_of3A_88, %add3A_238 : i32
        %get3A_240 = arith.constant 3 : i32
        %get3A_241 = arith.index_cast %get3A_240 : i32 to index
        %get3A_242 = arith.index_cast %add3A_239 : i32 to index
        %get3A_243 = tpu.vector_load %arg8[%get3A_241, %get3A_242] {strides = array<i32>} : memref<33x1024xf32, #tpu.memory_space<vmem>>, vector<1x16xf32>,
        %get3A_244 = vector.shape_cast %get3A_243 : vector<1x16xf32> to vector<16xf32>
        %mul3A_245 = arith.mulf %gather3A_212, %get3A_244 : vector<16xf32>
        %add3A_246 = arith.addf %add3A_208, %mul3A_245 : vector<16xf32>
        %broadcast_in_dim3A_247 = arith.constant 4 : i32
        %broadcast_in_dim3A_248 = vector.broadcast %broadcast_in_dim3A_247 : i32 to vector<16x1xi32>
        %gather3A_249 = vector.shape_cast %broadcast_in_dim3A_248 : vector<16x1xi32> to vector<16xi32>
        %gather3A_250 = tpu.dynamic_gather %get3A_75[%gather3A_249] in [0] : vector<16xf32>, vector<16xi32> -> vector<16xf32>
        %get3A_251 = arith.constant 4 : i32
        %get3A_252 = arith.index_cast %get3A_251 : i32 to index
        %get3A_253 = arith.index_cast %multiple_of3A_88 : i32 to index
        %get3A_254 = tpu.vector_load %arg8[%get3A_252, %get3A_253] {strides = array<i32>} : memref<33x1024xf32, #tpu.memory_space<vmem>>, vector<1x16xf32>,
        %get3A_255 = vector.shape_cast %get3A_254 : vector<1x16xf32> to vector<16xf32>
        %mul3A_256 = arith.mulf %gather3A_250, %get3A_255 : vector<16xf32>
        %add3A_257 = arith.addf %add3A_219, %mul3A_256 : vector<16xf32>
        %add3A_258 = arith.constant 16 : i32
        %add3A_259 = arith.addi %multiple_of3A_88, %add3A_258 : i32
        %get3A_260 = arith.constant 4 : i32
        %get3A_261 = arith.index_cast %get3A_260 : i32 to index
        %get3A_262 = arith.index_cast %add3A_259 : i32 to index
        %get3A_263 = tpu.vector_load %arg8[%get3A_261, %get3A_262] {strides = array<i32>} : memref<33x1024xf32, #tpu.memory_space<vmem>>, vector<1x16xf32>,
        %get3A_264 = vector.shape_cast %get3A_263 : vector<1x16xf32> to vector<16xf32>
        %mul3A_265 = arith.mulf %gather3A_250, %get3A_264 : vector<16xf32>
        %add3A_266 = arith.addf %add3A_228, %mul3A_265 : vector<16xf32>
        %add3A_267 = arith.constant 32 : i32
        %add3A_268 = arith.addi %multiple_of3A_88, %add3A_267 : i32
        %get3A_269 = arith.constant 4 : i32
        %get3A_270 = arith.index_cast %get3A_269 : i32 to index
        %get3A_271 = arith.index_cast %add3A_268 : i32 to index
        %get3A_272 = tpu.vector_load %arg8[%get3A_270, %get3A_271] {strides = array<i32>} : memref<33x1024xf32, #tpu.memory_space<vmem>>, vector<1x16xf32>,
        %get3A_273 = vector.shape_cast %get3A_272 : vector<1x16xf32> to vector<16xf32>
        %mul3A_274 = arith.mulf %gather3A_250, %get3A_273 : vector<16xf32>
        %add3A_275 = arith.addf %add3A_237, %mul3A_274 : vector<16xf32>
        %add3A_276 = arith.constant 48 : i32
        %add3A_277 = arith.addi %multiple_of3A_88, %add3A_276 : i32
        %get3A_278 = arith.constant 4 : i32
        %get3A_279 = arith.index_cast %get3A_278 : i32 to index
        %get3A_280 = arith.index_cast %add3A_277 : i32 to index
        %get3A_281 = tpu.vector_load %arg8[%get3A_279, %get3A_280] {strides = array<i32>} : memref<33x1024xf32, #tpu.memory_space<vmem>>, vector<1x16xf32>,
        %get3A_282 = vector.shape_cast %get3A_281 : vector<1x16xf32> to vector<16xf32>
        %mul3A_283 = arith.mulf %gather3A_250, %get3A_282 : vector<16xf32>
        %add3A_284 = arith.addf %add3A_246, %mul3A_283 : vector<16xf32>
        %broadcast_in_dim3A_285 = arith.constant 5 : i32
        %broadcast_in_dim3A_286 = vector.broadcast %broadcast_in_dim3A_285 : i32 to vector<16x1xi32>
        %gather3A_287 = vector.shape_cast %broadcast_in_dim3A_286 : vector<16x1xi32> to vector<16xi32>
        %gather3A_288 = tpu.dynamic_gather %get3A_75[%gather3A_287] in [0] : vector<16xf32>, vector<16xi32> -> vector<16xf32>
        %get3A_289 = arith.constant 5 : i32
        %get3A_290 = arith.index_cast %get3A_289 : i32 to index
        %get3A_291 = arith.index_cast %multiple_of3A_88 : i32 to index
        %get3A_292 = tpu.vector_load %arg8[%get3A_290, %get3A_291] {strides = array<i32>} : memref<33x1024xf32, #tpu.memory_space<vmem>>, vector<1x16xf32>,
        %get3A_293 = vector.shape_cast %get3A_292 : vector<1x16xf32> to vector<16xf32>
        %mul3A_294 = arith.mulf %gather3A_288, %get3A_293 : vector<16xf32>
        %add3A_295 = arith.addf %add3A_257, %mul3A_294 : vector<16xf32>
        %add3A_296 = arith.constant 16 : i32
        %add3A_297 = arith.addi %multiple_of3A_88, %add3A_296 : i32
        %get3A_298 = arith.constant 5 : i32
        %get3A_299 = arith.index_cast %get3A_298 : i32 to index
        %get3A_300 = arith.index_cast %add3A_297 : i32 to index
        %get3A_301 = tpu.vector_load %arg8[%get3A_299, %get3A_300] {strides = array<i32>} : memref<33x1024xf32, #tpu.memory_space<vmem>>, vector<1x16xf32>,
        %get3A_302 = vector.shape_cast %get3A_301 : vector<1x16xf32> to vector<16xf32>
        %mul3A_303 = arith.mulf %gather3A_288, %get3A_302 : vector<16xf32>
        %add3A_304 = arith.addf %add3A_266, %mul3A_303 : vector<16xf32>
        %add3A_305 = arith.constant 32 : i32
        %add3A_306 = arith.addi %multiple_of3A_88, %add3A_305 : i32
        %get3A_307 = arith.constant 5 : i32
        %get3A_308 = arith.index_cast %get3A_307 : i32 to index
        %get3A_309 = arith.index_cast %add3A_306 : i32 to index
        %get3A_310 = tpu.vector_load %arg8[%get3A_308, %get3A_309] {strides = array<i32>} : memref<33x1024xf32, #tpu.memory_space<vmem>>, vector<1x16xf32>,
        %get3A_311 = vector.shape_cast %get3A_310 : vector<1x16xf32> to vector<16xf32>
        %mul3A_312 = arith.mulf %gather3A_288, %get3A_311 : vector<16xf32>
        %add3A_313 = arith.addf %add3A_275, %mul3A_312 : vector<16xf32>
        %add3A_314 = arith.constant 48 : i32
        %add3A_315 = arith.addi %multiple_of3A_88, %add3A_314 : i32
        %get3A_316 = arith.constant 5 : i32
        %get3A_317 = arith.index_cast %get3A_316 : i32 to index
        %get3A_318 = arith.index_cast %add3A_315 : i32 to index
        %get3A_319 = tpu.vector_load %arg8[%get3A_317, %get3A_318] {strides = array<i32>} : memref<33x1024xf32, #tpu.memory_space<vmem>>, vector<1x16xf32>,
        %get3A_320 = vector.shape_cast %get3A_319 : vector<1x16xf32> to vector<16xf32>
        %mul3A_321 = arith.mulf %gather3A_288, %get3A_320 : vector<16xf32>
        %add3A_322 = arith.addf %add3A_284, %mul3A_321 : vector<16xf32>
        %broadcast_in_dim3A_323 = arith.constant 6 : i32
        %broadcast_in_dim3A_324 = vector.broadcast %broadcast_in_dim3A_323 : i32 to vector<16x1xi32>
        %gather3A_325 = vector.shape_cast %broadcast_in_dim3A_324 : vector<16x1xi32> to vector<16xi32>
        %gather3A_326 = tpu.dynamic_gather %get3A_75[%gather3A_325] in [0] : vector<16xf32>, vector<16xi32> -> vector<16xf32>
        %get3A_327 = arith.constant 6 : i32
        %get3A_328 = arith.index_cast %get3A_327 : i32 to index
        %get3A_329 = arith.index_cast %multiple_of3A_88 : i32 to index
        %get3A_330 = tpu.vector_load %arg8[%get3A_328, %get3A_329] {strides = array<i32>} : memref<33x1024xf32, #tpu.memory_space<vmem>>, vector<1x16xf32>,
        %get3A_331 = vector.shape_cast %get3A_330 : vector<1x16xf32> to vector<16xf32>
        %mul3A_332 = arith.mulf %gather3A_326, %get3A_331 : vector<16xf32>
        %add3A_333 = arith.addf %add3A_295, %mul3A_332 : vector<16xf32>
        %add3A_334 = arith.constant 16 : i32
        %add3A_335 = arith.addi %multiple_of3A_88, %add3A_334 : i32
        %get3A_336 = arith.constant 6 : i32
        %get3A_337 = arith.index_cast %get3A_336 : i32 to index
        %get3A_338 = arith.index_cast %add3A_335 : i32 to index
        %get3A_339 = tpu.vector_load %arg8[%get3A_337, %get3A_338] {strides = array<i32>} : memref<33x1024xf32, #tpu.memory_space<vmem>>, vector<1x16xf32>,
        %get3A_340 = vector.shape_cast %get3A_339 : vector<1x16xf32> to vector<16xf32>
        %mul3A_341 = arith.mulf %gather3A_326, %get3A_340 : vector<16xf32>
        %add3A_342 = arith.addf %add3A_304, %mul3A_341 : vector<16xf32>
        %add3A_343 = arith.constant 32 : i32
        %add3A_344 = arith.addi %multiple_of3A_88, %add3A_343 : i32
        %get3A_345 = arith.constant 6 : i32
        %get3A_346 = arith.index_cast %get3A_345 : i32 to index
        %get3A_347 = arith.index_cast %add3A_344 : i32 to index
        %get3A_348 = tpu.vector_load %arg8[%get3A_346, %get3A_347] {strides = array<i32>} : memref<33x1024xf32, #tpu.memory_space<vmem>>, vector<1x16xf32>,
        %get3A_349 = vector.shape_cast %get3A_348 : vector<1x16xf32> to vector<16xf32>
        %mul3A_350 = arith.mulf %gather3A_326, %get3A_349 : vector<16xf32>
        %add3A_351 = arith.addf %add3A_313, %mul3A_350 : vector<16xf32>
        %add3A_352 = arith.constant 48 : i32
        %add3A_353 = arith.addi %multiple_of3A_88, %add3A_352 : i32
        %get3A_354 = arith.constant 6 : i32
        %get3A_355 = arith.index_cast %get3A_354 : i32 to index
        %get3A_356 = arith.index_cast %add3A_353 : i32 to index
        %get3A_357 = tpu.vector_load %arg8[%get3A_355, %get3A_356] {strides = array<i32>} : memref<33x1024xf32, #tpu.memory_space<vmem>>, vector<1x16xf32>,
        %get3A_358 = vector.shape_cast %get3A_357 : vector<1x16xf32> to vector<16xf32>
        %mul3A_359 = arith.mulf %gather3A_326, %get3A_358 : vector<16xf32>
        %add3A_360 = arith.addf %add3A_322, %mul3A_359 : vector<16xf32>
        %broadcast_in_dim3A_361 = arith.constant 7 : i32
        %broadcast_in_dim3A_362 = vector.broadcast %broadcast_in_dim3A_361 : i32 to vector<16x1xi32>
        %gather3A_363 = vector.shape_cast %broadcast_in_dim3A_362 : vector<16x1xi32> to vector<16xi32>
        %gather3A_364 = tpu.dynamic_gather %get3A_75[%gather3A_363] in [0] : vector<16xf32>, vector<16xi32> -> vector<16xf32>
        %get3A_365 = arith.constant 7 : i32
        %get3A_366 = arith.index_cast %get3A_365 : i32 to index
        %get3A_367 = arith.index_cast %multiple_of3A_88 : i32 to index
        %get3A_368 = tpu.vector_load %arg8[%get3A_366, %get3A_367] {strides = array<i32>} : memref<33x1024xf32, #tpu.memory_space<vmem>>, vector<1x16xf32>,
        %get3A_369 = vector.shape_cast %get3A_368 : vector<1x16xf32> to vector<16xf32>
        %mul3A_370 = arith.mulf %gather3A_364, %get3A_369 : vector<16xf32>
        %add3A_371 = arith.addf %add3A_333, %mul3A_370 : vector<16xf32>
        %add3A_372 = arith.constant 16 : i32
        %add3A_373 = arith.addi %multiple_of3A_88, %add3A_372 : i32
        %get3A_374 = arith.constant 7 : i32
        %get3A_375 = arith.index_cast %get3A_374 : i32 to index
        %get3A_376 = arith.index_cast %add3A_373 : i32 to index
        %get3A_377 = tpu.vector_load %arg8[%get3A_375, %get3A_376] {strides = array<i32>} : memref<33x1024xf32, #tpu.memory_space<vmem>>, vector<1x16xf32>,
        %get3A_378 = vector.shape_cast %get3A_377 : vector<1x16xf32> to vector<16xf32>
        %mul3A_379 = arith.mulf %gather3A_364, %get3A_378 : vector<16xf32>
        %add3A_380 = arith.addf %add3A_342, %mul3A_379 : vector<16xf32>
        %add3A_381 = arith.constant 32 : i32
        %add3A_382 = arith.addi %multiple_of3A_88, %add3A_381 : i32
        %get3A_383 = arith.constant 7 : i32
        %get3A_384 = arith.index_cast %get3A_383 : i32 to index
        %get3A_385 = arith.index_cast %add3A_382 : i32 to index
        %get3A_386 = tpu.vector_load %arg8[%get3A_384, %get3A_385] {strides = array<i32>} : memref<33x1024xf32, #tpu.memory_space<vmem>>, vector<1x16xf32>,
        %get3A_387 = vector.shape_cast %get3A_386 : vector<1x16xf32> to vector<16xf32>
        %mul3A_388 = arith.mulf %gather3A_364, %get3A_387 : vector<16xf32>
        %add3A_389 = arith.addf %add3A_351, %mul3A_388 : vector<16xf32>
        %add3A_390 = arith.constant 48 : i32
        %add3A_391 = arith.addi %multiple_of3A_88, %add3A_390 : i32
        %get3A_392 = arith.constant 7 : i32
        %get3A_393 = arith.index_cast %get3A_392 : i32 to index
        %get3A_394 = arith.index_cast %add3A_391 : i32 to index
        %get3A_395 = tpu.vector_load %arg8[%get3A_393, %get3A_394] {strides = array<i32>} : memref<33x1024xf32, #tpu.memory_space<vmem>>, vector<1x16xf32>,
        %get3A_396 = vector.shape_cast %get3A_395 : vector<1x16xf32> to vector<16xf32>
        %mul3A_397 = arith.mulf %gather3A_364, %get3A_396 : vector<16xf32>
        %add3A_398 = arith.addf %add3A_360, %mul3A_397 : vector<16xf32>
        %broadcast_in_dim3A_399 = arith.constant 8 : i32
        %broadcast_in_dim3A_400 = vector.broadcast %broadcast_in_dim3A_399 : i32 to vector<16x1xi32>
        %gather3A_401 = vector.shape_cast %broadcast_in_dim3A_400 : vector<16x1xi32> to vector<16xi32>
        %gather3A_402 = tpu.dynamic_gather %get3A_75[%gather3A_401] in [0] : vector<16xf32>, vector<16xi32> -> vector<16xf32>
        %get3A_403 = arith.constant 8 : i32
        %get3A_404 = arith.index_cast %get3A_403 : i32 to index
        %get3A_405 = arith.index_cast %multiple_of3A_88 : i32 to index
        %get3A_406 = tpu.vector_load %arg8[%get3A_404, %get3A_405] {strides = array<i32>} : memref<33x1024xf32, #tpu.memory_space<vmem>>, vector<1x16xf32>,
        %get3A_407 = vector.shape_cast %get3A_406 : vector<1x16xf32> to vector<16xf32>
        %mul3A_408 = arith.mulf %gather3A_402, %get3A_407 : vector<16xf32>
        %add3A_409 = arith.addf %add3A_371, %mul3A_408 : vector<16xf32>
        %add3A_410 = arith.constant 16 : i32
        %add3A_411 = arith.addi %multiple_of3A_88, %add3A_410 : i32
        %get3A_412 = arith.constant 8 : i32
        %get3A_413 = arith.index_cast %get3A_412 : i32 to index
        %get3A_414 = arith.index_cast %add3A_411 : i32 to index
        %get3A_415 = tpu.vector_load %arg8[%get3A_413, %get3A_414] {strides = array<i32>} : memref<33x1024xf32, #tpu.memory_space<vmem>>, vector<1x16xf32>,
        %get3A_416 = vector.shape_cast %get3A_415 : vector<1x16xf32> to vector<16xf32>
        %mul3A_417 = arith.mulf %gather3A_402, %get3A_416 : vector<16xf32>
        %add3A_418 = arith.addf %add3A_380, %mul3A_417 : vector<16xf32>
        %add3A_419 = arith.constant 32 : i32
        %add3A_420 = arith.addi %multiple_of3A_88, %add3A_419 : i32
        %get3A_421 = arith.constant 8 : i32
        %get3A_422 = arith.index_cast %get3A_421 : i32 to index
        %get3A_423 = arith.index_cast %add3A_420 : i32 to index
        %get3A_424 = tpu.vector_load %arg8[%get3A_422, %get3A_423] {strides = array<i32>} : memref<33x1024xf32, #tpu.memory_space<vmem>>, vector<1x16xf32>,
        %get3A_425 = vector.shape_cast %get3A_424 : vector<1x16xf32> to vector<16xf32>
        %mul3A_426 = arith.mulf %gather3A_402, %get3A_425 : vector<16xf32>
        %add3A_427 = arith.addf %add3A_389, %mul3A_426 : vector<16xf32>
        %add3A_428 = arith.constant 48 : i32
        %add3A_429 = arith.addi %multiple_of3A_88, %add3A_428 : i32
        %get3A_430 = arith.constant 8 : i32
        %get3A_431 = arith.index_cast %get3A_430 : i32 to index
        %get3A_432 = arith.index_cast %add3A_429 : i32 to index
        %get3A_433 = tpu.vector_load %arg8[%get3A_431, %get3A_432] {strides = array<i32>} : memref<33x1024xf32, #tpu.memory_space<vmem>>, vector<1x16xf32>,
        %get3A_434 = vector.shape_cast %get3A_433 : vector<1x16xf32> to vector<16xf32>
        %mul3A_435 = arith.mulf %gather3A_402, %get3A_434 : vector<16xf32>
        %add3A_436 = arith.addf %add3A_398, %mul3A_435 : vector<16xf32>
        %broadcast_in_dim3A_437 = arith.constant 9 : i32
        %broadcast_in_dim3A_438 = vector.broadcast %broadcast_in_dim3A_437 : i32 to vector<16x1xi32>
        %gather3A_439 = vector.shape_cast %broadcast_in_dim3A_438 : vector<16x1xi32> to vector<16xi32>
        %gather3A_440 = tpu.dynamic_gather %get3A_75[%gather3A_439] in [0] : vector<16xf32>, vector<16xi32> -> vector<16xf32>
        %get3A_441 = arith.constant 9 : i32
        %get3A_442 = arith.index_cast %get3A_441 : i32 to index
        %get3A_443 = arith.index_cast %multiple_of3A_88 : i32 to index
        %get3A_444 = tpu.vector_load %arg8[%get3A_442, %get3A_443] {strides = array<i32>} : memref<33x1024xf32, #tpu.memory_space<vmem>>, vector<1x16xf32>,
        %get3A_445 = vector.shape_cast %get3A_444 : vector<1x16xf32> to vector<16xf32>
        %mul3A_446 = arith.mulf %gather3A_440, %get3A_445 : vector<16xf32>
        %add3A_447 = arith.addf %add3A_409, %mul3A_446 : vector<16xf32>
        %add3A_448 = arith.constant 16 : i32
        %add3A_449 = arith.addi %multiple_of3A_88, %add3A_448 : i32
        %get3A_450 = arith.constant 9 : i32
        %get3A_451 = arith.index_cast %get3A_450 : i32 to index
        %get3A_452 = arith.index_cast %add3A_449 : i32 to index
        %get3A_453 = tpu.vector_load %arg8[%get3A_451, %get3A_452] {strides = array<i32>} : memref<33x1024xf32, #tpu.memory_space<vmem>>, vector<1x16xf32>,
        %get3A_454 = vector.shape_cast %get3A_453 : vector<1x16xf32> to vector<16xf32>
        %mul3A_455 = arith.mulf %gather3A_440, %get3A_454 : vector<16xf32>
        %add3A_456 = arith.addf %add3A_418, %mul3A_455 : vector<16xf32>
        %add3A_457 = arith.constant 32 : i32
        %add3A_458 = arith.addi %multiple_of3A_88, %add3A_457 : i32
        %get3A_459 = arith.constant 9 : i32
        %get3A_460 = arith.index_cast %get3A_459 : i32 to index
        %get3A_461 = arith.index_cast %add3A_458 : i32 to index
        %get3A_462 = tpu.vector_load %arg8[%get3A_460, %get3A_461] {strides = array<i32>} : memref<33x1024xf32, #tpu.memory_space<vmem>>, vector<1x16xf32>,
        %get3A_463 = vector.shape_cast %get3A_462 : vector<1x16xf32> to vector<16xf32>
        %mul3A_464 = arith.mulf %gather3A_440, %get3A_463 : vector<16xf32>
        %add3A_465 = arith.addf %add3A_427, %mul3A_464 : vector<16xf32>
        %add3A_466 = arith.constant 48 : i32
        %add3A_467 = arith.addi %multiple_of3A_88, %add3A_466 : i32
        %get3A_468 = arith.constant 9 : i32
        %get3A_469 = arith.index_cast %get3A_468 : i32 to index
        %get3A_470 = arith.index_cast %add3A_467 : i32 to index
        %get3A_471 = tpu.vector_load %arg8[%get3A_469, %get3A_470] {strides = array<i32>} : memref<33x1024xf32, #tpu.memory_space<vmem>>, vector<1x16xf32>,
        %get3A_472 = vector.shape_cast %get3A_471 : vector<1x16xf32> to vector<16xf32>
        %mul3A_473 = arith.mulf %gather3A_440, %get3A_472 : vector<16xf32>
        %add3A_474 = arith.addf %add3A_436, %mul3A_473 : vector<16xf32>
        %broadcast_in_dim3A_475 = arith.constant 10 : i32
        %broadcast_in_dim3A_476 = vector.broadcast %broadcast_in_dim3A_475 : i32 to vector<16x1xi32>
        %gather3A_477 = vector.shape_cast %broadcast_in_dim3A_476 : vector<16x1xi32> to vector<16xi32>
        %gather3A_478 = tpu.dynamic_gather %get3A_75[%gather3A_477] in [0] : vector<16xf32>, vector<16xi32> -> vector<16xf32>
        %get3A_479 = arith.constant 10 : i32
        %get3A_480 = arith.index_cast %get3A_479 : i32 to index
        %get3A_481 = arith.index_cast %multiple_of3A_88 : i32 to index
        %get3A_482 = tpu.vector_load %arg8[%get3A_480, %get3A_481] {strides = array<i32>} : memref<33x1024xf32, #tpu.memory_space<vmem>>, vector<1x16xf32>,
        %get3A_483 = vector.shape_cast %get3A_482 : vector<1x16xf32> to vector<16xf32>
        %mul3A_484 = arith.mulf %gather3A_478, %get3A_483 : vector<16xf32>
        %add3A_485 = arith.addf %add3A_447, %mul3A_484 : vector<16xf32>
        %add3A_486 = arith.constant 16 : i32
        %add3A_487 = arith.addi %multiple_of3A_88, %add3A_486 : i32
        %get3A_488 = arith.constant 10 : i32
        %get3A_489 = arith.index_cast %get3A_488 : i32 to index
        %get3A_490 = arith.index_cast %add3A_487 : i32 to index
        %get3A_491 = tpu.vector_load %arg8[%get3A_489, %get3A_490] {strides = array<i32>} : memref<33x1024xf32, #tpu.memory_space<vmem>>, vector<1x16xf32>,
        %get3A_492 = vector.shape_cast %get3A_491 : vector<1x16xf32> to vector<16xf32>
        %mul3A_493 = arith.mulf %gather3A_478, %get3A_492 : vector<16xf32>
        %add3A_494 = arith.addf %add3A_456, %mul3A_493 : vector<16xf32>
        %add3A_495 = arith.constant 32 : i32
        %add3A_496 = arith.addi %multiple_of3A_88, %add3A_495 : i32
        %get3A_497 = arith.constant 10 : i32
        %get3A_498 = arith.index_cast %get3A_497 : i32 to index
        %get3A_499 = arith.index_cast %add3A_496 : i32 to index
        %get3A_500 = tpu.vector_load %arg8[%get3A_498, %get3A_499] {strides = array<i32>} : memref<33x1024xf32, #tpu.memory_space<vmem>>, vector<1x16xf32>,
        %get3A_501 = vector.shape_cast %get3A_500 : vector<1x16xf32> to vector<16xf32>
        %mul3A_502 = arith.mulf %gather3A_478, %get3A_501 : vector<16xf32>
        %add3A_503 = arith.addf %add3A_465, %mul3A_502 : vector<16xf32>
        %add3A_504 = arith.constant 48 : i32
        %add3A_505 = arith.addi %multiple_of3A_88, %add3A_504 : i32
        %get3A_506 = arith.constant 10 : i32
        %get3A_507 = arith.index_cast %get3A_506 : i32 to index
        %get3A_508 = arith.index_cast %add3A_505 : i32 to index
        %get3A_509 = tpu.vector_load %arg8[%get3A_507, %get3A_508] {strides = array<i32>} : memref<33x1024xf32, #tpu.memory_space<vmem>>, vector<1x16xf32>,
        %get3A_510 = vector.shape_cast %get3A_509 : vector<1x16xf32> to vector<16xf32>
        %mul3A_511 = arith.mulf %gather3A_478, %get3A_510 : vector<16xf32>
        %add3A_512 = arith.addf %add3A_474, %mul3A_511 : vector<16xf32>
        %broadcast_in_dim3A_513 = arith.constant 11 : i32
        %broadcast_in_dim3A_514 = vector.broadcast %broadcast_in_dim3A_513 : i32 to vector<16x1xi32>
        %gather3A_515 = vector.shape_cast %broadcast_in_dim3A_514 : vector<16x1xi32> to vector<16xi32>
        %gather3A_516 = tpu.dynamic_gather %get3A_75[%gather3A_515] in [0] : vector<16xf32>, vector<16xi32> -> vector<16xf32>
        %get3A_517 = arith.constant 11 : i32
        %get3A_518 = arith.index_cast %get3A_517 : i32 to index
        %get3A_519 = arith.index_cast %multiple_of3A_88 : i32 to index
        %get3A_520 = tpu.vector_load %arg8[%get3A_518, %get3A_519] {strides = array<i32>} : memref<33x1024xf32, #tpu.memory_space<vmem>>, vector<1x16xf32>,
        %get3A_521 = vector.shape_cast %get3A_520 : vector<1x16xf32> to vector<16xf32>
        %mul3A_522 = arith.mulf %gather3A_516, %get3A_521 : vector<16xf32>
        %add3A_523 = arith.addf %add3A_485, %mul3A_522 : vector<16xf32>
        %add3A_524 = arith.constant 16 : i32
        %add3A_525 = arith.addi %multiple_of3A_88, %add3A_524 : i32
        %get3A_526 = arith.constant 11 : i32
        %get3A_527 = arith.index_cast %get3A_526 : i32 to index
        %get3A_528 = arith.index_cast %add3A_525 : i32 to index
        %get3A_529 = tpu.vector_load %arg8[%get3A_527, %get3A_528] {strides = array<i32>} : memref<33x1024xf32, #tpu.memory_space<vmem>>, vector<1x16xf32>,
        %get3A_530 = vector.shape_cast %get3A_529 : vector<1x16xf32> to vector<16xf32>
        %mul3A_531 = arith.mulf %gather3A_516, %get3A_530 : vector<16xf32>
        %add3A_532 = arith.addf %add3A_494, %mul3A_531 : vector<16xf32>
        %add3A_533 = arith.constant 32 : i32
        %add3A_534 = arith.addi %multiple_of3A_88, %add3A_533 : i32
        %get3A_535 = arith.constant 11 : i32
        %get3A_536 = arith.index_cast %get3A_535 : i32 to index
        %get3A_537 = arith.index_cast %add3A_534 : i32 to index
        %get3A_538 = tpu.vector_load %arg8[%get3A_536, %get3A_537] {strides = array<i32>} : memref<33x1024xf32, #tpu.memory_space<vmem>>, vector<1x16xf32>,
        %get3A_539 = vector.shape_cast %get3A_538 : vector<1x16xf32> to vector<16xf32>
        %mul3A_540 = arith.mulf %gather3A_516, %get3A_539 : vector<16xf32>
        %add3A_541 = arith.addf %add3A_503, %mul3A_540 : vector<16xf32>
        %add3A_542 = arith.constant 48 : i32
        %add3A_543 = arith.addi %multiple_of3A_88, %add3A_542 : i32
        %get3A_544 = arith.constant 11 : i32
        %get3A_545 = arith.index_cast %get3A_544 : i32 to index
        %get3A_546 = arith.index_cast %add3A_543 : i32 to index
        %get3A_547 = tpu.vector_load %arg8[%get3A_545, %get3A_546] {strides = array<i32>} : memref<33x1024xf32, #tpu.memory_space<vmem>>, vector<1x16xf32>,
        %get3A_548 = vector.shape_cast %get3A_547 : vector<1x16xf32> to vector<16xf32>
        %mul3A_549 = arith.mulf %gather3A_516, %get3A_548 : vector<16xf32>
        %add3A_550 = arith.addf %add3A_512, %mul3A_549 : vector<16xf32>
        %broadcast_in_dim3A_551 = arith.constant 12 : i32
        %broadcast_in_dim3A_552 = vector.broadcast %broadcast_in_dim3A_551 : i32 to vector<16x1xi32>
        %gather3A_553 = vector.shape_cast %broadcast_in_dim3A_552 : vector<16x1xi32> to vector<16xi32>
        %gather3A_554 = tpu.dynamic_gather %get3A_75[%gather3A_553] in [0] : vector<16xf32>, vector<16xi32> -> vector<16xf32>
        %get3A_555 = arith.constant 12 : i32
        %get3A_556 = arith.index_cast %get3A_555 : i32 to index
        %get3A_557 = arith.index_cast %multiple_of3A_88 : i32 to index
        %get3A_558 = tpu.vector_load %arg8[%get3A_556, %get3A_557] {strides = array<i32>} : memref<33x1024xf32, #tpu.memory_space<vmem>>, vector<1x16xf32>,
        %get3A_559 = vector.shape_cast %get3A_558 : vector<1x16xf32> to vector<16xf32>
        %mul3A_560 = arith.mulf %gather3A_554, %get3A_559 : vector<16xf32>
        %add3A_561 = arith.addf %add3A_523, %mul3A_560 : vector<16xf32>
        %add3A_562 = arith.constant 16 : i32
        %add3A_563 = arith.addi %multiple_of3A_88, %add3A_562 : i32
        %get3A_564 = arith.constant 12 : i32
        %get3A_565 = arith.index_cast %get3A_564 : i32 to index
        %get3A_566 = arith.index_cast %add3A_563 : i32 to index
        %get3A_567 = tpu.vector_load %arg8[%get3A_565, %get3A_566] {strides = array<i32>} : memref<33x1024xf32, #tpu.memory_space<vmem>>, vector<1x16xf32>,
        %get3A_568 = vector.shape_cast %get3A_567 : vector<1x16xf32> to vector<16xf32>
        %mul3A_569 = arith.mulf %gather3A_554, %get3A_568 : vector<16xf32>
        %add3A_570 = arith.addf %add3A_532, %mul3A_569 : vector<16xf32>
        %add3A_571 = arith.constant 32 : i32
        %add3A_572 = arith.addi %multiple_of3A_88, %add3A_571 : i32
        %get3A_573 = arith.constant 12 : i32
        %get3A_574 = arith.index_cast %get3A_573 : i32 to index
        %get3A_575 = arith.index_cast %add3A_572 : i32 to index
        %get3A_576 = tpu.vector_load %arg8[%get3A_574, %get3A_575] {strides = array<i32>} : memref<33x1024xf32, #tpu.memory_space<vmem>>, vector<1x16xf32>,
        %get3A_577 = vector.shape_cast %get3A_576 : vector<1x16xf32> to vector<16xf32>
        %mul3A_578 = arith.mulf %gather3A_554, %get3A_577 : vector<16xf32>
        %add3A_579 = arith.addf %add3A_541, %mul3A_578 : vector<16xf32>
        %add3A_580 = arith.constant 48 : i32
        %add3A_581 = arith.addi %multiple_of3A_88, %add3A_580 : i32
        %get3A_582 = arith.constant 12 : i32
        %get3A_583 = arith.index_cast %get3A_582 : i32 to index
        %get3A_584 = arith.index_cast %add3A_581 : i32 to index
        %get3A_585 = tpu.vector_load %arg8[%get3A_583, %get3A_584] {strides = array<i32>} : memref<33x1024xf32, #tpu.memory_space<vmem>>, vector<1x16xf32>,
        %get3A_586 = vector.shape_cast %get3A_585 : vector<1x16xf32> to vector<16xf32>
        %mul3A_587 = arith.mulf %gather3A_554, %get3A_586 : vector<16xf32>
        %add3A_588 = arith.addf %add3A_550, %mul3A_587 : vector<16xf32>
        %broadcast_in_dim3A_589 = arith.constant 13 : i32
        %broadcast_in_dim3A_590 = vector.broadcast %broadcast_in_dim3A_589 : i32 to vector<16x1xi32>
        %gather3A_591 = vector.shape_cast %broadcast_in_dim3A_590 : vector<16x1xi32> to vector<16xi32>
        %gather3A_592 = tpu.dynamic_gather %get3A_75[%gather3A_591] in [0] : vector<16xf32>, vector<16xi32> -> vector<16xf32>
        %get3A_593 = arith.constant 13 : i32
        %get3A_594 = arith.index_cast %get3A_593 : i32 to index
        %get3A_595 = arith.index_cast %multiple_of3A_88 : i32 to index
        %get3A_596 = tpu.vector_load %arg8[%get3A_594, %get3A_595] {strides = array<i32>} : memref<33x1024xf32, #tpu.memory_space<vmem>>, vector<1x16xf32>,
        %get3A_597 = vector.shape_cast %get3A_596 : vector<1x16xf32> to vector<16xf32>
        %mul3A_598 = arith.mulf %gather3A_592, %get3A_597 : vector<16xf32>
        %add3A_599 = arith.addf %add3A_561, %mul3A_598 : vector<16xf32>
        %add3A_600 = arith.constant 16 : i32
        %add3A_601 = arith.addi %multiple_of3A_88, %add3A_600 : i32
        %get3A_602 = arith.constant 13 : i32
        %get3A_603 = arith.index_cast %get3A_602 : i32 to index
        %get3A_604 = arith.index_cast %add3A_601 : i32 to index
        %get3A_605 = tpu.vector_load %arg8[%get3A_603, %get3A_604] {strides = array<i32>} : memref<33x1024xf32, #tpu.memory_space<vmem>>, vector<1x16xf32>,
        %get3A_606 = vector.shape_cast %get3A_605 : vector<1x16xf32> to vector<16xf32>
        %mul3A_607 = arith.mulf %gather3A_592, %get3A_606 : vector<16xf32>
        %add3A_608 = arith.addf %add3A_570, %mul3A_607 : vector<16xf32>
        %add3A_609 = arith.constant 32 : i32
        %add3A_610 = arith.addi %multiple_of3A_88, %add3A_609 : i32
        %get3A_611 = arith.constant 13 : i32
        %get3A_612 = arith.index_cast %get3A_611 : i32 to index
        %get3A_613 = arith.index_cast %add3A_610 : i32 to index
        %get3A_614 = tpu.vector_load %arg8[%get3A_612, %get3A_613] {strides = array<i32>} : memref<33x1024xf32, #tpu.memory_space<vmem>>, vector<1x16xf32>,
        %get3A_615 = vector.shape_cast %get3A_614 : vector<1x16xf32> to vector<16xf32>
        %mul3A_616 = arith.mulf %gather3A_592, %get3A_615 : vector<16xf32>
        %add3A_617 = arith.addf %add3A_579, %mul3A_616 : vector<16xf32>
        %add3A_618 = arith.constant 48 : i32
        %add3A_619 = arith.addi %multiple_of3A_88, %add3A_618 : i32
        %get3A_620 = arith.constant 13 : i32
        %get3A_621 = arith.index_cast %get3A_620 : i32 to index
        %get3A_622 = arith.index_cast %add3A_619 : i32 to index
        %get3A_623 = tpu.vector_load %arg8[%get3A_621, %get3A_622] {strides = array<i32>} : memref<33x1024xf32, #tpu.memory_space<vmem>>, vector<1x16xf32>,
        %get3A_624 = vector.shape_cast %get3A_623 : vector<1x16xf32> to vector<16xf32>
        %mul3A_625 = arith.mulf %gather3A_592, %get3A_624 : vector<16xf32>
        %add3A_626 = arith.addf %add3A_588, %mul3A_625 : vector<16xf32>
        %broadcast_in_dim3A_627 = arith.constant 14 : i32
        %broadcast_in_dim3A_628 = vector.broadcast %broadcast_in_dim3A_627 : i32 to vector<16x1xi32>
        %gather3A_629 = vector.shape_cast %broadcast_in_dim3A_628 : vector<16x1xi32> to vector<16xi32>
        %gather3A_630 = tpu.dynamic_gather %get3A_75[%gather3A_629] in [0] : vector<16xf32>, vector<16xi32> -> vector<16xf32>
        %get3A_631 = arith.constant 14 : i32
        %get3A_632 = arith.index_cast %get3A_631 : i32 to index
        %get3A_633 = arith.index_cast %multiple_of3A_88 : i32 to index
        %get3A_634 = tpu.vector_load %arg8[%get3A_632, %get3A_633] {strides = array<i32>} : memref<33x1024xf32, #tpu.memory_space<vmem>>, vector<1x16xf32>,
        %get3A_635 = vector.shape_cast %get3A_634 : vector<1x16xf32> to vector<16xf32>
        %mul3A_636 = arith.mulf %gather3A_630, %get3A_635 : vector<16xf32>
        %add3A_637 = arith.addf %add3A_599, %mul3A_636 : vector<16xf32>
        %add3A_638 = arith.constant 16 : i32
        %add3A_639 = arith.addi %multiple_of3A_88, %add3A_638 : i32
        %get3A_640 = arith.constant 14 : i32
        %get3A_641 = arith.index_cast %get3A_640 : i32 to index
        %get3A_642 = arith.index_cast %add3A_639 : i32 to index
        %get3A_643 = tpu.vector_load %arg8[%get3A_641, %get3A_642] {strides = array<i32>} : memref<33x1024xf32, #tpu.memory_space<vmem>>, vector<1x16xf32>,
        %get3A_644 = vector.shape_cast %get3A_643 : vector<1x16xf32> to vector<16xf32>
        %mul3A_645 = arith.mulf %gather3A_630, %get3A_644 : vector<16xf32>
        %add3A_646 = arith.addf %add3A_608, %mul3A_645 : vector<16xf32>
        %add3A_647 = arith.constant 32 : i32
        %add3A_648 = arith.addi %multiple_of3A_88, %add3A_647 : i32
        %get3A_649 = arith.constant 14 : i32
        %get3A_650 = arith.index_cast %get3A_649 : i32 to index
        %get3A_651 = arith.index_cast %add3A_648 : i32 to index
        %get3A_652 = tpu.vector_load %arg8[%get3A_650, %get3A_651] {strides = array<i32>} : memref<33x1024xf32, #tpu.memory_space<vmem>>, vector<1x16xf32>,
        %get3A_653 = vector.shape_cast %get3A_652 : vector<1x16xf32> to vector<16xf32>
        %mul3A_654 = arith.mulf %gather3A_630, %get3A_653 : vector<16xf32>
        %add3A_655 = arith.addf %add3A_617, %mul3A_654 : vector<16xf32>
        %add3A_656 = arith.constant 48 : i32
        %add3A_657 = arith.addi %multiple_of3A_88, %add3A_656 : i32
        %get3A_658 = arith.constant 14 : i32
        %get3A_659 = arith.index_cast %get3A_658 : i32 to index
        %get3A_660 = arith.index_cast %add3A_657 : i32 to index
        %get3A_661 = tpu.vector_load %arg8[%get3A_659, %get3A_660] {strides = array<i32>} : memref<33x1024xf32, #tpu.memory_space<vmem>>, vector<1x16xf32>,
        %get3A_662 = vector.shape_cast %get3A_661 : vector<1x16xf32> to vector<16xf32>
        %mul3A_663 = arith.mulf %gather3A_630, %get3A_662 : vector<16xf32>
        %add3A_664 = arith.addf %add3A_626, %mul3A_663 : vector<16xf32>
        %broadcast_in_dim3A_665 = arith.constant 15 : i32
        %broadcast_in_dim3A_666 = vector.broadcast %broadcast_in_dim3A_665 : i32 to vector<16x1xi32>
        %gather3A_667 = vector.shape_cast %broadcast_in_dim3A_666 : vector<16x1xi32> to vector<16xi32>
        %gather3A_668 = tpu.dynamic_gather %get3A_75[%gather3A_667] in [0] : vector<16xf32>, vector<16xi32> -> vector<16xf32>
        %get3A_669 = arith.constant 15 : i32
        %get3A_670 = arith.index_cast %get3A_669 : i32 to index
        %get3A_671 = arith.index_cast %multiple_of3A_88 : i32 to index
        %get3A_672 = tpu.vector_load %arg8[%get3A_670, %get3A_671] {strides = array<i32>} : memref<33x1024xf32, #tpu.memory_space<vmem>>, vector<1x16xf32>,
        %get3A_673 = vector.shape_cast %get3A_672 : vector<1x16xf32> to vector<16xf32>
        %mul3A_674 = arith.mulf %gather3A_668, %get3A_673 : vector<16xf32>
        %add3A_675 = arith.addf %add3A_637, %mul3A_674 : vector<16xf32>
        %add3A_676 = arith.constant 16 : i32
        %add3A_677 = arith.addi %multiple_of3A_88, %add3A_676 : i32
        %get3A_678 = arith.constant 15 : i32
        %get3A_679 = arith.index_cast %get3A_678 : i32 to index
        %get3A_680 = arith.index_cast %add3A_677 : i32 to index
        %get3A_681 = tpu.vector_load %arg8[%get3A_679, %get3A_680] {strides = array<i32>} : memref<33x1024xf32, #tpu.memory_space<vmem>>, vector<1x16xf32>,
        %get3A_682 = vector.shape_cast %get3A_681 : vector<1x16xf32> to vector<16xf32>
        %mul3A_683 = arith.mulf %gather3A_668, %get3A_682 : vector<16xf32>
        %add3A_684 = arith.addf %add3A_646, %mul3A_683 : vector<16xf32>
        %add3A_685 = arith.constant 32 : i32
        %add3A_686 = arith.addi %multiple_of3A_88, %add3A_685 : i32
        %get3A_687 = arith.constant 15 : i32
        %get3A_688 = arith.index_cast %get3A_687 : i32 to index
        %get3A_689 = arith.index_cast %add3A_686 : i32 to index
        %get3A_690 = tpu.vector_load %arg8[%get3A_688, %get3A_689] {strides = array<i32>} : memref<33x1024xf32, #tpu.memory_space<vmem>>, vector<1x16xf32>,
        %get3A_691 = vector.shape_cast %get3A_690 : vector<1x16xf32> to vector<16xf32>
        %mul3A_692 = arith.mulf %gather3A_668, %get3A_691 : vector<16xf32>
        %add3A_693 = arith.addf %add3A_655, %mul3A_692 : vector<16xf32>
        %add3A_694 = arith.constant 48 : i32
        %add3A_695 = arith.addi %multiple_of3A_88, %add3A_694 : i32
        %get3A_696 = arith.constant 15 : i32
        %get3A_697 = arith.index_cast %get3A_696 : i32 to index
        %get3A_698 = arith.index_cast %add3A_695 : i32 to index
        %get3A_699 = tpu.vector_load %arg8[%get3A_697, %get3A_698] {strides = array<i32>} : memref<33x1024xf32, #tpu.memory_space<vmem>>, vector<1x16xf32>,
        %get3A_700 = vector.shape_cast %get3A_699 : vector<1x16xf32> to vector<16xf32>
        %mul3A_701 = arith.mulf %gather3A_668, %get3A_700 : vector<16xf32>
        %add3A_702 = arith.addf %add3A_664, %mul3A_701 : vector<16xf32>
        %broadcast_in_dim3A_703 = arith.constant 0 : i32
        %broadcast_in_dim3A_704 = vector.broadcast %broadcast_in_dim3A_703 : i32 to vector<16x1xi32>
        %gather3A_705 = vector.shape_cast %broadcast_in_dim3A_704 : vector<16x1xi32> to vector<16xi32>
        %gather3A_706 = tpu.dynamic_gather %get3A_80[%gather3A_705] in [0] : vector<16xf32>, vector<16xi32> -> vector<16xf32>
        %get3A_707 = arith.constant 16 : i32
        %get3A_708 = arith.index_cast %get3A_707 : i32 to index
        %get3A_709 = arith.index_cast %multiple_of3A_88 : i32 to index
        %get3A_710 = tpu.vector_load %arg8[%get3A_708, %get3A_709] {strides = array<i32>} : memref<33x1024xf32, #tpu.memory_space<vmem>>, vector<1x16xf32>,
        %get3A_711 = vector.shape_cast %get3A_710 : vector<1x16xf32> to vector<16xf32>
        %mul3A_712 = arith.mulf %gather3A_706, %get3A_711 : vector<16xf32>
        %add3A_713 = arith.addf %add3A_675, %mul3A_712 : vector<16xf32>
        %add3A_714 = arith.constant 16 : i32
        %add3A_715 = arith.addi %multiple_of3A_88, %add3A_714 : i32
        %get3A_716 = arith.constant 16 : i32
        %get3A_717 = arith.index_cast %get3A_716 : i32 to index
        %get3A_718 = arith.index_cast %add3A_715 : i32 to index
        %get3A_719 = tpu.vector_load %arg8[%get3A_717, %get3A_718] {strides = array<i32>} : memref<33x1024xf32, #tpu.memory_space<vmem>>, vector<1x16xf32>,
        %get3A_720 = vector.shape_cast %get3A_719 : vector<1x16xf32> to vector<16xf32>
        %mul3A_721 = arith.mulf %gather3A_706, %get3A_720 : vector<16xf32>
        %add3A_722 = arith.addf %add3A_684, %mul3A_721 : vector<16xf32>
        %add3A_723 = arith.constant 32 : i32
        %add3A_724 = arith.addi %multiple_of3A_88, %add3A_723 : i32
        %get3A_725 = arith.constant 16 : i32
        %get3A_726 = arith.index_cast %get3A_725 : i32 to index
        %get3A_727 = arith.index_cast %add3A_724 : i32 to index
        %get3A_728 = tpu.vector_load %arg8[%get3A_726, %get3A_727] {strides = array<i32>} : memref<33x1024xf32, #tpu.memory_space<vmem>>, vector<1x16xf32>,
        %get3A_729 = vector.shape_cast %get3A_728 : vector<1x16xf32> to vector<16xf32>
        %mul3A_730 = arith.mulf %gather3A_706, %get3A_729 : vector<16xf32>
        %add3A_731 = arith.addf %add3A_693, %mul3A_730 : vector<16xf32>
        %add3A_732 = arith.constant 48 : i32
        %add3A_733 = arith.addi %multiple_of3A_88, %add3A_732 : i32
        %get3A_734 = arith.constant 16 : i32
        %get3A_735 = arith.index_cast %get3A_734 : i32 to index
        %get3A_736 = arith.index_cast %add3A_733 : i32 to index
        %get3A_737 = tpu.vector_load %arg8[%get3A_735, %get3A_736] {strides = array<i32>} : memref<33x1024xf32, #tpu.memory_space<vmem>>, vector<1x16xf32>,
        %get3A_738 = vector.shape_cast %get3A_737 : vector<1x16xf32> to vector<16xf32>
        %mul3A_739 = arith.mulf %gather3A_706, %get3A_738 : vector<16xf32>
        %add3A_740 = arith.addf %add3A_702, %mul3A_739 : vector<16xf32>
        %broadcast_in_dim3A_741 = arith.constant 1 : i32
        %broadcast_in_dim3A_742 = vector.broadcast %broadcast_in_dim3A_741 : i32 to vector<16x1xi32>
        %gather3A_743 = vector.shape_cast %broadcast_in_dim3A_742 : vector<16x1xi32> to vector<16xi32>
        %gather3A_744 = tpu.dynamic_gather %get3A_80[%gather3A_743] in [0] : vector<16xf32>, vector<16xi32> -> vector<16xf32>
        %get3A_745 = arith.constant 17 : i32
        %get3A_746 = arith.index_cast %get3A_745 : i32 to index
        %get3A_747 = arith.index_cast %multiple_of3A_88 : i32 to index
        %get3A_748 = tpu.vector_load %arg8[%get3A_746, %get3A_747] {strides = array<i32>} : memref<33x1024xf32, #tpu.memory_space<vmem>>, vector<1x16xf32>,
        %get3A_749 = vector.shape_cast %get3A_748 : vector<1x16xf32> to vector<16xf32>
        %mul3A_750 = arith.mulf %gather3A_744, %get3A_749 : vector<16xf32>
        %add3A_751 = arith.addf %add3A_713, %mul3A_750 : vector<16xf32>
        %add3A_752 = arith.constant 16 : i32
        %add3A_753 = arith.addi %multiple_of3A_88, %add3A_752 : i32
        %get3A_754 = arith.constant 17 : i32
        %get3A_755 = arith.index_cast %get3A_754 : i32 to index
        %get3A_756 = arith.index_cast %add3A_753 : i32 to index
        %get3A_757 = tpu.vector_load %arg8[%get3A_755, %get3A_756] {strides = array<i32>} : memref<33x1024xf32, #tpu.memory_space<vmem>>, vector<1x16xf32>,
        %get3A_758 = vector.shape_cast %get3A_757 : vector<1x16xf32> to vector<16xf32>
        %mul3A_759 = arith.mulf %gather3A_744, %get3A_758 : vector<16xf32>
        %add3A_760 = arith.addf %add3A_722, %mul3A_759 : vector<16xf32>
        %add3A_761 = arith.constant 32 : i32
        %add3A_762 = arith.addi %multiple_of3A_88, %add3A_761 : i32
        %get3A_763 = arith.constant 17 : i32
        %get3A_764 = arith.index_cast %get3A_763 : i32 to index
        %get3A_765 = arith.index_cast %add3A_762 : i32 to index
        %get3A_766 = tpu.vector_load %arg8[%get3A_764, %get3A_765] {strides = array<i32>} : memref<33x1024xf32, #tpu.memory_space<vmem>>, vector<1x16xf32>,
        %get3A_767 = vector.shape_cast %get3A_766 : vector<1x16xf32> to vector<16xf32>
        %mul3A_768 = arith.mulf %gather3A_744, %get3A_767 : vector<16xf32>
        %add3A_769 = arith.addf %add3A_731, %mul3A_768 : vector<16xf32>
        %add3A_770 = arith.constant 48 : i32
        %add3A_771 = arith.addi %multiple_of3A_88, %add3A_770 : i32
        %get3A_772 = arith.constant 17 : i32
        %get3A_773 = arith.index_cast %get3A_772 : i32 to index
        %get3A_774 = arith.index_cast %add3A_771 : i32 to index
        %get3A_775 = tpu.vector_load %arg8[%get3A_773, %get3A_774] {strides = array<i32>} : memref<33x1024xf32, #tpu.memory_space<vmem>>, vector<1x16xf32>,
        %get3A_776 = vector.shape_cast %get3A_775 : vector<1x16xf32> to vector<16xf32>
        %mul3A_777 = arith.mulf %gather3A_744, %get3A_776 : vector<16xf32>
        %add3A_778 = arith.addf %add3A_740, %mul3A_777 : vector<16xf32>
        %broadcast_in_dim3A_779 = arith.constant 2 : i32
        %broadcast_in_dim3A_780 = vector.broadcast %broadcast_in_dim3A_779 : i32 to vector<16x1xi32>
        %gather3A_781 = vector.shape_cast %broadcast_in_dim3A_780 : vector<16x1xi32> to vector<16xi32>
        %gather3A_782 = tpu.dynamic_gather %get3A_80[%gather3A_781] in [0] : vector<16xf32>, vector<16xi32> -> vector<16xf32>
        %get3A_783 = arith.constant 18 : i32
        %get3A_784 = arith.index_cast %get3A_783 : i32 to index
        %get3A_785 = arith.index_cast %multiple_of3A_88 : i32 to index
        %get3A_786 = tpu.vector_load %arg8[%get3A_784, %get3A_785] {strides = array<i32>} : memref<33x1024xf32, #tpu.memory_space<vmem>>, vector<1x16xf32>,
        %get3A_787 = vector.shape_cast %get3A_786 : vector<1x16xf32> to vector<16xf32>
        %mul3A_788 = arith.mulf %gather3A_782, %get3A_787 : vector<16xf32>
        %add3A_789 = arith.addf %add3A_751, %mul3A_788 : vector<16xf32>
        %add3A_790 = arith.constant 16 : i32
        %add3A_791 = arith.addi %multiple_of3A_88, %add3A_790 : i32
        %get3A_792 = arith.constant 18 : i32
        %get3A_793 = arith.index_cast %get3A_792 : i32 to index
        %get3A_794 = arith.index_cast %add3A_791 : i32 to index
        %get3A_795 = tpu.vector_load %arg8[%get3A_793, %get3A_794] {strides = array<i32>} : memref<33x1024xf32, #tpu.memory_space<vmem>>, vector<1x16xf32>,
        %get3A_796 = vector.shape_cast %get3A_795 : vector<1x16xf32> to vector<16xf32>
        %mul3A_797 = arith.mulf %gather3A_782, %get3A_796 : vector<16xf32>
        %add3A_798 = arith.addf %add3A_760, %mul3A_797 : vector<16xf32>
        %add3A_799 = arith.constant 32 : i32
        %add3A_800 = arith.addi %multiple_of3A_88, %add3A_799 : i32
        %get3A_801 = arith.constant 18 : i32
        %get3A_802 = arith.index_cast %get3A_801 : i32 to index
        %get3A_803 = arith.index_cast %add3A_800 : i32 to index
        %get3A_804 = tpu.vector_load %arg8[%get3A_802, %get3A_803] {strides = array<i32>} : memref<33x1024xf32, #tpu.memory_space<vmem>>, vector<1x16xf32>,
        %get3A_805 = vector.shape_cast %get3A_804 : vector<1x16xf32> to vector<16xf32>
        %mul3A_806 = arith.mulf %gather3A_782, %get3A_805 : vector<16xf32>
        %add3A_807 = arith.addf %add3A_769, %mul3A_806 : vector<16xf32>
        %add3A_808 = arith.constant 48 : i32
        %add3A_809 = arith.addi %multiple_of3A_88, %add3A_808 : i32
        %get3A_810 = arith.constant 18 : i32
        %get3A_811 = arith.index_cast %get3A_810 : i32 to index
        %get3A_812 = arith.index_cast %add3A_809 : i32 to index
        %get3A_813 = tpu.vector_load %arg8[%get3A_811, %get3A_812] {strides = array<i32>} : memref<33x1024xf32, #tpu.memory_space<vmem>>, vector<1x16xf32>,
        %get3A_814 = vector.shape_cast %get3A_813 : vector<1x16xf32> to vector<16xf32>
        %mul3A_815 = arith.mulf %gather3A_782, %get3A_814 : vector<16xf32>
        %add3A_816 = arith.addf %add3A_778, %mul3A_815 : vector<16xf32>
        %broadcast_in_dim3A_817 = arith.constant 3 : i32
        %broadcast_in_dim3A_818 = vector.broadcast %broadcast_in_dim3A_817 : i32 to vector<16x1xi32>
        %gather3A_819 = vector.shape_cast %broadcast_in_dim3A_818 : vector<16x1xi32> to vector<16xi32>
        %gather3A_820 = tpu.dynamic_gather %get3A_80[%gather3A_819] in [0] : vector<16xf32>, vector<16xi32> -> vector<16xf32>
        %get3A_821 = arith.constant 19 : i32
        %get3A_822 = arith.index_cast %get3A_821 : i32 to index
        %get3A_823 = arith.index_cast %multiple_of3A_88 : i32 to index
        %get3A_824 = tpu.vector_load %arg8[%get3A_822, %get3A_823] {strides = array<i32>} : memref<33x1024xf32, #tpu.memory_space<vmem>>, vector<1x16xf32>,
        %get3A_825 = vector.shape_cast %get3A_824 : vector<1x16xf32> to vector<16xf32>
        %mul3A_826 = arith.mulf %gather3A_820, %get3A_825 : vector<16xf32>
        %add3A_827 = arith.addf %add3A_789, %mul3A_826 : vector<16xf32>
        %add3A_828 = arith.constant 16 : i32
        %add3A_829 = arith.addi %multiple_of3A_88, %add3A_828 : i32
        %get3A_830 = arith.constant 19 : i32
        %get3A_831 = arith.index_cast %get3A_830 : i32 to index
        %get3A_832 = arith.index_cast %add3A_829 : i32 to index
        %get3A_833 = tpu.vector_load %arg8[%get3A_831, %get3A_832] {strides = array<i32>} : memref<33x1024xf32, #tpu.memory_space<vmem>>, vector<1x16xf32>,
        %get3A_834 = vector.shape_cast %get3A_833 : vector<1x16xf32> to vector<16xf32>
        %mul3A_835 = arith.mulf %gather3A_820, %get3A_834 : vector<16xf32>
        %add3A_836 = arith.addf %add3A_798, %mul3A_835 : vector<16xf32>
        %add3A_837 = arith.constant 32 : i32
        %add3A_838 = arith.addi %multiple_of3A_88, %add3A_837 : i32
        %get3A_839 = arith.constant 19 : i32
        %get3A_840 = arith.index_cast %get3A_839 : i32 to index
        %get3A_841 = arith.index_cast %add3A_838 : i32 to index
        %get3A_842 = tpu.vector_load %arg8[%get3A_840, %get3A_841] {strides = array<i32>} : memref<33x1024xf32, #tpu.memory_space<vmem>>, vector<1x16xf32>,
        %get3A_843 = vector.shape_cast %get3A_842 : vector<1x16xf32> to vector<16xf32>
        %mul3A_844 = arith.mulf %gather3A_820, %get3A_843 : vector<16xf32>
        %add3A_845 = arith.addf %add3A_807, %mul3A_844 : vector<16xf32>
        %add3A_846 = arith.constant 48 : i32
        %add3A_847 = arith.addi %multiple_of3A_88, %add3A_846 : i32
        %get3A_848 = arith.constant 19 : i32
        %get3A_849 = arith.index_cast %get3A_848 : i32 to index
        %get3A_850 = arith.index_cast %add3A_847 : i32 to index
        %get3A_851 = tpu.vector_load %arg8[%get3A_849, %get3A_850] {strides = array<i32>} : memref<33x1024xf32, #tpu.memory_space<vmem>>, vector<1x16xf32>,
        %get3A_852 = vector.shape_cast %get3A_851 : vector<1x16xf32> to vector<16xf32>
        %mul3A_853 = arith.mulf %gather3A_820, %get3A_852 : vector<16xf32>
        %add3A_854 = arith.addf %add3A_816, %mul3A_853 : vector<16xf32>
        %broadcast_in_dim3A_855 = arith.constant 4 : i32
        %broadcast_in_dim3A_856 = vector.broadcast %broadcast_in_dim3A_855 : i32 to vector<16x1xi32>
        %gather3A_857 = vector.shape_cast %broadcast_in_dim3A_856 : vector<16x1xi32> to vector<16xi32>
        %gather3A_858 = tpu.dynamic_gather %get3A_80[%gather3A_857] in [0] : vector<16xf32>, vector<16xi32> -> vector<16xf32>
        %get3A_859 = arith.constant 20 : i32
        %get3A_860 = arith.index_cast %get3A_859 : i32 to index
        %get3A_861 = arith.index_cast %multiple_of3A_88 : i32 to index
        %get3A_862 = tpu.vector_load %arg8[%get3A_860, %get3A_861] {strides = array<i32>} : memref<33x1024xf32, #tpu.memory_space<vmem>>, vector<1x16xf32>,
        %get3A_863 = vector.shape_cast %get3A_862 : vector<1x16xf32> to vector<16xf32>
        %mul3A_864 = arith.mulf %gather3A_858, %get3A_863 : vector<16xf32>
        %add3A_865 = arith.addf %add3A_827, %mul3A_864 : vector<16xf32>
        %add3A_866 = arith.constant 16 : i32
        %add3A_867 = arith.addi %multiple_of3A_88, %add3A_866 : i32
        %get3A_868 = arith.constant 20 : i32
        %get3A_869 = arith.index_cast %get3A_868 : i32 to index
        %get3A_870 = arith.index_cast %add3A_867 : i32 to index
        %get3A_871 = tpu.vector_load %arg8[%get3A_869, %get3A_870] {strides = array<i32>} : memref<33x1024xf32, #tpu.memory_space<vmem>>, vector<1x16xf32>,
        %get3A_872 = vector.shape_cast %get3A_871 : vector<1x16xf32> to vector<16xf32>
        %mul3A_873 = arith.mulf %gather3A_858, %get3A_872 : vector<16xf32>
        %add3A_874 = arith.addf %add3A_836, %mul3A_873 : vector<16xf32>
        %add3A_875 = arith.constant 32 : i32
        %add3A_876 = arith.addi %multiple_of3A_88, %add3A_875 : i32
        %get3A_877 = arith.constant 20 : i32
        %get3A_878 = arith.index_cast %get3A_877 : i32 to index
        %get3A_879 = arith.index_cast %add3A_876 : i32 to index
        %get3A_880 = tpu.vector_load %arg8[%get3A_878, %get3A_879] {strides = array<i32>} : memref<33x1024xf32, #tpu.memory_space<vmem>>, vector<1x16xf32>,
        %get3A_881 = vector.shape_cast %get3A_880 : vector<1x16xf32> to vector<16xf32>
        %mul3A_882 = arith.mulf %gather3A_858, %get3A_881 : vector<16xf32>
        %add3A_883 = arith.addf %add3A_845, %mul3A_882 : vector<16xf32>
        %add3A_884 = arith.constant 48 : i32
        %add3A_885 = arith.addi %multiple_of3A_88, %add3A_884 : i32
        %get3A_886 = arith.constant 20 : i32
        %get3A_887 = arith.index_cast %get3A_886 : i32 to index
        %get3A_888 = arith.index_cast %add3A_885 : i32 to index
        %get3A_889 = tpu.vector_load %arg8[%get3A_887, %get3A_888] {strides = array<i32>} : memref<33x1024xf32, #tpu.memory_space<vmem>>, vector<1x16xf32>,
        %get3A_890 = vector.shape_cast %get3A_889 : vector<1x16xf32> to vector<16xf32>
        %mul3A_891 = arith.mulf %gather3A_858, %get3A_890 : vector<16xf32>
        %add3A_892 = arith.addf %add3A_854, %mul3A_891 : vector<16xf32>
        %broadcast_in_dim3A_893 = arith.constant 5 : i32
        %broadcast_in_dim3A_894 = vector.broadcast %broadcast_in_dim3A_893 : i32 to vector<16x1xi32>
        %gather3A_895 = vector.shape_cast %broadcast_in_dim3A_894 : vector<16x1xi32> to vector<16xi32>
        %gather3A_896 = tpu.dynamic_gather %get3A_80[%gather3A_895] in [0] : vector<16xf32>, vector<16xi32> -> vector<16xf32>
        %get3A_897 = arith.constant 21 : i32
        %get3A_898 = arith.index_cast %get3A_897 : i32 to index
        %get3A_899 = arith.index_cast %multiple_of3A_88 : i32 to index
        %get3A_900 = tpu.vector_load %arg8[%get3A_898, %get3A_899] {strides = array<i32>} : memref<33x1024xf32, #tpu.memory_space<vmem>>, vector<1x16xf32>,
        %get3A_901 = vector.shape_cast %get3A_900 : vector<1x16xf32> to vector<16xf32>
        %mul3A_902 = arith.mulf %gather3A_896, %get3A_901 : vector<16xf32>
        %add3A_903 = arith.addf %add3A_865, %mul3A_902 : vector<16xf32>
        %add3A_904 = arith.constant 16 : i32
        %add3A_905 = arith.addi %multiple_of3A_88, %add3A_904 : i32
        %get3A_906 = arith.constant 21 : i32
        %get3A_907 = arith.index_cast %get3A_906 : i32 to index
        %get3A_908 = arith.index_cast %add3A_905 : i32 to index
        %get3A_909 = tpu.vector_load %arg8[%get3A_907, %get3A_908] {strides = array<i32>} : memref<33x1024xf32, #tpu.memory_space<vmem>>, vector<1x16xf32>,
        %get3A_910 = vector.shape_cast %get3A_909 : vector<1x16xf32> to vector<16xf32>
        %mul3A_911 = arith.mulf %gather3A_896, %get3A_910 : vector<16xf32>
        %add3A_912 = arith.addf %add3A_874, %mul3A_911 : vector<16xf32>
        %add3A_913 = arith.constant 32 : i32
        %add3A_914 = arith.addi %multiple_of3A_88, %add3A_913 : i32
        %get3A_915 = arith.constant 21 : i32
        %get3A_916 = arith.index_cast %get3A_915 : i32 to index
        %get3A_917 = arith.index_cast %add3A_914 : i32 to index
        %get3A_918 = tpu.vector_load %arg8[%get3A_916, %get3A_917] {strides = array<i32>} : memref<33x1024xf32, #tpu.memory_space<vmem>>, vector<1x16xf32>,
        %get3A_919 = vector.shape_cast %get3A_918 : vector<1x16xf32> to vector<16xf32>
        %mul3A_920 = arith.mulf %gather3A_896, %get3A_919 : vector<16xf32>
        %add3A_921 = arith.addf %add3A_883, %mul3A_920 : vector<16xf32>
        %add3A_922 = arith.constant 48 : i32
        %add3A_923 = arith.addi %multiple_of3A_88, %add3A_922 : i32
        %get3A_924 = arith.constant 21 : i32
        %get3A_925 = arith.index_cast %get3A_924 : i32 to index
        %get3A_926 = arith.index_cast %add3A_923 : i32 to index
        %get3A_927 = tpu.vector_load %arg8[%get3A_925, %get3A_926] {strides = array<i32>} : memref<33x1024xf32, #tpu.memory_space<vmem>>, vector<1x16xf32>,
        %get3A_928 = vector.shape_cast %get3A_927 : vector<1x16xf32> to vector<16xf32>
        %mul3A_929 = arith.mulf %gather3A_896, %get3A_928 : vector<16xf32>
        %add3A_930 = arith.addf %add3A_892, %mul3A_929 : vector<16xf32>
        %broadcast_in_dim3A_931 = arith.constant 6 : i32
        %broadcast_in_dim3A_932 = vector.broadcast %broadcast_in_dim3A_931 : i32 to vector<16x1xi32>
        %gather3A_933 = vector.shape_cast %broadcast_in_dim3A_932 : vector<16x1xi32> to vector<16xi32>
        %gather3A_934 = tpu.dynamic_gather %get3A_80[%gather3A_933] in [0] : vector<16xf32>, vector<16xi32> -> vector<16xf32>
        %get3A_935 = arith.constant 22 : i32
        %get3A_936 = arith.index_cast %get3A_935 : i32 to index
        %get3A_937 = arith.index_cast %multiple_of3A_88 : i32 to index
        %get3A_938 = tpu.vector_load %arg8[%get3A_936, %get3A_937] {strides = array<i32>} : memref<33x1024xf32, #tpu.memory_space<vmem>>, vector<1x16xf32>,
        %get3A_939 = vector.shape_cast %get3A_938 : vector<1x16xf32> to vector<16xf32>
        %mul3A_940 = arith.mulf %gather3A_934, %get3A_939 : vector<16xf32>
        %add3A_941 = arith.addf %add3A_903, %mul3A_940 : vector<16xf32>
        %add3A_942 = arith.constant 16 : i32
        %add3A_943 = arith.addi %multiple_of3A_88, %add3A_942 : i32
        %get3A_944 = arith.constant 22 : i32
        %get3A_945 = arith.index_cast %get3A_944 : i32 to index
        %get3A_946 = arith.index_cast %add3A_943 : i32 to index
        %get3A_947 = tpu.vector_load %arg8[%get3A_945, %get3A_946] {strides = array<i32>} : memref<33x1024xf32, #tpu.memory_space<vmem>>, vector<1x16xf32>,
        %get3A_948 = vector.shape_cast %get3A_947 : vector<1x16xf32> to vector<16xf32>
        %mul3A_949 = arith.mulf %gather3A_934, %get3A_948 : vector<16xf32>
        %add3A_950 = arith.addf %add3A_912, %mul3A_949 : vector<16xf32>
        %add3A_951 = arith.constant 32 : i32
        %add3A_952 = arith.addi %multiple_of3A_88, %add3A_951 : i32
        %get3A_953 = arith.constant 22 : i32
        %get3A_954 = arith.index_cast %get3A_953 : i32 to index
        %get3A_955 = arith.index_cast %add3A_952 : i32 to index
        %get3A_956 = tpu.vector_load %arg8[%get3A_954, %get3A_955] {strides = array<i32>} : memref<33x1024xf32, #tpu.memory_space<vmem>>, vector<1x16xf32>,
        %get3A_957 = vector.shape_cast %get3A_956 : vector<1x16xf32> to vector<16xf32>
        %mul3A_958 = arith.mulf %gather3A_934, %get3A_957 : vector<16xf32>
        %add3A_959 = arith.addf %add3A_921, %mul3A_958 : vector<16xf32>
        %add3A_960 = arith.constant 48 : i32
        %add3A_961 = arith.addi %multiple_of3A_88, %add3A_960 : i32
        %get3A_962 = arith.constant 22 : i32
        %get3A_963 = arith.index_cast %get3A_962 : i32 to index
        %get3A_964 = arith.index_cast %add3A_961 : i32 to index
        %get3A_965 = tpu.vector_load %arg8[%get3A_963, %get3A_964] {strides = array<i32>} : memref<33x1024xf32, #tpu.memory_space<vmem>>, vector<1x16xf32>,
        %get3A_966 = vector.shape_cast %get3A_965 : vector<1x16xf32> to vector<16xf32>
        %mul3A_967 = arith.mulf %gather3A_934, %get3A_966 : vector<16xf32>
        %add3A_968 = arith.addf %add3A_930, %mul3A_967 : vector<16xf32>
        %broadcast_in_dim3A_969 = arith.constant 7 : i32
        %broadcast_in_dim3A_970 = vector.broadcast %broadcast_in_dim3A_969 : i32 to vector<16x1xi32>
        %gather3A_971 = vector.shape_cast %broadcast_in_dim3A_970 : vector<16x1xi32> to vector<16xi32>
        %gather3A_972 = tpu.dynamic_gather %get3A_80[%gather3A_971] in [0] : vector<16xf32>, vector<16xi32> -> vector<16xf32>
        %get3A_973 = arith.constant 23 : i32
        %get3A_974 = arith.index_cast %get3A_973 : i32 to index
        %get3A_975 = arith.index_cast %multiple_of3A_88 : i32 to index
        %get3A_976 = tpu.vector_load %arg8[%get3A_974, %get3A_975] {strides = array<i32>} : memref<33x1024xf32, #tpu.memory_space<vmem>>, vector<1x16xf32>,
        %get3A_977 = vector.shape_cast %get3A_976 : vector<1x16xf32> to vector<16xf32>
        %mul3A_978 = arith.mulf %gather3A_972, %get3A_977 : vector<16xf32>
        %add3A_979 = arith.addf %add3A_941, %mul3A_978 : vector<16xf32>
        %add3A_980 = arith.constant 16 : i32
        %add3A_981 = arith.addi %multiple_of3A_88, %add3A_980 : i32
        %get3A_982 = arith.constant 23 : i32
        %get3A_983 = arith.index_cast %get3A_982 : i32 to index
        %get3A_984 = arith.index_cast %add3A_981 : i32 to index
        %get3A_985 = tpu.vector_load %arg8[%get3A_983, %get3A_984] {strides = array<i32>} : memref<33x1024xf32, #tpu.memory_space<vmem>>, vector<1x16xf32>,
        %get3A_986 = vector.shape_cast %get3A_985 : vector<1x16xf32> to vector<16xf32>
        %mul3A_987 = arith.mulf %gather3A_972, %get3A_986 : vector<16xf32>
        %add3A_988 = arith.addf %add3A_950, %mul3A_987 : vector<16xf32>
        %add3A_989 = arith.constant 32 : i32
        %add3A_990 = arith.addi %multiple_of3A_88, %add3A_989 : i32
        %get3A_991 = arith.constant 23 : i32
        %get3A_992 = arith.index_cast %get3A_991 : i32 to index
        %get3A_993 = arith.index_cast %add3A_990 : i32 to index
        %get3A_994 = tpu.vector_load %arg8[%get3A_992, %get3A_993] {strides = array<i32>} : memref<33x1024xf32, #tpu.memory_space<vmem>>, vector<1x16xf32>,
        %get3A_995 = vector.shape_cast %get3A_994 : vector<1x16xf32> to vector<16xf32>
        %mul3A_996 = arith.mulf %gather3A_972, %get3A_995 : vector<16xf32>
        %add3A_997 = arith.addf %add3A_959, %mul3A_996 : vector<16xf32>
        %add3A_998 = arith.constant 48 : i32
        %add3A_999 = arith.addi %multiple_of3A_88, %add3A_998 : i32
        %get3A_1000 = arith.constant 23 : i32
        %get3A_1001 = arith.index_cast %get3A_1000 : i32 to index
        %get3A_1002 = arith.index_cast %add3A_999 : i32 to index
        %get3A_1003 = tpu.vector_load %arg8[%get3A_1001, %get3A_1002] {strides = array<i32>} : memref<33x1024xf32, #tpu.memory_space<vmem>>, vector<1x16xf32>,
        %get3A_1004 = vector.shape_cast %get3A_1003 : vector<1x16xf32> to vector<16xf32>
        %mul3A_1005 = arith.mulf %gather3A_972, %get3A_1004 : vector<16xf32>
        %add3A_1006 = arith.addf %add3A_968, %mul3A_1005 : vector<16xf32>
        %broadcast_in_dim3A_1007 = arith.constant 8 : i32
        %broadcast_in_dim3A_1008 = vector.broadcast %broadcast_in_dim3A_1007 : i32 to vector<16x1xi32>
        %gather3A_1009 = vector.shape_cast %broadcast_in_dim3A_1008 : vector<16x1xi32> to vector<16xi32>
        %gather3A_1010 = tpu.dynamic_gather %get3A_80[%gather3A_1009] in [0] : vector<16xf32>, vector<16xi32> -> vector<16xf32>
        %get3A_1011 = arith.constant 24 : i32
        %get3A_1012 = arith.index_cast %get3A_1011 : i32 to index
        %get3A_1013 = arith.index_cast %multiple_of3A_88 : i32 to index
        %get3A_1014 = tpu.vector_load %arg8[%get3A_1012, %get3A_1013] {strides = array<i32>} : memref<33x1024xf32, #tpu.memory_space<vmem>>, vector<1x16xf32>,
        %get3A_1015 = vector.shape_cast %get3A_1014 : vector<1x16xf32> to vector<16xf32>
        %mul3A_1016 = arith.mulf %gather3A_1010, %get3A_1015 : vector<16xf32>
        %add3A_1017 = arith.addf %add3A_979, %mul3A_1016 : vector<16xf32>
        %add3A_1018 = arith.constant 16 : i32
        %add3A_1019 = arith.addi %multiple_of3A_88, %add3A_1018 : i32
        %get3A_1020 = arith.constant 24 : i32
        %get3A_1021 = arith.index_cast %get3A_1020 : i32 to index
        %get3A_1022 = arith.index_cast %add3A_1019 : i32 to index
        %get3A_1023 = tpu.vector_load %arg8[%get3A_1021, %get3A_1022] {strides = array<i32>} : memref<33x1024xf32, #tpu.memory_space<vmem>>, vector<1x16xf32>,
        %get3A_1024 = vector.shape_cast %get3A_1023 : vector<1x16xf32> to vector<16xf32>
        %mul3A_1025 = arith.mulf %gather3A_1010, %get3A_1024 : vector<16xf32>
        %add3A_1026 = arith.addf %add3A_988, %mul3A_1025 : vector<16xf32>
        %add3A_1027 = arith.constant 32 : i32
        %add3A_1028 = arith.addi %multiple_of3A_88, %add3A_1027 : i32
        %get3A_1029 = arith.constant 24 : i32
        %get3A_1030 = arith.index_cast %get3A_1029 : i32 to index
        %get3A_1031 = arith.index_cast %add3A_1028 : i32 to index
        %get3A_1032 = tpu.vector_load %arg8[%get3A_1030, %get3A_1031] {strides = array<i32>} : memref<33x1024xf32, #tpu.memory_space<vmem>>, vector<1x16xf32>,
        %get3A_1033 = vector.shape_cast %get3A_1032 : vector<1x16xf32> to vector<16xf32>
        %mul3A_1034 = arith.mulf %gather3A_1010, %get3A_1033 : vector<16xf32>
        %add3A_1035 = arith.addf %add3A_997, %mul3A_1034 : vector<16xf32>
        %add3A_1036 = arith.constant 48 : i32
        %add3A_1037 = arith.addi %multiple_of3A_88, %add3A_1036 : i32
        %get3A_1038 = arith.constant 24 : i32
        %get3A_1039 = arith.index_cast %get3A_1038 : i32 to index
        %get3A_1040 = arith.index_cast %add3A_1037 : i32 to index
        %get3A_1041 = tpu.vector_load %arg8[%get3A_1039, %get3A_1040] {strides = array<i32>} : memref<33x1024xf32, #tpu.memory_space<vmem>>, vector<1x16xf32>,
        %get3A_1042 = vector.shape_cast %get3A_1041 : vector<1x16xf32> to vector<16xf32>
        %mul3A_1043 = arith.mulf %gather3A_1010, %get3A_1042 : vector<16xf32>
        %add3A_1044 = arith.addf %add3A_1006, %mul3A_1043 : vector<16xf32>
        %broadcast_in_dim3A_1045 = arith.constant 9 : i32
        %broadcast_in_dim3A_1046 = vector.broadcast %broadcast_in_dim3A_1045 : i32 to vector<16x1xi32>
        %gather3A_1047 = vector.shape_cast %broadcast_in_dim3A_1046 : vector<16x1xi32> to vector<16xi32>
        %gather3A_1048 = tpu.dynamic_gather %get3A_80[%gather3A_1047] in [0] : vector<16xf32>, vector<16xi32> -> vector<16xf32>
        %get3A_1049 = arith.constant 25 : i32
        %get3A_1050 = arith.index_cast %get3A_1049 : i32 to index
        %get3A_1051 = arith.index_cast %multiple_of3A_88 : i32 to index
        %get3A_1052 = tpu.vector_load %arg8[%get3A_1050, %get3A_1051] {strides = array<i32>} : memref<33x1024xf32, #tpu.memory_space<vmem>>, vector<1x16xf32>,
        %get3A_1053 = vector.shape_cast %get3A_1052 : vector<1x16xf32> to vector<16xf32>
        %mul3A_1054 = arith.mulf %gather3A_1048, %get3A_1053 : vector<16xf32>
        %add3A_1055 = arith.addf %add3A_1017, %mul3A_1054 : vector<16xf32>
        %add3A_1056 = arith.constant 16 : i32
        %add3A_1057 = arith.addi %multiple_of3A_88, %add3A_1056 : i32
        %get3A_1058 = arith.constant 25 : i32
        %get3A_1059 = arith.index_cast %get3A_1058 : i32 to index
        %get3A_1060 = arith.index_cast %add3A_1057 : i32 to index
        %get3A_1061 = tpu.vector_load %arg8[%get3A_1059, %get3A_1060] {strides = array<i32>} : memref<33x1024xf32, #tpu.memory_space<vmem>>, vector<1x16xf32>,
        %get3A_1062 = vector.shape_cast %get3A_1061 : vector<1x16xf32> to vector<16xf32>
        %mul3A_1063 = arith.mulf %gather3A_1048, %get3A_1062 : vector<16xf32>
        %add3A_1064 = arith.addf %add3A_1026, %mul3A_1063 : vector<16xf32>
        %add3A_1065 = arith.constant 32 : i32
        %add3A_1066 = arith.addi %multiple_of3A_88, %add3A_1065 : i32
        %get3A_1067 = arith.constant 25 : i32
        %get3A_1068 = arith.index_cast %get3A_1067 : i32 to index
        %get3A_1069 = arith.index_cast %add3A_1066 : i32 to index
        %get3A_1070 = tpu.vector_load %arg8[%get3A_1068, %get3A_1069] {strides = array<i32>} : memref<33x1024xf32, #tpu.memory_space<vmem>>, vector<1x16xf32>,
        %get3A_1071 = vector.shape_cast %get3A_1070 : vector<1x16xf32> to vector<16xf32>
        %mul3A_1072 = arith.mulf %gather3A_1048, %get3A_1071 : vector<16xf32>
        %add3A_1073 = arith.addf %add3A_1035, %mul3A_1072 : vector<16xf32>
        %add3A_1074 = arith.constant 48 : i32
        %add3A_1075 = arith.addi %multiple_of3A_88, %add3A_1074 : i32
        %get3A_1076 = arith.constant 25 : i32
        %get3A_1077 = arith.index_cast %get3A_1076 : i32 to index
        %get3A_1078 = arith.index_cast %add3A_1075 : i32 to index
        %get3A_1079 = tpu.vector_load %arg8[%get3A_1077, %get3A_1078] {strides = array<i32>} : memref<33x1024xf32, #tpu.memory_space<vmem>>, vector<1x16xf32>,
        %get3A_1080 = vector.shape_cast %get3A_1079 : vector<1x16xf32> to vector<16xf32>
        %mul3A_1081 = arith.mulf %gather3A_1048, %get3A_1080 : vector<16xf32>
        %add3A_1082 = arith.addf %add3A_1044, %mul3A_1081 : vector<16xf32>
        %broadcast_in_dim3A_1083 = arith.constant 10 : i32
        %broadcast_in_dim3A_1084 = vector.broadcast %broadcast_in_dim3A_1083 : i32 to vector<16x1xi32>
        %gather3A_1085 = vector.shape_cast %broadcast_in_dim3A_1084 : vector<16x1xi32> to vector<16xi32>
        %gather3A_1086 = tpu.dynamic_gather %get3A_80[%gather3A_1085] in [0] : vector<16xf32>, vector<16xi32> -> vector<16xf32>
        %get3A_1087 = arith.constant 26 : i32
        %get3A_1088 = arith.index_cast %get3A_1087 : i32 to index
        %get3A_1089 = arith.index_cast %multiple_of3A_88 : i32 to index
        %get3A_1090 = tpu.vector_load %arg8[%get3A_1088, %get3A_1089] {strides = array<i32>} : memref<33x1024xf32, #tpu.memory_space<vmem>>, vector<1x16xf32>,
        %get3A_1091 = vector.shape_cast %get3A_1090 : vector<1x16xf32> to vector<16xf32>
        %mul3A_1092 = arith.mulf %gather3A_1086, %get3A_1091 : vector<16xf32>
        %add3A_1093 = arith.addf %add3A_1055, %mul3A_1092 : vector<16xf32>
        %add3A_1094 = arith.constant 16 : i32
        %add3A_1095 = arith.addi %multiple_of3A_88, %add3A_1094 : i32
        %get3A_1096 = arith.constant 26 : i32
        %get3A_1097 = arith.index_cast %get3A_1096 : i32 to index
        %get3A_1098 = arith.index_cast %add3A_1095 : i32 to index
        %get3A_1099 = tpu.vector_load %arg8[%get3A_1097, %get3A_1098] {strides = array<i32>} : memref<33x1024xf32, #tpu.memory_space<vmem>>, vector<1x16xf32>,
        %get3A_1100 = vector.shape_cast %get3A_1099 : vector<1x16xf32> to vector<16xf32>
        %mul3A_1101 = arith.mulf %gather3A_1086, %get3A_1100 : vector<16xf32>
        %add3A_1102 = arith.addf %add3A_1064, %mul3A_1101 : vector<16xf32>
        %add3A_1103 = arith.constant 32 : i32
        %add3A_1104 = arith.addi %multiple_of3A_88, %add3A_1103 : i32
        %get3A_1105 = arith.constant 26 : i32
        %get3A_1106 = arith.index_cast %get3A_1105 : i32 to index
        %get3A_1107 = arith.index_cast %add3A_1104 : i32 to index
        %get3A_1108 = tpu.vector_load %arg8[%get3A_1106, %get3A_1107] {strides = array<i32>} : memref<33x1024xf32, #tpu.memory_space<vmem>>, vector<1x16xf32>,
        %get3A_1109 = vector.shape_cast %get3A_1108 : vector<1x16xf32> to vector<16xf32>
        %mul3A_1110 = arith.mulf %gather3A_1086, %get3A_1109 : vector<16xf32>
        %add3A_1111 = arith.addf %add3A_1073, %mul3A_1110 : vector<16xf32>
        %add3A_1112 = arith.constant 48 : i32
        %add3A_1113 = arith.addi %multiple_of3A_88, %add3A_1112 : i32
        %get3A_1114 = arith.constant 26 : i32
        %get3A_1115 = arith.index_cast %get3A_1114 : i32 to index
        %get3A_1116 = arith.index_cast %add3A_1113 : i32 to index
        %get3A_1117 = tpu.vector_load %arg8[%get3A_1115, %get3A_1116] {strides = array<i32>} : memref<33x1024xf32, #tpu.memory_space<vmem>>, vector<1x16xf32>,
        %get3A_1118 = vector.shape_cast %get3A_1117 : vector<1x16xf32> to vector<16xf32>
        %mul3A_1119 = arith.mulf %gather3A_1086, %get3A_1118 : vector<16xf32>
        %add3A_1120 = arith.addf %add3A_1082, %mul3A_1119 : vector<16xf32>
        %broadcast_in_dim3A_1121 = arith.constant 11 : i32
        %broadcast_in_dim3A_1122 = vector.broadcast %broadcast_in_dim3A_1121 : i32 to vector<16x1xi32>
        %gather3A_1123 = vector.shape_cast %broadcast_in_dim3A_1122 : vector<16x1xi32> to vector<16xi32>
        %gather3A_1124 = tpu.dynamic_gather %get3A_80[%gather3A_1123] in [0] : vector<16xf32>, vector<16xi32> -> vector<16xf32>
        %get3A_1125 = arith.constant 27 : i32
        %get3A_1126 = arith.index_cast %get3A_1125 : i32 to index
        %get3A_1127 = arith.index_cast %multiple_of3A_88 : i32 to index
        %get3A_1128 = tpu.vector_load %arg8[%get3A_1126, %get3A_1127] {strides = array<i32>} : memref<33x1024xf32, #tpu.memory_space<vmem>>, vector<1x16xf32>,
        %get3A_1129 = vector.shape_cast %get3A_1128 : vector<1x16xf32> to vector<16xf32>
        %mul3A_1130 = arith.mulf %gather3A_1124, %get3A_1129 : vector<16xf32>
        %add3A_1131 = arith.addf %add3A_1093, %mul3A_1130 : vector<16xf32>
        %add3A_1132 = arith.constant 16 : i32
        %add3A_1133 = arith.addi %multiple_of3A_88, %add3A_1132 : i32
        %get3A_1134 = arith.constant 27 : i32
        %get3A_1135 = arith.index_cast %get3A_1134 : i32 to index
        %get3A_1136 = arith.index_cast %add3A_1133 : i32 to index
        %get3A_1137 = tpu.vector_load %arg8[%get3A_1135, %get3A_1136] {strides = array<i32>} : memref<33x1024xf32, #tpu.memory_space<vmem>>, vector<1x16xf32>,
        %get3A_1138 = vector.shape_cast %get3A_1137 : vector<1x16xf32> to vector<16xf32>
        %mul3A_1139 = arith.mulf %gather3A_1124, %get3A_1138 : vector<16xf32>
        %add3A_1140 = arith.addf %add3A_1102, %mul3A_1139 : vector<16xf32>
        %add3A_1141 = arith.constant 32 : i32
        %add3A_1142 = arith.addi %multiple_of3A_88, %add3A_1141 : i32
        %get3A_1143 = arith.constant 27 : i32
        %get3A_1144 = arith.index_cast %get3A_1143 : i32 to index
        %get3A_1145 = arith.index_cast %add3A_1142 : i32 to index
        %get3A_1146 = tpu.vector_load %arg8[%get3A_1144, %get3A_1145] {strides = array<i32>} : memref<33x1024xf32, #tpu.memory_space<vmem>>, vector<1x16xf32>,
        %get3A_1147 = vector.shape_cast %get3A_1146 : vector<1x16xf32> to vector<16xf32>
        %mul3A_1148 = arith.mulf %gather3A_1124, %get3A_1147 : vector<16xf32>
        %add3A_1149 = arith.addf %add3A_1111, %mul3A_1148 : vector<16xf32>
        %add3A_1150 = arith.constant 48 : i32
        %add3A_1151 = arith.addi %multiple_of3A_88, %add3A_1150 : i32
        %get3A_1152 = arith.constant 27 : i32
        %get3A_1153 = arith.index_cast %get3A_1152 : i32 to index
        %get3A_1154 = arith.index_cast %add3A_1151 : i32 to index
        %get3A_1155 = tpu.vector_load %arg8[%get3A_1153, %get3A_1154] {strides = array<i32>} : memref<33x1024xf32, #tpu.memory_space<vmem>>, vector<1x16xf32>,
        %get3A_1156 = vector.shape_cast %get3A_1155 : vector<1x16xf32> to vector<16xf32>
        %mul3A_1157 = arith.mulf %gather3A_1124, %get3A_1156 : vector<16xf32>
        %add3A_1158 = arith.addf %add3A_1120, %mul3A_1157 : vector<16xf32>
        %broadcast_in_dim3A_1159 = arith.constant 12 : i32
        %broadcast_in_dim3A_1160 = vector.broadcast %broadcast_in_dim3A_1159 : i32 to vector<16x1xi32>
        %gather3A_1161 = vector.shape_cast %broadcast_in_dim3A_1160 : vector<16x1xi32> to vector<16xi32>
        %gather3A_1162 = tpu.dynamic_gather %get3A_80[%gather3A_1161] in [0] : vector<16xf32>, vector<16xi32> -> vector<16xf32>
        %get3A_1163 = arith.constant 28 : i32
        %get3A_1164 = arith.index_cast %get3A_1163 : i32 to index
        %get3A_1165 = arith.index_cast %multiple_of3A_88 : i32 to index
        %get3A_1166 = tpu.vector_load %arg8[%get3A_1164, %get3A_1165] {strides = array<i32>} : memref<33x1024xf32, #tpu.memory_space<vmem>>, vector<1x16xf32>,
        %get3A_1167 = vector.shape_cast %get3A_1166 : vector<1x16xf32> to vector<16xf32>
        %mul3A_1168 = arith.mulf %gather3A_1162, %get3A_1167 : vector<16xf32>
        %add3A_1169 = arith.addf %add3A_1131, %mul3A_1168 : vector<16xf32>
        %add3A_1170 = arith.constant 16 : i32
        %add3A_1171 = arith.addi %multiple_of3A_88, %add3A_1170 : i32
        %get3A_1172 = arith.constant 28 : i32
        %get3A_1173 = arith.index_cast %get3A_1172 : i32 to index
        %get3A_1174 = arith.index_cast %add3A_1171 : i32 to index
        %get3A_1175 = tpu.vector_load %arg8[%get3A_1173, %get3A_1174] {strides = array<i32>} : memref<33x1024xf32, #tpu.memory_space<vmem>>, vector<1x16xf32>,
        %get3A_1176 = vector.shape_cast %get3A_1175 : vector<1x16xf32> to vector<16xf32>
        %mul3A_1177 = arith.mulf %gather3A_1162, %get3A_1176 : vector<16xf32>
        %add3A_1178 = arith.addf %add3A_1140, %mul3A_1177 : vector<16xf32>
        %add3A_1179 = arith.constant 32 : i32
        %add3A_1180 = arith.addi %multiple_of3A_88, %add3A_1179 : i32
        %get3A_1181 = arith.constant 28 : i32
        %get3A_1182 = arith.index_cast %get3A_1181 : i32 to index
        %get3A_1183 = arith.index_cast %add3A_1180 : i32 to index
        %get3A_1184 = tpu.vector_load %arg8[%get3A_1182, %get3A_1183] {strides = array<i32>} : memref<33x1024xf32, #tpu.memory_space<vmem>>, vector<1x16xf32>,
        %get3A_1185 = vector.shape_cast %get3A_1184 : vector<1x16xf32> to vector<16xf32>
        %mul3A_1186 = arith.mulf %gather3A_1162, %get3A_1185 : vector<16xf32>
        %add3A_1187 = arith.addf %add3A_1149, %mul3A_1186 : vector<16xf32>
        %add3A_1188 = arith.constant 48 : i32
        %add3A_1189 = arith.addi %multiple_of3A_88, %add3A_1188 : i32
        %get3A_1190 = arith.constant 28 : i32
        %get3A_1191 = arith.index_cast %get3A_1190 : i32 to index
        %get3A_1192 = arith.index_cast %add3A_1189 : i32 to index
        %get3A_1193 = tpu.vector_load %arg8[%get3A_1191, %get3A_1192] {strides = array<i32>} : memref<33x1024xf32, #tpu.memory_space<vmem>>, vector<1x16xf32>,
        %get3A_1194 = vector.shape_cast %get3A_1193 : vector<1x16xf32> to vector<16xf32>
        %mul3A_1195 = arith.mulf %gather3A_1162, %get3A_1194 : vector<16xf32>
        %add3A_1196 = arith.addf %add3A_1158, %mul3A_1195 : vector<16xf32>
        %broadcast_in_dim3A_1197 = arith.constant 13 : i32
        %broadcast_in_dim3A_1198 = vector.broadcast %broadcast_in_dim3A_1197 : i32 to vector<16x1xi32>
        %gather3A_1199 = vector.shape_cast %broadcast_in_dim3A_1198 : vector<16x1xi32> to vector<16xi32>
        %gather3A_1200 = tpu.dynamic_gather %get3A_80[%gather3A_1199] in [0] : vector<16xf32>, vector<16xi32> -> vector<16xf32>
        %get3A_1201 = arith.constant 29 : i32
        %get3A_1202 = arith.index_cast %get3A_1201 : i32 to index
        %get3A_1203 = arith.index_cast %multiple_of3A_88 : i32 to index
        %get3A_1204 = tpu.vector_load %arg8[%get3A_1202, %get3A_1203] {strides = array<i32>} : memref<33x1024xf32, #tpu.memory_space<vmem>>, vector<1x16xf32>,
        %get3A_1205 = vector.shape_cast %get3A_1204 : vector<1x16xf32> to vector<16xf32>
        %mul3A_1206 = arith.mulf %gather3A_1200, %get3A_1205 : vector<16xf32>
        %add3A_1207 = arith.addf %add3A_1169, %mul3A_1206 : vector<16xf32>
        %add3A_1208 = arith.constant 16 : i32
        %add3A_1209 = arith.addi %multiple_of3A_88, %add3A_1208 : i32
        %get3A_1210 = arith.constant 29 : i32
        %get3A_1211 = arith.index_cast %get3A_1210 : i32 to index
        %get3A_1212 = arith.index_cast %add3A_1209 : i32 to index
        %get3A_1213 = tpu.vector_load %arg8[%get3A_1211, %get3A_1212] {strides = array<i32>} : memref<33x1024xf32, #tpu.memory_space<vmem>>, vector<1x16xf32>,
        %get3A_1214 = vector.shape_cast %get3A_1213 : vector<1x16xf32> to vector<16xf32>
        %mul3A_1215 = arith.mulf %gather3A_1200, %get3A_1214 : vector<16xf32>
        %add3A_1216 = arith.addf %add3A_1178, %mul3A_1215 : vector<16xf32>
        %add3A_1217 = arith.constant 32 : i32
        %add3A_1218 = arith.addi %multiple_of3A_88, %add3A_1217 : i32
        %get3A_1219 = arith.constant 29 : i32
        %get3A_1220 = arith.index_cast %get3A_1219 : i32 to index
        %get3A_1221 = arith.index_cast %add3A_1218 : i32 to index
        %get3A_1222 = tpu.vector_load %arg8[%get3A_1220, %get3A_1221] {strides = array<i32>} : memref<33x1024xf32, #tpu.memory_space<vmem>>, vector<1x16xf32>,
        %get3A_1223 = vector.shape_cast %get3A_1222 : vector<1x16xf32> to vector<16xf32>
        %mul3A_1224 = arith.mulf %gather3A_1200, %get3A_1223 : vector<16xf32>
        %add3A_1225 = arith.addf %add3A_1187, %mul3A_1224 : vector<16xf32>
        %add3A_1226 = arith.constant 48 : i32
        %add3A_1227 = arith.addi %multiple_of3A_88, %add3A_1226 : i32
        %get3A_1228 = arith.constant 29 : i32
        %get3A_1229 = arith.index_cast %get3A_1228 : i32 to index
        %get3A_1230 = arith.index_cast %add3A_1227 : i32 to index
        %get3A_1231 = tpu.vector_load %arg8[%get3A_1229, %get3A_1230] {strides = array<i32>} : memref<33x1024xf32, #tpu.memory_space<vmem>>, vector<1x16xf32>,
        %get3A_1232 = vector.shape_cast %get3A_1231 : vector<1x16xf32> to vector<16xf32>
        %mul3A_1233 = arith.mulf %gather3A_1200, %get3A_1232 : vector<16xf32>
        %add3A_1234 = arith.addf %add3A_1196, %mul3A_1233 : vector<16xf32>
        %broadcast_in_dim3A_1235 = arith.constant 14 : i32
        %broadcast_in_dim3A_1236 = vector.broadcast %broadcast_in_dim3A_1235 : i32 to vector<16x1xi32>
        %gather3A_1237 = vector.shape_cast %broadcast_in_dim3A_1236 : vector<16x1xi32> to vector<16xi32>
        %gather3A_1238 = tpu.dynamic_gather %get3A_80[%gather3A_1237] in [0] : vector<16xf32>, vector<16xi32> -> vector<16xf32>
        %get3A_1239 = arith.constant 30 : i32
        %get3A_1240 = arith.index_cast %get3A_1239 : i32 to index
        %get3A_1241 = arith.index_cast %multiple_of3A_88 : i32 to index
        %get3A_1242 = tpu.vector_load %arg8[%get3A_1240, %get3A_1241] {strides = array<i32>} : memref<33x1024xf32, #tpu.memory_space<vmem>>, vector<1x16xf32>,
        %get3A_1243 = vector.shape_cast %get3A_1242 : vector<1x16xf32> to vector<16xf32>
        %mul3A_1244 = arith.mulf %gather3A_1238, %get3A_1243 : vector<16xf32>
        %add3A_1245 = arith.addf %add3A_1207, %mul3A_1244 : vector<16xf32>
        %add3A_1246 = arith.constant 16 : i32
        %add3A_1247 = arith.addi %multiple_of3A_88, %add3A_1246 : i32
        %get3A_1248 = arith.constant 30 : i32
        %get3A_1249 = arith.index_cast %get3A_1248 : i32 to index
        %get3A_1250 = arith.index_cast %add3A_1247 : i32 to index
        %get3A_1251 = tpu.vector_load %arg8[%get3A_1249, %get3A_1250] {strides = array<i32>} : memref<33x1024xf32, #tpu.memory_space<vmem>>, vector<1x16xf32>,
        %get3A_1252 = vector.shape_cast %get3A_1251 : vector<1x16xf32> to vector<16xf32>
        %mul3A_1253 = arith.mulf %gather3A_1238, %get3A_1252 : vector<16xf32>
        %add3A_1254 = arith.addf %add3A_1216, %mul3A_1253 : vector<16xf32>
        %add3A_1255 = arith.constant 32 : i32
        %add3A_1256 = arith.addi %multiple_of3A_88, %add3A_1255 : i32
        %get3A_1257 = arith.constant 30 : i32
        %get3A_1258 = arith.index_cast %get3A_1257 : i32 to index
        %get3A_1259 = arith.index_cast %add3A_1256 : i32 to index
        %get3A_1260 = tpu.vector_load %arg8[%get3A_1258, %get3A_1259] {strides = array<i32>} : memref<33x1024xf32, #tpu.memory_space<vmem>>, vector<1x16xf32>,
        %get3A_1261 = vector.shape_cast %get3A_1260 : vector<1x16xf32> to vector<16xf32>
        %mul3A_1262 = arith.mulf %gather3A_1238, %get3A_1261 : vector<16xf32>
        %add3A_1263 = arith.addf %add3A_1225, %mul3A_1262 : vector<16xf32>
        %add3A_1264 = arith.constant 48 : i32
        %add3A_1265 = arith.addi %multiple_of3A_88, %add3A_1264 : i32
        %get3A_1266 = arith.constant 30 : i32
        %get3A_1267 = arith.index_cast %get3A_1266 : i32 to index
        %get3A_1268 = arith.index_cast %add3A_1265 : i32 to index
        %get3A_1269 = tpu.vector_load %arg8[%get3A_1267, %get3A_1268] {strides = array<i32>} : memref<33x1024xf32, #tpu.memory_space<vmem>>, vector<1x16xf32>,
        %get3A_1270 = vector.shape_cast %get3A_1269 : vector<1x16xf32> to vector<16xf32>
        %mul3A_1271 = arith.mulf %gather3A_1238, %get3A_1270 : vector<16xf32>
        %add3A_1272 = arith.addf %add3A_1234, %mul3A_1271 : vector<16xf32>
        %broadcast_in_dim3A_1273 = arith.constant 15 : i32
        %broadcast_in_dim3A_1274 = vector.broadcast %broadcast_in_dim3A_1273 : i32 to vector<16x1xi32>
        %gather3A_1275 = vector.shape_cast %broadcast_in_dim3A_1274 : vector<16x1xi32> to vector<16xi32>
        %gather3A_1276 = tpu.dynamic_gather %get3A_80[%gather3A_1275] in [0] : vector<16xf32>, vector<16xi32> -> vector<16xf32>
        %get3A_1277 = arith.constant 31 : i32
        %get3A_1278 = arith.index_cast %get3A_1277 : i32 to index
        %get3A_1279 = arith.index_cast %multiple_of3A_88 : i32 to index
        %get3A_1280 = tpu.vector_load %arg8[%get3A_1278, %get3A_1279] {strides = array<i32>} : memref<33x1024xf32, #tpu.memory_space<vmem>>, vector<1x16xf32>,
        %get3A_1281 = vector.shape_cast %get3A_1280 : vector<1x16xf32> to vector<16xf32>
        %mul3A_1282 = arith.mulf %gather3A_1276, %get3A_1281 : vector<16xf32>
        %add3A_1283 = arith.addf %add3A_1245, %mul3A_1282 : vector<16xf32>
        %add3A_1284 = arith.constant 16 : i32
        %add3A_1285 = arith.addi %multiple_of3A_88, %add3A_1284 : i32
        %get3A_1286 = arith.constant 31 : i32
        %get3A_1287 = arith.index_cast %get3A_1286 : i32 to index
        %get3A_1288 = arith.index_cast %add3A_1285 : i32 to index
        %get3A_1289 = tpu.vector_load %arg8[%get3A_1287, %get3A_1288] {strides = array<i32>} : memref<33x1024xf32, #tpu.memory_space<vmem>>, vector<1x16xf32>,
        %get3A_1290 = vector.shape_cast %get3A_1289 : vector<1x16xf32> to vector<16xf32>
        %mul3A_1291 = arith.mulf %gather3A_1276, %get3A_1290 : vector<16xf32>
        %add3A_1292 = arith.addf %add3A_1254, %mul3A_1291 : vector<16xf32>
        %add3A_1293 = arith.constant 32 : i32
        %add3A_1294 = arith.addi %multiple_of3A_88, %add3A_1293 : i32
        %get3A_1295 = arith.constant 31 : i32
        %get3A_1296 = arith.index_cast %get3A_1295 : i32 to index
        %get3A_1297 = arith.index_cast %add3A_1294 : i32 to index
        %get3A_1298 = tpu.vector_load %arg8[%get3A_1296, %get3A_1297] {strides = array<i32>} : memref<33x1024xf32, #tpu.memory_space<vmem>>, vector<1x16xf32>,
        %get3A_1299 = vector.shape_cast %get3A_1298 : vector<1x16xf32> to vector<16xf32>
        %mul3A_1300 = arith.mulf %gather3A_1276, %get3A_1299 : vector<16xf32>
        %add3A_1301 = arith.addf %add3A_1263, %mul3A_1300 : vector<16xf32>
        %add3A_1302 = arith.constant 48 : i32
        %add3A_1303 = arith.addi %multiple_of3A_88, %add3A_1302 : i32
        %get3A_1304 = arith.constant 31 : i32
        %get3A_1305 = arith.index_cast %get3A_1304 : i32 to index
        %get3A_1306 = arith.index_cast %add3A_1303 : i32 to index
        %get3A_1307 = tpu.vector_load %arg8[%get3A_1305, %get3A_1306] {strides = array<i32>} : memref<33x1024xf32, #tpu.memory_space<vmem>>, vector<1x16xf32>,
        %get3A_1308 = vector.shape_cast %get3A_1307 : vector<1x16xf32> to vector<16xf32>
        %mul3A_1309 = arith.mulf %gather3A_1276, %get3A_1308 : vector<16xf32>
        %add3A_1310 = arith.addf %add3A_1272, %mul3A_1309 : vector<16xf32>
        %broadcast_in_dim3A_1311 = arith.constant 0 : i32
        %broadcast_in_dim3A_1312 = vector.broadcast %broadcast_in_dim3A_1311 : i32 to vector<16x1xi32>
        %gather3A_1313 = vector.shape_cast %broadcast_in_dim3A_1312 : vector<16x1xi32> to vector<16xi32>
        %gather3A_1314 = tpu.dynamic_gather %get3A_85[%gather3A_1313] in [0] : vector<16xf32>, vector<16xi32> -> vector<16xf32>
        %get3A_1315 = arith.constant 32 : i32
        %get3A_1316 = arith.index_cast %get3A_1315 : i32 to index
        %get3A_1317 = arith.index_cast %multiple_of3A_88 : i32 to index
        %get3A_1318 = tpu.vector_load %arg8[%get3A_1316, %get3A_1317] {strides = array<i32>} : memref<33x1024xf32, #tpu.memory_space<vmem>>, vector<1x16xf32>,
        %get3A_1319 = vector.shape_cast %get3A_1318 : vector<1x16xf32> to vector<16xf32>
        %mul3A_1320 = arith.mulf %gather3A_1314, %get3A_1319 : vector<16xf32>
        %add3A_1321 = arith.addf %add3A_1283, %mul3A_1320 : vector<16xf32>
        %add3A_1322 = arith.constant 16 : i32
        %add3A_1323 = arith.addi %multiple_of3A_88, %add3A_1322 : i32
        %get3A_1324 = arith.constant 32 : i32
        %get3A_1325 = arith.index_cast %get3A_1324 : i32 to index
        %get3A_1326 = arith.index_cast %add3A_1323 : i32 to index
        %get3A_1327 = tpu.vector_load %arg8[%get3A_1325, %get3A_1326] {strides = array<i32>} : memref<33x1024xf32, #tpu.memory_space<vmem>>, vector<1x16xf32>,
        %get3A_1328 = vector.shape_cast %get3A_1327 : vector<1x16xf32> to vector<16xf32>
        %mul3A_1329 = arith.mulf %gather3A_1314, %get3A_1328 : vector<16xf32>
        %add3A_1330 = arith.addf %add3A_1292, %mul3A_1329 : vector<16xf32>
        %add3A_1331 = arith.constant 32 : i32
        %add3A_1332 = arith.addi %multiple_of3A_88, %add3A_1331 : i32
        %get3A_1333 = arith.constant 32 : i32
        %get3A_1334 = arith.index_cast %get3A_1333 : i32 to index
        %get3A_1335 = arith.index_cast %add3A_1332 : i32 to index
        %get3A_1336 = tpu.vector_load %arg8[%get3A_1334, %get3A_1335] {strides = array<i32>} : memref<33x1024xf32, #tpu.memory_space<vmem>>, vector<1x16xf32>,
        %get3A_1337 = vector.shape_cast %get3A_1336 : vector<1x16xf32> to vector<16xf32>
        %mul3A_1338 = arith.mulf %gather3A_1314, %get3A_1337 : vector<16xf32>
        %add3A_1339 = arith.addf %add3A_1301, %mul3A_1338 : vector<16xf32>
        %add3A_1340 = arith.constant 48 : i32
        %add3A_1341 = arith.addi %multiple_of3A_88, %add3A_1340 : i32
        %get3A_1342 = arith.constant 32 : i32
        %get3A_1343 = arith.index_cast %get3A_1342 : i32 to index
        %get3A_1344 = arith.index_cast %add3A_1341 : i32 to index
        %get3A_1345 = tpu.vector_load %arg8[%get3A_1343, %get3A_1344] {strides = array<i32>} : memref<33x1024xf32, #tpu.memory_space<vmem>>, vector<1x16xf32>,
        %get3A_1346 = vector.shape_cast %get3A_1345 : vector<1x16xf32> to vector<16xf32>
        %mul3A_1347 = arith.mulf %gather3A_1314, %get3A_1346 : vector<16xf32>
        %add3A_1348 = arith.addf %add3A_1310, %mul3A_1347 : vector<16xf32>
        %swap3A = arith.index_cast %multiple_of3A_88 : i32 to index
        %swap3A_1349 = tpu.vector_load %arg10[%swap3A] {strides = array<i32>} : memref<1024xf32, #tpu.memory_space<vmem>>, vector<16xf32>,
        %swap3A_1350 = vector.shape_cast %swap3A_1349 : vector<16xf32> to vector<16xf32>
        %swap3A_1351 = vector.shape_cast %add3A_1321 : vector<16xf32> to vector<16xf32>
        tpu.vector_store %arg10[%swap3A], %swap3A_1351 {strides = array<i32>} : memref<1024xf32, #tpu.memory_space<vmem>>, vector<16xf32>,
        %add3A_1352 = arith.constant 16 : i32
        %add3A_1353 = arith.addi %multiple_of3A_88, %add3A_1352 : i32
        %swap3A_1354 = arith.index_cast %add3A_1353 : i32 to index
        %swap3A_1355 = tpu.vector_load %arg10[%swap3A_1354] {strides = array<i32>} : memref<1024xf32, #tpu.memory_space<vmem>>, vector<16xf32>,
        %swap3A_1356 = vector.shape_cast %swap3A_1355 : vector<16xf32> to vector<16xf32>
        %swap3A_1357 = vector.shape_cast %add3A_1330 : vector<16xf32> to vector<16xf32>
        tpu.vector_store %arg10[%swap3A_1354], %swap3A_1357 {strides = array<i32>} : memref<1024xf32, #tpu.memory_space<vmem>>, vector<16xf32>,
        %add3A_1358 = arith.constant 32 : i32
        %add3A_1359 = arith.addi %multiple_of3A_88, %add3A_1358 : i32
        %swap3A_1360 = arith.index_cast %add3A_1359 : i32 to index
        %swap3A_1361 = tpu.vector_load %arg10[%swap3A_1360] {strides = array<i32>} : memref<1024xf32, #tpu.memory_space<vmem>>, vector<16xf32>,
        %swap3A_1362 = vector.shape_cast %swap3A_1361 : vector<16xf32> to vector<16xf32>
        %swap3A_1363 = vector.shape_cast %add3A_1339 : vector<16xf32> to vector<16xf32>
        tpu.vector_store %arg10[%swap3A_1360], %swap3A_1363 {strides = array<i32>} : memref<1024xf32, #tpu.memory_space<vmem>>, vector<16xf32>,
        %add3A_1364 = arith.constant 48 : i32
        %add3A_1365 = arith.addi %multiple_of3A_88, %add3A_1364 : i32
        %swap3A_1366 = arith.index_cast %add3A_1365 : i32 to index
        %swap3A_1367 = tpu.vector_load %arg10[%swap3A_1366] {strides = array<i32>} : memref<1024xf32, #tpu.memory_space<vmem>>, vector<16xf32>,
        %swap3A_1368 = vector.shape_cast %swap3A_1367 : vector<16xf32> to vector<16xf32>
        %swap3A_1369 = vector.shape_cast %add3A_1348 : vector<16xf32> to vector<16xf32>
        tpu.vector_store %arg10[%swap3A_1366], %swap3A_1369 {strides = array<i32>} : memref<1024xf32, #tpu.memory_space<vmem>>, vector<16xf32>,
      }
      %scan3A_41 = arith.constant 16 : i32
      %add3A_42 = arith.addi %mul3A_2, %mul3A_22 : i32
      %mul3A_43 = arith.constant 1024 : i32
      %mul3A_44 = arith.muli %add3A_42, %mul3A_43 : i32
      "tpu.region"() ({
        %run_scoped3A = tpu.sem_alloc : memref<!tpu.dma_semaphore, #tpu.memory_space<semaphore_mem>>
        %dma_start3A_68 = tpu.memref_slice %arg5[%mul3A_44] : memref<917504xf32, #tpu.memory_space<hbm>> -> memref<1024xf32, #tpu.memory_space<hbm>>
        %dma_start3A_69 = tpu.memref_slice %arg5[%mul3A_44] : memref<917504xf32, #tpu.memory_space<hbm>> -> memref<1024xf32, #tpu.memory_space<hbm>>
        tpu.enqueue_dma source(%arg10 : memref<1024xf32, #tpu.memory_space<vmem>>) target(%dma_start3A_69 : memref<1024xf32, #tpu.memory_space<hbm>>) target_semaphore(%run_scoped3A : memref<!tpu.dma_semaphore, #tpu.memory_space<semaphore_mem>>)
        %dma_wait3A_70 = tpu.memref_slice %arg5[%mul3A_44] : memref<917504xf32, #tpu.memory_space<hbm>> -> memref<1024xf32, #tpu.memory_space<hbm>>
        %dma_wait3A_71 = tpu.memref_slice %arg5[%mul3A_44] : memref<917504xf32, #tpu.memory_space<hbm>> -> memref<1024xf32, #tpu.memory_space<hbm>>
        tpu.wait_dma2 semaphore(%run_scoped3A : memref<!tpu.dma_semaphore, #tpu.memory_space<semaphore_mem>>) src(%arg10 : memref<1024xf32, #tpu.memory_space<vmem>>) dst(%dma_wait3A_71 : memref<1024xf32, #tpu.memory_space<hbm>>)
        tpu.yield
      }) : () -> ()
      %add3A_45 = arith.constant 2 : i32
      %add3A_46 = arith.addi %mul3A_22, %add3A_45 : i32
      %lt3A = arith.constant 28 : i32
      %lt3A_47 = arith.cmpi slt, %add3A_46, %lt3A : i32
      %convert_element_type3A = arith.extui %lt3A_47 : i1 to i32
      %cond3A = arith.constant 0 : i32
      %cond3A_48 = arith.cmpi ne, %convert_element_type3A, %cond3A : i32
      scf.if %cond3A_48 {
        %add3A_68 = arith.constant 2 : i32
        %add3A_69 = arith.addi %mul3A_22, %add3A_68 : i32
        %mul3A_70 = arith.constant 40 : i32
        %mul3A_71 = arith.muli %add3A_69, %mul3A_70 : i32
        %dma_start3A_72 = tpu.memref_slice %arg6[%mul3A_71] : memref<1120xi32, #tpu.memory_space<vmem>> -> memref<33xi32, #tpu.memory_space<vmem>>
        %dma_start3A_73 = arith.constant 0 : i32
        %dma_start3A_74 = arith.constant 0 : i32
        %dma_start3A_75 = tpu.memref_slice %arg2[%dma_start3A_73, %dma_start3A_74] : memref<2048x1024xf32, #tpu.memory_space<hbm>> -> memref<2048x1024xf32, #tpu.memory_space<hbm>>
        tpu.enqueue_indirect_dma source(%dma_start3A_75 : memref<2048x1024xf32, #tpu.memory_space<hbm>>) target(%arg8 : memref<33x1024xf32, #tpu.memory_space<vmem>>) offsets(%dma_start3A_72 : memref<33xi32, #tpu.memory_space<vmem>>) semaphore(%arg11 : memref<!tpu.dma_semaphore, #tpu.memory_space<semaphore_mem>>)
      } else {
      }
      %add3A_49 = arith.constant 1 : i32
      %add3A_50 = arith.addi %mul3A_22, %add3A_49 : i32
      %mul3A_51 = arith.constant 40 : i32
      %mul3A_52 = arith.muli %add3A_50, %mul3A_51 : i32
      %dma_wait3A_53 = tpu.memref_slice %arg6[%mul3A_52] : memref<1120xi32, #tpu.memory_space<vmem>> -> memref<33xi32, #tpu.memory_space<vmem>>
      %dma_wait3A_54 = arith.constant 0 : i32
      %dma_wait3A_55 = arith.constant 0 : i32
      %dma_wait3A_56 = tpu.memref_slice %arg2[%dma_wait3A_54, %dma_wait3A_55] : memref<2048x1024xf32, #tpu.memory_space<hbm>> -> memref<2048x1024xf32, #tpu.memory_space<hbm>>
      tpu.wait_indirect_dma semaphore(%arg12 : memref<!tpu.dma_semaphore, #tpu.memory_space<semaphore_mem>>) src(%dma_wait3A_56 : memref<2048x1024xf32, #tpu.memory_space<hbm>>) dst(%arg9 : memref<33x1024xf32, #tpu.memory_space<vmem>>)
      %add3A_57 = arith.constant 1 : i32
      %add3A_58 = arith.addi %mul3A_22, %add3A_57 : i32
      %scan3A_59 = arith.constant 0 : i32
      %scan3A_60 = arith.constant 0 : i32
      %scan3A_61 = arith.constant 16 : i32
      %scan3A_62 = arith.addi %scan3A_60, %scan3A_61 : i32
      %scan3A_63 = arith.constant 1 : i32
      scf.for %scan3A_68 = %scan3A_60 to %scan3A_62 step %scan3A_63  : i32 {
        %mul3A_69 = arith.constant 640 : i32
        %mul3A_70 = arith.muli %add3A_58, %mul3A_69 : i32
        %mul3A_71 = arith.constant 40 : i32
        %mul3A_72 = arith.muli %scan3A_68, %mul3A_71 : i32
        %add3A_73 = arith.addi %mul3A_70, %mul3A_72 : i32
        %multiple_of3A = tpu.assume_multiple %add3A_73, 8 : i32
        %get3A = arith.index_cast %multiple_of3A : i32 to index
        %get3A_74 = tpu.vector_load %arg7[%get3A] {strides = array<i32>} : memref<17936xf32, #tpu.memory_space<vmem>>, vector<16xf32>,
        %get3A_75 = vector.shape_cast %get3A_74 : vector<16xf32> to vector<16xf32>
        %add3A_76 = arith.constant 16 : i32
        %add3A_77 = arith.addi %multiple_of3A, %add3A_76 : i32
        %get3A_78 = arith.index_cast %add3A_77 : i32 to index
        %get3A_79 = tpu.vector_load %arg7[%get3A_78] {strides = array<i32>} : memref<17936xf32, #tpu.memory_space<vmem>>, vector<16xf32>,
        %get3A_80 = vector.shape_cast %get3A_79 : vector<16xf32> to vector<16xf32>
        %add3A_81 = arith.constant 32 : i32
        %add3A_82 = arith.addi %multiple_of3A, %add3A_81 : i32
        %get3A_83 = arith.index_cast %add3A_82 : i32 to index
        %get3A_84 = tpu.vector_load %arg7[%get3A_83] {strides = array<i32>} : memref<17936xf32, #tpu.memory_space<vmem>>, vector<16xf32>,
        %get3A_85 = vector.shape_cast %get3A_84 : vector<16xf32> to vector<16xf32>
        %mul3A_86 = arith.constant 64 : i32
        %mul3A_87 = arith.muli %scan3A_68, %mul3A_86 : i32
        %multiple_of3A_88 = tpu.assume_multiple %mul3A_87, 16 : i32
        %broadcast_in_dim3A = arith.constant 0.000000e+00 : f32
        %broadcast_in_dim3A_89 = vector.broadcast %broadcast_in_dim3A : f32 to vector<16xf32>
        %broadcast_in_dim3A_90 = arith.constant 0.000000e+00 : f32
        %broadcast_in_dim3A_91 = vector.broadcast %broadcast_in_dim3A_90 : f32 to vector<16xf32>
        %broadcast_in_dim3A_92 = arith.constant 0.000000e+00 : f32
        %broadcast_in_dim3A_93 = vector.broadcast %broadcast_in_dim3A_92 : f32 to vector<16xf32>
        %broadcast_in_dim3A_94 = arith.constant 0.000000e+00 : f32
        %broadcast_in_dim3A_95 = vector.broadcast %broadcast_in_dim3A_94 : f32 to vector<16xf32>
        %broadcast_in_dim3A_96 = arith.constant 0 : i32
        %broadcast_in_dim3A_97 = vector.broadcast %broadcast_in_dim3A_96 : i32 to vector<16x1xi32>
        %gather3A = vector.shape_cast %broadcast_in_dim3A_97 : vector<16x1xi32> to vector<16xi32>
        %gather3A_98 = tpu.dynamic_gather %get3A_75[%gather3A] in [0] : vector<16xf32>, vector<16xi32> -> vector<16xf32>
        %get3A_99 = arith.constant 0 : i32
        %get3A_100 = arith.index_cast %get3A_99 : i32 to index
        %get3A_101 = arith.index_cast %multiple_of3A_88 : i32 to index
        %get3A_102 = tpu.vector_load %arg9[%get3A_100, %get3A_101] {strides = array<i32>} : memref<33x1024xf32, #tpu.memory_space<vmem>>, vector<1x16xf32>,
        %get3A_103 = vector.shape_cast %get3A_102 : vector<1x16xf32> to vector<16xf32>
        %mul3A_104 = arith.mulf %gather3A_98, %get3A_103 : vector<16xf32>
        %add3A_105 = arith.addf %broadcast_in_dim3A_89, %mul3A_104 : vector<16xf32>
        %add3A_106 = arith.constant 16 : i32
        %add3A_107 = arith.addi %multiple_of3A_88, %add3A_106 : i32
        %get3A_108 = arith.constant 0 : i32
        %get3A_109 = arith.index_cast %get3A_108 : i32 to index
        %get3A_110 = arith.index_cast %add3A_107 : i32 to index
        %get3A_111 = tpu.vector_load %arg9[%get3A_109, %get3A_110] {strides = array<i32>} : memref<33x1024xf32, #tpu.memory_space<vmem>>, vector<1x16xf32>,
        %get3A_112 = vector.shape_cast %get3A_111 : vector<1x16xf32> to vector<16xf32>
        %mul3A_113 = arith.mulf %gather3A_98, %get3A_112 : vector<16xf32>
        %add3A_114 = arith.addf %broadcast_in_dim3A_91, %mul3A_113 : vector<16xf32>
        %add3A_115 = arith.constant 32 : i32
        %add3A_116 = arith.addi %multiple_of3A_88, %add3A_115 : i32
        %get3A_117 = arith.constant 0 : i32
        %get3A_118 = arith.index_cast %get3A_117 : i32 to index
        %get3A_119 = arith.index_cast %add3A_116 : i32 to index
        %get3A_120 = tpu.vector_load %arg9[%get3A_118, %get3A_119] {strides = array<i32>} : memref<33x1024xf32, #tpu.memory_space<vmem>>, vector<1x16xf32>,
        %get3A_121 = vector.shape_cast %get3A_120 : vector<1x16xf32> to vector<16xf32>
        %mul3A_122 = arith.mulf %gather3A_98, %get3A_121 : vector<16xf32>
        %add3A_123 = arith.addf %broadcast_in_dim3A_93, %mul3A_122 : vector<16xf32>
        %add3A_124 = arith.constant 48 : i32
        %add3A_125 = arith.addi %multiple_of3A_88, %add3A_124 : i32
        %get3A_126 = arith.constant 0 : i32
        %get3A_127 = arith.index_cast %get3A_126 : i32 to index
        %get3A_128 = arith.index_cast %add3A_125 : i32 to index
        %get3A_129 = tpu.vector_load %arg9[%get3A_127, %get3A_128] {strides = array<i32>} : memref<33x1024xf32, #tpu.memory_space<vmem>>, vector<1x16xf32>,
        %get3A_130 = vector.shape_cast %get3A_129 : vector<1x16xf32> to vector<16xf32>
        %mul3A_131 = arith.mulf %gather3A_98, %get3A_130 : vector<16xf32>
        %add3A_132 = arith.addf %broadcast_in_dim3A_95, %mul3A_131 : vector<16xf32>
        %broadcast_in_dim3A_133 = arith.constant 1 : i32
        %broadcast_in_dim3A_134 = vector.broadcast %broadcast_in_dim3A_133 : i32 to vector<16x1xi32>
        %gather3A_135 = vector.shape_cast %broadcast_in_dim3A_134 : vector<16x1xi32> to vector<16xi32>
        %gather3A_136 = tpu.dynamic_gather %get3A_75[%gather3A_135] in [0] : vector<16xf32>, vector<16xi32> -> vector<16xf32>
        %get3A_137 = arith.constant 1 : i32
        %get3A_138 = arith.index_cast %get3A_137 : i32 to index
        %get3A_139 = arith.index_cast %multiple_of3A_88 : i32 to index
        %get3A_140 = tpu.vector_load %arg9[%get3A_138, %get3A_139] {strides = array<i32>} : memref<33x1024xf32, #tpu.memory_space<vmem>>, vector<1x16xf32>,
        %get3A_141 = vector.shape_cast %get3A_140 : vector<1x16xf32> to vector<16xf32>
        %mul3A_142 = arith.mulf %gather3A_136, %get3A_141 : vector<16xf32>
        %add3A_143 = arith.addf %add3A_105, %mul3A_142 : vector<16xf32>
        %add3A_144 = arith.constant 16 : i32
        %add3A_145 = arith.addi %multiple_of3A_88, %add3A_144 : i32
        %get3A_146 = arith.constant 1 : i32
        %get3A_147 = arith.index_cast %get3A_146 : i32 to index
        %get3A_148 = arith.index_cast %add3A_145 : i32 to index
        %get3A_149 = tpu.vector_load %arg9[%get3A_147, %get3A_148] {strides = array<i32>} : memref<33x1024xf32, #tpu.memory_space<vmem>>, vector<1x16xf32>,
        %get3A_150 = vector.shape_cast %get3A_149 : vector<1x16xf32> to vector<16xf32>
        %mul3A_151 = arith.mulf %gather3A_136, %get3A_150 : vector<16xf32>
        %add3A_152 = arith.addf %add3A_114, %mul3A_151 : vector<16xf32>
        %add3A_153 = arith.constant 32 : i32
        %add3A_154 = arith.addi %multiple_of3A_88, %add3A_153 : i32
        %get3A_155 = arith.constant 1 : i32
        %get3A_156 = arith.index_cast %get3A_155 : i32 to index
        %get3A_157 = arith.index_cast %add3A_154 : i32 to index
        %get3A_158 = tpu.vector_load %arg9[%get3A_156, %get3A_157] {strides = array<i32>} : memref<33x1024xf32, #tpu.memory_space<vmem>>, vector<1x16xf32>,
        %get3A_159 = vector.shape_cast %get3A_158 : vector<1x16xf32> to vector<16xf32>
        %mul3A_160 = arith.mulf %gather3A_136, %get3A_159 : vector<16xf32>
        %add3A_161 = arith.addf %add3A_123, %mul3A_160 : vector<16xf32>
        %add3A_162 = arith.constant 48 : i32
        %add3A_163 = arith.addi %multiple_of3A_88, %add3A_162 : i32
        %get3A_164 = arith.constant 1 : i32
        %get3A_165 = arith.index_cast %get3A_164 : i32 to index
        %get3A_166 = arith.index_cast %add3A_163 : i32 to index
        %get3A_167 = tpu.vector_load %arg9[%get3A_165, %get3A_166] {strides = array<i32>} : memref<33x1024xf32, #tpu.memory_space<vmem>>, vector<1x16xf32>,
        %get3A_168 = vector.shape_cast %get3A_167 : vector<1x16xf32> to vector<16xf32>
        %mul3A_169 = arith.mulf %gather3A_136, %get3A_168 : vector<16xf32>
        %add3A_170 = arith.addf %add3A_132, %mul3A_169 : vector<16xf32>
        %broadcast_in_dim3A_171 = arith.constant 2 : i32
        %broadcast_in_dim3A_172 = vector.broadcast %broadcast_in_dim3A_171 : i32 to vector<16x1xi32>
        %gather3A_173 = vector.shape_cast %broadcast_in_dim3A_172 : vector<16x1xi32> to vector<16xi32>
        %gather3A_174 = tpu.dynamic_gather %get3A_75[%gather3A_173] in [0] : vector<16xf32>, vector<16xi32> -> vector<16xf32>
        %get3A_175 = arith.constant 2 : i32
        %get3A_176 = arith.index_cast %get3A_175 : i32 to index
        %get3A_177 = arith.index_cast %multiple_of3A_88 : i32 to index
        %get3A_178 = tpu.vector_load %arg9[%get3A_176, %get3A_177] {strides = array<i32>} : memref<33x1024xf32, #tpu.memory_space<vmem>>, vector<1x16xf32>,
        %get3A_179 = vector.shape_cast %get3A_178 : vector<1x16xf32> to vector<16xf32>
        %mul3A_180 = arith.mulf %gather3A_174, %get3A_179 : vector<16xf32>
        %add3A_181 = arith.addf %add3A_143, %mul3A_180 : vector<16xf32>
        %add3A_182 = arith.constant 16 : i32
        %add3A_183 = arith.addi %multiple_of3A_88, %add3A_182 : i32
        %get3A_184 = arith.constant 2 : i32
        %get3A_185 = arith.index_cast %get3A_184 : i32 to index
        %get3A_186 = arith.index_cast %add3A_183 : i32 to index
        %get3A_187 = tpu.vector_load %arg9[%get3A_185, %get3A_186] {strides = array<i32>} : memref<33x1024xf32, #tpu.memory_space<vmem>>, vector<1x16xf32>,
        %get3A_188 = vector.shape_cast %get3A_187 : vector<1x16xf32> to vector<16xf32>
        %mul3A_189 = arith.mulf %gather3A_174, %get3A_188 : vector<16xf32>
        %add3A_190 = arith.addf %add3A_152, %mul3A_189 : vector<16xf32>
        %add3A_191 = arith.constant 32 : i32
        %add3A_192 = arith.addi %multiple_of3A_88, %add3A_191 : i32
        %get3A_193 = arith.constant 2 : i32
        %get3A_194 = arith.index_cast %get3A_193 : i32 to index
        %get3A_195 = arith.index_cast %add3A_192 : i32 to index
        %get3A_196 = tpu.vector_load %arg9[%get3A_194, %get3A_195] {strides = array<i32>} : memref<33x1024xf32, #tpu.memory_space<vmem>>, vector<1x16xf32>,
        %get3A_197 = vector.shape_cast %get3A_196 : vector<1x16xf32> to vector<16xf32>
        %mul3A_198 = arith.mulf %gather3A_174, %get3A_197 : vector<16xf32>
        %add3A_199 = arith.addf %add3A_161, %mul3A_198 : vector<16xf32>
        %add3A_200 = arith.constant 48 : i32
        %add3A_201 = arith.addi %multiple_of3A_88, %add3A_200 : i32
        %get3A_202 = arith.constant 2 : i32
        %get3A_203 = arith.index_cast %get3A_202 : i32 to index
        %get3A_204 = arith.index_cast %add3A_201 : i32 to index
        %get3A_205 = tpu.vector_load %arg9[%get3A_203, %get3A_204] {strides = array<i32>} : memref<33x1024xf32, #tpu.memory_space<vmem>>, vector<1x16xf32>,
        %get3A_206 = vector.shape_cast %get3A_205 : vector<1x16xf32> to vector<16xf32>
        %mul3A_207 = arith.mulf %gather3A_174, %get3A_206 : vector<16xf32>
        %add3A_208 = arith.addf %add3A_170, %mul3A_207 : vector<16xf32>
        %broadcast_in_dim3A_209 = arith.constant 3 : i32
        %broadcast_in_dim3A_210 = vector.broadcast %broadcast_in_dim3A_209 : i32 to vector<16x1xi32>
        %gather3A_211 = vector.shape_cast %broadcast_in_dim3A_210 : vector<16x1xi32> to vector<16xi32>
        %gather3A_212 = tpu.dynamic_gather %get3A_75[%gather3A_211] in [0] : vector<16xf32>, vector<16xi32> -> vector<16xf32>
        %get3A_213 = arith.constant 3 : i32
        %get3A_214 = arith.index_cast %get3A_213 : i32 to index
        %get3A_215 = arith.index_cast %multiple_of3A_88 : i32 to index
        %get3A_216 = tpu.vector_load %arg9[%get3A_214, %get3A_215] {strides = array<i32>} : memref<33x1024xf32, #tpu.memory_space<vmem>>, vector<1x16xf32>,
        %get3A_217 = vector.shape_cast %get3A_216 : vector<1x16xf32> to vector<16xf32>
        %mul3A_218 = arith.mulf %gather3A_212, %get3A_217 : vector<16xf32>
        %add3A_219 = arith.addf %add3A_181, %mul3A_218 : vector<16xf32>
        %add3A_220 = arith.constant 16 : i32
        %add3A_221 = arith.addi %multiple_of3A_88, %add3A_220 : i32
        %get3A_222 = arith.constant 3 : i32
        %get3A_223 = arith.index_cast %get3A_222 : i32 to index
        %get3A_224 = arith.index_cast %add3A_221 : i32 to index
        %get3A_225 = tpu.vector_load %arg9[%get3A_223, %get3A_224] {strides = array<i32>} : memref<33x1024xf32, #tpu.memory_space<vmem>>, vector<1x16xf32>,
        %get3A_226 = vector.shape_cast %get3A_225 : vector<1x16xf32> to vector<16xf32>
        %mul3A_227 = arith.mulf %gather3A_212, %get3A_226 : vector<16xf32>
        %add3A_228 = arith.addf %add3A_190, %mul3A_227 : vector<16xf32>
        %add3A_229 = arith.constant 32 : i32
        %add3A_230 = arith.addi %multiple_of3A_88, %add3A_229 : i32
        %get3A_231 = arith.constant 3 : i32
        %get3A_232 = arith.index_cast %get3A_231 : i32 to index
        %get3A_233 = arith.index_cast %add3A_230 : i32 to index
        %get3A_234 = tpu.vector_load %arg9[%get3A_232, %get3A_233] {strides = array<i32>} : memref<33x1024xf32, #tpu.memory_space<vmem>>, vector<1x16xf32>,
        %get3A_235 = vector.shape_cast %get3A_234 : vector<1x16xf32> to vector<16xf32>
        %mul3A_236 = arith.mulf %gather3A_212, %get3A_235 : vector<16xf32>
        %add3A_237 = arith.addf %add3A_199, %mul3A_236 : vector<16xf32>
        %add3A_238 = arith.constant 48 : i32
        %add3A_239 = arith.addi %multiple_of3A_88, %add3A_238 : i32
        %get3A_240 = arith.constant 3 : i32
        %get3A_241 = arith.index_cast %get3A_240 : i32 to index
        %get3A_242 = arith.index_cast %add3A_239 : i32 to index
        %get3A_243 = tpu.vector_load %arg9[%get3A_241, %get3A_242] {strides = array<i32>} : memref<33x1024xf32, #tpu.memory_space<vmem>>, vector<1x16xf32>,
        %get3A_244 = vector.shape_cast %get3A_243 : vector<1x16xf32> to vector<16xf32>
        %mul3A_245 = arith.mulf %gather3A_212, %get3A_244 : vector<16xf32>
        %add3A_246 = arith.addf %add3A_208, %mul3A_245 : vector<16xf32>
        %broadcast_in_dim3A_247 = arith.constant 4 : i32
        %broadcast_in_dim3A_248 = vector.broadcast %broadcast_in_dim3A_247 : i32 to vector<16x1xi32>
        %gather3A_249 = vector.shape_cast %broadcast_in_dim3A_248 : vector<16x1xi32> to vector<16xi32>
        %gather3A_250 = tpu.dynamic_gather %get3A_75[%gather3A_249] in [0] : vector<16xf32>, vector<16xi32> -> vector<16xf32>
        %get3A_251 = arith.constant 4 : i32
        %get3A_252 = arith.index_cast %get3A_251 : i32 to index
        %get3A_253 = arith.index_cast %multiple_of3A_88 : i32 to index
        %get3A_254 = tpu.vector_load %arg9[%get3A_252, %get3A_253] {strides = array<i32>} : memref<33x1024xf32, #tpu.memory_space<vmem>>, vector<1x16xf32>,
        %get3A_255 = vector.shape_cast %get3A_254 : vector<1x16xf32> to vector<16xf32>
        %mul3A_256 = arith.mulf %gather3A_250, %get3A_255 : vector<16xf32>
        %add3A_257 = arith.addf %add3A_219, %mul3A_256 : vector<16xf32>
        %add3A_258 = arith.constant 16 : i32
        %add3A_259 = arith.addi %multiple_of3A_88, %add3A_258 : i32
        %get3A_260 = arith.constant 4 : i32
        %get3A_261 = arith.index_cast %get3A_260 : i32 to index
        %get3A_262 = arith.index_cast %add3A_259 : i32 to index
        %get3A_263 = tpu.vector_load %arg9[%get3A_261, %get3A_262] {strides = array<i32>} : memref<33x1024xf32, #tpu.memory_space<vmem>>, vector<1x16xf32>,
        %get3A_264 = vector.shape_cast %get3A_263 : vector<1x16xf32> to vector<16xf32>
        %mul3A_265 = arith.mulf %gather3A_250, %get3A_264 : vector<16xf32>
        %add3A_266 = arith.addf %add3A_228, %mul3A_265 : vector<16xf32>
        %add3A_267 = arith.constant 32 : i32
        %add3A_268 = arith.addi %multiple_of3A_88, %add3A_267 : i32
        %get3A_269 = arith.constant 4 : i32
        %get3A_270 = arith.index_cast %get3A_269 : i32 to index
        %get3A_271 = arith.index_cast %add3A_268 : i32 to index
        %get3A_272 = tpu.vector_load %arg9[%get3A_270, %get3A_271] {strides = array<i32>} : memref<33x1024xf32, #tpu.memory_space<vmem>>, vector<1x16xf32>,
        %get3A_273 = vector.shape_cast %get3A_272 : vector<1x16xf32> to vector<16xf32>
        %mul3A_274 = arith.mulf %gather3A_250, %get3A_273 : vector<16xf32>
        %add3A_275 = arith.addf %add3A_237, %mul3A_274 : vector<16xf32>
        %add3A_276 = arith.constant 48 : i32
        %add3A_277 = arith.addi %multiple_of3A_88, %add3A_276 : i32
        %get3A_278 = arith.constant 4 : i32
        %get3A_279 = arith.index_cast %get3A_278 : i32 to index
        %get3A_280 = arith.index_cast %add3A_277 : i32 to index
        %get3A_281 = tpu.vector_load %arg9[%get3A_279, %get3A_280] {strides = array<i32>} : memref<33x1024xf32, #tpu.memory_space<vmem>>, vector<1x16xf32>,
        %get3A_282 = vector.shape_cast %get3A_281 : vector<1x16xf32> to vector<16xf32>
        %mul3A_283 = arith.mulf %gather3A_250, %get3A_282 : vector<16xf32>
        %add3A_284 = arith.addf %add3A_246, %mul3A_283 : vector<16xf32>
        %broadcast_in_dim3A_285 = arith.constant 5 : i32
        %broadcast_in_dim3A_286 = vector.broadcast %broadcast_in_dim3A_285 : i32 to vector<16x1xi32>
        %gather3A_287 = vector.shape_cast %broadcast_in_dim3A_286 : vector<16x1xi32> to vector<16xi32>
        %gather3A_288 = tpu.dynamic_gather %get3A_75[%gather3A_287] in [0] : vector<16xf32>, vector<16xi32> -> vector<16xf32>
        %get3A_289 = arith.constant 5 : i32
        %get3A_290 = arith.index_cast %get3A_289 : i32 to index
        %get3A_291 = arith.index_cast %multiple_of3A_88 : i32 to index
        %get3A_292 = tpu.vector_load %arg9[%get3A_290, %get3A_291] {strides = array<i32>} : memref<33x1024xf32, #tpu.memory_space<vmem>>, vector<1x16xf32>,
        %get3A_293 = vector.shape_cast %get3A_292 : vector<1x16xf32> to vector<16xf32>
        %mul3A_294 = arith.mulf %gather3A_288, %get3A_293 : vector<16xf32>
        %add3A_295 = arith.addf %add3A_257, %mul3A_294 : vector<16xf32>
        %add3A_296 = arith.constant 16 : i32
        %add3A_297 = arith.addi %multiple_of3A_88, %add3A_296 : i32
        %get3A_298 = arith.constant 5 : i32
        %get3A_299 = arith.index_cast %get3A_298 : i32 to index
        %get3A_300 = arith.index_cast %add3A_297 : i32 to index
        %get3A_301 = tpu.vector_load %arg9[%get3A_299, %get3A_300] {strides = array<i32>} : memref<33x1024xf32, #tpu.memory_space<vmem>>, vector<1x16xf32>,
        %get3A_302 = vector.shape_cast %get3A_301 : vector<1x16xf32> to vector<16xf32>
        %mul3A_303 = arith.mulf %gather3A_288, %get3A_302 : vector<16xf32>
        %add3A_304 = arith.addf %add3A_266, %mul3A_303 : vector<16xf32>
        %add3A_305 = arith.constant 32 : i32
        %add3A_306 = arith.addi %multiple_of3A_88, %add3A_305 : i32
        %get3A_307 = arith.constant 5 : i32
        %get3A_308 = arith.index_cast %get3A_307 : i32 to index
        %get3A_309 = arith.index_cast %add3A_306 : i32 to index
        %get3A_310 = tpu.vector_load %arg9[%get3A_308, %get3A_309] {strides = array<i32>} : memref<33x1024xf32, #tpu.memory_space<vmem>>, vector<1x16xf32>,
        %get3A_311 = vector.shape_cast %get3A_310 : vector<1x16xf32> to vector<16xf32>
        %mul3A_312 = arith.mulf %gather3A_288, %get3A_311 : vector<16xf32>
        %add3A_313 = arith.addf %add3A_275, %mul3A_312 : vector<16xf32>
        %add3A_314 = arith.constant 48 : i32
        %add3A_315 = arith.addi %multiple_of3A_88, %add3A_314 : i32
        %get3A_316 = arith.constant 5 : i32
        %get3A_317 = arith.index_cast %get3A_316 : i32 to index
        %get3A_318 = arith.index_cast %add3A_315 : i32 to index
        %get3A_319 = tpu.vector_load %arg9[%get3A_317, %get3A_318] {strides = array<i32>} : memref<33x1024xf32, #tpu.memory_space<vmem>>, vector<1x16xf32>,
        %get3A_320 = vector.shape_cast %get3A_319 : vector<1x16xf32> to vector<16xf32>
        %mul3A_321 = arith.mulf %gather3A_288, %get3A_320 : vector<16xf32>
        %add3A_322 = arith.addf %add3A_284, %mul3A_321 : vector<16xf32>
        %broadcast_in_dim3A_323 = arith.constant 6 : i32
        %broadcast_in_dim3A_324 = vector.broadcast %broadcast_in_dim3A_323 : i32 to vector<16x1xi32>
        %gather3A_325 = vector.shape_cast %broadcast_in_dim3A_324 : vector<16x1xi32> to vector<16xi32>
        %gather3A_326 = tpu.dynamic_gather %get3A_75[%gather3A_325] in [0] : vector<16xf32>, vector<16xi32> -> vector<16xf32>
        %get3A_327 = arith.constant 6 : i32
        %get3A_328 = arith.index_cast %get3A_327 : i32 to index
        %get3A_329 = arith.index_cast %multiple_of3A_88 : i32 to index
        %get3A_330 = tpu.vector_load %arg9[%get3A_328, %get3A_329] {strides = array<i32>} : memref<33x1024xf32, #tpu.memory_space<vmem>>, vector<1x16xf32>,
        %get3A_331 = vector.shape_cast %get3A_330 : vector<1x16xf32> to vector<16xf32>
        %mul3A_332 = arith.mulf %gather3A_326, %get3A_331 : vector<16xf32>
        %add3A_333 = arith.addf %add3A_295, %mul3A_332 : vector<16xf32>
        %add3A_334 = arith.constant 16 : i32
        %add3A_335 = arith.addi %multiple_of3A_88, %add3A_334 : i32
        %get3A_336 = arith.constant 6 : i32
        %get3A_337 = arith.index_cast %get3A_336 : i32 to index
        %get3A_338 = arith.index_cast %add3A_335 : i32 to index
        %get3A_339 = tpu.vector_load %arg9[%get3A_337, %get3A_338] {strides = array<i32>} : memref<33x1024xf32, #tpu.memory_space<vmem>>, vector<1x16xf32>,
        %get3A_340 = vector.shape_cast %get3A_339 : vector<1x16xf32> to vector<16xf32>
        %mul3A_341 = arith.mulf %gather3A_326, %get3A_340 : vector<16xf32>
        %add3A_342 = arith.addf %add3A_304, %mul3A_341 : vector<16xf32>
        %add3A_343 = arith.constant 32 : i32
        %add3A_344 = arith.addi %multiple_of3A_88, %add3A_343 : i32
        %get3A_345 = arith.constant 6 : i32
        %get3A_346 = arith.index_cast %get3A_345 : i32 to index
        %get3A_347 = arith.index_cast %add3A_344 : i32 to index
        %get3A_348 = tpu.vector_load %arg9[%get3A_346, %get3A_347] {strides = array<i32>} : memref<33x1024xf32, #tpu.memory_space<vmem>>, vector<1x16xf32>,
        %get3A_349 = vector.shape_cast %get3A_348 : vector<1x16xf32> to vector<16xf32>
        %mul3A_350 = arith.mulf %gather3A_326, %get3A_349 : vector<16xf32>
        %add3A_351 = arith.addf %add3A_313, %mul3A_350 : vector<16xf32>
        %add3A_352 = arith.constant 48 : i32
        %add3A_353 = arith.addi %multiple_of3A_88, %add3A_352 : i32
        %get3A_354 = arith.constant 6 : i32
        %get3A_355 = arith.index_cast %get3A_354 : i32 to index
        %get3A_356 = arith.index_cast %add3A_353 : i32 to index
        %get3A_357 = tpu.vector_load %arg9[%get3A_355, %get3A_356] {strides = array<i32>} : memref<33x1024xf32, #tpu.memory_space<vmem>>, vector<1x16xf32>,
        %get3A_358 = vector.shape_cast %get3A_357 : vector<1x16xf32> to vector<16xf32>
        %mul3A_359 = arith.mulf %gather3A_326, %get3A_358 : vector<16xf32>
        %add3A_360 = arith.addf %add3A_322, %mul3A_359 : vector<16xf32>
        %broadcast_in_dim3A_361 = arith.constant 7 : i32
        %broadcast_in_dim3A_362 = vector.broadcast %broadcast_in_dim3A_361 : i32 to vector<16x1xi32>
        %gather3A_363 = vector.shape_cast %broadcast_in_dim3A_362 : vector<16x1xi32> to vector<16xi32>
        %gather3A_364 = tpu.dynamic_gather %get3A_75[%gather3A_363] in [0] : vector<16xf32>, vector<16xi32> -> vector<16xf32>
        %get3A_365 = arith.constant 7 : i32
        %get3A_366 = arith.index_cast %get3A_365 : i32 to index
        %get3A_367 = arith.index_cast %multiple_of3A_88 : i32 to index
        %get3A_368 = tpu.vector_load %arg9[%get3A_366, %get3A_367] {strides = array<i32>} : memref<33x1024xf32, #tpu.memory_space<vmem>>, vector<1x16xf32>,
        %get3A_369 = vector.shape_cast %get3A_368 : vector<1x16xf32> to vector<16xf32>
        %mul3A_370 = arith.mulf %gather3A_364, %get3A_369 : vector<16xf32>
        %add3A_371 = arith.addf %add3A_333, %mul3A_370 : vector<16xf32>
        %add3A_372 = arith.constant 16 : i32
        %add3A_373 = arith.addi %multiple_of3A_88, %add3A_372 : i32
        %get3A_374 = arith.constant 7 : i32
        %get3A_375 = arith.index_cast %get3A_374 : i32 to index
        %get3A_376 = arith.index_cast %add3A_373 : i32 to index
        %get3A_377 = tpu.vector_load %arg9[%get3A_375, %get3A_376] {strides = array<i32>} : memref<33x1024xf32, #tpu.memory_space<vmem>>, vector<1x16xf32>,
        %get3A_378 = vector.shape_cast %get3A_377 : vector<1x16xf32> to vector<16xf32>
        %mul3A_379 = arith.mulf %gather3A_364, %get3A_378 : vector<16xf32>
        %add3A_380 = arith.addf %add3A_342, %mul3A_379 : vector<16xf32>
        %add3A_381 = arith.constant 32 : i32
        %add3A_382 = arith.addi %multiple_of3A_88, %add3A_381 : i32
        %get3A_383 = arith.constant 7 : i32
        %get3A_384 = arith.index_cast %get3A_383 : i32 to index
        %get3A_385 = arith.index_cast %add3A_382 : i32 to index
        %get3A_386 = tpu.vector_load %arg9[%get3A_384, %get3A_385] {strides = array<i32>} : memref<33x1024xf32, #tpu.memory_space<vmem>>, vector<1x16xf32>,
        %get3A_387 = vector.shape_cast %get3A_386 : vector<1x16xf32> to vector<16xf32>
        %mul3A_388 = arith.mulf %gather3A_364, %get3A_387 : vector<16xf32>
        %add3A_389 = arith.addf %add3A_351, %mul3A_388 : vector<16xf32>
        %add3A_390 = arith.constant 48 : i32
        %add3A_391 = arith.addi %multiple_of3A_88, %add3A_390 : i32
        %get3A_392 = arith.constant 7 : i32
        %get3A_393 = arith.index_cast %get3A_392 : i32 to index
        %get3A_394 = arith.index_cast %add3A_391 : i32 to index
        %get3A_395 = tpu.vector_load %arg9[%get3A_393, %get3A_394] {strides = array<i32>} : memref<33x1024xf32, #tpu.memory_space<vmem>>, vector<1x16xf32>,
        %get3A_396 = vector.shape_cast %get3A_395 : vector<1x16xf32> to vector<16xf32>
        %mul3A_397 = arith.mulf %gather3A_364, %get3A_396 : vector<16xf32>
        %add3A_398 = arith.addf %add3A_360, %mul3A_397 : vector<16xf32>
        %broadcast_in_dim3A_399 = arith.constant 8 : i32
        %broadcast_in_dim3A_400 = vector.broadcast %broadcast_in_dim3A_399 : i32 to vector<16x1xi32>
        %gather3A_401 = vector.shape_cast %broadcast_in_dim3A_400 : vector<16x1xi32> to vector<16xi32>
        %gather3A_402 = tpu.dynamic_gather %get3A_75[%gather3A_401] in [0] : vector<16xf32>, vector<16xi32> -> vector<16xf32>
        %get3A_403 = arith.constant 8 : i32
        %get3A_404 = arith.index_cast %get3A_403 : i32 to index
        %get3A_405 = arith.index_cast %multiple_of3A_88 : i32 to index
        %get3A_406 = tpu.vector_load %arg9[%get3A_404, %get3A_405] {strides = array<i32>} : memref<33x1024xf32, #tpu.memory_space<vmem>>, vector<1x16xf32>,
        %get3A_407 = vector.shape_cast %get3A_406 : vector<1x16xf32> to vector<16xf32>
        %mul3A_408 = arith.mulf %gather3A_402, %get3A_407 : vector<16xf32>
        %add3A_409 = arith.addf %add3A_371, %mul3A_408 : vector<16xf32>
        %add3A_410 = arith.constant 16 : i32
        %add3A_411 = arith.addi %multiple_of3A_88, %add3A_410 : i32
        %get3A_412 = arith.constant 8 : i32
        %get3A_413 = arith.index_cast %get3A_412 : i32 to index
        %get3A_414 = arith.index_cast %add3A_411 : i32 to index
        %get3A_415 = tpu.vector_load %arg9[%get3A_413, %get3A_414] {strides = array<i32>} : memref<33x1024xf32, #tpu.memory_space<vmem>>, vector<1x16xf32>,
        %get3A_416 = vector.shape_cast %get3A_415 : vector<1x16xf32> to vector<16xf32>
        %mul3A_417 = arith.mulf %gather3A_402, %get3A_416 : vector<16xf32>
        %add3A_418 = arith.addf %add3A_380, %mul3A_417 : vector<16xf32>
        %add3A_419 = arith.constant 32 : i32
        %add3A_420 = arith.addi %multiple_of3A_88, %add3A_419 : i32
        %get3A_421 = arith.constant 8 : i32
        %get3A_422 = arith.index_cast %get3A_421 : i32 to index
        %get3A_423 = arith.index_cast %add3A_420 : i32 to index
        %get3A_424 = tpu.vector_load %arg9[%get3A_422, %get3A_423] {strides = array<i32>} : memref<33x1024xf32, #tpu.memory_space<vmem>>, vector<1x16xf32>,
        %get3A_425 = vector.shape_cast %get3A_424 : vector<1x16xf32> to vector<16xf32>
        %mul3A_426 = arith.mulf %gather3A_402, %get3A_425 : vector<16xf32>
        %add3A_427 = arith.addf %add3A_389, %mul3A_426 : vector<16xf32>
        %add3A_428 = arith.constant 48 : i32
        %add3A_429 = arith.addi %multiple_of3A_88, %add3A_428 : i32
        %get3A_430 = arith.constant 8 : i32
        %get3A_431 = arith.index_cast %get3A_430 : i32 to index
        %get3A_432 = arith.index_cast %add3A_429 : i32 to index
        %get3A_433 = tpu.vector_load %arg9[%get3A_431, %get3A_432] {strides = array<i32>} : memref<33x1024xf32, #tpu.memory_space<vmem>>, vector<1x16xf32>,
        %get3A_434 = vector.shape_cast %get3A_433 : vector<1x16xf32> to vector<16xf32>
        %mul3A_435 = arith.mulf %gather3A_402, %get3A_434 : vector<16xf32>
        %add3A_436 = arith.addf %add3A_398, %mul3A_435 : vector<16xf32>
        %broadcast_in_dim3A_437 = arith.constant 9 : i32
        %broadcast_in_dim3A_438 = vector.broadcast %broadcast_in_dim3A_437 : i32 to vector<16x1xi32>
        %gather3A_439 = vector.shape_cast %broadcast_in_dim3A_438 : vector<16x1xi32> to vector<16xi32>
        %gather3A_440 = tpu.dynamic_gather %get3A_75[%gather3A_439] in [0] : vector<16xf32>, vector<16xi32> -> vector<16xf32>
        %get3A_441 = arith.constant 9 : i32
        %get3A_442 = arith.index_cast %get3A_441 : i32 to index
        %get3A_443 = arith.index_cast %multiple_of3A_88 : i32 to index
        %get3A_444 = tpu.vector_load %arg9[%get3A_442, %get3A_443] {strides = array<i32>} : memref<33x1024xf32, #tpu.memory_space<vmem>>, vector<1x16xf32>,
        %get3A_445 = vector.shape_cast %get3A_444 : vector<1x16xf32> to vector<16xf32>
        %mul3A_446 = arith.mulf %gather3A_440, %get3A_445 : vector<16xf32>
        %add3A_447 = arith.addf %add3A_409, %mul3A_446 : vector<16xf32>
        %add3A_448 = arith.constant 16 : i32
        %add3A_449 = arith.addi %multiple_of3A_88, %add3A_448 : i32
        %get3A_450 = arith.constant 9 : i32
        %get3A_451 = arith.index_cast %get3A_450 : i32 to index
        %get3A_452 = arith.index_cast %add3A_449 : i32 to index
        %get3A_453 = tpu.vector_load %arg9[%get3A_451, %get3A_452] {strides = array<i32>} : memref<33x1024xf32, #tpu.memory_space<vmem>>, vector<1x16xf32>,
        %get3A_454 = vector.shape_cast %get3A_453 : vector<1x16xf32> to vector<16xf32>
        %mul3A_455 = arith.mulf %gather3A_440, %get3A_454 : vector<16xf32>
        %add3A_456 = arith.addf %add3A_418, %mul3A_455 : vector<16xf32>
        %add3A_457 = arith.constant 32 : i32
        %add3A_458 = arith.addi %multiple_of3A_88, %add3A_457 : i32
        %get3A_459 = arith.constant 9 : i32
        %get3A_460 = arith.index_cast %get3A_459 : i32 to index
        %get3A_461 = arith.index_cast %add3A_458 : i32 to index
        %get3A_462 = tpu.vector_load %arg9[%get3A_460, %get3A_461] {strides = array<i32>} : memref<33x1024xf32, #tpu.memory_space<vmem>>, vector<1x16xf32>,
        %get3A_463 = vector.shape_cast %get3A_462 : vector<1x16xf32> to vector<16xf32>
        %mul3A_464 = arith.mulf %gather3A_440, %get3A_463 : vector<16xf32>
        %add3A_465 = arith.addf %add3A_427, %mul3A_464 : vector<16xf32>
        %add3A_466 = arith.constant 48 : i32
        %add3A_467 = arith.addi %multiple_of3A_88, %add3A_466 : i32
        %get3A_468 = arith.constant 9 : i32
        %get3A_469 = arith.index_cast %get3A_468 : i32 to index
        %get3A_470 = arith.index_cast %add3A_467 : i32 to index
        %get3A_471 = tpu.vector_load %arg9[%get3A_469, %get3A_470] {strides = array<i32>} : memref<33x1024xf32, #tpu.memory_space<vmem>>, vector<1x16xf32>,
        %get3A_472 = vector.shape_cast %get3A_471 : vector<1x16xf32> to vector<16xf32>
        %mul3A_473 = arith.mulf %gather3A_440, %get3A_472 : vector<16xf32>
        %add3A_474 = arith.addf %add3A_436, %mul3A_473 : vector<16xf32>
        %broadcast_in_dim3A_475 = arith.constant 10 : i32
        %broadcast_in_dim3A_476 = vector.broadcast %broadcast_in_dim3A_475 : i32 to vector<16x1xi32>
        %gather3A_477 = vector.shape_cast %broadcast_in_dim3A_476 : vector<16x1xi32> to vector<16xi32>
        %gather3A_478 = tpu.dynamic_gather %get3A_75[%gather3A_477] in [0] : vector<16xf32>, vector<16xi32> -> vector<16xf32>
        %get3A_479 = arith.constant 10 : i32
        %get3A_480 = arith.index_cast %get3A_479 : i32 to index
        %get3A_481 = arith.index_cast %multiple_of3A_88 : i32 to index
        %get3A_482 = tpu.vector_load %arg9[%get3A_480, %get3A_481] {strides = array<i32>} : memref<33x1024xf32, #tpu.memory_space<vmem>>, vector<1x16xf32>,
        %get3A_483 = vector.shape_cast %get3A_482 : vector<1x16xf32> to vector<16xf32>
        %mul3A_484 = arith.mulf %gather3A_478, %get3A_483 : vector<16xf32>
        %add3A_485 = arith.addf %add3A_447, %mul3A_484 : vector<16xf32>
        %add3A_486 = arith.constant 16 : i32
        %add3A_487 = arith.addi %multiple_of3A_88, %add3A_486 : i32
        %get3A_488 = arith.constant 10 : i32
        %get3A_489 = arith.index_cast %get3A_488 : i32 to index
        %get3A_490 = arith.index_cast %add3A_487 : i32 to index
        %get3A_491 = tpu.vector_load %arg9[%get3A_489, %get3A_490] {strides = array<i32>} : memref<33x1024xf32, #tpu.memory_space<vmem>>, vector<1x16xf32>,
        %get3A_492 = vector.shape_cast %get3A_491 : vector<1x16xf32> to vector<16xf32>
        %mul3A_493 = arith.mulf %gather3A_478, %get3A_492 : vector<16xf32>
        %add3A_494 = arith.addf %add3A_456, %mul3A_493 : vector<16xf32>
        %add3A_495 = arith.constant 32 : i32
        %add3A_496 = arith.addi %multiple_of3A_88, %add3A_495 : i32
        %get3A_497 = arith.constant 10 : i32
        %get3A_498 = arith.index_cast %get3A_497 : i32 to index
        %get3A_499 = arith.index_cast %add3A_496 : i32 to index
        %get3A_500 = tpu.vector_load %arg9[%get3A_498, %get3A_499] {strides = array<i32>} : memref<33x1024xf32, #tpu.memory_space<vmem>>, vector<1x16xf32>,
        %get3A_501 = vector.shape_cast %get3A_500 : vector<1x16xf32> to vector<16xf32>
        %mul3A_502 = arith.mulf %gather3A_478, %get3A_501 : vector<16xf32>
        %add3A_503 = arith.addf %add3A_465, %mul3A_502 : vector<16xf32>
        %add3A_504 = arith.constant 48 : i32
        %add3A_505 = arith.addi %multiple_of3A_88, %add3A_504 : i32
        %get3A_506 = arith.constant 10 : i32
        %get3A_507 = arith.index_cast %get3A_506 : i32 to index
        %get3A_508 = arith.index_cast %add3A_505 : i32 to index
        %get3A_509 = tpu.vector_load %arg9[%get3A_507, %get3A_508] {strides = array<i32>} : memref<33x1024xf32, #tpu.memory_space<vmem>>, vector<1x16xf32>,
        %get3A_510 = vector.shape_cast %get3A_509 : vector<1x16xf32> to vector<16xf32>
        %mul3A_511 = arith.mulf %gather3A_478, %get3A_510 : vector<16xf32>
        %add3A_512 = arith.addf %add3A_474, %mul3A_511 : vector<16xf32>
        %broadcast_in_dim3A_513 = arith.constant 11 : i32
        %broadcast_in_dim3A_514 = vector.broadcast %broadcast_in_dim3A_513 : i32 to vector<16x1xi32>
        %gather3A_515 = vector.shape_cast %broadcast_in_dim3A_514 : vector<16x1xi32> to vector<16xi32>
        %gather3A_516 = tpu.dynamic_gather %get3A_75[%gather3A_515] in [0] : vector<16xf32>, vector<16xi32> -> vector<16xf32>
        %get3A_517 = arith.constant 11 : i32
        %get3A_518 = arith.index_cast %get3A_517 : i32 to index
        %get3A_519 = arith.index_cast %multiple_of3A_88 : i32 to index
        %get3A_520 = tpu.vector_load %arg9[%get3A_518, %get3A_519] {strides = array<i32>} : memref<33x1024xf32, #tpu.memory_space<vmem>>, vector<1x16xf32>,
        %get3A_521 = vector.shape_cast %get3A_520 : vector<1x16xf32> to vector<16xf32>
        %mul3A_522 = arith.mulf %gather3A_516, %get3A_521 : vector<16xf32>
        %add3A_523 = arith.addf %add3A_485, %mul3A_522 : vector<16xf32>
        %add3A_524 = arith.constant 16 : i32
        %add3A_525 = arith.addi %multiple_of3A_88, %add3A_524 : i32
        %get3A_526 = arith.constant 11 : i32
        %get3A_527 = arith.index_cast %get3A_526 : i32 to index
        %get3A_528 = arith.index_cast %add3A_525 : i32 to index
        %get3A_529 = tpu.vector_load %arg9[%get3A_527, %get3A_528] {strides = array<i32>} : memref<33x1024xf32, #tpu.memory_space<vmem>>, vector<1x16xf32>,
        %get3A_530 = vector.shape_cast %get3A_529 : vector<1x16xf32> to vector<16xf32>
        %mul3A_531 = arith.mulf %gather3A_516, %get3A_530 : vector<16xf32>
        %add3A_532 = arith.addf %add3A_494, %mul3A_531 : vector<16xf32>
        %add3A_533 = arith.constant 32 : i32
        %add3A_534 = arith.addi %multiple_of3A_88, %add3A_533 : i32
        %get3A_535 = arith.constant 11 : i32
        %get3A_536 = arith.index_cast %get3A_535 : i32 to index
        %get3A_537 = arith.index_cast %add3A_534 : i32 to index
        %get3A_538 = tpu.vector_load %arg9[%get3A_536, %get3A_537] {strides = array<i32>} : memref<33x1024xf32, #tpu.memory_space<vmem>>, vector<1x16xf32>,
        %get3A_539 = vector.shape_cast %get3A_538 : vector<1x16xf32> to vector<16xf32>
        %mul3A_540 = arith.mulf %gather3A_516, %get3A_539 : vector<16xf32>
        %add3A_541 = arith.addf %add3A_503, %mul3A_540 : vector<16xf32>
        %add3A_542 = arith.constant 48 : i32
        %add3A_543 = arith.addi %multiple_of3A_88, %add3A_542 : i32
        %get3A_544 = arith.constant 11 : i32
        %get3A_545 = arith.index_cast %get3A_544 : i32 to index
        %get3A_546 = arith.index_cast %add3A_543 : i32 to index
        %get3A_547 = tpu.vector_load %arg9[%get3A_545, %get3A_546] {strides = array<i32>} : memref<33x1024xf32, #tpu.memory_space<vmem>>, vector<1x16xf32>,
        %get3A_548 = vector.shape_cast %get3A_547 : vector<1x16xf32> to vector<16xf32>
        %mul3A_549 = arith.mulf %gather3A_516, %get3A_548 : vector<16xf32>
        %add3A_550 = arith.addf %add3A_512, %mul3A_549 : vector<16xf32>
        %broadcast_in_dim3A_551 = arith.constant 12 : i32
        %broadcast_in_dim3A_552 = vector.broadcast %broadcast_in_dim3A_551 : i32 to vector<16x1xi32>
        %gather3A_553 = vector.shape_cast %broadcast_in_dim3A_552 : vector<16x1xi32> to vector<16xi32>
        %gather3A_554 = tpu.dynamic_gather %get3A_75[%gather3A_553] in [0] : vector<16xf32>, vector<16xi32> -> vector<16xf32>
        %get3A_555 = arith.constant 12 : i32
        %get3A_556 = arith.index_cast %get3A_555 : i32 to index
        %get3A_557 = arith.index_cast %multiple_of3A_88 : i32 to index
        %get3A_558 = tpu.vector_load %arg9[%get3A_556, %get3A_557] {strides = array<i32>} : memref<33x1024xf32, #tpu.memory_space<vmem>>, vector<1x16xf32>,
        %get3A_559 = vector.shape_cast %get3A_558 : vector<1x16xf32> to vector<16xf32>
        %mul3A_560 = arith.mulf %gather3A_554, %get3A_559 : vector<16xf32>
        %add3A_561 = arith.addf %add3A_523, %mul3A_560 : vector<16xf32>
        %add3A_562 = arith.constant 16 : i32
        %add3A_563 = arith.addi %multiple_of3A_88, %add3A_562 : i32
        %get3A_564 = arith.constant 12 : i32
        %get3A_565 = arith.index_cast %get3A_564 : i32 to index
        %get3A_566 = arith.index_cast %add3A_563 : i32 to index
        %get3A_567 = tpu.vector_load %arg9[%get3A_565, %get3A_566] {strides = array<i32>} : memref<33x1024xf32, #tpu.memory_space<vmem>>, vector<1x16xf32>,
        %get3A_568 = vector.shape_cast %get3A_567 : vector<1x16xf32> to vector<16xf32>
        %mul3A_569 = arith.mulf %gather3A_554, %get3A_568 : vector<16xf32>
        %add3A_570 = arith.addf %add3A_532, %mul3A_569 : vector<16xf32>
        %add3A_571 = arith.constant 32 : i32
        %add3A_572 = arith.addi %multiple_of3A_88, %add3A_571 : i32
        %get3A_573 = arith.constant 12 : i32
        %get3A_574 = arith.index_cast %get3A_573 : i32 to index
        %get3A_575 = arith.index_cast %add3A_572 : i32 to index
        %get3A_576 = tpu.vector_load %arg9[%get3A_574, %get3A_575] {strides = array<i32>} : memref<33x1024xf32, #tpu.memory_space<vmem>>, vector<1x16xf32>,
        %get3A_577 = vector.shape_cast %get3A_576 : vector<1x16xf32> to vector<16xf32>
        %mul3A_578 = arith.mulf %gather3A_554, %get3A_577 : vector<16xf32>
        %add3A_579 = arith.addf %add3A_541, %mul3A_578 : vector<16xf32>
        %add3A_580 = arith.constant 48 : i32
        %add3A_581 = arith.addi %multiple_of3A_88, %add3A_580 : i32
        %get3A_582 = arith.constant 12 : i32
        %get3A_583 = arith.index_cast %get3A_582 : i32 to index
        %get3A_584 = arith.index_cast %add3A_581 : i32 to index
        %get3A_585 = tpu.vector_load %arg9[%get3A_583, %get3A_584] {strides = array<i32>} : memref<33x1024xf32, #tpu.memory_space<vmem>>, vector<1x16xf32>,
        %get3A_586 = vector.shape_cast %get3A_585 : vector<1x16xf32> to vector<16xf32>
        %mul3A_587 = arith.mulf %gather3A_554, %get3A_586 : vector<16xf32>
        %add3A_588 = arith.addf %add3A_550, %mul3A_587 : vector<16xf32>
        %broadcast_in_dim3A_589 = arith.constant 13 : i32
        %broadcast_in_dim3A_590 = vector.broadcast %broadcast_in_dim3A_589 : i32 to vector<16x1xi32>
        %gather3A_591 = vector.shape_cast %broadcast_in_dim3A_590 : vector<16x1xi32> to vector<16xi32>
        %gather3A_592 = tpu.dynamic_gather %get3A_75[%gather3A_591] in [0] : vector<16xf32>, vector<16xi32> -> vector<16xf32>
        %get3A_593 = arith.constant 13 : i32
        %get3A_594 = arith.index_cast %get3A_593 : i32 to index
        %get3A_595 = arith.index_cast %multiple_of3A_88 : i32 to index
        %get3A_596 = tpu.vector_load %arg9[%get3A_594, %get3A_595] {strides = array<i32>} : memref<33x1024xf32, #tpu.memory_space<vmem>>, vector<1x16xf32>,
        %get3A_597 = vector.shape_cast %get3A_596 : vector<1x16xf32> to vector<16xf32>
        %mul3A_598 = arith.mulf %gather3A_592, %get3A_597 : vector<16xf32>
        %add3A_599 = arith.addf %add3A_561, %mul3A_598 : vector<16xf32>
        %add3A_600 = arith.constant 16 : i32
        %add3A_601 = arith.addi %multiple_of3A_88, %add3A_600 : i32
        %get3A_602 = arith.constant 13 : i32
        %get3A_603 = arith.index_cast %get3A_602 : i32 to index
        %get3A_604 = arith.index_cast %add3A_601 : i32 to index
        %get3A_605 = tpu.vector_load %arg9[%get3A_603, %get3A_604] {strides = array<i32>} : memref<33x1024xf32, #tpu.memory_space<vmem>>, vector<1x16xf32>,
        %get3A_606 = vector.shape_cast %get3A_605 : vector<1x16xf32> to vector<16xf32>
        %mul3A_607 = arith.mulf %gather3A_592, %get3A_606 : vector<16xf32>
        %add3A_608 = arith.addf %add3A_570, %mul3A_607 : vector<16xf32>
        %add3A_609 = arith.constant 32 : i32
        %add3A_610 = arith.addi %multiple_of3A_88, %add3A_609 : i32
        %get3A_611 = arith.constant 13 : i32
        %get3A_612 = arith.index_cast %get3A_611 : i32 to index
        %get3A_613 = arith.index_cast %add3A_610 : i32 to index
        %get3A_614 = tpu.vector_load %arg9[%get3A_612, %get3A_613] {strides = array<i32>} : memref<33x1024xf32, #tpu.memory_space<vmem>>, vector<1x16xf32>,
        %get3A_615 = vector.shape_cast %get3A_614 : vector<1x16xf32> to vector<16xf32>
        %mul3A_616 = arith.mulf %gather3A_592, %get3A_615 : vector<16xf32>
        %add3A_617 = arith.addf %add3A_579, %mul3A_616 : vector<16xf32>
        %add3A_618 = arith.constant 48 : i32
        %add3A_619 = arith.addi %multiple_of3A_88, %add3A_618 : i32
        %get3A_620 = arith.constant 13 : i32
        %get3A_621 = arith.index_cast %get3A_620 : i32 to index
        %get3A_622 = arith.index_cast %add3A_619 : i32 to index
        %get3A_623 = tpu.vector_load %arg9[%get3A_621, %get3A_622] {strides = array<i32>} : memref<33x1024xf32, #tpu.memory_space<vmem>>, vector<1x16xf32>,
        %get3A_624 = vector.shape_cast %get3A_623 : vector<1x16xf32> to vector<16xf32>
        %mul3A_625 = arith.mulf %gather3A_592, %get3A_624 : vector<16xf32>
        %add3A_626 = arith.addf %add3A_588, %mul3A_625 : vector<16xf32>
        %broadcast_in_dim3A_627 = arith.constant 14 : i32
        %broadcast_in_dim3A_628 = vector.broadcast %broadcast_in_dim3A_627 : i32 to vector<16x1xi32>
        %gather3A_629 = vector.shape_cast %broadcast_in_dim3A_628 : vector<16x1xi32> to vector<16xi32>
        %gather3A_630 = tpu.dynamic_gather %get3A_75[%gather3A_629] in [0] : vector<16xf32>, vector<16xi32> -> vector<16xf32>
        %get3A_631 = arith.constant 14 : i32
        %get3A_632 = arith.index_cast %get3A_631 : i32 to index
        %get3A_633 = arith.index_cast %multiple_of3A_88 : i32 to index
        %get3A_634 = tpu.vector_load %arg9[%get3A_632, %get3A_633] {strides = array<i32>} : memref<33x1024xf32, #tpu.memory_space<vmem>>, vector<1x16xf32>,
        %get3A_635 = vector.shape_cast %get3A_634 : vector<1x16xf32> to vector<16xf32>
        %mul3A_636 = arith.mulf %gather3A_630, %get3A_635 : vector<16xf32>
        %add3A_637 = arith.addf %add3A_599, %mul3A_636 : vector<16xf32>
        %add3A_638 = arith.constant 16 : i32
        %add3A_639 = arith.addi %multiple_of3A_88, %add3A_638 : i32
        %get3A_640 = arith.constant 14 : i32
        %get3A_641 = arith.index_cast %get3A_640 : i32 to index
        %get3A_642 = arith.index_cast %add3A_639 : i32 to index
        %get3A_643 = tpu.vector_load %arg9[%get3A_641, %get3A_642] {strides = array<i32>} : memref<33x1024xf32, #tpu.memory_space<vmem>>, vector<1x16xf32>,
        %get3A_644 = vector.shape_cast %get3A_643 : vector<1x16xf32> to vector<16xf32>
        %mul3A_645 = arith.mulf %gather3A_630, %get3A_644 : vector<16xf32>
        %add3A_646 = arith.addf %add3A_608, %mul3A_645 : vector<16xf32>
        %add3A_647 = arith.constant 32 : i32
        %add3A_648 = arith.addi %multiple_of3A_88, %add3A_647 : i32
        %get3A_649 = arith.constant 14 : i32
        %get3A_650 = arith.index_cast %get3A_649 : i32 to index
        %get3A_651 = arith.index_cast %add3A_648 : i32 to index
        %get3A_652 = tpu.vector_load %arg9[%get3A_650, %get3A_651] {strides = array<i32>} : memref<33x1024xf32, #tpu.memory_space<vmem>>, vector<1x16xf32>,
        %get3A_653 = vector.shape_cast %get3A_652 : vector<1x16xf32> to vector<16xf32>
        %mul3A_654 = arith.mulf %gather3A_630, %get3A_653 : vector<16xf32>
        %add3A_655 = arith.addf %add3A_617, %mul3A_654 : vector<16xf32>
        %add3A_656 = arith.constant 48 : i32
        %add3A_657 = arith.addi %multiple_of3A_88, %add3A_656 : i32
        %get3A_658 = arith.constant 14 : i32
        %get3A_659 = arith.index_cast %get3A_658 : i32 to index
        %get3A_660 = arith.index_cast %add3A_657 : i32 to index
        %get3A_661 = tpu.vector_load %arg9[%get3A_659, %get3A_660] {strides = array<i32>} : memref<33x1024xf32, #tpu.memory_space<vmem>>, vector<1x16xf32>,
        %get3A_662 = vector.shape_cast %get3A_661 : vector<1x16xf32> to vector<16xf32>
        %mul3A_663 = arith.mulf %gather3A_630, %get3A_662 : vector<16xf32>
        %add3A_664 = arith.addf %add3A_626, %mul3A_663 : vector<16xf32>
        %broadcast_in_dim3A_665 = arith.constant 15 : i32
        %broadcast_in_dim3A_666 = vector.broadcast %broadcast_in_dim3A_665 : i32 to vector<16x1xi32>
        %gather3A_667 = vector.shape_cast %broadcast_in_dim3A_666 : vector<16x1xi32> to vector<16xi32>
        %gather3A_668 = tpu.dynamic_gather %get3A_75[%gather3A_667] in [0] : vector<16xf32>, vector<16xi32> -> vector<16xf32>
        %get3A_669 = arith.constant 15 : i32
        %get3A_670 = arith.index_cast %get3A_669 : i32 to index
        %get3A_671 = arith.index_cast %multiple_of3A_88 : i32 to index
        %get3A_672 = tpu.vector_load %arg9[%get3A_670, %get3A_671] {strides = array<i32>} : memref<33x1024xf32, #tpu.memory_space<vmem>>, vector<1x16xf32>,
        %get3A_673 = vector.shape_cast %get3A_672 : vector<1x16xf32> to vector<16xf32>
        %mul3A_674 = arith.mulf %gather3A_668, %get3A_673 : vector<16xf32>
        %add3A_675 = arith.addf %add3A_637, %mul3A_674 : vector<16xf32>
        %add3A_676 = arith.constant 16 : i32
        %add3A_677 = arith.addi %multiple_of3A_88, %add3A_676 : i32
        %get3A_678 = arith.constant 15 : i32
        %get3A_679 = arith.index_cast %get3A_678 : i32 to index
        %get3A_680 = arith.index_cast %add3A_677 : i32 to index
        %get3A_681 = tpu.vector_load %arg9[%get3A_679, %get3A_680] {strides = array<i32>} : memref<33x1024xf32, #tpu.memory_space<vmem>>, vector<1x16xf32>,
        %get3A_682 = vector.shape_cast %get3A_681 : vector<1x16xf32> to vector<16xf32>
        %mul3A_683 = arith.mulf %gather3A_668, %get3A_682 : vector<16xf32>
        %add3A_684 = arith.addf %add3A_646, %mul3A_683 : vector<16xf32>
        %add3A_685 = arith.constant 32 : i32
        %add3A_686 = arith.addi %multiple_of3A_88, %add3A_685 : i32
        %get3A_687 = arith.constant 15 : i32
        %get3A_688 = arith.index_cast %get3A_687 : i32 to index
        %get3A_689 = arith.index_cast %add3A_686 : i32 to index
        %get3A_690 = tpu.vector_load %arg9[%get3A_688, %get3A_689] {strides = array<i32>} : memref<33x1024xf32, #tpu.memory_space<vmem>>, vector<1x16xf32>,
        %get3A_691 = vector.shape_cast %get3A_690 : vector<1x16xf32> to vector<16xf32>
        %mul3A_692 = arith.mulf %gather3A_668, %get3A_691 : vector<16xf32>
        %add3A_693 = arith.addf %add3A_655, %mul3A_692 : vector<16xf32>
        %add3A_694 = arith.constant 48 : i32
        %add3A_695 = arith.addi %multiple_of3A_88, %add3A_694 : i32
        %get3A_696 = arith.constant 15 : i32
        %get3A_697 = arith.index_cast %get3A_696 : i32 to index
        %get3A_698 = arith.index_cast %add3A_695 : i32 to index
        %get3A_699 = tpu.vector_load %arg9[%get3A_697, %get3A_698] {strides = array<i32>} : memref<33x1024xf32, #tpu.memory_space<vmem>>, vector<1x16xf32>,
        %get3A_700 = vector.shape_cast %get3A_699 : vector<1x16xf32> to vector<16xf32>
        %mul3A_701 = arith.mulf %gather3A_668, %get3A_700 : vector<16xf32>
        %add3A_702 = arith.addf %add3A_664, %mul3A_701 : vector<16xf32>
        %broadcast_in_dim3A_703 = arith.constant 0 : i32
        %broadcast_in_dim3A_704 = vector.broadcast %broadcast_in_dim3A_703 : i32 to vector<16x1xi32>
        %gather3A_705 = vector.shape_cast %broadcast_in_dim3A_704 : vector<16x1xi32> to vector<16xi32>
        %gather3A_706 = tpu.dynamic_gather %get3A_80[%gather3A_705] in [0] : vector<16xf32>, vector<16xi32> -> vector<16xf32>
        %get3A_707 = arith.constant 16 : i32
        %get3A_708 = arith.index_cast %get3A_707 : i32 to index
        %get3A_709 = arith.index_cast %multiple_of3A_88 : i32 to index
        %get3A_710 = tpu.vector_load %arg9[%get3A_708, %get3A_709] {strides = array<i32>} : memref<33x1024xf32, #tpu.memory_space<vmem>>, vector<1x16xf32>,
        %get3A_711 = vector.shape_cast %get3A_710 : vector<1x16xf32> to vector<16xf32>
        %mul3A_712 = arith.mulf %gather3A_706, %get3A_711 : vector<16xf32>
        %add3A_713 = arith.addf %add3A_675, %mul3A_712 : vector<16xf32>
        %add3A_714 = arith.constant 16 : i32
        %add3A_715 = arith.addi %multiple_of3A_88, %add3A_714 : i32
        %get3A_716 = arith.constant 16 : i32
        %get3A_717 = arith.index_cast %get3A_716 : i32 to index
        %get3A_718 = arith.index_cast %add3A_715 : i32 to index
        %get3A_719 = tpu.vector_load %arg9[%get3A_717, %get3A_718] {strides = array<i32>} : memref<33x1024xf32, #tpu.memory_space<vmem>>, vector<1x16xf32>,
        %get3A_720 = vector.shape_cast %get3A_719 : vector<1x16xf32> to vector<16xf32>
        %mul3A_721 = arith.mulf %gather3A_706, %get3A_720 : vector<16xf32>
        %add3A_722 = arith.addf %add3A_684, %mul3A_721 : vector<16xf32>
        %add3A_723 = arith.constant 32 : i32
        %add3A_724 = arith.addi %multiple_of3A_88, %add3A_723 : i32
        %get3A_725 = arith.constant 16 : i32
        %get3A_726 = arith.index_cast %get3A_725 : i32 to index
        %get3A_727 = arith.index_cast %add3A_724 : i32 to index
        %get3A_728 = tpu.vector_load %arg9[%get3A_726, %get3A_727] {strides = array<i32>} : memref<33x1024xf32, #tpu.memory_space<vmem>>, vector<1x16xf32>,
        %get3A_729 = vector.shape_cast %get3A_728 : vector<1x16xf32> to vector<16xf32>
        %mul3A_730 = arith.mulf %gather3A_706, %get3A_729 : vector<16xf32>
        %add3A_731 = arith.addf %add3A_693, %mul3A_730 : vector<16xf32>
        %add3A_732 = arith.constant 48 : i32
        %add3A_733 = arith.addi %multiple_of3A_88, %add3A_732 : i32
        %get3A_734 = arith.constant 16 : i32
        %get3A_735 = arith.index_cast %get3A_734 : i32 to index
        %get3A_736 = arith.index_cast %add3A_733 : i32 to index
        %get3A_737 = tpu.vector_load %arg9[%get3A_735, %get3A_736] {strides = array<i32>} : memref<33x1024xf32, #tpu.memory_space<vmem>>, vector<1x16xf32>,
        %get3A_738 = vector.shape_cast %get3A_737 : vector<1x16xf32> to vector<16xf32>
        %mul3A_739 = arith.mulf %gather3A_706, %get3A_738 : vector<16xf32>
        %add3A_740 = arith.addf %add3A_702, %mul3A_739 : vector<16xf32>
        %broadcast_in_dim3A_741 = arith.constant 1 : i32
        %broadcast_in_dim3A_742 = vector.broadcast %broadcast_in_dim3A_741 : i32 to vector<16x1xi32>
        %gather3A_743 = vector.shape_cast %broadcast_in_dim3A_742 : vector<16x1xi32> to vector<16xi32>
        %gather3A_744 = tpu.dynamic_gather %get3A_80[%gather3A_743] in [0] : vector<16xf32>, vector<16xi32> -> vector<16xf32>
        %get3A_745 = arith.constant 17 : i32
        %get3A_746 = arith.index_cast %get3A_745 : i32 to index
        %get3A_747 = arith.index_cast %multiple_of3A_88 : i32 to index
        %get3A_748 = tpu.vector_load %arg9[%get3A_746, %get3A_747] {strides = array<i32>} : memref<33x1024xf32, #tpu.memory_space<vmem>>, vector<1x16xf32>,
        %get3A_749 = vector.shape_cast %get3A_748 : vector<1x16xf32> to vector<16xf32>
        %mul3A_750 = arith.mulf %gather3A_744, %get3A_749 : vector<16xf32>
        %add3A_751 = arith.addf %add3A_713, %mul3A_750 : vector<16xf32>
        %add3A_752 = arith.constant 16 : i32
        %add3A_753 = arith.addi %multiple_of3A_88, %add3A_752 : i32
        %get3A_754 = arith.constant 17 : i32
        %get3A_755 = arith.index_cast %get3A_754 : i32 to index
        %get3A_756 = arith.index_cast %add3A_753 : i32 to index
        %get3A_757 = tpu.vector_load %arg9[%get3A_755, %get3A_756] {strides = array<i32>} : memref<33x1024xf32, #tpu.memory_space<vmem>>, vector<1x16xf32>,
        %get3A_758 = vector.shape_cast %get3A_757 : vector<1x16xf32> to vector<16xf32>
        %mul3A_759 = arith.mulf %gather3A_744, %get3A_758 : vector<16xf32>
        %add3A_760 = arith.addf %add3A_722, %mul3A_759 : vector<16xf32>
        %add3A_761 = arith.constant 32 : i32
        %add3A_762 = arith.addi %multiple_of3A_88, %add3A_761 : i32
        %get3A_763 = arith.constant 17 : i32
        %get3A_764 = arith.index_cast %get3A_763 : i32 to index
        %get3A_765 = arith.index_cast %add3A_762 : i32 to index
        %get3A_766 = tpu.vector_load %arg9[%get3A_764, %get3A_765] {strides = array<i32>} : memref<33x1024xf32, #tpu.memory_space<vmem>>, vector<1x16xf32>,
        %get3A_767 = vector.shape_cast %get3A_766 : vector<1x16xf32> to vector<16xf32>
        %mul3A_768 = arith.mulf %gather3A_744, %get3A_767 : vector<16xf32>
        %add3A_769 = arith.addf %add3A_731, %mul3A_768 : vector<16xf32>
        %add3A_770 = arith.constant 48 : i32
        %add3A_771 = arith.addi %multiple_of3A_88, %add3A_770 : i32
        %get3A_772 = arith.constant 17 : i32
        %get3A_773 = arith.index_cast %get3A_772 : i32 to index
        %get3A_774 = arith.index_cast %add3A_771 : i32 to index
        %get3A_775 = tpu.vector_load %arg9[%get3A_773, %get3A_774] {strides = array<i32>} : memref<33x1024xf32, #tpu.memory_space<vmem>>, vector<1x16xf32>,
        %get3A_776 = vector.shape_cast %get3A_775 : vector<1x16xf32> to vector<16xf32>
        %mul3A_777 = arith.mulf %gather3A_744, %get3A_776 : vector<16xf32>
        %add3A_778 = arith.addf %add3A_740, %mul3A_777 : vector<16xf32>
        %broadcast_in_dim3A_779 = arith.constant 2 : i32
        %broadcast_in_dim3A_780 = vector.broadcast %broadcast_in_dim3A_779 : i32 to vector<16x1xi32>
        %gather3A_781 = vector.shape_cast %broadcast_in_dim3A_780 : vector<16x1xi32> to vector<16xi32>
        %gather3A_782 = tpu.dynamic_gather %get3A_80[%gather3A_781] in [0] : vector<16xf32>, vector<16xi32> -> vector<16xf32>
        %get3A_783 = arith.constant 18 : i32
        %get3A_784 = arith.index_cast %get3A_783 : i32 to index
        %get3A_785 = arith.index_cast %multiple_of3A_88 : i32 to index
        %get3A_786 = tpu.vector_load %arg9[%get3A_784, %get3A_785] {strides = array<i32>} : memref<33x1024xf32, #tpu.memory_space<vmem>>, vector<1x16xf32>,
        %get3A_787 = vector.shape_cast %get3A_786 : vector<1x16xf32> to vector<16xf32>
        %mul3A_788 = arith.mulf %gather3A_782, %get3A_787 : vector<16xf32>
        %add3A_789 = arith.addf %add3A_751, %mul3A_788 : vector<16xf32>
        %add3A_790 = arith.constant 16 : i32
        %add3A_791 = arith.addi %multiple_of3A_88, %add3A_790 : i32
        %get3A_792 = arith.constant 18 : i32
        %get3A_793 = arith.index_cast %get3A_792 : i32 to index
        %get3A_794 = arith.index_cast %add3A_791 : i32 to index
        %get3A_795 = tpu.vector_load %arg9[%get3A_793, %get3A_794] {strides = array<i32>} : memref<33x1024xf32, #tpu.memory_space<vmem>>, vector<1x16xf32>,
        %get3A_796 = vector.shape_cast %get3A_795 : vector<1x16xf32> to vector<16xf32>
        %mul3A_797 = arith.mulf %gather3A_782, %get3A_796 : vector<16xf32>
        %add3A_798 = arith.addf %add3A_760, %mul3A_797 : vector<16xf32>
        %add3A_799 = arith.constant 32 : i32
        %add3A_800 = arith.addi %multiple_of3A_88, %add3A_799 : i32
        %get3A_801 = arith.constant 18 : i32
        %get3A_802 = arith.index_cast %get3A_801 : i32 to index
        %get3A_803 = arith.index_cast %add3A_800 : i32 to index
        %get3A_804 = tpu.vector_load %arg9[%get3A_802, %get3A_803] {strides = array<i32>} : memref<33x1024xf32, #tpu.memory_space<vmem>>, vector<1x16xf32>,
        %get3A_805 = vector.shape_cast %get3A_804 : vector<1x16xf32> to vector<16xf32>
        %mul3A_806 = arith.mulf %gather3A_782, %get3A_805 : vector<16xf32>
        %add3A_807 = arith.addf %add3A_769, %mul3A_806 : vector<16xf32>
        %add3A_808 = arith.constant 48 : i32
        %add3A_809 = arith.addi %multiple_of3A_88, %add3A_808 : i32
        %get3A_810 = arith.constant 18 : i32
        %get3A_811 = arith.index_cast %get3A_810 : i32 to index
        %get3A_812 = arith.index_cast %add3A_809 : i32 to index
        %get3A_813 = tpu.vector_load %arg9[%get3A_811, %get3A_812] {strides = array<i32>} : memref<33x1024xf32, #tpu.memory_space<vmem>>, vector<1x16xf32>,
        %get3A_814 = vector.shape_cast %get3A_813 : vector<1x16xf32> to vector<16xf32>
        %mul3A_815 = arith.mulf %gather3A_782, %get3A_814 : vector<16xf32>
        %add3A_816 = arith.addf %add3A_778, %mul3A_815 : vector<16xf32>
        %broadcast_in_dim3A_817 = arith.constant 3 : i32
        %broadcast_in_dim3A_818 = vector.broadcast %broadcast_in_dim3A_817 : i32 to vector<16x1xi32>
        %gather3A_819 = vector.shape_cast %broadcast_in_dim3A_818 : vector<16x1xi32> to vector<16xi32>
        %gather3A_820 = tpu.dynamic_gather %get3A_80[%gather3A_819] in [0] : vector<16xf32>, vector<16xi32> -> vector<16xf32>
        %get3A_821 = arith.constant 19 : i32
        %get3A_822 = arith.index_cast %get3A_821 : i32 to index
        %get3A_823 = arith.index_cast %multiple_of3A_88 : i32 to index
        %get3A_824 = tpu.vector_load %arg9[%get3A_822, %get3A_823] {strides = array<i32>} : memref<33x1024xf32, #tpu.memory_space<vmem>>, vector<1x16xf32>,
        %get3A_825 = vector.shape_cast %get3A_824 : vector<1x16xf32> to vector<16xf32>
        %mul3A_826 = arith.mulf %gather3A_820, %get3A_825 : vector<16xf32>
        %add3A_827 = arith.addf %add3A_789, %mul3A_826 : vector<16xf32>
        %add3A_828 = arith.constant 16 : i32
        %add3A_829 = arith.addi %multiple_of3A_88, %add3A_828 : i32
        %get3A_830 = arith.constant 19 : i32
        %get3A_831 = arith.index_cast %get3A_830 : i32 to index
        %get3A_832 = arith.index_cast %add3A_829 : i32 to index
        %get3A_833 = tpu.vector_load %arg9[%get3A_831, %get3A_832] {strides = array<i32>} : memref<33x1024xf32, #tpu.memory_space<vmem>>, vector<1x16xf32>,
        %get3A_834 = vector.shape_cast %get3A_833 : vector<1x16xf32> to vector<16xf32>
        %mul3A_835 = arith.mulf %gather3A_820, %get3A_834 : vector<16xf32>
        %add3A_836 = arith.addf %add3A_798, %mul3A_835 : vector<16xf32>
        %add3A_837 = arith.constant 32 : i32
        %add3A_838 = arith.addi %multiple_of3A_88, %add3A_837 : i32
        %get3A_839 = arith.constant 19 : i32
        %get3A_840 = arith.index_cast %get3A_839 : i32 to index
        %get3A_841 = arith.index_cast %add3A_838 : i32 to index
        %get3A_842 = tpu.vector_load %arg9[%get3A_840, %get3A_841] {strides = array<i32>} : memref<33x1024xf32, #tpu.memory_space<vmem>>, vector<1x16xf32>,
        %get3A_843 = vector.shape_cast %get3A_842 : vector<1x16xf32> to vector<16xf32>
        %mul3A_844 = arith.mulf %gather3A_820, %get3A_843 : vector<16xf32>
        %add3A_845 = arith.addf %add3A_807, %mul3A_844 : vector<16xf32>
        %add3A_846 = arith.constant 48 : i32
        %add3A_847 = arith.addi %multiple_of3A_88, %add3A_846 : i32
        %get3A_848 = arith.constant 19 : i32
        %get3A_849 = arith.index_cast %get3A_848 : i32 to index
        %get3A_850 = arith.index_cast %add3A_847 : i32 to index
        %get3A_851 = tpu.vector_load %arg9[%get3A_849, %get3A_850] {strides = array<i32>} : memref<33x1024xf32, #tpu.memory_space<vmem>>, vector<1x16xf32>,
        %get3A_852 = vector.shape_cast %get3A_851 : vector<1x16xf32> to vector<16xf32>
        %mul3A_853 = arith.mulf %gather3A_820, %get3A_852 : vector<16xf32>
        %add3A_854 = arith.addf %add3A_816, %mul3A_853 : vector<16xf32>
        %broadcast_in_dim3A_855 = arith.constant 4 : i32
        %broadcast_in_dim3A_856 = vector.broadcast %broadcast_in_dim3A_855 : i32 to vector<16x1xi32>
        %gather3A_857 = vector.shape_cast %broadcast_in_dim3A_856 : vector<16x1xi32> to vector<16xi32>
        %gather3A_858 = tpu.dynamic_gather %get3A_80[%gather3A_857] in [0] : vector<16xf32>, vector<16xi32> -> vector<16xf32>
        %get3A_859 = arith.constant 20 : i32
        %get3A_860 = arith.index_cast %get3A_859 : i32 to index
        %get3A_861 = arith.index_cast %multiple_of3A_88 : i32 to index
        %get3A_862 = tpu.vector_load %arg9[%get3A_860, %get3A_861] {strides = array<i32>} : memref<33x1024xf32, #tpu.memory_space<vmem>>, vector<1x16xf32>,
        %get3A_863 = vector.shape_cast %get3A_862 : vector<1x16xf32> to vector<16xf32>
        %mul3A_864 = arith.mulf %gather3A_858, %get3A_863 : vector<16xf32>
        %add3A_865 = arith.addf %add3A_827, %mul3A_864 : vector<16xf32>
        %add3A_866 = arith.constant 16 : i32
        %add3A_867 = arith.addi %multiple_of3A_88, %add3A_866 : i32
        %get3A_868 = arith.constant 20 : i32
        %get3A_869 = arith.index_cast %get3A_868 : i32 to index
        %get3A_870 = arith.index_cast %add3A_867 : i32 to index
        %get3A_871 = tpu.vector_load %arg9[%get3A_869, %get3A_870] {strides = array<i32>} : memref<33x1024xf32, #tpu.memory_space<vmem>>, vector<1x16xf32>,
        %get3A_872 = vector.shape_cast %get3A_871 : vector<1x16xf32> to vector<16xf32>
        %mul3A_873 = arith.mulf %gather3A_858, %get3A_872 : vector<16xf32>
        %add3A_874 = arith.addf %add3A_836, %mul3A_873 : vector<16xf32>
        %add3A_875 = arith.constant 32 : i32
        %add3A_876 = arith.addi %multiple_of3A_88, %add3A_875 : i32
        %get3A_877 = arith.constant 20 : i32
        %get3A_878 = arith.index_cast %get3A_877 : i32 to index
        %get3A_879 = arith.index_cast %add3A_876 : i32 to index
        %get3A_880 = tpu.vector_load %arg9[%get3A_878, %get3A_879] {strides = array<i32>} : memref<33x1024xf32, #tpu.memory_space<vmem>>, vector<1x16xf32>,
        %get3A_881 = vector.shape_cast %get3A_880 : vector<1x16xf32> to vector<16xf32>
        %mul3A_882 = arith.mulf %gather3A_858, %get3A_881 : vector<16xf32>
        %add3A_883 = arith.addf %add3A_845, %mul3A_882 : vector<16xf32>
        %add3A_884 = arith.constant 48 : i32
        %add3A_885 = arith.addi %multiple_of3A_88, %add3A_884 : i32
        %get3A_886 = arith.constant 20 : i32
        %get3A_887 = arith.index_cast %get3A_886 : i32 to index
        %get3A_888 = arith.index_cast %add3A_885 : i32 to index
        %get3A_889 = tpu.vector_load %arg9[%get3A_887, %get3A_888] {strides = array<i32>} : memref<33x1024xf32, #tpu.memory_space<vmem>>, vector<1x16xf32>,
        %get3A_890 = vector.shape_cast %get3A_889 : vector<1x16xf32> to vector<16xf32>
        %mul3A_891 = arith.mulf %gather3A_858, %get3A_890 : vector<16xf32>
        %add3A_892 = arith.addf %add3A_854, %mul3A_891 : vector<16xf32>
        %broadcast_in_dim3A_893 = arith.constant 5 : i32
        %broadcast_in_dim3A_894 = vector.broadcast %broadcast_in_dim3A_893 : i32 to vector<16x1xi32>
        %gather3A_895 = vector.shape_cast %broadcast_in_dim3A_894 : vector<16x1xi32> to vector<16xi32>
        %gather3A_896 = tpu.dynamic_gather %get3A_80[%gather3A_895] in [0] : vector<16xf32>, vector<16xi32> -> vector<16xf32>
        %get3A_897 = arith.constant 21 : i32
        %get3A_898 = arith.index_cast %get3A_897 : i32 to index
        %get3A_899 = arith.index_cast %multiple_of3A_88 : i32 to index
        %get3A_900 = tpu.vector_load %arg9[%get3A_898, %get3A_899] {strides = array<i32>} : memref<33x1024xf32, #tpu.memory_space<vmem>>, vector<1x16xf32>,
        %get3A_901 = vector.shape_cast %get3A_900 : vector<1x16xf32> to vector<16xf32>
        %mul3A_902 = arith.mulf %gather3A_896, %get3A_901 : vector<16xf32>
        %add3A_903 = arith.addf %add3A_865, %mul3A_902 : vector<16xf32>
        %add3A_904 = arith.constant 16 : i32
        %add3A_905 = arith.addi %multiple_of3A_88, %add3A_904 : i32
        %get3A_906 = arith.constant 21 : i32
        %get3A_907 = arith.index_cast %get3A_906 : i32 to index
        %get3A_908 = arith.index_cast %add3A_905 : i32 to index
        %get3A_909 = tpu.vector_load %arg9[%get3A_907, %get3A_908] {strides = array<i32>} : memref<33x1024xf32, #tpu.memory_space<vmem>>, vector<1x16xf32>,
        %get3A_910 = vector.shape_cast %get3A_909 : vector<1x16xf32> to vector<16xf32>
        %mul3A_911 = arith.mulf %gather3A_896, %get3A_910 : vector<16xf32>
        %add3A_912 = arith.addf %add3A_874, %mul3A_911 : vector<16xf32>
        %add3A_913 = arith.constant 32 : i32
        %add3A_914 = arith.addi %multiple_of3A_88, %add3A_913 : i32
        %get3A_915 = arith.constant 21 : i32
        %get3A_916 = arith.index_cast %get3A_915 : i32 to index
        %get3A_917 = arith.index_cast %add3A_914 : i32 to index
        %get3A_918 = tpu.vector_load %arg9[%get3A_916, %get3A_917] {strides = array<i32>} : memref<33x1024xf32, #tpu.memory_space<vmem>>, vector<1x16xf32>,
        %get3A_919 = vector.shape_cast %get3A_918 : vector<1x16xf32> to vector<16xf32>
        %mul3A_920 = arith.mulf %gather3A_896, %get3A_919 : vector<16xf32>
        %add3A_921 = arith.addf %add3A_883, %mul3A_920 : vector<16xf32>
        %add3A_922 = arith.constant 48 : i32
        %add3A_923 = arith.addi %multiple_of3A_88, %add3A_922 : i32
        %get3A_924 = arith.constant 21 : i32
        %get3A_925 = arith.index_cast %get3A_924 : i32 to index
        %get3A_926 = arith.index_cast %add3A_923 : i32 to index
        %get3A_927 = tpu.vector_load %arg9[%get3A_925, %get3A_926] {strides = array<i32>} : memref<33x1024xf32, #tpu.memory_space<vmem>>, vector<1x16xf32>,
        %get3A_928 = vector.shape_cast %get3A_927 : vector<1x16xf32> to vector<16xf32>
        %mul3A_929 = arith.mulf %gather3A_896, %get3A_928 : vector<16xf32>
        %add3A_930 = arith.addf %add3A_892, %mul3A_929 : vector<16xf32>
        %broadcast_in_dim3A_931 = arith.constant 6 : i32
        %broadcast_in_dim3A_932 = vector.broadcast %broadcast_in_dim3A_931 : i32 to vector<16x1xi32>
        %gather3A_933 = vector.shape_cast %broadcast_in_dim3A_932 : vector<16x1xi32> to vector<16xi32>
        %gather3A_934 = tpu.dynamic_gather %get3A_80[%gather3A_933] in [0] : vector<16xf32>, vector<16xi32> -> vector<16xf32>
        %get3A_935 = arith.constant 22 : i32
        %get3A_936 = arith.index_cast %get3A_935 : i32 to index
        %get3A_937 = arith.index_cast %multiple_of3A_88 : i32 to index
        %get3A_938 = tpu.vector_load %arg9[%get3A_936, %get3A_937] {strides = array<i32>} : memref<33x1024xf32, #tpu.memory_space<vmem>>, vector<1x16xf32>,
        %get3A_939 = vector.shape_cast %get3A_938 : vector<1x16xf32> to vector<16xf32>
        %mul3A_940 = arith.mulf %gather3A_934, %get3A_939 : vector<16xf32>
        %add3A_941 = arith.addf %add3A_903, %mul3A_940 : vector<16xf32>
        %add3A_942 = arith.constant 16 : i32
        %add3A_943 = arith.addi %multiple_of3A_88, %add3A_942 : i32
        %get3A_944 = arith.constant 22 : i32
        %get3A_945 = arith.index_cast %get3A_944 : i32 to index
        %get3A_946 = arith.index_cast %add3A_943 : i32 to index
        %get3A_947 = tpu.vector_load %arg9[%get3A_945, %get3A_946] {strides = array<i32>} : memref<33x1024xf32, #tpu.memory_space<vmem>>, vector<1x16xf32>,
        %get3A_948 = vector.shape_cast %get3A_947 : vector<1x16xf32> to vector<16xf32>
        %mul3A_949 = arith.mulf %gather3A_934, %get3A_948 : vector<16xf32>
        %add3A_950 = arith.addf %add3A_912, %mul3A_949 : vector<16xf32>
        %add3A_951 = arith.constant 32 : i32
        %add3A_952 = arith.addi %multiple_of3A_88, %add3A_951 : i32
        %get3A_953 = arith.constant 22 : i32
        %get3A_954 = arith.index_cast %get3A_953 : i32 to index
        %get3A_955 = arith.index_cast %add3A_952 : i32 to index
        %get3A_956 = tpu.vector_load %arg9[%get3A_954, %get3A_955] {strides = array<i32>} : memref<33x1024xf32, #tpu.memory_space<vmem>>, vector<1x16xf32>,
        %get3A_957 = vector.shape_cast %get3A_956 : vector<1x16xf32> to vector<16xf32>
        %mul3A_958 = arith.mulf %gather3A_934, %get3A_957 : vector<16xf32>
        %add3A_959 = arith.addf %add3A_921, %mul3A_958 : vector<16xf32>
        %add3A_960 = arith.constant 48 : i32
        %add3A_961 = arith.addi %multiple_of3A_88, %add3A_960 : i32
        %get3A_962 = arith.constant 22 : i32
        %get3A_963 = arith.index_cast %get3A_962 : i32 to index
        %get3A_964 = arith.index_cast %add3A_961 : i32 to index
        %get3A_965 = tpu.vector_load %arg9[%get3A_963, %get3A_964] {strides = array<i32>} : memref<33x1024xf32, #tpu.memory_space<vmem>>, vector<1x16xf32>,
        %get3A_966 = vector.shape_cast %get3A_965 : vector<1x16xf32> to vector<16xf32>
        %mul3A_967 = arith.mulf %gather3A_934, %get3A_966 : vector<16xf32>
        %add3A_968 = arith.addf %add3A_930, %mul3A_967 : vector<16xf32>
        %broadcast_in_dim3A_969 = arith.constant 7 : i32
        %broadcast_in_dim3A_970 = vector.broadcast %broadcast_in_dim3A_969 : i32 to vector<16x1xi32>
        %gather3A_971 = vector.shape_cast %broadcast_in_dim3A_970 : vector<16x1xi32> to vector<16xi32>
        %gather3A_972 = tpu.dynamic_gather %get3A_80[%gather3A_971] in [0] : vector<16xf32>, vector<16xi32> -> vector<16xf32>
        %get3A_973 = arith.constant 23 : i32
        %get3A_974 = arith.index_cast %get3A_973 : i32 to index
        %get3A_975 = arith.index_cast %multiple_of3A_88 : i32 to index
        %get3A_976 = tpu.vector_load %arg9[%get3A_974, %get3A_975] {strides = array<i32>} : memref<33x1024xf32, #tpu.memory_space<vmem>>, vector<1x16xf32>,
        %get3A_977 = vector.shape_cast %get3A_976 : vector<1x16xf32> to vector<16xf32>
        %mul3A_978 = arith.mulf %gather3A_972, %get3A_977 : vector<16xf32>
        %add3A_979 = arith.addf %add3A_941, %mul3A_978 : vector<16xf32>
        %add3A_980 = arith.constant 16 : i32
        %add3A_981 = arith.addi %multiple_of3A_88, %add3A_980 : i32
        %get3A_982 = arith.constant 23 : i32
        %get3A_983 = arith.index_cast %get3A_982 : i32 to index
        %get3A_984 = arith.index_cast %add3A_981 : i32 to index
        %get3A_985 = tpu.vector_load %arg9[%get3A_983, %get3A_984] {strides = array<i32>} : memref<33x1024xf32, #tpu.memory_space<vmem>>, vector<1x16xf32>,
        %get3A_986 = vector.shape_cast %get3A_985 : vector<1x16xf32> to vector<16xf32>
        %mul3A_987 = arith.mulf %gather3A_972, %get3A_986 : vector<16xf32>
        %add3A_988 = arith.addf %add3A_950, %mul3A_987 : vector<16xf32>
        %add3A_989 = arith.constant 32 : i32
        %add3A_990 = arith.addi %multiple_of3A_88, %add3A_989 : i32
        %get3A_991 = arith.constant 23 : i32
        %get3A_992 = arith.index_cast %get3A_991 : i32 to index
        %get3A_993 = arith.index_cast %add3A_990 : i32 to index
        %get3A_994 = tpu.vector_load %arg9[%get3A_992, %get3A_993] {strides = array<i32>} : memref<33x1024xf32, #tpu.memory_space<vmem>>, vector<1x16xf32>,
        %get3A_995 = vector.shape_cast %get3A_994 : vector<1x16xf32> to vector<16xf32>
        %mul3A_996 = arith.mulf %gather3A_972, %get3A_995 : vector<16xf32>
        %add3A_997 = arith.addf %add3A_959, %mul3A_996 : vector<16xf32>
        %add3A_998 = arith.constant 48 : i32
        %add3A_999 = arith.addi %multiple_of3A_88, %add3A_998 : i32
        %get3A_1000 = arith.constant 23 : i32
        %get3A_1001 = arith.index_cast %get3A_1000 : i32 to index
        %get3A_1002 = arith.index_cast %add3A_999 : i32 to index
        %get3A_1003 = tpu.vector_load %arg9[%get3A_1001, %get3A_1002] {strides = array<i32>} : memref<33x1024xf32, #tpu.memory_space<vmem>>, vector<1x16xf32>,
        %get3A_1004 = vector.shape_cast %get3A_1003 : vector<1x16xf32> to vector<16xf32>
        %mul3A_1005 = arith.mulf %gather3A_972, %get3A_1004 : vector<16xf32>
        %add3A_1006 = arith.addf %add3A_968, %mul3A_1005 : vector<16xf32>
        %broadcast_in_dim3A_1007 = arith.constant 8 : i32
        %broadcast_in_dim3A_1008 = vector.broadcast %broadcast_in_dim3A_1007 : i32 to vector<16x1xi32>
        %gather3A_1009 = vector.shape_cast %broadcast_in_dim3A_1008 : vector<16x1xi32> to vector<16xi32>
        %gather3A_1010 = tpu.dynamic_gather %get3A_80[%gather3A_1009] in [0] : vector<16xf32>, vector<16xi32> -> vector<16xf32>
        %get3A_1011 = arith.constant 24 : i32
        %get3A_1012 = arith.index_cast %get3A_1011 : i32 to index
        %get3A_1013 = arith.index_cast %multiple_of3A_88 : i32 to index
        %get3A_1014 = tpu.vector_load %arg9[%get3A_1012, %get3A_1013] {strides = array<i32>} : memref<33x1024xf32, #tpu.memory_space<vmem>>, vector<1x16xf32>,
        %get3A_1015 = vector.shape_cast %get3A_1014 : vector<1x16xf32> to vector<16xf32>
        %mul3A_1016 = arith.mulf %gather3A_1010, %get3A_1015 : vector<16xf32>
        %add3A_1017 = arith.addf %add3A_979, %mul3A_1016 : vector<16xf32>
        %add3A_1018 = arith.constant 16 : i32
        %add3A_1019 = arith.addi %multiple_of3A_88, %add3A_1018 : i32
        %get3A_1020 = arith.constant 24 : i32
        %get3A_1021 = arith.index_cast %get3A_1020 : i32 to index
        %get3A_1022 = arith.index_cast %add3A_1019 : i32 to index
        %get3A_1023 = tpu.vector_load %arg9[%get3A_1021, %get3A_1022] {strides = array<i32>} : memref<33x1024xf32, #tpu.memory_space<vmem>>, vector<1x16xf32>,
        %get3A_1024 = vector.shape_cast %get3A_1023 : vector<1x16xf32> to vector<16xf32>
        %mul3A_1025 = arith.mulf %gather3A_1010, %get3A_1024 : vector<16xf32>
        %add3A_1026 = arith.addf %add3A_988, %mul3A_1025 : vector<16xf32>
        %add3A_1027 = arith.constant 32 : i32
        %add3A_1028 = arith.addi %multiple_of3A_88, %add3A_1027 : i32
        %get3A_1029 = arith.constant 24 : i32
        %get3A_1030 = arith.index_cast %get3A_1029 : i32 to index
        %get3A_1031 = arith.index_cast %add3A_1028 : i32 to index
        %get3A_1032 = tpu.vector_load %arg9[%get3A_1030, %get3A_1031] {strides = array<i32>} : memref<33x1024xf32, #tpu.memory_space<vmem>>, vector<1x16xf32>,
        %get3A_1033 = vector.shape_cast %get3A_1032 : vector<1x16xf32> to vector<16xf32>
        %mul3A_1034 = arith.mulf %gather3A_1010, %get3A_1033 : vector<16xf32>
        %add3A_1035 = arith.addf %add3A_997, %mul3A_1034 : vector<16xf32>
        %add3A_1036 = arith.constant 48 : i32
        %add3A_1037 = arith.addi %multiple_of3A_88, %add3A_1036 : i32
        %get3A_1038 = arith.constant 24 : i32
        %get3A_1039 = arith.index_cast %get3A_1038 : i32 to index
        %get3A_1040 = arith.index_cast %add3A_1037 : i32 to index
        %get3A_1041 = tpu.vector_load %arg9[%get3A_1039, %get3A_1040] {strides = array<i32>} : memref<33x1024xf32, #tpu.memory_space<vmem>>, vector<1x16xf32>,
        %get3A_1042 = vector.shape_cast %get3A_1041 : vector<1x16xf32> to vector<16xf32>
        %mul3A_1043 = arith.mulf %gather3A_1010, %get3A_1042 : vector<16xf32>
        %add3A_1044 = arith.addf %add3A_1006, %mul3A_1043 : vector<16xf32>
        %broadcast_in_dim3A_1045 = arith.constant 9 : i32
        %broadcast_in_dim3A_1046 = vector.broadcast %broadcast_in_dim3A_1045 : i32 to vector<16x1xi32>
        %gather3A_1047 = vector.shape_cast %broadcast_in_dim3A_1046 : vector<16x1xi32> to vector<16xi32>
        %gather3A_1048 = tpu.dynamic_gather %get3A_80[%gather3A_1047] in [0] : vector<16xf32>, vector<16xi32> -> vector<16xf32>
        %get3A_1049 = arith.constant 25 : i32
        %get3A_1050 = arith.index_cast %get3A_1049 : i32 to index
        %get3A_1051 = arith.index_cast %multiple_of3A_88 : i32 to index
        %get3A_1052 = tpu.vector_load %arg9[%get3A_1050, %get3A_1051] {strides = array<i32>} : memref<33x1024xf32, #tpu.memory_space<vmem>>, vector<1x16xf32>,
        %get3A_1053 = vector.shape_cast %get3A_1052 : vector<1x16xf32> to vector<16xf32>
        %mul3A_1054 = arith.mulf %gather3A_1048, %get3A_1053 : vector<16xf32>
        %add3A_1055 = arith.addf %add3A_1017, %mul3A_1054 : vector<16xf32>
        %add3A_1056 = arith.constant 16 : i32
        %add3A_1057 = arith.addi %multiple_of3A_88, %add3A_1056 : i32
        %get3A_1058 = arith.constant 25 : i32
        %get3A_1059 = arith.index_cast %get3A_1058 : i32 to index
        %get3A_1060 = arith.index_cast %add3A_1057 : i32 to index
        %get3A_1061 = tpu.vector_load %arg9[%get3A_1059, %get3A_1060] {strides = array<i32>} : memref<33x1024xf32, #tpu.memory_space<vmem>>, vector<1x16xf32>,
        %get3A_1062 = vector.shape_cast %get3A_1061 : vector<1x16xf32> to vector<16xf32>
        %mul3A_1063 = arith.mulf %gather3A_1048, %get3A_1062 : vector<16xf32>
        %add3A_1064 = arith.addf %add3A_1026, %mul3A_1063 : vector<16xf32>
        %add3A_1065 = arith.constant 32 : i32
        %add3A_1066 = arith.addi %multiple_of3A_88, %add3A_1065 : i32
        %get3A_1067 = arith.constant 25 : i32
        %get3A_1068 = arith.index_cast %get3A_1067 : i32 to index
        %get3A_1069 = arith.index_cast %add3A_1066 : i32 to index
        %get3A_1070 = tpu.vector_load %arg9[%get3A_1068, %get3A_1069] {strides = array<i32>} : memref<33x1024xf32, #tpu.memory_space<vmem>>, vector<1x16xf32>,
        %get3A_1071 = vector.shape_cast %get3A_1070 : vector<1x16xf32> to vector<16xf32>
        %mul3A_1072 = arith.mulf %gather3A_1048, %get3A_1071 : vector<16xf32>
        %add3A_1073 = arith.addf %add3A_1035, %mul3A_1072 : vector<16xf32>
        %add3A_1074 = arith.constant 48 : i32
        %add3A_1075 = arith.addi %multiple_of3A_88, %add3A_1074 : i32
        %get3A_1076 = arith.constant 25 : i32
        %get3A_1077 = arith.index_cast %get3A_1076 : i32 to index
        %get3A_1078 = arith.index_cast %add3A_1075 : i32 to index
        %get3A_1079 = tpu.vector_load %arg9[%get3A_1077, %get3A_1078] {strides = array<i32>} : memref<33x1024xf32, #tpu.memory_space<vmem>>, vector<1x16xf32>,
        %get3A_1080 = vector.shape_cast %get3A_1079 : vector<1x16xf32> to vector<16xf32>
        %mul3A_1081 = arith.mulf %gather3A_1048, %get3A_1080 : vector<16xf32>
        %add3A_1082 = arith.addf %add3A_1044, %mul3A_1081 : vector<16xf32>
        %broadcast_in_dim3A_1083 = arith.constant 10 : i32
        %broadcast_in_dim3A_1084 = vector.broadcast %broadcast_in_dim3A_1083 : i32 to vector<16x1xi32>
        %gather3A_1085 = vector.shape_cast %broadcast_in_dim3A_1084 : vector<16x1xi32> to vector<16xi32>
        %gather3A_1086 = tpu.dynamic_gather %get3A_80[%gather3A_1085] in [0] : vector<16xf32>, vector<16xi32> -> vector<16xf32>
        %get3A_1087 = arith.constant 26 : i32
        %get3A_1088 = arith.index_cast %get3A_1087 : i32 to index
        %get3A_1089 = arith.index_cast %multiple_of3A_88 : i32 to index
        %get3A_1090 = tpu.vector_load %arg9[%get3A_1088, %get3A_1089] {strides = array<i32>} : memref<33x1024xf32, #tpu.memory_space<vmem>>, vector<1x16xf32>,
        %get3A_1091 = vector.shape_cast %get3A_1090 : vector<1x16xf32> to vector<16xf32>
        %mul3A_1092 = arith.mulf %gather3A_1086, %get3A_1091 : vector<16xf32>
        %add3A_1093 = arith.addf %add3A_1055, %mul3A_1092 : vector<16xf32>
        %add3A_1094 = arith.constant 16 : i32
        %add3A_1095 = arith.addi %multiple_of3A_88, %add3A_1094 : i32
        %get3A_1096 = arith.constant 26 : i32
        %get3A_1097 = arith.index_cast %get3A_1096 : i32 to index
        %get3A_1098 = arith.index_cast %add3A_1095 : i32 to index
        %get3A_1099 = tpu.vector_load %arg9[%get3A_1097, %get3A_1098] {strides = array<i32>} : memref<33x1024xf32, #tpu.memory_space<vmem>>, vector<1x16xf32>,
        %get3A_1100 = vector.shape_cast %get3A_1099 : vector<1x16xf32> to vector<16xf32>
        %mul3A_1101 = arith.mulf %gather3A_1086, %get3A_1100 : vector<16xf32>
        %add3A_1102 = arith.addf %add3A_1064, %mul3A_1101 : vector<16xf32>
        %add3A_1103 = arith.constant 32 : i32
        %add3A_1104 = arith.addi %multiple_of3A_88, %add3A_1103 : i32
        %get3A_1105 = arith.constant 26 : i32
        %get3A_1106 = arith.index_cast %get3A_1105 : i32 to index
        %get3A_1107 = arith.index_cast %add3A_1104 : i32 to index
        %get3A_1108 = tpu.vector_load %arg9[%get3A_1106, %get3A_1107] {strides = array<i32>} : memref<33x1024xf32, #tpu.memory_space<vmem>>, vector<1x16xf32>,
        %get3A_1109 = vector.shape_cast %get3A_1108 : vector<1x16xf32> to vector<16xf32>
        %mul3A_1110 = arith.mulf %gather3A_1086, %get3A_1109 : vector<16xf32>
        %add3A_1111 = arith.addf %add3A_1073, %mul3A_1110 : vector<16xf32>
        %add3A_1112 = arith.constant 48 : i32
        %add3A_1113 = arith.addi %multiple_of3A_88, %add3A_1112 : i32
        %get3A_1114 = arith.constant 26 : i32
        %get3A_1115 = arith.index_cast %get3A_1114 : i32 to index
        %get3A_1116 = arith.index_cast %add3A_1113 : i32 to index
        %get3A_1117 = tpu.vector_load %arg9[%get3A_1115, %get3A_1116] {strides = array<i32>} : memref<33x1024xf32, #tpu.memory_space<vmem>>, vector<1x16xf32>,
        %get3A_1118 = vector.shape_cast %get3A_1117 : vector<1x16xf32> to vector<16xf32>
        %mul3A_1119 = arith.mulf %gather3A_1086, %get3A_1118 : vector<16xf32>
        %add3A_1120 = arith.addf %add3A_1082, %mul3A_1119 : vector<16xf32>
        %broadcast_in_dim3A_1121 = arith.constant 11 : i32
        %broadcast_in_dim3A_1122 = vector.broadcast %broadcast_in_dim3A_1121 : i32 to vector<16x1xi32>
        %gather3A_1123 = vector.shape_cast %broadcast_in_dim3A_1122 : vector<16x1xi32> to vector<16xi32>
        %gather3A_1124 = tpu.dynamic_gather %get3A_80[%gather3A_1123] in [0] : vector<16xf32>, vector<16xi32> -> vector<16xf32>
        %get3A_1125 = arith.constant 27 : i32
        %get3A_1126 = arith.index_cast %get3A_1125 : i32 to index
        %get3A_1127 = arith.index_cast %multiple_of3A_88 : i32 to index
        %get3A_1128 = tpu.vector_load %arg9[%get3A_1126, %get3A_1127] {strides = array<i32>} : memref<33x1024xf32, #tpu.memory_space<vmem>>, vector<1x16xf32>,
        %get3A_1129 = vector.shape_cast %get3A_1128 : vector<1x16xf32> to vector<16xf32>
        %mul3A_1130 = arith.mulf %gather3A_1124, %get3A_1129 : vector<16xf32>
        %add3A_1131 = arith.addf %add3A_1093, %mul3A_1130 : vector<16xf32>
        %add3A_1132 = arith.constant 16 : i32
        %add3A_1133 = arith.addi %multiple_of3A_88, %add3A_1132 : i32
        %get3A_1134 = arith.constant 27 : i32
        %get3A_1135 = arith.index_cast %get3A_1134 : i32 to index
        %get3A_1136 = arith.index_cast %add3A_1133 : i32 to index
        %get3A_1137 = tpu.vector_load %arg9[%get3A_1135, %get3A_1136] {strides = array<i32>} : memref<33x1024xf32, #tpu.memory_space<vmem>>, vector<1x16xf32>,
        %get3A_1138 = vector.shape_cast %get3A_1137 : vector<1x16xf32> to vector<16xf32>
        %mul3A_1139 = arith.mulf %gather3A_1124, %get3A_1138 : vector<16xf32>
        %add3A_1140 = arith.addf %add3A_1102, %mul3A_1139 : vector<16xf32>
        %add3A_1141 = arith.constant 32 : i32
        %add3A_1142 = arith.addi %multiple_of3A_88, %add3A_1141 : i32
        %get3A_1143 = arith.constant 27 : i32
        %get3A_1144 = arith.index_cast %get3A_1143 : i32 to index
        %get3A_1145 = arith.index_cast %add3A_1142 : i32 to index
        %get3A_1146 = tpu.vector_load %arg9[%get3A_1144, %get3A_1145] {strides = array<i32>} : memref<33x1024xf32, #tpu.memory_space<vmem>>, vector<1x16xf32>,
        %get3A_1147 = vector.shape_cast %get3A_1146 : vector<1x16xf32> to vector<16xf32>
        %mul3A_1148 = arith.mulf %gather3A_1124, %get3A_1147 : vector<16xf32>
        %add3A_1149 = arith.addf %add3A_1111, %mul3A_1148 : vector<16xf32>
        %add3A_1150 = arith.constant 48 : i32
        %add3A_1151 = arith.addi %multiple_of3A_88, %add3A_1150 : i32
        %get3A_1152 = arith.constant 27 : i32
        %get3A_1153 = arith.index_cast %get3A_1152 : i32 to index
        %get3A_1154 = arith.index_cast %add3A_1151 : i32 to index
        %get3A_1155 = tpu.vector_load %arg9[%get3A_1153, %get3A_1154] {strides = array<i32>} : memref<33x1024xf32, #tpu.memory_space<vmem>>, vector<1x16xf32>,
        %get3A_1156 = vector.shape_cast %get3A_1155 : vector<1x16xf32> to vector<16xf32>
        %mul3A_1157 = arith.mulf %gather3A_1124, %get3A_1156 : vector<16xf32>
        %add3A_1158 = arith.addf %add3A_1120, %mul3A_1157 : vector<16xf32>
        %broadcast_in_dim3A_1159 = arith.constant 12 : i32
        %broadcast_in_dim3A_1160 = vector.broadcast %broadcast_in_dim3A_1159 : i32 to vector<16x1xi32>
        %gather3A_1161 = vector.shape_cast %broadcast_in_dim3A_1160 : vector<16x1xi32> to vector<16xi32>
        %gather3A_1162 = tpu.dynamic_gather %get3A_80[%gather3A_1161] in [0] : vector<16xf32>, vector<16xi32> -> vector<16xf32>
        %get3A_1163 = arith.constant 28 : i32
        %get3A_1164 = arith.index_cast %get3A_1163 : i32 to index
        %get3A_1165 = arith.index_cast %multiple_of3A_88 : i32 to index
        %get3A_1166 = tpu.vector_load %arg9[%get3A_1164, %get3A_1165] {strides = array<i32>} : memref<33x1024xf32, #tpu.memory_space<vmem>>, vector<1x16xf32>,
        %get3A_1167 = vector.shape_cast %get3A_1166 : vector<1x16xf32> to vector<16xf32>
        %mul3A_1168 = arith.mulf %gather3A_1162, %get3A_1167 : vector<16xf32>
        %add3A_1169 = arith.addf %add3A_1131, %mul3A_1168 : vector<16xf32>
        %add3A_1170 = arith.constant 16 : i32
        %add3A_1171 = arith.addi %multiple_of3A_88, %add3A_1170 : i32
        %get3A_1172 = arith.constant 28 : i32
        %get3A_1173 = arith.index_cast %get3A_1172 : i32 to index
        %get3A_1174 = arith.index_cast %add3A_1171 : i32 to index
        %get3A_1175 = tpu.vector_load %arg9[%get3A_1173, %get3A_1174] {strides = array<i32>} : memref<33x1024xf32, #tpu.memory_space<vmem>>, vector<1x16xf32>,
        %get3A_1176 = vector.shape_cast %get3A_1175 : vector<1x16xf32> to vector<16xf32>
        %mul3A_1177 = arith.mulf %gather3A_1162, %get3A_1176 : vector<16xf32>
        %add3A_1178 = arith.addf %add3A_1140, %mul3A_1177 : vector<16xf32>
        %add3A_1179 = arith.constant 32 : i32
        %add3A_1180 = arith.addi %multiple_of3A_88, %add3A_1179 : i32
        %get3A_1181 = arith.constant 28 : i32
        %get3A_1182 = arith.index_cast %get3A_1181 : i32 to index
        %get3A_1183 = arith.index_cast %add3A_1180 : i32 to index
        %get3A_1184 = tpu.vector_load %arg9[%get3A_1182, %get3A_1183] {strides = array<i32>} : memref<33x1024xf32, #tpu.memory_space<vmem>>, vector<1x16xf32>,
        %get3A_1185 = vector.shape_cast %get3A_1184 : vector<1x16xf32> to vector<16xf32>
        %mul3A_1186 = arith.mulf %gather3A_1162, %get3A_1185 : vector<16xf32>
        %add3A_1187 = arith.addf %add3A_1149, %mul3A_1186 : vector<16xf32>
        %add3A_1188 = arith.constant 48 : i32
        %add3A_1189 = arith.addi %multiple_of3A_88, %add3A_1188 : i32
        %get3A_1190 = arith.constant 28 : i32
        %get3A_1191 = arith.index_cast %get3A_1190 : i32 to index
        %get3A_1192 = arith.index_cast %add3A_1189 : i32 to index
        %get3A_1193 = tpu.vector_load %arg9[%get3A_1191, %get3A_1192] {strides = array<i32>} : memref<33x1024xf32, #tpu.memory_space<vmem>>, vector<1x16xf32>,
        %get3A_1194 = vector.shape_cast %get3A_1193 : vector<1x16xf32> to vector<16xf32>
        %mul3A_1195 = arith.mulf %gather3A_1162, %get3A_1194 : vector<16xf32>
        %add3A_1196 = arith.addf %add3A_1158, %mul3A_1195 : vector<16xf32>
        %broadcast_in_dim3A_1197 = arith.constant 13 : i32
        %broadcast_in_dim3A_1198 = vector.broadcast %broadcast_in_dim3A_1197 : i32 to vector<16x1xi32>
        %gather3A_1199 = vector.shape_cast %broadcast_in_dim3A_1198 : vector<16x1xi32> to vector<16xi32>
        %gather3A_1200 = tpu.dynamic_gather %get3A_80[%gather3A_1199] in [0] : vector<16xf32>, vector<16xi32> -> vector<16xf32>
        %get3A_1201 = arith.constant 29 : i32
        %get3A_1202 = arith.index_cast %get3A_1201 : i32 to index
        %get3A_1203 = arith.index_cast %multiple_of3A_88 : i32 to index
        %get3A_1204 = tpu.vector_load %arg9[%get3A_1202, %get3A_1203] {strides = array<i32>} : memref<33x1024xf32, #tpu.memory_space<vmem>>, vector<1x16xf32>,
        %get3A_1205 = vector.shape_cast %get3A_1204 : vector<1x16xf32> to vector<16xf32>
        %mul3A_1206 = arith.mulf %gather3A_1200, %get3A_1205 : vector<16xf32>
        %add3A_1207 = arith.addf %add3A_1169, %mul3A_1206 : vector<16xf32>
        %add3A_1208 = arith.constant 16 : i32
        %add3A_1209 = arith.addi %multiple_of3A_88, %add3A_1208 : i32
        %get3A_1210 = arith.constant 29 : i32
        %get3A_1211 = arith.index_cast %get3A_1210 : i32 to index
        %get3A_1212 = arith.index_cast %add3A_1209 : i32 to index
        %get3A_1213 = tpu.vector_load %arg9[%get3A_1211, %get3A_1212] {strides = array<i32>} : memref<33x1024xf32, #tpu.memory_space<vmem>>, vector<1x16xf32>,
        %get3A_1214 = vector.shape_cast %get3A_1213 : vector<1x16xf32> to vector<16xf32>
        %mul3A_1215 = arith.mulf %gather3A_1200, %get3A_1214 : vector<16xf32>
        %add3A_1216 = arith.addf %add3A_1178, %mul3A_1215 : vector<16xf32>
        %add3A_1217 = arith.constant 32 : i32
        %add3A_1218 = arith.addi %multiple_of3A_88, %add3A_1217 : i32
        %get3A_1219 = arith.constant 29 : i32
        %get3A_1220 = arith.index_cast %get3A_1219 : i32 to index
        %get3A_1221 = arith.index_cast %add3A_1218 : i32 to index
        %get3A_1222 = tpu.vector_load %arg9[%get3A_1220, %get3A_1221] {strides = array<i32>} : memref<33x1024xf32, #tpu.memory_space<vmem>>, vector<1x16xf32>,
        %get3A_1223 = vector.shape_cast %get3A_1222 : vector<1x16xf32> to vector<16xf32>
        %mul3A_1224 = arith.mulf %gather3A_1200, %get3A_1223 : vector<16xf32>
        %add3A_1225 = arith.addf %add3A_1187, %mul3A_1224 : vector<16xf32>
        %add3A_1226 = arith.constant 48 : i32
        %add3A_1227 = arith.addi %multiple_of3A_88, %add3A_1226 : i32
        %get3A_1228 = arith.constant 29 : i32
        %get3A_1229 = arith.index_cast %get3A_1228 : i32 to index
        %get3A_1230 = arith.index_cast %add3A_1227 : i32 to index
        %get3A_1231 = tpu.vector_load %arg9[%get3A_1229, %get3A_1230] {strides = array<i32>} : memref<33x1024xf32, #tpu.memory_space<vmem>>, vector<1x16xf32>,
        %get3A_1232 = vector.shape_cast %get3A_1231 : vector<1x16xf32> to vector<16xf32>
        %mul3A_1233 = arith.mulf %gather3A_1200, %get3A_1232 : vector<16xf32>
        %add3A_1234 = arith.addf %add3A_1196, %mul3A_1233 : vector<16xf32>
        %broadcast_in_dim3A_1235 = arith.constant 14 : i32
        %broadcast_in_dim3A_1236 = vector.broadcast %broadcast_in_dim3A_1235 : i32 to vector<16x1xi32>
        %gather3A_1237 = vector.shape_cast %broadcast_in_dim3A_1236 : vector<16x1xi32> to vector<16xi32>
        %gather3A_1238 = tpu.dynamic_gather %get3A_80[%gather3A_1237] in [0] : vector<16xf32>, vector<16xi32> -> vector<16xf32>
        %get3A_1239 = arith.constant 30 : i32
        %get3A_1240 = arith.index_cast %get3A_1239 : i32 to index
        %get3A_1241 = arith.index_cast %multiple_of3A_88 : i32 to index
        %get3A_1242 = tpu.vector_load %arg9[%get3A_1240, %get3A_1241] {strides = array<i32>} : memref<33x1024xf32, #tpu.memory_space<vmem>>, vector<1x16xf32>,
        %get3A_1243 = vector.shape_cast %get3A_1242 : vector<1x16xf32> to vector<16xf32>
        %mul3A_1244 = arith.mulf %gather3A_1238, %get3A_1243 : vector<16xf32>
        %add3A_1245 = arith.addf %add3A_1207, %mul3A_1244 : vector<16xf32>
        %add3A_1246 = arith.constant 16 : i32
        %add3A_1247 = arith.addi %multiple_of3A_88, %add3A_1246 : i32
        %get3A_1248 = arith.constant 30 : i32
        %get3A_1249 = arith.index_cast %get3A_1248 : i32 to index
        %get3A_1250 = arith.index_cast %add3A_1247 : i32 to index
        %get3A_1251 = tpu.vector_load %arg9[%get3A_1249, %get3A_1250] {strides = array<i32>} : memref<33x1024xf32, #tpu.memory_space<vmem>>, vector<1x16xf32>,
        %get3A_1252 = vector.shape_cast %get3A_1251 : vector<1x16xf32> to vector<16xf32>
        %mul3A_1253 = arith.mulf %gather3A_1238, %get3A_1252 : vector<16xf32>
        %add3A_1254 = arith.addf %add3A_1216, %mul3A_1253 : vector<16xf32>
        %add3A_1255 = arith.constant 32 : i32
        %add3A_1256 = arith.addi %multiple_of3A_88, %add3A_1255 : i32
        %get3A_1257 = arith.constant 30 : i32
        %get3A_1258 = arith.index_cast %get3A_1257 : i32 to index
        %get3A_1259 = arith.index_cast %add3A_1256 : i32 to index
        %get3A_1260 = tpu.vector_load %arg9[%get3A_1258, %get3A_1259] {strides = array<i32>} : memref<33x1024xf32, #tpu.memory_space<vmem>>, vector<1x16xf32>,
        %get3A_1261 = vector.shape_cast %get3A_1260 : vector<1x16xf32> to vector<16xf32>
        %mul3A_1262 = arith.mulf %gather3A_1238, %get3A_1261 : vector<16xf32>
        %add3A_1263 = arith.addf %add3A_1225, %mul3A_1262 : vector<16xf32>
        %add3A_1264 = arith.constant 48 : i32
        %add3A_1265 = arith.addi %multiple_of3A_88, %add3A_1264 : i32
        %get3A_1266 = arith.constant 30 : i32
        %get3A_1267 = arith.index_cast %get3A_1266 : i32 to index
        %get3A_1268 = arith.index_cast %add3A_1265 : i32 to index
        %get3A_1269 = tpu.vector_load %arg9[%get3A_1267, %get3A_1268] {strides = array<i32>} : memref<33x1024xf32, #tpu.memory_space<vmem>>, vector<1x16xf32>,
        %get3A_1270 = vector.shape_cast %get3A_1269 : vector<1x16xf32> to vector<16xf32>
        %mul3A_1271 = arith.mulf %gather3A_1238, %get3A_1270 : vector<16xf32>
        %add3A_1272 = arith.addf %add3A_1234, %mul3A_1271 : vector<16xf32>
        %broadcast_in_dim3A_1273 = arith.constant 15 : i32
        %broadcast_in_dim3A_1274 = vector.broadcast %broadcast_in_dim3A_1273 : i32 to vector<16x1xi32>
        %gather3A_1275 = vector.shape_cast %broadcast_in_dim3A_1274 : vector<16x1xi32> to vector<16xi32>
        %gather3A_1276 = tpu.dynamic_gather %get3A_80[%gather3A_1275] in [0] : vector<16xf32>, vector<16xi32> -> vector<16xf32>
        %get3A_1277 = arith.constant 31 : i32
        %get3A_1278 = arith.index_cast %get3A_1277 : i32 to index
        %get3A_1279 = arith.index_cast %multiple_of3A_88 : i32 to index
        %get3A_1280 = tpu.vector_load %arg9[%get3A_1278, %get3A_1279] {strides = array<i32>} : memref<33x1024xf32, #tpu.memory_space<vmem>>, vector<1x16xf32>,
        %get3A_1281 = vector.shape_cast %get3A_1280 : vector<1x16xf32> to vector<16xf32>
        %mul3A_1282 = arith.mulf %gather3A_1276, %get3A_1281 : vector<16xf32>
        %add3A_1283 = arith.addf %add3A_1245, %mul3A_1282 : vector<16xf32>
        %add3A_1284 = arith.constant 16 : i32
        %add3A_1285 = arith.addi %multiple_of3A_88, %add3A_1284 : i32
        %get3A_1286 = arith.constant 31 : i32
        %get3A_1287 = arith.index_cast %get3A_1286 : i32 to index
        %get3A_1288 = arith.index_cast %add3A_1285 : i32 to index
        %get3A_1289 = tpu.vector_load %arg9[%get3A_1287, %get3A_1288] {strides = array<i32>} : memref<33x1024xf32, #tpu.memory_space<vmem>>, vector<1x16xf32>,
        %get3A_1290 = vector.shape_cast %get3A_1289 : vector<1x16xf32> to vector<16xf32>
        %mul3A_1291 = arith.mulf %gather3A_1276, %get3A_1290 : vector<16xf32>
        %add3A_1292 = arith.addf %add3A_1254, %mul3A_1291 : vector<16xf32>
        %add3A_1293 = arith.constant 32 : i32
        %add3A_1294 = arith.addi %multiple_of3A_88, %add3A_1293 : i32
        %get3A_1295 = arith.constant 31 : i32
        %get3A_1296 = arith.index_cast %get3A_1295 : i32 to index
        %get3A_1297 = arith.index_cast %add3A_1294 : i32 to index
        %get3A_1298 = tpu.vector_load %arg9[%get3A_1296, %get3A_1297] {strides = array<i32>} : memref<33x1024xf32, #tpu.memory_space<vmem>>, vector<1x16xf32>,
        %get3A_1299 = vector.shape_cast %get3A_1298 : vector<1x16xf32> to vector<16xf32>
        %mul3A_1300 = arith.mulf %gather3A_1276, %get3A_1299 : vector<16xf32>
        %add3A_1301 = arith.addf %add3A_1263, %mul3A_1300 : vector<16xf32>
        %add3A_1302 = arith.constant 48 : i32
        %add3A_1303 = arith.addi %multiple_of3A_88, %add3A_1302 : i32
        %get3A_1304 = arith.constant 31 : i32
        %get3A_1305 = arith.index_cast %get3A_1304 : i32 to index
        %get3A_1306 = arith.index_cast %add3A_1303 : i32 to index
        %get3A_1307 = tpu.vector_load %arg9[%get3A_1305, %get3A_1306] {strides = array<i32>} : memref<33x1024xf32, #tpu.memory_space<vmem>>, vector<1x16xf32>,
        %get3A_1308 = vector.shape_cast %get3A_1307 : vector<1x16xf32> to vector<16xf32>
        %mul3A_1309 = arith.mulf %gather3A_1276, %get3A_1308 : vector<16xf32>
        %add3A_1310 = arith.addf %add3A_1272, %mul3A_1309 : vector<16xf32>
        %broadcast_in_dim3A_1311 = arith.constant 0 : i32
        %broadcast_in_dim3A_1312 = vector.broadcast %broadcast_in_dim3A_1311 : i32 to vector<16x1xi32>
        %gather3A_1313 = vector.shape_cast %broadcast_in_dim3A_1312 : vector<16x1xi32> to vector<16xi32>
        %gather3A_1314 = tpu.dynamic_gather %get3A_85[%gather3A_1313] in [0] : vector<16xf32>, vector<16xi32> -> vector<16xf32>
        %get3A_1315 = arith.constant 32 : i32
        %get3A_1316 = arith.index_cast %get3A_1315 : i32 to index
        %get3A_1317 = arith.index_cast %multiple_of3A_88 : i32 to index
        %get3A_1318 = tpu.vector_load %arg9[%get3A_1316, %get3A_1317] {strides = array<i32>} : memref<33x1024xf32, #tpu.memory_space<vmem>>, vector<1x16xf32>,
        %get3A_1319 = vector.shape_cast %get3A_1318 : vector<1x16xf32> to vector<16xf32>
        %mul3A_1320 = arith.mulf %gather3A_1314, %get3A_1319 : vector<16xf32>
        %add3A_1321 = arith.addf %add3A_1283, %mul3A_1320 : vector<16xf32>
        %add3A_1322 = arith.constant 16 : i32
        %add3A_1323 = arith.addi %multiple_of3A_88, %add3A_1322 : i32
        %get3A_1324 = arith.constant 32 : i32
        %get3A_1325 = arith.index_cast %get3A_1324 : i32 to index
        %get3A_1326 = arith.index_cast %add3A_1323 : i32 to index
        %get3A_1327 = tpu.vector_load %arg9[%get3A_1325, %get3A_1326] {strides = array<i32>} : memref<33x1024xf32, #tpu.memory_space<vmem>>, vector<1x16xf32>,
        %get3A_1328 = vector.shape_cast %get3A_1327 : vector<1x16xf32> to vector<16xf32>
        %mul3A_1329 = arith.mulf %gather3A_1314, %get3A_1328 : vector<16xf32>
        %add3A_1330 = arith.addf %add3A_1292, %mul3A_1329 : vector<16xf32>
        %add3A_1331 = arith.constant 32 : i32
        %add3A_1332 = arith.addi %multiple_of3A_88, %add3A_1331 : i32
        %get3A_1333 = arith.constant 32 : i32
        %get3A_1334 = arith.index_cast %get3A_1333 : i32 to index
        %get3A_1335 = arith.index_cast %add3A_1332 : i32 to index
        %get3A_1336 = tpu.vector_load %arg9[%get3A_1334, %get3A_1335] {strides = array<i32>} : memref<33x1024xf32, #tpu.memory_space<vmem>>, vector<1x16xf32>,
        %get3A_1337 = vector.shape_cast %get3A_1336 : vector<1x16xf32> to vector<16xf32>
        %mul3A_1338 = arith.mulf %gather3A_1314, %get3A_1337 : vector<16xf32>
        %add3A_1339 = arith.addf %add3A_1301, %mul3A_1338 : vector<16xf32>
        %add3A_1340 = arith.constant 48 : i32
        %add3A_1341 = arith.addi %multiple_of3A_88, %add3A_1340 : i32
        %get3A_1342 = arith.constant 32 : i32
        %get3A_1343 = arith.index_cast %get3A_1342 : i32 to index
        %get3A_1344 = arith.index_cast %add3A_1341 : i32 to index
        %get3A_1345 = tpu.vector_load %arg9[%get3A_1343, %get3A_1344] {strides = array<i32>} : memref<33x1024xf32, #tpu.memory_space<vmem>>, vector<1x16xf32>,
        %get3A_1346 = vector.shape_cast %get3A_1345 : vector<1x16xf32> to vector<16xf32>
        %mul3A_1347 = arith.mulf %gather3A_1314, %get3A_1346 : vector<16xf32>
        %add3A_1348 = arith.addf %add3A_1310, %mul3A_1347 : vector<16xf32>
        %swap3A = arith.index_cast %multiple_of3A_88 : i32 to index
        %swap3A_1349 = tpu.vector_load %arg10[%swap3A] {strides = array<i32>} : memref<1024xf32, #tpu.memory_space<vmem>>, vector<16xf32>,
        %swap3A_1350 = vector.shape_cast %swap3A_1349 : vector<16xf32> to vector<16xf32>
        %swap3A_1351 = vector.shape_cast %add3A_1321 : vector<16xf32> to vector<16xf32>
        tpu.vector_store %arg10[%swap3A], %swap3A_1351 {strides = array<i32>} : memref<1024xf32, #tpu.memory_space<vmem>>, vector<16xf32>,
        %add3A_1352 = arith.constant 16 : i32
        %add3A_1353 = arith.addi %multiple_of3A_88, %add3A_1352 : i32
        %swap3A_1354 = arith.index_cast %add3A_1353 : i32 to index
        %swap3A_1355 = tpu.vector_load %arg10[%swap3A_1354] {strides = array<i32>} : memref<1024xf32, #tpu.memory_space<vmem>>, vector<16xf32>,
        %swap3A_1356 = vector.shape_cast %swap3A_1355 : vector<16xf32> to vector<16xf32>
        %swap3A_1357 = vector.shape_cast %add3A_1330 : vector<16xf32> to vector<16xf32>
        tpu.vector_store %arg10[%swap3A_1354], %swap3A_1357 {strides = array<i32>} : memref<1024xf32, #tpu.memory_space<vmem>>, vector<16xf32>,
        %add3A_1358 = arith.constant 32 : i32
        %add3A_1359 = arith.addi %multiple_of3A_88, %add3A_1358 : i32
        %swap3A_1360 = arith.index_cast %add3A_1359 : i32 to index
        %swap3A_1361 = tpu.vector_load %arg10[%swap3A_1360] {strides = array<i32>} : memref<1024xf32, #tpu.memory_space<vmem>>, vector<16xf32>,
        %swap3A_1362 = vector.shape_cast %swap3A_1361 : vector<16xf32> to vector<16xf32>
        %swap3A_1363 = vector.shape_cast %add3A_1339 : vector<16xf32> to vector<16xf32>
        tpu.vector_store %arg10[%swap3A_1360], %swap3A_1363 {strides = array<i32>} : memref<1024xf32, #tpu.memory_space<vmem>>, vector<16xf32>,
        %add3A_1364 = arith.constant 48 : i32
        %add3A_1365 = arith.addi %multiple_of3A_88, %add3A_1364 : i32
        %swap3A_1366 = arith.index_cast %add3A_1365 : i32 to index
        %swap3A_1367 = tpu.vector_load %arg10[%swap3A_1366] {strides = array<i32>} : memref<1024xf32, #tpu.memory_space<vmem>>, vector<16xf32>,
        %swap3A_1368 = vector.shape_cast %swap3A_1367 : vector<16xf32> to vector<16xf32>
        %swap3A_1369 = vector.shape_cast %add3A_1348 : vector<16xf32> to vector<16xf32>
        tpu.vector_store %arg10[%swap3A_1366], %swap3A_1369 {strides = array<i32>} : memref<1024xf32, #tpu.memory_space<vmem>>, vector<16xf32>,
      }
      %scan3A_64 = arith.constant 16 : i32
      %add3A_65 = arith.addi %mul3A_2, %add3A_58 : i32
      %mul3A_66 = arith.constant 1024 : i32
      %mul3A_67 = arith.muli %add3A_65, %mul3A_66 : i32
      "tpu.region"() ({
        %run_scoped3A = tpu.sem_alloc : memref<!tpu.dma_semaphore, #tpu.memory_space<semaphore_mem>>
        %dma_start3A_68 = tpu.memref_slice %arg5[%mul3A_67] : memref<917504xf32, #tpu.memory_space<hbm>> -> memref<1024xf32, #tpu.memory_space<hbm>>
        %dma_start3A_69 = tpu.memref_slice %arg5[%mul3A_67] : memref<917504xf32, #tpu.memory_space<hbm>> -> memref<1024xf32, #tpu.memory_space<hbm>>
        tpu.enqueue_dma source(%arg10 : memref<1024xf32, #tpu.memory_space<vmem>>) target(%dma_start3A_69 : memref<1024xf32, #tpu.memory_space<hbm>>) target_semaphore(%run_scoped3A : memref<!tpu.dma_semaphore, #tpu.memory_space<semaphore_mem>>)
        %dma_wait3A_70 = tpu.memref_slice %arg5[%mul3A_67] : memref<917504xf32, #tpu.memory_space<hbm>> -> memref<1024xf32, #tpu.memory_space<hbm>>
        %dma_wait3A_71 = tpu.memref_slice %arg5[%mul3A_67] : memref<917504xf32, #tpu.memory_space<hbm>> -> memref<1024xf32, #tpu.memory_space<hbm>>
        tpu.wait_dma2 semaphore(%run_scoped3A : memref<!tpu.dma_semaphore, #tpu.memory_space<semaphore_mem>>) src(%arg10 : memref<1024xf32, #tpu.memory_space<vmem>>) dst(%dma_wait3A_71 : memref<1024xf32, #tpu.memory_space<hbm>>)
        tpu.yield
      }) : () -> ()
    }
    %scan3A_19 = arith.constant 14 : i32
    return
  }
}

module attributes {stable_mosaic.version = 14 : i64} {
  func.func @_pre_kernel(%arg0: i32, %arg1: memref<1x256x1024xf32, #tpu.memory_space<vmem>>, %arg2: memref<1024x48xf32, #tpu.memory_space<vmem>>, %arg3: memref<1x48xf32, #tpu.memory_space<vmem>>, %arg4: memref<1024x256xf32, #tpu.memory_space<vmem>>, %arg5: memref<1x256xf32, #tpu.memory_space<vmem>>, %arg6: memref<256x16xf32, #tpu.memory_space<vmem>>, %arg7: memref<256x16x40xf32, #tpu.memory_space<vmem>>, %arg8: memref<256x40xi32, #tpu.memory_space<vmem>>) attributes {dimension_semantics = [#tpu.dimension_semantics<arbitrary>], iteration_bounds = array<i64: 8>, scalar_prefetch = 0 : i64, scratch_operands = 0 : i64, tpu.core_type = #tpu.core_type<tc>, window_params = [{transform_indices = @transform_0, window_bounds = array<i64: 1, 256, 1024>}, {pipeline_mode = #tpu.pipeline_mode<synchronous>, transform_indices = @transform_1, window_bounds = array<i64: 1024, 48>}, {pipeline_mode = #tpu.pipeline_mode<synchronous>, transform_indices = @transform_2, window_bounds = array<i64: 1, 48>}, {pipeline_mode = #tpu.pipeline_mode<synchronous>, transform_indices = @transform_3, window_bounds = array<i64: 1024, 256>}, {pipeline_mode = #tpu.pipeline_mode<synchronous>, transform_indices = @transform_4, window_bounds = array<i64: 1, 256>}, {pipeline_mode = #tpu.pipeline_mode<synchronous>, transform_indices = @transform_5, window_bounds = array<i64: 256, 16>}, {transform_indices = @transform_6, window_bounds = array<i64: 256, 16, 40>}, {transform_indices = @transform_7, window_bounds = array<i64: 256, 40>}]} {
    %get3A = arith.constant 0 : index
    %get3A_0 = arith.constant 0 : index
    %get3A_1 = arith.constant 0 : index
    %get3A_2 = vector.load %arg1[%get3A, %get3A_0, %get3A_1] : memref<1x256x1024xf32, #tpu.memory_space<vmem>>, vector<1x256x1024xf32>
    %get3A_3 = vector.shape_cast %get3A_2 : vector<1x256x1024xf32> to vector<256x1024xf32>
    %get3A_4 = arith.constant 0 : index
    %get3A_5 = arith.constant 0 : index
    %get3A_6 = vector.load %arg2[%get3A_4, %get3A_5] : memref<1024x48xf32, #tpu.memory_space<vmem>>, vector<1024x48xf32>
    %dot_general3A = arith.constant dense<0.000000e+00> : vector<256x48xf32>
    %dot_general3A_7 = tpu.matmul %get3A_3, %get3A_6, %dot_general3A {dimension_numbers = #tpu.dot_dimension_numbers<[1], [0], [0], [1], [0, 0, 1, 1], [], []>, transpose_lhs_hint = false} : vector<256x1024xf32>, vector<1024x48xf32>, vector<256x48xf32> -> vector<256x48xf32>
    %get3A_8 = arith.constant 0 : index
    %get3A_9 = arith.constant 0 : index
    %get3A_10 = vector.load %arg3[%get3A_8, %get3A_9] : memref<1x48xf32, #tpu.memory_space<vmem>>, vector<1x48xf32>
    %add3A = vector.broadcast %get3A_10 : vector<1x48xf32> to vector<256x48xf32>
    %add3A_11 = arith.addf %dot_general3A_7, %add3A : vector<256x48xf32>
    %logistic3A = arith.negf %add3A_11 : vector<256x48xf32>
    %logistic3A_12 = math.exp %logistic3A : vector<256x48xf32>
    %logistic3A_13 = arith.constant 1.000000e+00 : f32
    %logistic3A_14 = vector.broadcast %logistic3A_13 : f32 to vector<256x48xf32>
    %logistic3A_15 = arith.addf %logistic3A_14, %logistic3A_12 : vector<256x48xf32>
    %logistic3A_16 = arith.divf %logistic3A_14, %logistic3A_15 : vector<256x48xf32>
    %mul3A = arith.mulf %add3A_11, %logistic3A_16 : vector<256x48xf32>
    %get3A_17 = arith.constant 0 : index
    %get3A_18 = arith.constant 0 : index
    %get3A_19 = vector.load %arg4[%get3A_17, %get3A_18] : memref<1024x256xf32, #tpu.memory_space<vmem>>, vector<1024x256xf32>
    %dot_general3A_20 = arith.constant dense<0.000000e+00> : vector<256x256xf32>
    %dot_general3A_21 = tpu.matmul %get3A_3, %get3A_19, %dot_general3A_20 {dimension_numbers = #tpu.dot_dimension_numbers<[1], [0], [0], [1], [0, 0, 1, 1], [], []>, transpose_lhs_hint = false} : vector<256x1024xf32>, vector<1024x256xf32>, vector<256x256xf32> -> vector<256x256xf32>
    %get3A_22 = arith.constant 0 : index
    %get3A_23 = arith.constant 0 : index
    %get3A_24 = vector.load %arg5[%get3A_22, %get3A_23] : memref<1x256xf32, #tpu.memory_space<vmem>>, vector<1x256xf32>
    %add3A_25 = vector.broadcast %get3A_24 : vector<1x256xf32> to vector<256x256xf32>
    %add3A_26 = arith.addf %dot_general3A_21, %add3A_25 : vector<256x256xf32>
    %logistic3A_27 = arith.negf %add3A_26 : vector<256x256xf32>
    %logistic3A_28 = math.exp %logistic3A_27 : vector<256x256xf32>
    %logistic3A_29 = arith.constant 1.000000e+00 : f32
    %logistic3A_30 = vector.broadcast %logistic3A_29 : f32 to vector<256x256xf32>
    %logistic3A_31 = arith.addf %logistic3A_30, %logistic3A_28 : vector<256x256xf32>
    %logistic3A_32 = arith.divf %logistic3A_30, %logistic3A_31 : vector<256x256xf32>
    %mul3A_33 = arith.mulf %add3A_26, %logistic3A_32 : vector<256x256xf32>
    %slice3A = vector.extract_strided_slice %mul3A {offsets = [0, 0], sizes = [256, 16], strides = [1, 1]} : vector<256x48xf32> to vector<256x16xf32>
    %logistic3A_34 = arith.negf %slice3A : vector<256x16xf32>
    %logistic3A_35 = math.exp %logistic3A_34 : vector<256x16xf32>
    %logistic3A_36 = arith.constant 1.000000e+00 : f32
    %logistic3A_37 = vector.broadcast %logistic3A_36 : f32 to vector<256x16xf32>
    %logistic3A_38 = arith.addf %logistic3A_37, %logistic3A_35 : vector<256x16xf32>
    %logistic3A_39 = arith.divf %logistic3A_37, %logistic3A_38 : vector<256x16xf32>
    %mul3A_40 = arith.constant 1.500000e+01 : f32
    %mul3A_41 = vector.broadcast %mul3A_40 : f32 to vector<256x16xf32>
    %mul3A_42 = arith.mulf %logistic3A_39, %mul3A_41 : vector<256x16xf32>
    %add3A_43 = arith.constant 1.000000e+00 : f32
    %add3A_44 = vector.broadcast %add3A_43 : f32 to vector<256x16xf32>
    %add3A_45 = arith.addf %mul3A_42, %add3A_44 : vector<256x16xf32>
    %slice3A_46 = vector.extract_strided_slice %mul3A {offsets = [0, 16], sizes = [256, 16], strides = [1, 1]} : vector<256x48xf32> to vector<256x16xf32>
    %tanh3A = math.tanh %slice3A_46 : vector<256x16xf32>
    %mul3A_47 = arith.constant 1.600000e+01 : f32
    %mul3A_48 = vector.broadcast %mul3A_47 : f32 to vector<256x16xf32>
    %mul3A_49 = arith.mulf %tanh3A, %mul3A_48 : vector<256x16xf32>
    %slice3A_50 = vector.extract_strided_slice %mul3A {offsets = [0, 32], sizes = [256, 16], strides = [1, 1]} : vector<256x48xf32> to vector<256x16xf32>
    %logistic3A_51 = arith.negf %slice3A_50 : vector<256x16xf32>
    %logistic3A_52 = math.exp %logistic3A_51 : vector<256x16xf32>
    %logistic3A_53 = arith.constant 1.000000e+00 : f32
    %logistic3A_54 = vector.broadcast %logistic3A_53 : f32 to vector<256x16xf32>
    %logistic3A_55 = arith.addf %logistic3A_54, %logistic3A_52 : vector<256x16xf32>
    %logistic3A_56 = arith.divf %logistic3A_54, %logistic3A_55 : vector<256x16xf32>
    %mul3A_57 = arith.constant 9.500000e+00 : f32
    %mul3A_58 = vector.broadcast %mul3A_57 : f32 to vector<256x16xf32>
    %mul3A_59 = arith.mulf %logistic3A_56, %mul3A_58 : vector<256x16xf32>
    %add3A_60 = arith.constant 5.000000e-01 : f32
    %add3A_61 = vector.broadcast %add3A_60 : f32 to vector<256x16xf32>
    %add3A_62 = arith.addf %mul3A_59, %add3A_61 : vector<256x16xf32>
    %reduce_sum3A = arith.constant dense<0.000000e+00> : vector<256xf32>
    %reduce_sum3A_63 = vector.multi_reduction <add>, %add3A_45, %reduce_sum3A [1] : vector<256x16xf32> to vector<256xf32>
    %broadcast_in_dim3A = vector.shape_cast %reduce_sum3A_63 : vector<256xf32> to vector<256x1xf32>
    %div3A = arith.constant 1.600000e+01 : f32
    %div3A_64 = vector.broadcast %div3A : f32 to vector<256x1xf32>
    %div3A_65 = arith.divf %broadcast_in_dim3A, %div3A_64 : vector<256x1xf32>
    %reduce_sum3A_66 = arith.constant dense<0.000000e+00> : vector<256xf32>
    %reduce_sum3A_67 = vector.multi_reduction <add>, %mul3A_49, %reduce_sum3A_66 [1] : vector<256x16xf32> to vector<256xf32>
    %broadcast_in_dim3A_68 = vector.shape_cast %reduce_sum3A_67 : vector<256xf32> to vector<256x1xf32>
    %div3A_69 = arith.constant 1.600000e+01 : f32
    %div3A_70 = vector.broadcast %div3A_69 : f32 to vector<256x1xf32>
    %div3A_71 = arith.divf %broadcast_in_dim3A_68, %div3A_70 : vector<256x1xf32>
    %reduce_sum3A_72 = arith.constant dense<0.000000e+00> : vector<256xf32>
    %reduce_sum3A_73 = vector.multi_reduction <add>, %add3A_62, %reduce_sum3A_72 [1] : vector<256x16xf32> to vector<256xf32>
    %broadcast_in_dim3A_74 = vector.shape_cast %reduce_sum3A_73 : vector<256xf32> to vector<256x1xf32>
    %div3A_75 = arith.constant 1.600000e+01 : f32
    %div3A_76 = vector.broadcast %div3A_75 : f32 to vector<256x1xf32>
    %div3A_77 = arith.divf %broadcast_in_dim3A_74, %div3A_76 : vector<256x1xf32>
    %get3A_78 = arith.constant 0 : index
    %get3A_79 = arith.constant 0 : index
    %get3A_80 = vector.load %arg6[%get3A_78, %get3A_79] : memref<256x16xf32, #tpu.memory_space<vmem>>, vector<256x16xf32>
    %dot_general3A_81 = arith.constant dense<0.000000e+00> : vector<256x16xf32>
    %dot_general3A_82 = tpu.matmul %mul3A_33, %get3A_80, %dot_general3A_81 {dimension_numbers = #tpu.dot_dimension_numbers<[1], [0], [0], [1], [0, 0, 1, 1], [], []>, transpose_lhs_hint = false} : vector<256x256xf32>, vector<256x16xf32>, vector<256x16xf32> -> vector<256x16xf32>
    %iota3A = tpu.iota {dimensions = array<i32: 1>} : vector<1x33xi32>
    %sub3A = arith.constant 16 : i32
    %sub3A_83 = vector.broadcast %sub3A : i32 to vector<1x33xi32>
    %sub3A_84 = arith.subi %iota3A, %sub3A_83 : vector<1x33xi32>
    %convert_element_type3A = arith.sitofp %sub3A_84 : vector<1x33xi32> to vector<1x33xf32>
    %iota3A_85 = tpu.iota {dimensions = array<i32: 0>} : vector<256x1xi32>
    %mul3A_86 = arith.constant 256 : i32
    %mul3A_87 = arith.muli %arg0, %mul3A_86 : i32
    %add3A_88 = vector.broadcast %mul3A_87 : i32 to vector<256x1xi32>
    %add3A_89 = arith.addi %iota3A_85, %add3A_88 : vector<256x1xi32>
    %convert_element_type3A_90 = arith.sitofp %add3A_89 : vector<256x1xi32> to vector<256x1xf32>
    %mul3A_91 = vector.broadcast %convert_element_type3A : vector<1x33xf32> to vector<256x33xf32>
    %mul3A_92 = vector.broadcast %div3A_65 : vector<256x1xf32> to vector<256x33xf32>
    %mul3A_93 = arith.mulf %mul3A_91, %mul3A_92 : vector<256x33xf32>
    %add3A_94 = vector.broadcast %convert_element_type3A_90 : vector<256x1xf32> to vector<256x33xf32>
    %add3A_95 = arith.addf %add3A_94, %mul3A_93 : vector<256x33xf32>
    %add3A_96 = vector.broadcast %div3A_71 : vector<256x1xf32> to vector<256x33xf32>
    %add3A_97 = arith.addf %add3A_95, %add3A_96 : vector<256x33xf32>
    %ge3A = arith.constant 0.000000e+00 : f32
    %ge3A_98 = vector.broadcast %ge3A : f32 to vector<256x33xf32>
    %ge3A_99 = arith.cmpf oge, %add3A_97, %ge3A_98 : vector<256x33xf32>
    %lt3A = arith.constant 2.048000e+03 : f32
    %lt3A_100 = vector.broadcast %lt3A : f32 to vector<256x33xf32>
    %lt3A_101 = arith.cmpf olt, %add3A_97, %lt3A_100 : vector<256x33xf32>
    %and3A = arith.andi %ge3A_99, %lt3A_101 : vector<256x33xi1>
    %convert_element_type3A_102 = arith.extui %and3A : vector<256x33xi1> to vector<256x33xi32>
    %convert_element_type3A_103 = arith.sitofp %convert_element_type3A_102 : vector<256x33xi32> to vector<256x33xf32>
    %convert_element_type3A_104 = arith.fptosi %add3A_97 : vector<256x33xf32> to vector<256x33xi32>
    %jit3A = arith.constant 0 : i32
    %jit3A_105 = arith.constant 2047 : i32
    %max3A = vector.broadcast %jit3A : i32 to vector<256x33xi32>
    %max3A_106 = arith.maxsi %max3A, %convert_element_type3A_104 : vector<256x33xi32>
    %min3A = vector.broadcast %jit3A_105 : i32 to vector<256x33xi32>
    %min3A_107 = arith.minsi %min3A, %max3A_106 : vector<256x33xi32>
    %abs3A = math.absf %convert_element_type3A : vector<1x33xf32>
    %mul3A_108 = vector.broadcast %abs3A : vector<1x33xf32> to vector<256x33xf32>
    %mul3A_109 = vector.broadcast %div3A_65 : vector<256x1xf32> to vector<256x33xf32>
    %mul3A_110 = arith.mulf %mul3A_108, %mul3A_109 : vector<256x33xf32>
    %neg3A = arith.constant 0.000000e+00 : f32
    %neg3A_111 = vector.broadcast %neg3A : f32 to vector<256x33xf32>
    %neg3A_112 = arith.subf %neg3A_111, %mul3A_110 : vector<256x33xf32>
    %max3A_113 = arith.constant 1.000000e-01 : f32
    %max3A_114 = vector.broadcast %max3A_113 : f32 to vector<256x1xf32>
    %max3A_115 = arith.maximumf %div3A_77, %max3A_114 : vector<256x1xf32>
    %div3A_116 = vector.broadcast %max3A_115 : vector<256x1xf32> to vector<256x33xf32>
    %div3A_117 = arith.divf %neg3A_112, %div3A_116 : vector<256x33xf32>
    %exp3A = math.exp %div3A_117 : vector<256x33xf32>
    %mul3A_118 = arith.mulf %exp3A, %convert_element_type3A_103 : vector<256x33xf32>
    %mul3A_119 = arith.constant 2.500000e-01 : f32
    %mul3A_120 = vector.broadcast %mul3A_119 : f32 to vector<256x33xf32>
    %mul3A_121 = arith.mulf %mul3A_110, %mul3A_120 : vector<256x33xf32>
    %slice3A_122 = vector.extract_strided_slice %dot_general3A_82 {offsets = [0, 0], sizes = [256, 1], strides = [1, 1]} : vector<256x16xf32> to vector<256x1xf32>
    %mul3A_123 = vector.broadcast %slice3A_122 : vector<256x1xf32> to vector<256x33xf32>
    %mul3A_124 = arith.mulf %mul3A_123, %mul3A_121 : vector<256x33xf32>
    %jit3A_125 = arith.constant -1.000000e+30 : f32
    %broadcast_in_dim3A_126 = vector.broadcast %jit3A_125 : f32 to vector<256x33xf32>
    %select_n3A = arith.select %and3A, %mul3A_124, %broadcast_in_dim3A_126 : vector<256x33xi1>, vector<256x33xf32>
    %reduce_max3A = arith.constant dense<0xFF800000> : vector<256xf32>
    %reduce_max3A_127 = vector.multi_reduction <maximumf>, %select_n3A, %reduce_max3A [1] : vector<256x33xf32> to vector<256xf32>
    %broadcast_in_dim3A_128 = vector.shape_cast %reduce_max3A_127 : vector<256xf32> to vector<256x1xf32>
    %sub3A_129 = vector.broadcast %broadcast_in_dim3A_128 : vector<256x1xf32> to vector<256x33xf32>
    %sub3A_130 = arith.subf %select_n3A, %sub3A_129 : vector<256x33xf32>
    %exp3A_131 = math.exp %sub3A_130 : vector<256x33xf32>
    %reduce_sum3A_132 = arith.constant dense<0.000000e+00> : vector<256xf32>
    %reduce_sum3A_133 = vector.multi_reduction <add>, %exp3A_131, %reduce_sum3A_132 [1] : vector<256x33xf32> to vector<256xf32>
    %broadcast_in_dim3A_134 = vector.shape_cast %reduce_sum3A_133 : vector<256xf32> to vector<256x1xf32>
    %div3A_135 = vector.broadcast %broadcast_in_dim3A_134 : vector<256x1xf32> to vector<256x33xf32>
    %div3A_136 = arith.divf %exp3A_131, %div3A_135 : vector<256x33xf32>
    %mul3A_137 = arith.mulf %div3A_136, %mul3A_118 : vector<256x33xf32>
    %reduce_sum3A_138 = arith.constant dense<0.000000e+00> : vector<256xf32>
    %reduce_sum3A_139 = vector.multi_reduction <add>, %mul3A_137, %reduce_sum3A_138 [1] : vector<256x33xf32> to vector<256xf32>
    %broadcast_in_dim3A_140 = vector.shape_cast %reduce_sum3A_139 : vector<256xf32> to vector<256x1xf32>
    %add3A_141 = arith.constant 9.99999993E-9 : f32
    %add3A_142 = vector.broadcast %add3A_141 : f32 to vector<256x1xf32>
    %add3A_143 = arith.addf %broadcast_in_dim3A_140, %add3A_142 : vector<256x1xf32>
    %div3A_144 = vector.broadcast %add3A_143 : vector<256x1xf32> to vector<256x33xf32>
    %div3A_145 = arith.divf %mul3A_137, %div3A_144 : vector<256x33xf32>
    %swap3A = arith.constant 0 : index
    %swap3A_146 = arith.constant 0 : index
    %swap3A_147 = arith.constant 0 : index
    %swap3A_148 = vector.load %arg7[%swap3A, %swap3A_146, %swap3A_147] : memref<256x16x40xf32, #tpu.memory_space<vmem>>, vector<256x1x33xf32>
    %swap3A_149 = vector.shape_cast %swap3A_148 : vector<256x1x33xf32> to vector<256x33xf32>
    %swap3A_150 = vector.shape_cast %div3A_145 : vector<256x33xf32> to vector<256x1x33xf32>
    tpu.vector_store %arg7[%swap3A, %swap3A_146, %swap3A_147], %swap3A_150 {strides = array<i32>} : memref<256x16x40xf32, #tpu.memory_space<vmem>>, vector<256x1x33xf32>,
    %slice3A_151 = vector.extract_strided_slice %dot_general3A_82 {offsets = [0, 1], sizes = [256, 1], strides = [1, 1]} : vector<256x16xf32> to vector<256x1xf32>
    %mul3A_152 = vector.broadcast %slice3A_151 : vector<256x1xf32> to vector<256x33xf32>
    %mul3A_153 = arith.mulf %mul3A_152, %mul3A_121 : vector<256x33xf32>
    %jit3A_154 = arith.constant -1.000000e+30 : f32
    %broadcast_in_dim3A_155 = vector.broadcast %jit3A_154 : f32 to vector<256x33xf32>
    %select_n3A_156 = arith.select %and3A, %mul3A_153, %broadcast_in_dim3A_155 : vector<256x33xi1>, vector<256x33xf32>
    %reduce_max3A_157 = arith.constant dense<0xFF800000> : vector<256xf32>
    %reduce_max3A_158 = vector.multi_reduction <maximumf>, %select_n3A_156, %reduce_max3A_157 [1] : vector<256x33xf32> to vector<256xf32>
    %broadcast_in_dim3A_159 = vector.shape_cast %reduce_max3A_158 : vector<256xf32> to vector<256x1xf32>
    %sub3A_160 = vector.broadcast %broadcast_in_dim3A_159 : vector<256x1xf32> to vector<256x33xf32>
    %sub3A_161 = arith.subf %select_n3A_156, %sub3A_160 : vector<256x33xf32>
    %exp3A_162 = math.exp %sub3A_161 : vector<256x33xf32>
    %reduce_sum3A_163 = arith.constant dense<0.000000e+00> : vector<256xf32>
    %reduce_sum3A_164 = vector.multi_reduction <add>, %exp3A_162, %reduce_sum3A_163 [1] : vector<256x33xf32> to vector<256xf32>
    %broadcast_in_dim3A_165 = vector.shape_cast %reduce_sum3A_164 : vector<256xf32> to vector<256x1xf32>
    %div3A_166 = vector.broadcast %broadcast_in_dim3A_165 : vector<256x1xf32> to vector<256x33xf32>
    %div3A_167 = arith.divf %exp3A_162, %div3A_166 : vector<256x33xf32>
    %mul3A_168 = arith.mulf %div3A_167, %mul3A_118 : vector<256x33xf32>
    %reduce_sum3A_169 = arith.constant dense<0.000000e+00> : vector<256xf32>
    %reduce_sum3A_170 = vector.multi_reduction <add>, %mul3A_168, %reduce_sum3A_169 [1] : vector<256x33xf32> to vector<256xf32>
    %broadcast_in_dim3A_171 = vector.shape_cast %reduce_sum3A_170 : vector<256xf32> to vector<256x1xf32>
    %add3A_172 = arith.constant 9.99999993E-9 : f32
    %add3A_173 = vector.broadcast %add3A_172 : f32 to vector<256x1xf32>
    %add3A_174 = arith.addf %broadcast_in_dim3A_171, %add3A_173 : vector<256x1xf32>
    %div3A_175 = vector.broadcast %add3A_174 : vector<256x1xf32> to vector<256x33xf32>
    %div3A_176 = arith.divf %mul3A_168, %div3A_175 : vector<256x33xf32>
    %swap3A_177 = arith.constant 0 : index
    %swap3A_178 = arith.constant 1 : index
    %swap3A_179 = arith.constant 0 : index
    %swap3A_180 = vector.load %arg7[%swap3A_177, %swap3A_178, %swap3A_179] : memref<256x16x40xf32, #tpu.memory_space<vmem>>, vector<256x1x33xf32>
    %swap3A_181 = vector.shape_cast %swap3A_180 : vector<256x1x33xf32> to vector<256x33xf32>
    %swap3A_182 = vector.shape_cast %div3A_176 : vector<256x33xf32> to vector<256x1x33xf32>
    tpu.vector_store %arg7[%swap3A_177, %swap3A_178, %swap3A_179], %swap3A_182 {strides = array<i32>} : memref<256x16x40xf32, #tpu.memory_space<vmem>>, vector<256x1x33xf32>,
    %slice3A_183 = vector.extract_strided_slice %dot_general3A_82 {offsets = [0, 2], sizes = [256, 1], strides = [1, 1]} : vector<256x16xf32> to vector<256x1xf32>
    %mul3A_184 = vector.broadcast %slice3A_183 : vector<256x1xf32> to vector<256x33xf32>
    %mul3A_185 = arith.mulf %mul3A_184, %mul3A_121 : vector<256x33xf32>
    %jit3A_186 = arith.constant -1.000000e+30 : f32
    %broadcast_in_dim3A_187 = vector.broadcast %jit3A_186 : f32 to vector<256x33xf32>
    %select_n3A_188 = arith.select %and3A, %mul3A_185, %broadcast_in_dim3A_187 : vector<256x33xi1>, vector<256x33xf32>
    %reduce_max3A_189 = arith.constant dense<0xFF800000> : vector<256xf32>
    %reduce_max3A_190 = vector.multi_reduction <maximumf>, %select_n3A_188, %reduce_max3A_189 [1] : vector<256x33xf32> to vector<256xf32>
    %broadcast_in_dim3A_191 = vector.shape_cast %reduce_max3A_190 : vector<256xf32> to vector<256x1xf32>
    %sub3A_192 = vector.broadcast %broadcast_in_dim3A_191 : vector<256x1xf32> to vector<256x33xf32>
    %sub3A_193 = arith.subf %select_n3A_188, %sub3A_192 : vector<256x33xf32>
    %exp3A_194 = math.exp %sub3A_193 : vector<256x33xf32>
    %reduce_sum3A_195 = arith.constant dense<0.000000e+00> : vector<256xf32>
    %reduce_sum3A_196 = vector.multi_reduction <add>, %exp3A_194, %reduce_sum3A_195 [1] : vector<256x33xf32> to vector<256xf32>
    %broadcast_in_dim3A_197 = vector.shape_cast %reduce_sum3A_196 : vector<256xf32> to vector<256x1xf32>
    %div3A_198 = vector.broadcast %broadcast_in_dim3A_197 : vector<256x1xf32> to vector<256x33xf32>
    %div3A_199 = arith.divf %exp3A_194, %div3A_198 : vector<256x33xf32>
    %mul3A_200 = arith.mulf %div3A_199, %mul3A_118 : vector<256x33xf32>
    %reduce_sum3A_201 = arith.constant dense<0.000000e+00> : vector<256xf32>
    %reduce_sum3A_202 = vector.multi_reduction <add>, %mul3A_200, %reduce_sum3A_201 [1] : vector<256x33xf32> to vector<256xf32>
    %broadcast_in_dim3A_203 = vector.shape_cast %reduce_sum3A_202 : vector<256xf32> to vector<256x1xf32>
    %add3A_204 = arith.constant 9.99999993E-9 : f32
    %add3A_205 = vector.broadcast %add3A_204 : f32 to vector<256x1xf32>
    %add3A_206 = arith.addf %broadcast_in_dim3A_203, %add3A_205 : vector<256x1xf32>
    %div3A_207 = vector.broadcast %add3A_206 : vector<256x1xf32> to vector<256x33xf32>
    %div3A_208 = arith.divf %mul3A_200, %div3A_207 : vector<256x33xf32>
    %swap3A_209 = arith.constant 0 : index
    %swap3A_210 = arith.constant 2 : index
    %swap3A_211 = arith.constant 0 : index
    %swap3A_212 = vector.load %arg7[%swap3A_209, %swap3A_210, %swap3A_211] : memref<256x16x40xf32, #tpu.memory_space<vmem>>, vector<256x1x33xf32>
    %swap3A_213 = vector.shape_cast %swap3A_212 : vector<256x1x33xf32> to vector<256x33xf32>
    %swap3A_214 = vector.shape_cast %div3A_208 : vector<256x33xf32> to vector<256x1x33xf32>
    tpu.vector_store %arg7[%swap3A_209, %swap3A_210, %swap3A_211], %swap3A_214 {strides = array<i32>} : memref<256x16x40xf32, #tpu.memory_space<vmem>>, vector<256x1x33xf32>,
    %slice3A_215 = vector.extract_strided_slice %dot_general3A_82 {offsets = [0, 3], sizes = [256, 1], strides = [1, 1]} : vector<256x16xf32> to vector<256x1xf32>
    %mul3A_216 = vector.broadcast %slice3A_215 : vector<256x1xf32> to vector<256x33xf32>
    %mul3A_217 = arith.mulf %mul3A_216, %mul3A_121 : vector<256x33xf32>
    %jit3A_218 = arith.constant -1.000000e+30 : f32
    %broadcast_in_dim3A_219 = vector.broadcast %jit3A_218 : f32 to vector<256x33xf32>
    %select_n3A_220 = arith.select %and3A, %mul3A_217, %broadcast_in_dim3A_219 : vector<256x33xi1>, vector<256x33xf32>
    %reduce_max3A_221 = arith.constant dense<0xFF800000> : vector<256xf32>
    %reduce_max3A_222 = vector.multi_reduction <maximumf>, %select_n3A_220, %reduce_max3A_221 [1] : vector<256x33xf32> to vector<256xf32>
    %broadcast_in_dim3A_223 = vector.shape_cast %reduce_max3A_222 : vector<256xf32> to vector<256x1xf32>
    %sub3A_224 = vector.broadcast %broadcast_in_dim3A_223 : vector<256x1xf32> to vector<256x33xf32>
    %sub3A_225 = arith.subf %select_n3A_220, %sub3A_224 : vector<256x33xf32>
    %exp3A_226 = math.exp %sub3A_225 : vector<256x33xf32>
    %reduce_sum3A_227 = arith.constant dense<0.000000e+00> : vector<256xf32>
    %reduce_sum3A_228 = vector.multi_reduction <add>, %exp3A_226, %reduce_sum3A_227 [1] : vector<256x33xf32> to vector<256xf32>
    %broadcast_in_dim3A_229 = vector.shape_cast %reduce_sum3A_228 : vector<256xf32> to vector<256x1xf32>
    %div3A_230 = vector.broadcast %broadcast_in_dim3A_229 : vector<256x1xf32> to vector<256x33xf32>
    %div3A_231 = arith.divf %exp3A_226, %div3A_230 : vector<256x33xf32>
    %mul3A_232 = arith.mulf %div3A_231, %mul3A_118 : vector<256x33xf32>
    %reduce_sum3A_233 = arith.constant dense<0.000000e+00> : vector<256xf32>
    %reduce_sum3A_234 = vector.multi_reduction <add>, %mul3A_232, %reduce_sum3A_233 [1] : vector<256x33xf32> to vector<256xf32>
    %broadcast_in_dim3A_235 = vector.shape_cast %reduce_sum3A_234 : vector<256xf32> to vector<256x1xf32>
    %add3A_236 = arith.constant 9.99999993E-9 : f32
    %add3A_237 = vector.broadcast %add3A_236 : f32 to vector<256x1xf32>
    %add3A_238 = arith.addf %broadcast_in_dim3A_235, %add3A_237 : vector<256x1xf32>
    %div3A_239 = vector.broadcast %add3A_238 : vector<256x1xf32> to vector<256x33xf32>
    %div3A_240 = arith.divf %mul3A_232, %div3A_239 : vector<256x33xf32>
    %swap3A_241 = arith.constant 0 : index
    %swap3A_242 = arith.constant 3 : index
    %swap3A_243 = arith.constant 0 : index
    %swap3A_244 = vector.load %arg7[%swap3A_241, %swap3A_242, %swap3A_243] : memref<256x16x40xf32, #tpu.memory_space<vmem>>, vector<256x1x33xf32>
    %swap3A_245 = vector.shape_cast %swap3A_244 : vector<256x1x33xf32> to vector<256x33xf32>
    %swap3A_246 = vector.shape_cast %div3A_240 : vector<256x33xf32> to vector<256x1x33xf32>
    tpu.vector_store %arg7[%swap3A_241, %swap3A_242, %swap3A_243], %swap3A_246 {strides = array<i32>} : memref<256x16x40xf32, #tpu.memory_space<vmem>>, vector<256x1x33xf32>,
    %slice3A_247 = vector.extract_strided_slice %dot_general3A_82 {offsets = [0, 4], sizes = [256, 1], strides = [1, 1]} : vector<256x16xf32> to vector<256x1xf32>
    %mul3A_248 = vector.broadcast %slice3A_247 : vector<256x1xf32> to vector<256x33xf32>
    %mul3A_249 = arith.mulf %mul3A_248, %mul3A_121 : vector<256x33xf32>
    %jit3A_250 = arith.constant -1.000000e+30 : f32
    %broadcast_in_dim3A_251 = vector.broadcast %jit3A_250 : f32 to vector<256x33xf32>
    %select_n3A_252 = arith.select %and3A, %mul3A_249, %broadcast_in_dim3A_251 : vector<256x33xi1>, vector<256x33xf32>
    %reduce_max3A_253 = arith.constant dense<0xFF800000> : vector<256xf32>
    %reduce_max3A_254 = vector.multi_reduction <maximumf>, %select_n3A_252, %reduce_max3A_253 [1] : vector<256x33xf32> to vector<256xf32>
    %broadcast_in_dim3A_255 = vector.shape_cast %reduce_max3A_254 : vector<256xf32> to vector<256x1xf32>
    %sub3A_256 = vector.broadcast %broadcast_in_dim3A_255 : vector<256x1xf32> to vector<256x33xf32>
    %sub3A_257 = arith.subf %select_n3A_252, %sub3A_256 : vector<256x33xf32>
    %exp3A_258 = math.exp %sub3A_257 : vector<256x33xf32>
    %reduce_sum3A_259 = arith.constant dense<0.000000e+00> : vector<256xf32>
    %reduce_sum3A_260 = vector.multi_reduction <add>, %exp3A_258, %reduce_sum3A_259 [1] : vector<256x33xf32> to vector<256xf32>
    %broadcast_in_dim3A_261 = vector.shape_cast %reduce_sum3A_260 : vector<256xf32> to vector<256x1xf32>
    %div3A_262 = vector.broadcast %broadcast_in_dim3A_261 : vector<256x1xf32> to vector<256x33xf32>
    %div3A_263 = arith.divf %exp3A_258, %div3A_262 : vector<256x33xf32>
    %mul3A_264 = arith.mulf %div3A_263, %mul3A_118 : vector<256x33xf32>
    %reduce_sum3A_265 = arith.constant dense<0.000000e+00> : vector<256xf32>
    %reduce_sum3A_266 = vector.multi_reduction <add>, %mul3A_264, %reduce_sum3A_265 [1] : vector<256x33xf32> to vector<256xf32>
    %broadcast_in_dim3A_267 = vector.shape_cast %reduce_sum3A_266 : vector<256xf32> to vector<256x1xf32>
    %add3A_268 = arith.constant 9.99999993E-9 : f32
    %add3A_269 = vector.broadcast %add3A_268 : f32 to vector<256x1xf32>
    %add3A_270 = arith.addf %broadcast_in_dim3A_267, %add3A_269 : vector<256x1xf32>
    %div3A_271 = vector.broadcast %add3A_270 : vector<256x1xf32> to vector<256x33xf32>
    %div3A_272 = arith.divf %mul3A_264, %div3A_271 : vector<256x33xf32>
    %swap3A_273 = arith.constant 0 : index
    %swap3A_274 = arith.constant 4 : index
    %swap3A_275 = arith.constant 0 : index
    %swap3A_276 = vector.load %arg7[%swap3A_273, %swap3A_274, %swap3A_275] : memref<256x16x40xf32, #tpu.memory_space<vmem>>, vector<256x1x33xf32>
    %swap3A_277 = vector.shape_cast %swap3A_276 : vector<256x1x33xf32> to vector<256x33xf32>
    %swap3A_278 = vector.shape_cast %div3A_272 : vector<256x33xf32> to vector<256x1x33xf32>
    tpu.vector_store %arg7[%swap3A_273, %swap3A_274, %swap3A_275], %swap3A_278 {strides = array<i32>} : memref<256x16x40xf32, #tpu.memory_space<vmem>>, vector<256x1x33xf32>,
    %slice3A_279 = vector.extract_strided_slice %dot_general3A_82 {offsets = [0, 5], sizes = [256, 1], strides = [1, 1]} : vector<256x16xf32> to vector<256x1xf32>
    %mul3A_280 = vector.broadcast %slice3A_279 : vector<256x1xf32> to vector<256x33xf32>
    %mul3A_281 = arith.mulf %mul3A_280, %mul3A_121 : vector<256x33xf32>
    %jit3A_282 = arith.constant -1.000000e+30 : f32
    %broadcast_in_dim3A_283 = vector.broadcast %jit3A_282 : f32 to vector<256x33xf32>
    %select_n3A_284 = arith.select %and3A, %mul3A_281, %broadcast_in_dim3A_283 : vector<256x33xi1>, vector<256x33xf32>
    %reduce_max3A_285 = arith.constant dense<0xFF800000> : vector<256xf32>
    %reduce_max3A_286 = vector.multi_reduction <maximumf>, %select_n3A_284, %reduce_max3A_285 [1] : vector<256x33xf32> to vector<256xf32>
    %broadcast_in_dim3A_287 = vector.shape_cast %reduce_max3A_286 : vector<256xf32> to vector<256x1xf32>
    %sub3A_288 = vector.broadcast %broadcast_in_dim3A_287 : vector<256x1xf32> to vector<256x33xf32>
    %sub3A_289 = arith.subf %select_n3A_284, %sub3A_288 : vector<256x33xf32>
    %exp3A_290 = math.exp %sub3A_289 : vector<256x33xf32>
    %reduce_sum3A_291 = arith.constant dense<0.000000e+00> : vector<256xf32>
    %reduce_sum3A_292 = vector.multi_reduction <add>, %exp3A_290, %reduce_sum3A_291 [1] : vector<256x33xf32> to vector<256xf32>
    %broadcast_in_dim3A_293 = vector.shape_cast %reduce_sum3A_292 : vector<256xf32> to vector<256x1xf32>
    %div3A_294 = vector.broadcast %broadcast_in_dim3A_293 : vector<256x1xf32> to vector<256x33xf32>
    %div3A_295 = arith.divf %exp3A_290, %div3A_294 : vector<256x33xf32>
    %mul3A_296 = arith.mulf %div3A_295, %mul3A_118 : vector<256x33xf32>
    %reduce_sum3A_297 = arith.constant dense<0.000000e+00> : vector<256xf32>
    %reduce_sum3A_298 = vector.multi_reduction <add>, %mul3A_296, %reduce_sum3A_297 [1] : vector<256x33xf32> to vector<256xf32>
    %broadcast_in_dim3A_299 = vector.shape_cast %reduce_sum3A_298 : vector<256xf32> to vector<256x1xf32>
    %add3A_300 = arith.constant 9.99999993E-9 : f32
    %add3A_301 = vector.broadcast %add3A_300 : f32 to vector<256x1xf32>
    %add3A_302 = arith.addf %broadcast_in_dim3A_299, %add3A_301 : vector<256x1xf32>
    %div3A_303 = vector.broadcast %add3A_302 : vector<256x1xf32> to vector<256x33xf32>
    %div3A_304 = arith.divf %mul3A_296, %div3A_303 : vector<256x33xf32>
    %swap3A_305 = arith.constant 0 : index
    %swap3A_306 = arith.constant 5 : index
    %swap3A_307 = arith.constant 0 : index
    %swap3A_308 = vector.load %arg7[%swap3A_305, %swap3A_306, %swap3A_307] : memref<256x16x40xf32, #tpu.memory_space<vmem>>, vector<256x1x33xf32>
    %swap3A_309 = vector.shape_cast %swap3A_308 : vector<256x1x33xf32> to vector<256x33xf32>
    %swap3A_310 = vector.shape_cast %div3A_304 : vector<256x33xf32> to vector<256x1x33xf32>
    tpu.vector_store %arg7[%swap3A_305, %swap3A_306, %swap3A_307], %swap3A_310 {strides = array<i32>} : memref<256x16x40xf32, #tpu.memory_space<vmem>>, vector<256x1x33xf32>,
    %slice3A_311 = vector.extract_strided_slice %dot_general3A_82 {offsets = [0, 6], sizes = [256, 1], strides = [1, 1]} : vector<256x16xf32> to vector<256x1xf32>
    %mul3A_312 = vector.broadcast %slice3A_311 : vector<256x1xf32> to vector<256x33xf32>
    %mul3A_313 = arith.mulf %mul3A_312, %mul3A_121 : vector<256x33xf32>
    %jit3A_314 = arith.constant -1.000000e+30 : f32
    %broadcast_in_dim3A_315 = vector.broadcast %jit3A_314 : f32 to vector<256x33xf32>
    %select_n3A_316 = arith.select %and3A, %mul3A_313, %broadcast_in_dim3A_315 : vector<256x33xi1>, vector<256x33xf32>
    %reduce_max3A_317 = arith.constant dense<0xFF800000> : vector<256xf32>
    %reduce_max3A_318 = vector.multi_reduction <maximumf>, %select_n3A_316, %reduce_max3A_317 [1] : vector<256x33xf32> to vector<256xf32>
    %broadcast_in_dim3A_319 = vector.shape_cast %reduce_max3A_318 : vector<256xf32> to vector<256x1xf32>
    %sub3A_320 = vector.broadcast %broadcast_in_dim3A_319 : vector<256x1xf32> to vector<256x33xf32>
    %sub3A_321 = arith.subf %select_n3A_316, %sub3A_320 : vector<256x33xf32>
    %exp3A_322 = math.exp %sub3A_321 : vector<256x33xf32>
    %reduce_sum3A_323 = arith.constant dense<0.000000e+00> : vector<256xf32>
    %reduce_sum3A_324 = vector.multi_reduction <add>, %exp3A_322, %reduce_sum3A_323 [1] : vector<256x33xf32> to vector<256xf32>
    %broadcast_in_dim3A_325 = vector.shape_cast %reduce_sum3A_324 : vector<256xf32> to vector<256x1xf32>
    %div3A_326 = vector.broadcast %broadcast_in_dim3A_325 : vector<256x1xf32> to vector<256x33xf32>
    %div3A_327 = arith.divf %exp3A_322, %div3A_326 : vector<256x33xf32>
    %mul3A_328 = arith.mulf %div3A_327, %mul3A_118 : vector<256x33xf32>
    %reduce_sum3A_329 = arith.constant dense<0.000000e+00> : vector<256xf32>
    %reduce_sum3A_330 = vector.multi_reduction <add>, %mul3A_328, %reduce_sum3A_329 [1] : vector<256x33xf32> to vector<256xf32>
    %broadcast_in_dim3A_331 = vector.shape_cast %reduce_sum3A_330 : vector<256xf32> to vector<256x1xf32>
    %add3A_332 = arith.constant 9.99999993E-9 : f32
    %add3A_333 = vector.broadcast %add3A_332 : f32 to vector<256x1xf32>
    %add3A_334 = arith.addf %broadcast_in_dim3A_331, %add3A_333 : vector<256x1xf32>
    %div3A_335 = vector.broadcast %add3A_334 : vector<256x1xf32> to vector<256x33xf32>
    %div3A_336 = arith.divf %mul3A_328, %div3A_335 : vector<256x33xf32>
    %swap3A_337 = arith.constant 0 : index
    %swap3A_338 = arith.constant 6 : index
    %swap3A_339 = arith.constant 0 : index
    %swap3A_340 = vector.load %arg7[%swap3A_337, %swap3A_338, %swap3A_339] : memref<256x16x40xf32, #tpu.memory_space<vmem>>, vector<256x1x33xf32>
    %swap3A_341 = vector.shape_cast %swap3A_340 : vector<256x1x33xf32> to vector<256x33xf32>
    %swap3A_342 = vector.shape_cast %div3A_336 : vector<256x33xf32> to vector<256x1x33xf32>
    tpu.vector_store %arg7[%swap3A_337, %swap3A_338, %swap3A_339], %swap3A_342 {strides = array<i32>} : memref<256x16x40xf32, #tpu.memory_space<vmem>>, vector<256x1x33xf32>,
    %slice3A_343 = vector.extract_strided_slice %dot_general3A_82 {offsets = [0, 7], sizes = [256, 1], strides = [1, 1]} : vector<256x16xf32> to vector<256x1xf32>
    %mul3A_344 = vector.broadcast %slice3A_343 : vector<256x1xf32> to vector<256x33xf32>
    %mul3A_345 = arith.mulf %mul3A_344, %mul3A_121 : vector<256x33xf32>
    %jit3A_346 = arith.constant -1.000000e+30 : f32
    %broadcast_in_dim3A_347 = vector.broadcast %jit3A_346 : f32 to vector<256x33xf32>
    %select_n3A_348 = arith.select %and3A, %mul3A_345, %broadcast_in_dim3A_347 : vector<256x33xi1>, vector<256x33xf32>
    %reduce_max3A_349 = arith.constant dense<0xFF800000> : vector<256xf32>
    %reduce_max3A_350 = vector.multi_reduction <maximumf>, %select_n3A_348, %reduce_max3A_349 [1] : vector<256x33xf32> to vector<256xf32>
    %broadcast_in_dim3A_351 = vector.shape_cast %reduce_max3A_350 : vector<256xf32> to vector<256x1xf32>
    %sub3A_352 = vector.broadcast %broadcast_in_dim3A_351 : vector<256x1xf32> to vector<256x33xf32>
    %sub3A_353 = arith.subf %select_n3A_348, %sub3A_352 : vector<256x33xf32>
    %exp3A_354 = math.exp %sub3A_353 : vector<256x33xf32>
    %reduce_sum3A_355 = arith.constant dense<0.000000e+00> : vector<256xf32>
    %reduce_sum3A_356 = vector.multi_reduction <add>, %exp3A_354, %reduce_sum3A_355 [1] : vector<256x33xf32> to vector<256xf32>
    %broadcast_in_dim3A_357 = vector.shape_cast %reduce_sum3A_356 : vector<256xf32> to vector<256x1xf32>
    %div3A_358 = vector.broadcast %broadcast_in_dim3A_357 : vector<256x1xf32> to vector<256x33xf32>
    %div3A_359 = arith.divf %exp3A_354, %div3A_358 : vector<256x33xf32>
    %mul3A_360 = arith.mulf %div3A_359, %mul3A_118 : vector<256x33xf32>
    %reduce_sum3A_361 = arith.constant dense<0.000000e+00> : vector<256xf32>
    %reduce_sum3A_362 = vector.multi_reduction <add>, %mul3A_360, %reduce_sum3A_361 [1] : vector<256x33xf32> to vector<256xf32>
    %broadcast_in_dim3A_363 = vector.shape_cast %reduce_sum3A_362 : vector<256xf32> to vector<256x1xf32>
    %add3A_364 = arith.constant 9.99999993E-9 : f32
    %add3A_365 = vector.broadcast %add3A_364 : f32 to vector<256x1xf32>
    %add3A_366 = arith.addf %broadcast_in_dim3A_363, %add3A_365 : vector<256x1xf32>
    %div3A_367 = vector.broadcast %add3A_366 : vector<256x1xf32> to vector<256x33xf32>
    %div3A_368 = arith.divf %mul3A_360, %div3A_367 : vector<256x33xf32>
    %swap3A_369 = arith.constant 0 : index
    %swap3A_370 = arith.constant 7 : index
    %swap3A_371 = arith.constant 0 : index
    %swap3A_372 = vector.load %arg7[%swap3A_369, %swap3A_370, %swap3A_371] : memref<256x16x40xf32, #tpu.memory_space<vmem>>, vector<256x1x33xf32>
    %swap3A_373 = vector.shape_cast %swap3A_372 : vector<256x1x33xf32> to vector<256x33xf32>
    %swap3A_374 = vector.shape_cast %div3A_368 : vector<256x33xf32> to vector<256x1x33xf32>
    tpu.vector_store %arg7[%swap3A_369, %swap3A_370, %swap3A_371], %swap3A_374 {strides = array<i32>} : memref<256x16x40xf32, #tpu.memory_space<vmem>>, vector<256x1x33xf32>,
    %slice3A_375 = vector.extract_strided_slice %dot_general3A_82 {offsets = [0, 8], sizes = [256, 1], strides = [1, 1]} : vector<256x16xf32> to vector<256x1xf32>
    %mul3A_376 = vector.broadcast %slice3A_375 : vector<256x1xf32> to vector<256x33xf32>
    %mul3A_377 = arith.mulf %mul3A_376, %mul3A_121 : vector<256x33xf32>
    %jit3A_378 = arith.constant -1.000000e+30 : f32
    %broadcast_in_dim3A_379 = vector.broadcast %jit3A_378 : f32 to vector<256x33xf32>
    %select_n3A_380 = arith.select %and3A, %mul3A_377, %broadcast_in_dim3A_379 : vector<256x33xi1>, vector<256x33xf32>
    %reduce_max3A_381 = arith.constant dense<0xFF800000> : vector<256xf32>
    %reduce_max3A_382 = vector.multi_reduction <maximumf>, %select_n3A_380, %reduce_max3A_381 [1] : vector<256x33xf32> to vector<256xf32>
    %broadcast_in_dim3A_383 = vector.shape_cast %reduce_max3A_382 : vector<256xf32> to vector<256x1xf32>
    %sub3A_384 = vector.broadcast %broadcast_in_dim3A_383 : vector<256x1xf32> to vector<256x33xf32>
    %sub3A_385 = arith.subf %select_n3A_380, %sub3A_384 : vector<256x33xf32>
    %exp3A_386 = math.exp %sub3A_385 : vector<256x33xf32>
    %reduce_sum3A_387 = arith.constant dense<0.000000e+00> : vector<256xf32>
    %reduce_sum3A_388 = vector.multi_reduction <add>, %exp3A_386, %reduce_sum3A_387 [1] : vector<256x33xf32> to vector<256xf32>
    %broadcast_in_dim3A_389 = vector.shape_cast %reduce_sum3A_388 : vector<256xf32> to vector<256x1xf32>
    %div3A_390 = vector.broadcast %broadcast_in_dim3A_389 : vector<256x1xf32> to vector<256x33xf32>
    %div3A_391 = arith.divf %exp3A_386, %div3A_390 : vector<256x33xf32>
    %mul3A_392 = arith.mulf %div3A_391, %mul3A_118 : vector<256x33xf32>
    %reduce_sum3A_393 = arith.constant dense<0.000000e+00> : vector<256xf32>
    %reduce_sum3A_394 = vector.multi_reduction <add>, %mul3A_392, %reduce_sum3A_393 [1] : vector<256x33xf32> to vector<256xf32>
    %broadcast_in_dim3A_395 = vector.shape_cast %reduce_sum3A_394 : vector<256xf32> to vector<256x1xf32>
    %add3A_396 = arith.constant 9.99999993E-9 : f32
    %add3A_397 = vector.broadcast %add3A_396 : f32 to vector<256x1xf32>
    %add3A_398 = arith.addf %broadcast_in_dim3A_395, %add3A_397 : vector<256x1xf32>
    %div3A_399 = vector.broadcast %add3A_398 : vector<256x1xf32> to vector<256x33xf32>
    %div3A_400 = arith.divf %mul3A_392, %div3A_399 : vector<256x33xf32>
    %swap3A_401 = arith.constant 0 : index
    %swap3A_402 = arith.constant 8 : index
    %swap3A_403 = arith.constant 0 : index
    %swap3A_404 = vector.load %arg7[%swap3A_401, %swap3A_402, %swap3A_403] : memref<256x16x40xf32, #tpu.memory_space<vmem>>, vector<256x1x33xf32>
    %swap3A_405 = vector.shape_cast %swap3A_404 : vector<256x1x33xf32> to vector<256x33xf32>
    %swap3A_406 = vector.shape_cast %div3A_400 : vector<256x33xf32> to vector<256x1x33xf32>
    tpu.vector_store %arg7[%swap3A_401, %swap3A_402, %swap3A_403], %swap3A_406 {strides = array<i32>} : memref<256x16x40xf32, #tpu.memory_space<vmem>>, vector<256x1x33xf32>,
    %slice3A_407 = vector.extract_strided_slice %dot_general3A_82 {offsets = [0, 9], sizes = [256, 1], strides = [1, 1]} : vector<256x16xf32> to vector<256x1xf32>
    %mul3A_408 = vector.broadcast %slice3A_407 : vector<256x1xf32> to vector<256x33xf32>
    %mul3A_409 = arith.mulf %mul3A_408, %mul3A_121 : vector<256x33xf32>
    %jit3A_410 = arith.constant -1.000000e+30 : f32
    %broadcast_in_dim3A_411 = vector.broadcast %jit3A_410 : f32 to vector<256x33xf32>
    %select_n3A_412 = arith.select %and3A, %mul3A_409, %broadcast_in_dim3A_411 : vector<256x33xi1>, vector<256x33xf32>
    %reduce_max3A_413 = arith.constant dense<0xFF800000> : vector<256xf32>
    %reduce_max3A_414 = vector.multi_reduction <maximumf>, %select_n3A_412, %reduce_max3A_413 [1] : vector<256x33xf32> to vector<256xf32>
    %broadcast_in_dim3A_415 = vector.shape_cast %reduce_max3A_414 : vector<256xf32> to vector<256x1xf32>
    %sub3A_416 = vector.broadcast %broadcast_in_dim3A_415 : vector<256x1xf32> to vector<256x33xf32>
    %sub3A_417 = arith.subf %select_n3A_412, %sub3A_416 : vector<256x33xf32>
    %exp3A_418 = math.exp %sub3A_417 : vector<256x33xf32>
    %reduce_sum3A_419 = arith.constant dense<0.000000e+00> : vector<256xf32>
    %reduce_sum3A_420 = vector.multi_reduction <add>, %exp3A_418, %reduce_sum3A_419 [1] : vector<256x33xf32> to vector<256xf32>
    %broadcast_in_dim3A_421 = vector.shape_cast %reduce_sum3A_420 : vector<256xf32> to vector<256x1xf32>
    %div3A_422 = vector.broadcast %broadcast_in_dim3A_421 : vector<256x1xf32> to vector<256x33xf32>
    %div3A_423 = arith.divf %exp3A_418, %div3A_422 : vector<256x33xf32>
    %mul3A_424 = arith.mulf %div3A_423, %mul3A_118 : vector<256x33xf32>
    %reduce_sum3A_425 = arith.constant dense<0.000000e+00> : vector<256xf32>
    %reduce_sum3A_426 = vector.multi_reduction <add>, %mul3A_424, %reduce_sum3A_425 [1] : vector<256x33xf32> to vector<256xf32>
    %broadcast_in_dim3A_427 = vector.shape_cast %reduce_sum3A_426 : vector<256xf32> to vector<256x1xf32>
    %add3A_428 = arith.constant 9.99999993E-9 : f32
    %add3A_429 = vector.broadcast %add3A_428 : f32 to vector<256x1xf32>
    %add3A_430 = arith.addf %broadcast_in_dim3A_427, %add3A_429 : vector<256x1xf32>
    %div3A_431 = vector.broadcast %add3A_430 : vector<256x1xf32> to vector<256x33xf32>
    %div3A_432 = arith.divf %mul3A_424, %div3A_431 : vector<256x33xf32>
    %swap3A_433 = arith.constant 0 : index
    %swap3A_434 = arith.constant 9 : index
    %swap3A_435 = arith.constant 0 : index
    %swap3A_436 = vector.load %arg7[%swap3A_433, %swap3A_434, %swap3A_435] : memref<256x16x40xf32, #tpu.memory_space<vmem>>, vector<256x1x33xf32>
    %swap3A_437 = vector.shape_cast %swap3A_436 : vector<256x1x33xf32> to vector<256x33xf32>
    %swap3A_438 = vector.shape_cast %div3A_432 : vector<256x33xf32> to vector<256x1x33xf32>
    tpu.vector_store %arg7[%swap3A_433, %swap3A_434, %swap3A_435], %swap3A_438 {strides = array<i32>} : memref<256x16x40xf32, #tpu.memory_space<vmem>>, vector<256x1x33xf32>,
    %slice3A_439 = vector.extract_strided_slice %dot_general3A_82 {offsets = [0, 10], sizes = [256, 1], strides = [1, 1]} : vector<256x16xf32> to vector<256x1xf32>
    %mul3A_440 = vector.broadcast %slice3A_439 : vector<256x1xf32> to vector<256x33xf32>
    %mul3A_441 = arith.mulf %mul3A_440, %mul3A_121 : vector<256x33xf32>
    %jit3A_442 = arith.constant -1.000000e+30 : f32
    %broadcast_in_dim3A_443 = vector.broadcast %jit3A_442 : f32 to vector<256x33xf32>
    %select_n3A_444 = arith.select %and3A, %mul3A_441, %broadcast_in_dim3A_443 : vector<256x33xi1>, vector<256x33xf32>
    %reduce_max3A_445 = arith.constant dense<0xFF800000> : vector<256xf32>
    %reduce_max3A_446 = vector.multi_reduction <maximumf>, %select_n3A_444, %reduce_max3A_445 [1] : vector<256x33xf32> to vector<256xf32>
    %broadcast_in_dim3A_447 = vector.shape_cast %reduce_max3A_446 : vector<256xf32> to vector<256x1xf32>
    %sub3A_448 = vector.broadcast %broadcast_in_dim3A_447 : vector<256x1xf32> to vector<256x33xf32>
    %sub3A_449 = arith.subf %select_n3A_444, %sub3A_448 : vector<256x33xf32>
    %exp3A_450 = math.exp %sub3A_449 : vector<256x33xf32>
    %reduce_sum3A_451 = arith.constant dense<0.000000e+00> : vector<256xf32>
    %reduce_sum3A_452 = vector.multi_reduction <add>, %exp3A_450, %reduce_sum3A_451 [1] : vector<256x33xf32> to vector<256xf32>
    %broadcast_in_dim3A_453 = vector.shape_cast %reduce_sum3A_452 : vector<256xf32> to vector<256x1xf32>
    %div3A_454 = vector.broadcast %broadcast_in_dim3A_453 : vector<256x1xf32> to vector<256x33xf32>
    %div3A_455 = arith.divf %exp3A_450, %div3A_454 : vector<256x33xf32>
    %mul3A_456 = arith.mulf %div3A_455, %mul3A_118 : vector<256x33xf32>
    %reduce_sum3A_457 = arith.constant dense<0.000000e+00> : vector<256xf32>
    %reduce_sum3A_458 = vector.multi_reduction <add>, %mul3A_456, %reduce_sum3A_457 [1] : vector<256x33xf32> to vector<256xf32>
    %broadcast_in_dim3A_459 = vector.shape_cast %reduce_sum3A_458 : vector<256xf32> to vector<256x1xf32>
    %add3A_460 = arith.constant 9.99999993E-9 : f32
    %add3A_461 = vector.broadcast %add3A_460 : f32 to vector<256x1xf32>
    %add3A_462 = arith.addf %broadcast_in_dim3A_459, %add3A_461 : vector<256x1xf32>
    %div3A_463 = vector.broadcast %add3A_462 : vector<256x1xf32> to vector<256x33xf32>
    %div3A_464 = arith.divf %mul3A_456, %div3A_463 : vector<256x33xf32>
    %swap3A_465 = arith.constant 0 : index
    %swap3A_466 = arith.constant 10 : index
    %swap3A_467 = arith.constant 0 : index
    %swap3A_468 = vector.load %arg7[%swap3A_465, %swap3A_466, %swap3A_467] : memref<256x16x40xf32, #tpu.memory_space<vmem>>, vector<256x1x33xf32>
    %swap3A_469 = vector.shape_cast %swap3A_468 : vector<256x1x33xf32> to vector<256x33xf32>
    %swap3A_470 = vector.shape_cast %div3A_464 : vector<256x33xf32> to vector<256x1x33xf32>
    tpu.vector_store %arg7[%swap3A_465, %swap3A_466, %swap3A_467], %swap3A_470 {strides = array<i32>} : memref<256x16x40xf32, #tpu.memory_space<vmem>>, vector<256x1x33xf32>,
    %slice3A_471 = vector.extract_strided_slice %dot_general3A_82 {offsets = [0, 11], sizes = [256, 1], strides = [1, 1]} : vector<256x16xf32> to vector<256x1xf32>
    %mul3A_472 = vector.broadcast %slice3A_471 : vector<256x1xf32> to vector<256x33xf32>
    %mul3A_473 = arith.mulf %mul3A_472, %mul3A_121 : vector<256x33xf32>
    %jit3A_474 = arith.constant -1.000000e+30 : f32
    %broadcast_in_dim3A_475 = vector.broadcast %jit3A_474 : f32 to vector<256x33xf32>
    %select_n3A_476 = arith.select %and3A, %mul3A_473, %broadcast_in_dim3A_475 : vector<256x33xi1>, vector<256x33xf32>
    %reduce_max3A_477 = arith.constant dense<0xFF800000> : vector<256xf32>
    %reduce_max3A_478 = vector.multi_reduction <maximumf>, %select_n3A_476, %reduce_max3A_477 [1] : vector<256x33xf32> to vector<256xf32>
    %broadcast_in_dim3A_479 = vector.shape_cast %reduce_max3A_478 : vector<256xf32> to vector<256x1xf32>
    %sub3A_480 = vector.broadcast %broadcast_in_dim3A_479 : vector<256x1xf32> to vector<256x33xf32>
    %sub3A_481 = arith.subf %select_n3A_476, %sub3A_480 : vector<256x33xf32>
    %exp3A_482 = math.exp %sub3A_481 : vector<256x33xf32>
    %reduce_sum3A_483 = arith.constant dense<0.000000e+00> : vector<256xf32>
    %reduce_sum3A_484 = vector.multi_reduction <add>, %exp3A_482, %reduce_sum3A_483 [1] : vector<256x33xf32> to vector<256xf32>
    %broadcast_in_dim3A_485 = vector.shape_cast %reduce_sum3A_484 : vector<256xf32> to vector<256x1xf32>
    %div3A_486 = vector.broadcast %broadcast_in_dim3A_485 : vector<256x1xf32> to vector<256x33xf32>
    %div3A_487 = arith.divf %exp3A_482, %div3A_486 : vector<256x33xf32>
    %mul3A_488 = arith.mulf %div3A_487, %mul3A_118 : vector<256x33xf32>
    %reduce_sum3A_489 = arith.constant dense<0.000000e+00> : vector<256xf32>
    %reduce_sum3A_490 = vector.multi_reduction <add>, %mul3A_488, %reduce_sum3A_489 [1] : vector<256x33xf32> to vector<256xf32>
    %broadcast_in_dim3A_491 = vector.shape_cast %reduce_sum3A_490 : vector<256xf32> to vector<256x1xf32>
    %add3A_492 = arith.constant 9.99999993E-9 : f32
    %add3A_493 = vector.broadcast %add3A_492 : f32 to vector<256x1xf32>
    %add3A_494 = arith.addf %broadcast_in_dim3A_491, %add3A_493 : vector<256x1xf32>
    %div3A_495 = vector.broadcast %add3A_494 : vector<256x1xf32> to vector<256x33xf32>
    %div3A_496 = arith.divf %mul3A_488, %div3A_495 : vector<256x33xf32>
    %swap3A_497 = arith.constant 0 : index
    %swap3A_498 = arith.constant 11 : index
    %swap3A_499 = arith.constant 0 : index
    %swap3A_500 = vector.load %arg7[%swap3A_497, %swap3A_498, %swap3A_499] : memref<256x16x40xf32, #tpu.memory_space<vmem>>, vector<256x1x33xf32>
    %swap3A_501 = vector.shape_cast %swap3A_500 : vector<256x1x33xf32> to vector<256x33xf32>
    %swap3A_502 = vector.shape_cast %div3A_496 : vector<256x33xf32> to vector<256x1x33xf32>
    tpu.vector_store %arg7[%swap3A_497, %swap3A_498, %swap3A_499], %swap3A_502 {strides = array<i32>} : memref<256x16x40xf32, #tpu.memory_space<vmem>>, vector<256x1x33xf32>,
    %slice3A_503 = vector.extract_strided_slice %dot_general3A_82 {offsets = [0, 12], sizes = [256, 1], strides = [1, 1]} : vector<256x16xf32> to vector<256x1xf32>
    %mul3A_504 = vector.broadcast %slice3A_503 : vector<256x1xf32> to vector<256x33xf32>
    %mul3A_505 = arith.mulf %mul3A_504, %mul3A_121 : vector<256x33xf32>
    %jit3A_506 = arith.constant -1.000000e+30 : f32
    %broadcast_in_dim3A_507 = vector.broadcast %jit3A_506 : f32 to vector<256x33xf32>
    %select_n3A_508 = arith.select %and3A, %mul3A_505, %broadcast_in_dim3A_507 : vector<256x33xi1>, vector<256x33xf32>
    %reduce_max3A_509 = arith.constant dense<0xFF800000> : vector<256xf32>
    %reduce_max3A_510 = vector.multi_reduction <maximumf>, %select_n3A_508, %reduce_max3A_509 [1] : vector<256x33xf32> to vector<256xf32>
    %broadcast_in_dim3A_511 = vector.shape_cast %reduce_max3A_510 : vector<256xf32> to vector<256x1xf32>
    %sub3A_512 = vector.broadcast %broadcast_in_dim3A_511 : vector<256x1xf32> to vector<256x33xf32>
    %sub3A_513 = arith.subf %select_n3A_508, %sub3A_512 : vector<256x33xf32>
    %exp3A_514 = math.exp %sub3A_513 : vector<256x33xf32>
    %reduce_sum3A_515 = arith.constant dense<0.000000e+00> : vector<256xf32>
    %reduce_sum3A_516 = vector.multi_reduction <add>, %exp3A_514, %reduce_sum3A_515 [1] : vector<256x33xf32> to vector<256xf32>
    %broadcast_in_dim3A_517 = vector.shape_cast %reduce_sum3A_516 : vector<256xf32> to vector<256x1xf32>
    %div3A_518 = vector.broadcast %broadcast_in_dim3A_517 : vector<256x1xf32> to vector<256x33xf32>
    %div3A_519 = arith.divf %exp3A_514, %div3A_518 : vector<256x33xf32>
    %mul3A_520 = arith.mulf %div3A_519, %mul3A_118 : vector<256x33xf32>
    %reduce_sum3A_521 = arith.constant dense<0.000000e+00> : vector<256xf32>
    %reduce_sum3A_522 = vector.multi_reduction <add>, %mul3A_520, %reduce_sum3A_521 [1] : vector<256x33xf32> to vector<256xf32>
    %broadcast_in_dim3A_523 = vector.shape_cast %reduce_sum3A_522 : vector<256xf32> to vector<256x1xf32>
    %add3A_524 = arith.constant 9.99999993E-9 : f32
    %add3A_525 = vector.broadcast %add3A_524 : f32 to vector<256x1xf32>
    %add3A_526 = arith.addf %broadcast_in_dim3A_523, %add3A_525 : vector<256x1xf32>
    %div3A_527 = vector.broadcast %add3A_526 : vector<256x1xf32> to vector<256x33xf32>
    %div3A_528 = arith.divf %mul3A_520, %div3A_527 : vector<256x33xf32>
    %swap3A_529 = arith.constant 0 : index
    %swap3A_530 = arith.constant 12 : index
    %swap3A_531 = arith.constant 0 : index
    %swap3A_532 = vector.load %arg7[%swap3A_529, %swap3A_530, %swap3A_531] : memref<256x16x40xf32, #tpu.memory_space<vmem>>, vector<256x1x33xf32>
    %swap3A_533 = vector.shape_cast %swap3A_532 : vector<256x1x33xf32> to vector<256x33xf32>
    %swap3A_534 = vector.shape_cast %div3A_528 : vector<256x33xf32> to vector<256x1x33xf32>
    tpu.vector_store %arg7[%swap3A_529, %swap3A_530, %swap3A_531], %swap3A_534 {strides = array<i32>} : memref<256x16x40xf32, #tpu.memory_space<vmem>>, vector<256x1x33xf32>,
    %slice3A_535 = vector.extract_strided_slice %dot_general3A_82 {offsets = [0, 13], sizes = [256, 1], strides = [1, 1]} : vector<256x16xf32> to vector<256x1xf32>
    %mul3A_536 = vector.broadcast %slice3A_535 : vector<256x1xf32> to vector<256x33xf32>
    %mul3A_537 = arith.mulf %mul3A_536, %mul3A_121 : vector<256x33xf32>
    %jit3A_538 = arith.constant -1.000000e+30 : f32
    %broadcast_in_dim3A_539 = vector.broadcast %jit3A_538 : f32 to vector<256x33xf32>
    %select_n3A_540 = arith.select %and3A, %mul3A_537, %broadcast_in_dim3A_539 : vector<256x33xi1>, vector<256x33xf32>
    %reduce_max3A_541 = arith.constant dense<0xFF800000> : vector<256xf32>
    %reduce_max3A_542 = vector.multi_reduction <maximumf>, %select_n3A_540, %reduce_max3A_541 [1] : vector<256x33xf32> to vector<256xf32>
    %broadcast_in_dim3A_543 = vector.shape_cast %reduce_max3A_542 : vector<256xf32> to vector<256x1xf32>
    %sub3A_544 = vector.broadcast %broadcast_in_dim3A_543 : vector<256x1xf32> to vector<256x33xf32>
    %sub3A_545 = arith.subf %select_n3A_540, %sub3A_544 : vector<256x33xf32>
    %exp3A_546 = math.exp %sub3A_545 : vector<256x33xf32>
    %reduce_sum3A_547 = arith.constant dense<0.000000e+00> : vector<256xf32>
    %reduce_sum3A_548 = vector.multi_reduction <add>, %exp3A_546, %reduce_sum3A_547 [1] : vector<256x33xf32> to vector<256xf32>
    %broadcast_in_dim3A_549 = vector.shape_cast %reduce_sum3A_548 : vector<256xf32> to vector<256x1xf32>
    %div3A_550 = vector.broadcast %broadcast_in_dim3A_549 : vector<256x1xf32> to vector<256x33xf32>
    %div3A_551 = arith.divf %exp3A_546, %div3A_550 : vector<256x33xf32>
    %mul3A_552 = arith.mulf %div3A_551, %mul3A_118 : vector<256x33xf32>
    %reduce_sum3A_553 = arith.constant dense<0.000000e+00> : vector<256xf32>
    %reduce_sum3A_554 = vector.multi_reduction <add>, %mul3A_552, %reduce_sum3A_553 [1] : vector<256x33xf32> to vector<256xf32>
    %broadcast_in_dim3A_555 = vector.shape_cast %reduce_sum3A_554 : vector<256xf32> to vector<256x1xf32>
    %add3A_556 = arith.constant 9.99999993E-9 : f32
    %add3A_557 = vector.broadcast %add3A_556 : f32 to vector<256x1xf32>
    %add3A_558 = arith.addf %broadcast_in_dim3A_555, %add3A_557 : vector<256x1xf32>
    %div3A_559 = vector.broadcast %add3A_558 : vector<256x1xf32> to vector<256x33xf32>
    %div3A_560 = arith.divf %mul3A_552, %div3A_559 : vector<256x33xf32>
    %swap3A_561 = arith.constant 0 : index
    %swap3A_562 = arith.constant 13 : index
    %swap3A_563 = arith.constant 0 : index
    %swap3A_564 = vector.load %arg7[%swap3A_561, %swap3A_562, %swap3A_563] : memref<256x16x40xf32, #tpu.memory_space<vmem>>, vector<256x1x33xf32>
    %swap3A_565 = vector.shape_cast %swap3A_564 : vector<256x1x33xf32> to vector<256x33xf32>
    %swap3A_566 = vector.shape_cast %div3A_560 : vector<256x33xf32> to vector<256x1x33xf32>
    tpu.vector_store %arg7[%swap3A_561, %swap3A_562, %swap3A_563], %swap3A_566 {strides = array<i32>} : memref<256x16x40xf32, #tpu.memory_space<vmem>>, vector<256x1x33xf32>,
    %slice3A_567 = vector.extract_strided_slice %dot_general3A_82 {offsets = [0, 14], sizes = [256, 1], strides = [1, 1]} : vector<256x16xf32> to vector<256x1xf32>
    %mul3A_568 = vector.broadcast %slice3A_567 : vector<256x1xf32> to vector<256x33xf32>
    %mul3A_569 = arith.mulf %mul3A_568, %mul3A_121 : vector<256x33xf32>
    %jit3A_570 = arith.constant -1.000000e+30 : f32
    %broadcast_in_dim3A_571 = vector.broadcast %jit3A_570 : f32 to vector<256x33xf32>
    %select_n3A_572 = arith.select %and3A, %mul3A_569, %broadcast_in_dim3A_571 : vector<256x33xi1>, vector<256x33xf32>
    %reduce_max3A_573 = arith.constant dense<0xFF800000> : vector<256xf32>
    %reduce_max3A_574 = vector.multi_reduction <maximumf>, %select_n3A_572, %reduce_max3A_573 [1] : vector<256x33xf32> to vector<256xf32>
    %broadcast_in_dim3A_575 = vector.shape_cast %reduce_max3A_574 : vector<256xf32> to vector<256x1xf32>
    %sub3A_576 = vector.broadcast %broadcast_in_dim3A_575 : vector<256x1xf32> to vector<256x33xf32>
    %sub3A_577 = arith.subf %select_n3A_572, %sub3A_576 : vector<256x33xf32>
    %exp3A_578 = math.exp %sub3A_577 : vector<256x33xf32>
    %reduce_sum3A_579 = arith.constant dense<0.000000e+00> : vector<256xf32>
    %reduce_sum3A_580 = vector.multi_reduction <add>, %exp3A_578, %reduce_sum3A_579 [1] : vector<256x33xf32> to vector<256xf32>
    %broadcast_in_dim3A_581 = vector.shape_cast %reduce_sum3A_580 : vector<256xf32> to vector<256x1xf32>
    %div3A_582 = vector.broadcast %broadcast_in_dim3A_581 : vector<256x1xf32> to vector<256x33xf32>
    %div3A_583 = arith.divf %exp3A_578, %div3A_582 : vector<256x33xf32>
    %mul3A_584 = arith.mulf %div3A_583, %mul3A_118 : vector<256x33xf32>
    %reduce_sum3A_585 = arith.constant dense<0.000000e+00> : vector<256xf32>
    %reduce_sum3A_586 = vector.multi_reduction <add>, %mul3A_584, %reduce_sum3A_585 [1] : vector<256x33xf32> to vector<256xf32>
    %broadcast_in_dim3A_587 = vector.shape_cast %reduce_sum3A_586 : vector<256xf32> to vector<256x1xf32>
    %add3A_588 = arith.constant 9.99999993E-9 : f32
    %add3A_589 = vector.broadcast %add3A_588 : f32 to vector<256x1xf32>
    %add3A_590 = arith.addf %broadcast_in_dim3A_587, %add3A_589 : vector<256x1xf32>
    %div3A_591 = vector.broadcast %add3A_590 : vector<256x1xf32> to vector<256x33xf32>
    %div3A_592 = arith.divf %mul3A_584, %div3A_591 : vector<256x33xf32>
    %swap3A_593 = arith.constant 0 : index
    %swap3A_594 = arith.constant 14 : index
    %swap3A_595 = arith.constant 0 : index
    %swap3A_596 = vector.load %arg7[%swap3A_593, %swap3A_594, %swap3A_595] : memref<256x16x40xf32, #tpu.memory_space<vmem>>, vector<256x1x33xf32>
    %swap3A_597 = vector.shape_cast %swap3A_596 : vector<256x1x33xf32> to vector<256x33xf32>
    %swap3A_598 = vector.shape_cast %div3A_592 : vector<256x33xf32> to vector<256x1x33xf32>
    tpu.vector_store %arg7[%swap3A_593, %swap3A_594, %swap3A_595], %swap3A_598 {strides = array<i32>} : memref<256x16x40xf32, #tpu.memory_space<vmem>>, vector<256x1x33xf32>,
    %slice3A_599 = vector.extract_strided_slice %dot_general3A_82 {offsets = [0, 15], sizes = [256, 1], strides = [1, 1]} : vector<256x16xf32> to vector<256x1xf32>
    %mul3A_600 = vector.broadcast %slice3A_599 : vector<256x1xf32> to vector<256x33xf32>
    %mul3A_601 = arith.mulf %mul3A_600, %mul3A_121 : vector<256x33xf32>
    %jit3A_602 = arith.constant -1.000000e+30 : f32
    %broadcast_in_dim3A_603 = vector.broadcast %jit3A_602 : f32 to vector<256x33xf32>
    %select_n3A_604 = arith.select %and3A, %mul3A_601, %broadcast_in_dim3A_603 : vector<256x33xi1>, vector<256x33xf32>
    %reduce_max3A_605 = arith.constant dense<0xFF800000> : vector<256xf32>
    %reduce_max3A_606 = vector.multi_reduction <maximumf>, %select_n3A_604, %reduce_max3A_605 [1] : vector<256x33xf32> to vector<256xf32>
    %broadcast_in_dim3A_607 = vector.shape_cast %reduce_max3A_606 : vector<256xf32> to vector<256x1xf32>
    %sub3A_608 = vector.broadcast %broadcast_in_dim3A_607 : vector<256x1xf32> to vector<256x33xf32>
    %sub3A_609 = arith.subf %select_n3A_604, %sub3A_608 : vector<256x33xf32>
    %exp3A_610 = math.exp %sub3A_609 : vector<256x33xf32>
    %reduce_sum3A_611 = arith.constant dense<0.000000e+00> : vector<256xf32>
    %reduce_sum3A_612 = vector.multi_reduction <add>, %exp3A_610, %reduce_sum3A_611 [1] : vector<256x33xf32> to vector<256xf32>
    %broadcast_in_dim3A_613 = vector.shape_cast %reduce_sum3A_612 : vector<256xf32> to vector<256x1xf32>
    %div3A_614 = vector.broadcast %broadcast_in_dim3A_613 : vector<256x1xf32> to vector<256x33xf32>
    %div3A_615 = arith.divf %exp3A_610, %div3A_614 : vector<256x33xf32>
    %mul3A_616 = arith.mulf %div3A_615, %mul3A_118 : vector<256x33xf32>
    %reduce_sum3A_617 = arith.constant dense<0.000000e+00> : vector<256xf32>
    %reduce_sum3A_618 = vector.multi_reduction <add>, %mul3A_616, %reduce_sum3A_617 [1] : vector<256x33xf32> to vector<256xf32>
    %broadcast_in_dim3A_619 = vector.shape_cast %reduce_sum3A_618 : vector<256xf32> to vector<256x1xf32>
    %add3A_620 = arith.constant 9.99999993E-9 : f32
    %add3A_621 = vector.broadcast %add3A_620 : f32 to vector<256x1xf32>
    %add3A_622 = arith.addf %broadcast_in_dim3A_619, %add3A_621 : vector<256x1xf32>
    %div3A_623 = vector.broadcast %add3A_622 : vector<256x1xf32> to vector<256x33xf32>
    %div3A_624 = arith.divf %mul3A_616, %div3A_623 : vector<256x33xf32>
    %swap3A_625 = arith.constant 0 : index
    %swap3A_626 = arith.constant 15 : index
    %swap3A_627 = arith.constant 0 : index
    %swap3A_628 = vector.load %arg7[%swap3A_625, %swap3A_626, %swap3A_627] : memref<256x16x40xf32, #tpu.memory_space<vmem>>, vector<256x1x33xf32>
    %swap3A_629 = vector.shape_cast %swap3A_628 : vector<256x1x33xf32> to vector<256x33xf32>
    %swap3A_630 = vector.shape_cast %div3A_624 : vector<256x33xf32> to vector<256x1x33xf32>
    tpu.vector_store %arg7[%swap3A_625, %swap3A_626, %swap3A_627], %swap3A_630 {strides = array<i32>} : memref<256x16x40xf32, #tpu.memory_space<vmem>>, vector<256x1x33xf32>,
    %broadcast_in_dim3A_631 = arith.constant 0 : i32
    %broadcast_in_dim3A_632 = vector.broadcast %broadcast_in_dim3A_631 : i32 to vector<256x7xi32>
    %concatenate3A = tpu.concatenate %min3A_107, %broadcast_in_dim3A_632 in 1 : vector<256x33xi32>, vector<256x7xi32> -> vector<256x40xi32>
    %swap3A_633 = arith.constant 0 : index
    %swap3A_634 = arith.constant 0 : index
    %swap3A_635 = vector.load %arg8[%swap3A_633, %swap3A_634] : memref<256x40xi32, #tpu.memory_space<vmem>>, vector<256x40xi32>
    tpu.vector_store %arg8[%swap3A_633, %swap3A_634], %concatenate3A {strides = array<i32>} : memref<256x40xi32, #tpu.memory_space<vmem>>, vector<256x40xi32>,
    return
  }
  func.func @transform_0(%arg0: i32) -> (i32, i32, i32) {
    %c0_i32 = arith.constant 0 : i32
    %c0_i32_0 = arith.constant 0 : i32
    %c0_i32_1 = arith.constant 0 : i32
    return %c0_i32, %arg0, %c0_i32_0 : i32, i32, i32
  }
  func.func @transform_1(%arg0: i32) -> (i32, i32) {
    %c0_i32 = arith.constant 0 : i32
    %c0_i32_0 = arith.constant 0 : i32
    %c0_i32_1 = arith.constant 0 : i32
    return %c0_i32, %c0_i32_0 : i32, i32
  }
  func.func @transform_2(%arg0: i32) -> (i32, i32) {
    %c0_i32 = arith.constant 0 : i32
    %c0_i32_0 = arith.constant 0 : i32
    %c0_i32_1 = arith.constant 0 : i32
    return %c0_i32, %c0_i32_0 : i32, i32
  }
  func.func @transform_3(%arg0: i32) -> (i32, i32) {
    %c0_i32 = arith.constant 0 : i32
    %c0_i32_0 = arith.constant 0 : i32
    %c0_i32_1 = arith.constant 0 : i32
    return %c0_i32, %c0_i32_0 : i32, i32
  }
  func.func @transform_4(%arg0: i32) -> (i32, i32) {
    %c0_i32 = arith.constant 0 : i32
    %c0_i32_0 = arith.constant 0 : i32
    %c0_i32_1 = arith.constant 0 : i32
    return %c0_i32, %c0_i32_0 : i32, i32
  }
  func.func @transform_5(%arg0: i32) -> (i32, i32) {
    %c0_i32 = arith.constant 0 : i32
    %c0_i32_0 = arith.constant 0 : i32
    %c0_i32_1 = arith.constant 0 : i32
    return %c0_i32, %c0_i32_0 : i32, i32
  }
  func.func @transform_6(%arg0: i32) -> (i32, i32, i32) {
    %c0_i32 = arith.constant 0 : i32
    %c0_i32_0 = arith.constant 0 : i32
    %c0_i32_1 = arith.constant 0 : i32
    return %arg0, %c0_i32, %c0_i32_0 : i32, i32, i32
  }
  func.func @transform_7(%arg0: i32) -> (i32, i32) {
    %c0_i32 = arith.constant 0 : i32
    %c0_i32_0 = arith.constant 0 : i32
    return %arg0, %c0_i32 : i32, i32
  }
}

module attributes {stable_mosaic.version = 14 : i64} {
  func.func @_tc_gather_kernel(%arg0: i32, %arg1: memref<2048x1024xf32, #tpu.memory_space<vmem>>, %arg2: memref<128x16x40xf32, #tpu.memory_space<vmem>>, %arg3: memref<128x40xi32, #tpu.memory_space<vmem>>, %arg4: memref<128x1024xf32, #tpu.memory_space<vmem>>) attributes {dimension_semantics = [#tpu.dimension_semantics<arbitrary>], iteration_bounds = array<i64: 9>, scalar_prefetch = 0 : i64, scratch_operands = 0 : i64, tpu.core_type = #tpu.core_type<tc>, window_params = [{pipeline_mode = #tpu.pipeline_mode<synchronous>, transform_indices = @transform_0, window_bounds = array<i64: 2048, 1024>}, {transform_indices = @transform_1, window_bounds = array<i64: 128, 16, 40>}, {transform_indices = @transform_2, window_bounds = array<i64: 128, 40>}, {transform_indices = @transform_3, window_bounds = array<i64: 128, 1024>}]} {
    %mul3A = arith.constant 128 : i32
    %mul3A_0 = arith.muli %arg0, %mul3A : i32
    %sub3A = arith.constant 272 : i32
    %sub3A_1 = arith.subi %mul3A_0, %sub3A : i32
    %jit3A = arith.constant 0 : i32
    %jit3A_2 = arith.constant 1280 : i32
    %max3A = arith.maxsi %jit3A, %sub3A_1 : i32
    %min3A = arith.minsi %jit3A_2, %max3A : i32
    %multiple_of3A = tpu.assume_multiple %min3A, 8 : i32
    %get3A = arith.index_cast %multiple_of3A : i32 to index
    %get3A_3 = arith.constant 0 : index
    %get3A_4 = vector.load %arg1[%get3A, %get3A_3] : memref<2048x1024xf32, #tpu.memory_space<vmem>>, vector<768x1024xf32>
    %convert_element_type3A = arith.truncf %get3A_4 : vector<768x1024xf32> to vector<768x1024xbf16>
    %iota3A = tpu.iota {dimensions = array<i32: 1>} : vector<128x768xi32>
    %iota3A_5 = tpu.iota {dimensions = array<i32: 1>} : vector<16x1024xi32>
    %jit3A_6 = arith.constant 64 : i32
    %div3A = vector.broadcast %jit3A_6 : i32 to vector<16x1024xi32>
    %div3A_7 = arith.divsi %iota3A_5, %div3A : vector<16x1024xi32>
    %sign3A = arith.constant 0 : i32
    %sign3A_8 = vector.broadcast %sign3A : i32 to vector<16x1024xi32>
    %sign3A_9 = arith.cmpi sgt, %iota3A_5, %sign3A_8 : vector<16x1024xi32>
    %sign3A_10 = arith.extui %sign3A_9 : vector<16x1024xi1> to vector<16x1024xi32>
    %sign3A_11 = arith.constant 0 : i32
    %sign3A_12 = vector.broadcast %sign3A_11 : i32 to vector<16x1024xi32>
    %sign3A_13 = arith.cmpi slt, %iota3A_5, %sign3A_12 : vector<16x1024xi32>
    %sign3A_14 = arith.extui %sign3A_13 : vector<16x1024xi1> to vector<16x1024xi32>
    %sign3A_15 = arith.subi %sign3A_10, %sign3A_14 : vector<16x1024xi32>
    %sign3A_16 = arith.constant 0 : i32
    %sign3A_17 = arith.cmpi sgt, %jit3A_6, %sign3A_16 : i32
    %sign3A_18 = arith.extui %sign3A_17 : i1 to i32
    %sign3A_19 = arith.constant 0 : i32
    %sign3A_20 = arith.cmpi slt, %jit3A_6, %sign3A_19 : i32
    %sign3A_21 = arith.extui %sign3A_20 : i1 to i32
    %sign3A_22 = arith.subi %sign3A_18, %sign3A_21 : i32
    %ne3A = vector.broadcast %sign3A_22 : i32 to vector<16x1024xi32>
    %ne3A_23 = arith.cmpi ne, %sign3A_15, %ne3A : vector<16x1024xi32>
    %rem3A = vector.broadcast %jit3A_6 : i32 to vector<16x1024xi32>
    %rem3A_24 = arith.remsi %iota3A_5, %rem3A : vector<16x1024xi32>
    %ne3A_25 = arith.constant 0 : i32
    %ne3A_26 = vector.broadcast %ne3A_25 : i32 to vector<16x1024xi32>
    %ne3A_27 = arith.cmpi ne, %rem3A_24, %ne3A_26 : vector<16x1024xi32>
    %and3A = arith.andi %ne3A_23, %ne3A_27 : vector<16x1024xi1>
    %sub3A_28 = arith.constant 1 : i32
    %sub3A_29 = vector.broadcast %sub3A_28 : i32 to vector<16x1024xi32>
    %sub3A_30 = arith.subi %div3A_7, %sub3A_29 : vector<16x1024xi32>
    %select_n3A = arith.select %and3A, %sub3A_30, %div3A_7 : vector<16x1024xi1>, vector<16x1024xi32>
    %iota3A_31 = tpu.iota {dimensions = array<i32: 0>} : vector<16x1024xi32>
    %eq3A = arith.cmpi eq, %select_n3A, %iota3A_31 : vector<16x1024xi32>
    %convert_element_type3A_32 = arith.extui %eq3A : vector<16x1024xi1> to vector<16x1024xi32>
    %convert_element_type3A_33 = arith.sitofp %convert_element_type3A_32 : vector<16x1024xi32> to vector<16x1024xf32>
    %get3A_34 = arith.constant 0 : index
    %get3A_35 = arith.constant 0 : index
    %get3A_36 = arith.constant 0 : index
    %get3A_37 = vector.load %arg2[%get3A_34, %get3A_35, %get3A_36] : memref<128x16x40xf32, #tpu.memory_space<vmem>>, vector<128x16x40xf32>
    %transpose3A = tpu.transpose %get3A_37, [0, 2, 1] : vector<128x16x40xf32> -> vector<128x40x16xf32>
    %broadcast_in_dim3A = arith.constant 0.000000e+00 : f32
    %broadcast_in_dim3A_38 = vector.broadcast %broadcast_in_dim3A : f32 to vector<128x1024xf32>
    %get3A_39 = arith.constant 0 : index
    %get3A_40 = arith.constant 0 : index
    %get3A_41 = vector.load %arg3[%get3A_39, %get3A_40] : memref<128x40xi32, #tpu.memory_space<vmem>>, vector<128x1xi32>
    %sub3A_42 = vector.broadcast %multiple_of3A : i32 to vector<128x1xi32>
    %sub3A_43 = arith.subi %get3A_41, %sub3A_42 : vector<128x1xi32>
    %eq3A_44 = vector.broadcast %sub3A_43 : vector<128x1xi32> to vector<128x768xi32>
    %eq3A_45 = arith.cmpi eq, %eq3A_44, %iota3A : vector<128x768xi32>
    %convert_element_type3A_46 = arith.extui %eq3A_45 : vector<128x768xi1> to vector<128x768xi32>
    %convert_element_type3A_47 = arith.sitofp %convert_element_type3A_46 : vector<128x768xi32> to vector<128x768xf32>
    %convert_element_type3A_48 = arith.truncf %convert_element_type3A_47 : vector<128x768xf32> to vector<128x768xbf16>
    %slice3A = vector.extract_strided_slice %transpose3A {offsets = [0, 0, 0], sizes = [128, 1, 16], strides = [1, 1, 1]} : vector<128x40x16xf32> to vector<128x1x16xf32>
    %squeeze3A = vector.shape_cast %slice3A : vector<128x1x16xf32> to vector<128x16xf32>
    %dot_general3A = arith.constant dense<0.000000e+00> : vector<128x1024xf32>
    %dot_general3A_49 = tpu.matmul %squeeze3A, %convert_element_type3A_33, %dot_general3A {dimension_numbers = #tpu.dot_dimension_numbers<[1], [0], [0], [1], [0, 0, 1, 1], [], []>, transpose_lhs_hint = false} : vector<128x16xf32>, vector<16x1024xf32>, vector<128x1024xf32> -> vector<128x1024xf32>
    %dot_general3A_50 = arith.constant dense<0.000000e+00> : vector<128x1024xf32>
    %dot_general3A_51 = tpu.matmul %convert_element_type3A_48, %convert_element_type3A, %dot_general3A_50 {dimension_numbers = #tpu.dot_dimension_numbers<[1], [0], [0], [1], [0, 0, 1, 1], [], []>, transpose_lhs_hint = false} : vector<128x768xbf16>, vector<768x1024xbf16>, vector<128x1024xf32> -> vector<128x1024xf32>
    %mul3A_52 = arith.mulf %dot_general3A_51, %dot_general3A_49 : vector<128x1024xf32>
    %add3A = arith.addf %broadcast_in_dim3A_38, %mul3A_52 : vector<128x1024xf32>
    %get3A_53 = arith.constant 0 : index
    %get3A_54 = arith.constant 1 : index
    %get3A_55 = vector.load %arg3[%get3A_53, %get3A_54] : memref<128x40xi32, #tpu.memory_space<vmem>>, vector<128x1xi32>
    %sub3A_56 = vector.broadcast %multiple_of3A : i32 to vector<128x1xi32>
    %sub3A_57 = arith.subi %get3A_55, %sub3A_56 : vector<128x1xi32>
    %eq3A_58 = vector.broadcast %sub3A_57 : vector<128x1xi32> to vector<128x768xi32>
    %eq3A_59 = arith.cmpi eq, %eq3A_58, %iota3A : vector<128x768xi32>
    %convert_element_type3A_60 = arith.extui %eq3A_59 : vector<128x768xi1> to vector<128x768xi32>
    %convert_element_type3A_61 = arith.sitofp %convert_element_type3A_60 : vector<128x768xi32> to vector<128x768xf32>
    %convert_element_type3A_62 = arith.truncf %convert_element_type3A_61 : vector<128x768xf32> to vector<128x768xbf16>
    %slice3A_63 = vector.extract_strided_slice %transpose3A {offsets = [0, 1, 0], sizes = [128, 1, 16], strides = [1, 1, 1]} : vector<128x40x16xf32> to vector<128x1x16xf32>
    %squeeze3A_64 = vector.shape_cast %slice3A_63 : vector<128x1x16xf32> to vector<128x16xf32>
    %dot_general3A_65 = arith.constant dense<0.000000e+00> : vector<128x1024xf32>
    %dot_general3A_66 = tpu.matmul %squeeze3A_64, %convert_element_type3A_33, %dot_general3A_65 {dimension_numbers = #tpu.dot_dimension_numbers<[1], [0], [0], [1], [0, 0, 1, 1], [], []>, transpose_lhs_hint = false} : vector<128x16xf32>, vector<16x1024xf32>, vector<128x1024xf32> -> vector<128x1024xf32>
    %dot_general3A_67 = arith.constant dense<0.000000e+00> : vector<128x1024xf32>
    %dot_general3A_68 = tpu.matmul %convert_element_type3A_62, %convert_element_type3A, %dot_general3A_67 {dimension_numbers = #tpu.dot_dimension_numbers<[1], [0], [0], [1], [0, 0, 1, 1], [], []>, transpose_lhs_hint = false} : vector<128x768xbf16>, vector<768x1024xbf16>, vector<128x1024xf32> -> vector<128x1024xf32>
    %mul3A_69 = arith.mulf %dot_general3A_68, %dot_general3A_66 : vector<128x1024xf32>
    %add3A_70 = arith.addf %add3A, %mul3A_69 : vector<128x1024xf32>
    %get3A_71 = arith.constant 0 : index
    %get3A_72 = arith.constant 2 : index
    %get3A_73 = vector.load %arg3[%get3A_71, %get3A_72] : memref<128x40xi32, #tpu.memory_space<vmem>>, vector<128x1xi32>
    %sub3A_74 = vector.broadcast %multiple_of3A : i32 to vector<128x1xi32>
    %sub3A_75 = arith.subi %get3A_73, %sub3A_74 : vector<128x1xi32>
    %eq3A_76 = vector.broadcast %sub3A_75 : vector<128x1xi32> to vector<128x768xi32>
    %eq3A_77 = arith.cmpi eq, %eq3A_76, %iota3A : vector<128x768xi32>
    %convert_element_type3A_78 = arith.extui %eq3A_77 : vector<128x768xi1> to vector<128x768xi32>
    %convert_element_type3A_79 = arith.sitofp %convert_element_type3A_78 : vector<128x768xi32> to vector<128x768xf32>
    %convert_element_type3A_80 = arith.truncf %convert_element_type3A_79 : vector<128x768xf32> to vector<128x768xbf16>
    %slice3A_81 = vector.extract_strided_slice %transpose3A {offsets = [0, 2, 0], sizes = [128, 1, 16], strides = [1, 1, 1]} : vector<128x40x16xf32> to vector<128x1x16xf32>
    %squeeze3A_82 = vector.shape_cast %slice3A_81 : vector<128x1x16xf32> to vector<128x16xf32>
    %dot_general3A_83 = arith.constant dense<0.000000e+00> : vector<128x1024xf32>
    %dot_general3A_84 = tpu.matmul %squeeze3A_82, %convert_element_type3A_33, %dot_general3A_83 {dimension_numbers = #tpu.dot_dimension_numbers<[1], [0], [0], [1], [0, 0, 1, 1], [], []>, transpose_lhs_hint = false} : vector<128x16xf32>, vector<16x1024xf32>, vector<128x1024xf32> -> vector<128x1024xf32>
    %dot_general3A_85 = arith.constant dense<0.000000e+00> : vector<128x1024xf32>
    %dot_general3A_86 = tpu.matmul %convert_element_type3A_80, %convert_element_type3A, %dot_general3A_85 {dimension_numbers = #tpu.dot_dimension_numbers<[1], [0], [0], [1], [0, 0, 1, 1], [], []>, transpose_lhs_hint = false} : vector<128x768xbf16>, vector<768x1024xbf16>, vector<128x1024xf32> -> vector<128x1024xf32>
    %mul3A_87 = arith.mulf %dot_general3A_86, %dot_general3A_84 : vector<128x1024xf32>
    %add3A_88 = arith.addf %add3A_70, %mul3A_87 : vector<128x1024xf32>
    %get3A_89 = arith.constant 0 : index
    %get3A_90 = arith.constant 3 : index
    %get3A_91 = vector.load %arg3[%get3A_89, %get3A_90] : memref<128x40xi32, #tpu.memory_space<vmem>>, vector<128x1xi32>
    %sub3A_92 = vector.broadcast %multiple_of3A : i32 to vector<128x1xi32>
    %sub3A_93 = arith.subi %get3A_91, %sub3A_92 : vector<128x1xi32>
    %eq3A_94 = vector.broadcast %sub3A_93 : vector<128x1xi32> to vector<128x768xi32>
    %eq3A_95 = arith.cmpi eq, %eq3A_94, %iota3A : vector<128x768xi32>
    %convert_element_type3A_96 = arith.extui %eq3A_95 : vector<128x768xi1> to vector<128x768xi32>
    %convert_element_type3A_97 = arith.sitofp %convert_element_type3A_96 : vector<128x768xi32> to vector<128x768xf32>
    %convert_element_type3A_98 = arith.truncf %convert_element_type3A_97 : vector<128x768xf32> to vector<128x768xbf16>
    %slice3A_99 = vector.extract_strided_slice %transpose3A {offsets = [0, 3, 0], sizes = [128, 1, 16], strides = [1, 1, 1]} : vector<128x40x16xf32> to vector<128x1x16xf32>
    %squeeze3A_100 = vector.shape_cast %slice3A_99 : vector<128x1x16xf32> to vector<128x16xf32>
    %dot_general3A_101 = arith.constant dense<0.000000e+00> : vector<128x1024xf32>
    %dot_general3A_102 = tpu.matmul %squeeze3A_100, %convert_element_type3A_33, %dot_general3A_101 {dimension_numbers = #tpu.dot_dimension_numbers<[1], [0], [0], [1], [0, 0, 1, 1], [], []>, transpose_lhs_hint = false} : vector<128x16xf32>, vector<16x1024xf32>, vector<128x1024xf32> -> vector<128x1024xf32>
    %dot_general3A_103 = arith.constant dense<0.000000e+00> : vector<128x1024xf32>
    %dot_general3A_104 = tpu.matmul %convert_element_type3A_98, %convert_element_type3A, %dot_general3A_103 {dimension_numbers = #tpu.dot_dimension_numbers<[1], [0], [0], [1], [0, 0, 1, 1], [], []>, transpose_lhs_hint = false} : vector<128x768xbf16>, vector<768x1024xbf16>, vector<128x1024xf32> -> vector<128x1024xf32>
    %mul3A_105 = arith.mulf %dot_general3A_104, %dot_general3A_102 : vector<128x1024xf32>
    %add3A_106 = arith.addf %add3A_88, %mul3A_105 : vector<128x1024xf32>
    %get3A_107 = arith.constant 0 : index
    %get3A_108 = arith.constant 4 : index
    %get3A_109 = vector.load %arg3[%get3A_107, %get3A_108] : memref<128x40xi32, #tpu.memory_space<vmem>>, vector<128x1xi32>
    %sub3A_110 = vector.broadcast %multiple_of3A : i32 to vector<128x1xi32>
    %sub3A_111 = arith.subi %get3A_109, %sub3A_110 : vector<128x1xi32>
    %eq3A_112 = vector.broadcast %sub3A_111 : vector<128x1xi32> to vector<128x768xi32>
    %eq3A_113 = arith.cmpi eq, %eq3A_112, %iota3A : vector<128x768xi32>
    %convert_element_type3A_114 = arith.extui %eq3A_113 : vector<128x768xi1> to vector<128x768xi32>
    %convert_element_type3A_115 = arith.sitofp %convert_element_type3A_114 : vector<128x768xi32> to vector<128x768xf32>
    %convert_element_type3A_116 = arith.truncf %convert_element_type3A_115 : vector<128x768xf32> to vector<128x768xbf16>
    %slice3A_117 = vector.extract_strided_slice %transpose3A {offsets = [0, 4, 0], sizes = [128, 1, 16], strides = [1, 1, 1]} : vector<128x40x16xf32> to vector<128x1x16xf32>
    %squeeze3A_118 = vector.shape_cast %slice3A_117 : vector<128x1x16xf32> to vector<128x16xf32>
    %dot_general3A_119 = arith.constant dense<0.000000e+00> : vector<128x1024xf32>
    %dot_general3A_120 = tpu.matmul %squeeze3A_118, %convert_element_type3A_33, %dot_general3A_119 {dimension_numbers = #tpu.dot_dimension_numbers<[1], [0], [0], [1], [0, 0, 1, 1], [], []>, transpose_lhs_hint = false} : vector<128x16xf32>, vector<16x1024xf32>, vector<128x1024xf32> -> vector<128x1024xf32>
    %dot_general3A_121 = arith.constant dense<0.000000e+00> : vector<128x1024xf32>
    %dot_general3A_122 = tpu.matmul %convert_element_type3A_116, %convert_element_type3A, %dot_general3A_121 {dimension_numbers = #tpu.dot_dimension_numbers<[1], [0], [0], [1], [0, 0, 1, 1], [], []>, transpose_lhs_hint = false} : vector<128x768xbf16>, vector<768x1024xbf16>, vector<128x1024xf32> -> vector<128x1024xf32>
    %mul3A_123 = arith.mulf %dot_general3A_122, %dot_general3A_120 : vector<128x1024xf32>
    %add3A_124 = arith.addf %add3A_106, %mul3A_123 : vector<128x1024xf32>
    %get3A_125 = arith.constant 0 : index
    %get3A_126 = arith.constant 5 : index
    %get3A_127 = vector.load %arg3[%get3A_125, %get3A_126] : memref<128x40xi32, #tpu.memory_space<vmem>>, vector<128x1xi32>
    %sub3A_128 = vector.broadcast %multiple_of3A : i32 to vector<128x1xi32>
    %sub3A_129 = arith.subi %get3A_127, %sub3A_128 : vector<128x1xi32>
    %eq3A_130 = vector.broadcast %sub3A_129 : vector<128x1xi32> to vector<128x768xi32>
    %eq3A_131 = arith.cmpi eq, %eq3A_130, %iota3A : vector<128x768xi32>
    %convert_element_type3A_132 = arith.extui %eq3A_131 : vector<128x768xi1> to vector<128x768xi32>
    %convert_element_type3A_133 = arith.sitofp %convert_element_type3A_132 : vector<128x768xi32> to vector<128x768xf32>
    %convert_element_type3A_134 = arith.truncf %convert_element_type3A_133 : vector<128x768xf32> to vector<128x768xbf16>
    %slice3A_135 = vector.extract_strided_slice %transpose3A {offsets = [0, 5, 0], sizes = [128, 1, 16], strides = [1, 1, 1]} : vector<128x40x16xf32> to vector<128x1x16xf32>
    %squeeze3A_136 = vector.shape_cast %slice3A_135 : vector<128x1x16xf32> to vector<128x16xf32>
    %dot_general3A_137 = arith.constant dense<0.000000e+00> : vector<128x1024xf32>
    %dot_general3A_138 = tpu.matmul %squeeze3A_136, %convert_element_type3A_33, %dot_general3A_137 {dimension_numbers = #tpu.dot_dimension_numbers<[1], [0], [0], [1], [0, 0, 1, 1], [], []>, transpose_lhs_hint = false} : vector<128x16xf32>, vector<16x1024xf32>, vector<128x1024xf32> -> vector<128x1024xf32>
    %dot_general3A_139 = arith.constant dense<0.000000e+00> : vector<128x1024xf32>
    %dot_general3A_140 = tpu.matmul %convert_element_type3A_134, %convert_element_type3A, %dot_general3A_139 {dimension_numbers = #tpu.dot_dimension_numbers<[1], [0], [0], [1], [0, 0, 1, 1], [], []>, transpose_lhs_hint = false} : vector<128x768xbf16>, vector<768x1024xbf16>, vector<128x1024xf32> -> vector<128x1024xf32>
    %mul3A_141 = arith.mulf %dot_general3A_140, %dot_general3A_138 : vector<128x1024xf32>
    %add3A_142 = arith.addf %add3A_124, %mul3A_141 : vector<128x1024xf32>
    %get3A_143 = arith.constant 0 : index
    %get3A_144 = arith.constant 6 : index
    %get3A_145 = vector.load %arg3[%get3A_143, %get3A_144] : memref<128x40xi32, #tpu.memory_space<vmem>>, vector<128x1xi32>
    %sub3A_146 = vector.broadcast %multiple_of3A : i32 to vector<128x1xi32>
    %sub3A_147 = arith.subi %get3A_145, %sub3A_146 : vector<128x1xi32>
    %eq3A_148 = vector.broadcast %sub3A_147 : vector<128x1xi32> to vector<128x768xi32>
    %eq3A_149 = arith.cmpi eq, %eq3A_148, %iota3A : vector<128x768xi32>
    %convert_element_type3A_150 = arith.extui %eq3A_149 : vector<128x768xi1> to vector<128x768xi32>
    %convert_element_type3A_151 = arith.sitofp %convert_element_type3A_150 : vector<128x768xi32> to vector<128x768xf32>
    %convert_element_type3A_152 = arith.truncf %convert_element_type3A_151 : vector<128x768xf32> to vector<128x768xbf16>
    %slice3A_153 = vector.extract_strided_slice %transpose3A {offsets = [0, 6, 0], sizes = [128, 1, 16], strides = [1, 1, 1]} : vector<128x40x16xf32> to vector<128x1x16xf32>
    %squeeze3A_154 = vector.shape_cast %slice3A_153 : vector<128x1x16xf32> to vector<128x16xf32>
    %dot_general3A_155 = arith.constant dense<0.000000e+00> : vector<128x1024xf32>
    %dot_general3A_156 = tpu.matmul %squeeze3A_154, %convert_element_type3A_33, %dot_general3A_155 {dimension_numbers = #tpu.dot_dimension_numbers<[1], [0], [0], [1], [0, 0, 1, 1], [], []>, transpose_lhs_hint = false} : vector<128x16xf32>, vector<16x1024xf32>, vector<128x1024xf32> -> vector<128x1024xf32>
    %dot_general3A_157 = arith.constant dense<0.000000e+00> : vector<128x1024xf32>
    %dot_general3A_158 = tpu.matmul %convert_element_type3A_152, %convert_element_type3A, %dot_general3A_157 {dimension_numbers = #tpu.dot_dimension_numbers<[1], [0], [0], [1], [0, 0, 1, 1], [], []>, transpose_lhs_hint = false} : vector<128x768xbf16>, vector<768x1024xbf16>, vector<128x1024xf32> -> vector<128x1024xf32>
    %mul3A_159 = arith.mulf %dot_general3A_158, %dot_general3A_156 : vector<128x1024xf32>
    %add3A_160 = arith.addf %add3A_142, %mul3A_159 : vector<128x1024xf32>
    %get3A_161 = arith.constant 0 : index
    %get3A_162 = arith.constant 7 : index
    %get3A_163 = vector.load %arg3[%get3A_161, %get3A_162] : memref<128x40xi32, #tpu.memory_space<vmem>>, vector<128x1xi32>
    %sub3A_164 = vector.broadcast %multiple_of3A : i32 to vector<128x1xi32>
    %sub3A_165 = arith.subi %get3A_163, %sub3A_164 : vector<128x1xi32>
    %eq3A_166 = vector.broadcast %sub3A_165 : vector<128x1xi32> to vector<128x768xi32>
    %eq3A_167 = arith.cmpi eq, %eq3A_166, %iota3A : vector<128x768xi32>
    %convert_element_type3A_168 = arith.extui %eq3A_167 : vector<128x768xi1> to vector<128x768xi32>
    %convert_element_type3A_169 = arith.sitofp %convert_element_type3A_168 : vector<128x768xi32> to vector<128x768xf32>
    %convert_element_type3A_170 = arith.truncf %convert_element_type3A_169 : vector<128x768xf32> to vector<128x768xbf16>
    %slice3A_171 = vector.extract_strided_slice %transpose3A {offsets = [0, 7, 0], sizes = [128, 1, 16], strides = [1, 1, 1]} : vector<128x40x16xf32> to vector<128x1x16xf32>
    %squeeze3A_172 = vector.shape_cast %slice3A_171 : vector<128x1x16xf32> to vector<128x16xf32>
    %dot_general3A_173 = arith.constant dense<0.000000e+00> : vector<128x1024xf32>
    %dot_general3A_174 = tpu.matmul %squeeze3A_172, %convert_element_type3A_33, %dot_general3A_173 {dimension_numbers = #tpu.dot_dimension_numbers<[1], [0], [0], [1], [0, 0, 1, 1], [], []>, transpose_lhs_hint = false} : vector<128x16xf32>, vector<16x1024xf32>, vector<128x1024xf32> -> vector<128x1024xf32>
    %dot_general3A_175 = arith.constant dense<0.000000e+00> : vector<128x1024xf32>
    %dot_general3A_176 = tpu.matmul %convert_element_type3A_170, %convert_element_type3A, %dot_general3A_175 {dimension_numbers = #tpu.dot_dimension_numbers<[1], [0], [0], [1], [0, 0, 1, 1], [], []>, transpose_lhs_hint = false} : vector<128x768xbf16>, vector<768x1024xbf16>, vector<128x1024xf32> -> vector<128x1024xf32>
    %mul3A_177 = arith.mulf %dot_general3A_176, %dot_general3A_174 : vector<128x1024xf32>
    %add3A_178 = arith.addf %add3A_160, %mul3A_177 : vector<128x1024xf32>
    %get3A_179 = arith.constant 0 : index
    %get3A_180 = arith.constant 8 : index
    %get3A_181 = vector.load %arg3[%get3A_179, %get3A_180] : memref<128x40xi32, #tpu.memory_space<vmem>>, vector<128x1xi32>
    %sub3A_182 = vector.broadcast %multiple_of3A : i32 to vector<128x1xi32>
    %sub3A_183 = arith.subi %get3A_181, %sub3A_182 : vector<128x1xi32>
    %eq3A_184 = vector.broadcast %sub3A_183 : vector<128x1xi32> to vector<128x768xi32>
    %eq3A_185 = arith.cmpi eq, %eq3A_184, %iota3A : vector<128x768xi32>
    %convert_element_type3A_186 = arith.extui %eq3A_185 : vector<128x768xi1> to vector<128x768xi32>
    %convert_element_type3A_187 = arith.sitofp %convert_element_type3A_186 : vector<128x768xi32> to vector<128x768xf32>
    %convert_element_type3A_188 = arith.truncf %convert_element_type3A_187 : vector<128x768xf32> to vector<128x768xbf16>
    %slice3A_189 = vector.extract_strided_slice %transpose3A {offsets = [0, 8, 0], sizes = [128, 1, 16], strides = [1, 1, 1]} : vector<128x40x16xf32> to vector<128x1x16xf32>
    %squeeze3A_190 = vector.shape_cast %slice3A_189 : vector<128x1x16xf32> to vector<128x16xf32>
    %dot_general3A_191 = arith.constant dense<0.000000e+00> : vector<128x1024xf32>
    %dot_general3A_192 = tpu.matmul %squeeze3A_190, %convert_element_type3A_33, %dot_general3A_191 {dimension_numbers = #tpu.dot_dimension_numbers<[1], [0], [0], [1], [0, 0, 1, 1], [], []>, transpose_lhs_hint = false} : vector<128x16xf32>, vector<16x1024xf32>, vector<128x1024xf32> -> vector<128x1024xf32>
    %dot_general3A_193 = arith.constant dense<0.000000e+00> : vector<128x1024xf32>
    %dot_general3A_194 = tpu.matmul %convert_element_type3A_188, %convert_element_type3A, %dot_general3A_193 {dimension_numbers = #tpu.dot_dimension_numbers<[1], [0], [0], [1], [0, 0, 1, 1], [], []>, transpose_lhs_hint = false} : vector<128x768xbf16>, vector<768x1024xbf16>, vector<128x1024xf32> -> vector<128x1024xf32>
    %mul3A_195 = arith.mulf %dot_general3A_194, %dot_general3A_192 : vector<128x1024xf32>
    %add3A_196 = arith.addf %add3A_178, %mul3A_195 : vector<128x1024xf32>
    %get3A_197 = arith.constant 0 : index
    %get3A_198 = arith.constant 9 : index
    %get3A_199 = vector.load %arg3[%get3A_197, %get3A_198] : memref<128x40xi32, #tpu.memory_space<vmem>>, vector<128x1xi32>
    %sub3A_200 = vector.broadcast %multiple_of3A : i32 to vector<128x1xi32>
    %sub3A_201 = arith.subi %get3A_199, %sub3A_200 : vector<128x1xi32>
    %eq3A_202 = vector.broadcast %sub3A_201 : vector<128x1xi32> to vector<128x768xi32>
    %eq3A_203 = arith.cmpi eq, %eq3A_202, %iota3A : vector<128x768xi32>
    %convert_element_type3A_204 = arith.extui %eq3A_203 : vector<128x768xi1> to vector<128x768xi32>
    %convert_element_type3A_205 = arith.sitofp %convert_element_type3A_204 : vector<128x768xi32> to vector<128x768xf32>
    %convert_element_type3A_206 = arith.truncf %convert_element_type3A_205 : vector<128x768xf32> to vector<128x768xbf16>
    %slice3A_207 = vector.extract_strided_slice %transpose3A {offsets = [0, 9, 0], sizes = [128, 1, 16], strides = [1, 1, 1]} : vector<128x40x16xf32> to vector<128x1x16xf32>
    %squeeze3A_208 = vector.shape_cast %slice3A_207 : vector<128x1x16xf32> to vector<128x16xf32>
    %dot_general3A_209 = arith.constant dense<0.000000e+00> : vector<128x1024xf32>
    %dot_general3A_210 = tpu.matmul %squeeze3A_208, %convert_element_type3A_33, %dot_general3A_209 {dimension_numbers = #tpu.dot_dimension_numbers<[1], [0], [0], [1], [0, 0, 1, 1], [], []>, transpose_lhs_hint = false} : vector<128x16xf32>, vector<16x1024xf32>, vector<128x1024xf32> -> vector<128x1024xf32>
    %dot_general3A_211 = arith.constant dense<0.000000e+00> : vector<128x1024xf32>
    %dot_general3A_212 = tpu.matmul %convert_element_type3A_206, %convert_element_type3A, %dot_general3A_211 {dimension_numbers = #tpu.dot_dimension_numbers<[1], [0], [0], [1], [0, 0, 1, 1], [], []>, transpose_lhs_hint = false} : vector<128x768xbf16>, vector<768x1024xbf16>, vector<128x1024xf32> -> vector<128x1024xf32>
    %mul3A_213 = arith.mulf %dot_general3A_212, %dot_general3A_210 : vector<128x1024xf32>
    %add3A_214 = arith.addf %add3A_196, %mul3A_213 : vector<128x1024xf32>
    %get3A_215 = arith.constant 0 : index
    %get3A_216 = arith.constant 10 : index
    %get3A_217 = vector.load %arg3[%get3A_215, %get3A_216] : memref<128x40xi32, #tpu.memory_space<vmem>>, vector<128x1xi32>
    %sub3A_218 = vector.broadcast %multiple_of3A : i32 to vector<128x1xi32>
    %sub3A_219 = arith.subi %get3A_217, %sub3A_218 : vector<128x1xi32>
    %eq3A_220 = vector.broadcast %sub3A_219 : vector<128x1xi32> to vector<128x768xi32>
    %eq3A_221 = arith.cmpi eq, %eq3A_220, %iota3A : vector<128x768xi32>
    %convert_element_type3A_222 = arith.extui %eq3A_221 : vector<128x768xi1> to vector<128x768xi32>
    %convert_element_type3A_223 = arith.sitofp %convert_element_type3A_222 : vector<128x768xi32> to vector<128x768xf32>
    %convert_element_type3A_224 = arith.truncf %convert_element_type3A_223 : vector<128x768xf32> to vector<128x768xbf16>
    %slice3A_225 = vector.extract_strided_slice %transpose3A {offsets = [0, 10, 0], sizes = [128, 1, 16], strides = [1, 1, 1]} : vector<128x40x16xf32> to vector<128x1x16xf32>
    %squeeze3A_226 = vector.shape_cast %slice3A_225 : vector<128x1x16xf32> to vector<128x16xf32>
    %dot_general3A_227 = arith.constant dense<0.000000e+00> : vector<128x1024xf32>
    %dot_general3A_228 = tpu.matmul %squeeze3A_226, %convert_element_type3A_33, %dot_general3A_227 {dimension_numbers = #tpu.dot_dimension_numbers<[1], [0], [0], [1], [0, 0, 1, 1], [], []>, transpose_lhs_hint = false} : vector<128x16xf32>, vector<16x1024xf32>, vector<128x1024xf32> -> vector<128x1024xf32>
    %dot_general3A_229 = arith.constant dense<0.000000e+00> : vector<128x1024xf32>
    %dot_general3A_230 = tpu.matmul %convert_element_type3A_224, %convert_element_type3A, %dot_general3A_229 {dimension_numbers = #tpu.dot_dimension_numbers<[1], [0], [0], [1], [0, 0, 1, 1], [], []>, transpose_lhs_hint = false} : vector<128x768xbf16>, vector<768x1024xbf16>, vector<128x1024xf32> -> vector<128x1024xf32>
    %mul3A_231 = arith.mulf %dot_general3A_230, %dot_general3A_228 : vector<128x1024xf32>
    %add3A_232 = arith.addf %add3A_214, %mul3A_231 : vector<128x1024xf32>
    %get3A_233 = arith.constant 0 : index
    %get3A_234 = arith.constant 11 : index
    %get3A_235 = vector.load %arg3[%get3A_233, %get3A_234] : memref<128x40xi32, #tpu.memory_space<vmem>>, vector<128x1xi32>
    %sub3A_236 = vector.broadcast %multiple_of3A : i32 to vector<128x1xi32>
    %sub3A_237 = arith.subi %get3A_235, %sub3A_236 : vector<128x1xi32>
    %eq3A_238 = vector.broadcast %sub3A_237 : vector<128x1xi32> to vector<128x768xi32>
    %eq3A_239 = arith.cmpi eq, %eq3A_238, %iota3A : vector<128x768xi32>
    %convert_element_type3A_240 = arith.extui %eq3A_239 : vector<128x768xi1> to vector<128x768xi32>
    %convert_element_type3A_241 = arith.sitofp %convert_element_type3A_240 : vector<128x768xi32> to vector<128x768xf32>
    %convert_element_type3A_242 = arith.truncf %convert_element_type3A_241 : vector<128x768xf32> to vector<128x768xbf16>
    %slice3A_243 = vector.extract_strided_slice %transpose3A {offsets = [0, 11, 0], sizes = [128, 1, 16], strides = [1, 1, 1]} : vector<128x40x16xf32> to vector<128x1x16xf32>
    %squeeze3A_244 = vector.shape_cast %slice3A_243 : vector<128x1x16xf32> to vector<128x16xf32>
    %dot_general3A_245 = arith.constant dense<0.000000e+00> : vector<128x1024xf32>
    %dot_general3A_246 = tpu.matmul %squeeze3A_244, %convert_element_type3A_33, %dot_general3A_245 {dimension_numbers = #tpu.dot_dimension_numbers<[1], [0], [0], [1], [0, 0, 1, 1], [], []>, transpose_lhs_hint = false} : vector<128x16xf32>, vector<16x1024xf32>, vector<128x1024xf32> -> vector<128x1024xf32>
    %dot_general3A_247 = arith.constant dense<0.000000e+00> : vector<128x1024xf32>
    %dot_general3A_248 = tpu.matmul %convert_element_type3A_242, %convert_element_type3A, %dot_general3A_247 {dimension_numbers = #tpu.dot_dimension_numbers<[1], [0], [0], [1], [0, 0, 1, 1], [], []>, transpose_lhs_hint = false} : vector<128x768xbf16>, vector<768x1024xbf16>, vector<128x1024xf32> -> vector<128x1024xf32>
    %mul3A_249 = arith.mulf %dot_general3A_248, %dot_general3A_246 : vector<128x1024xf32>
    %add3A_250 = arith.addf %add3A_232, %mul3A_249 : vector<128x1024xf32>
    %get3A_251 = arith.constant 0 : index
    %get3A_252 = arith.constant 12 : index
    %get3A_253 = vector.load %arg3[%get3A_251, %get3A_252] : memref<128x40xi32, #tpu.memory_space<vmem>>, vector<128x1xi32>
    %sub3A_254 = vector.broadcast %multiple_of3A : i32 to vector<128x1xi32>
    %sub3A_255 = arith.subi %get3A_253, %sub3A_254 : vector<128x1xi32>
    %eq3A_256 = vector.broadcast %sub3A_255 : vector<128x1xi32> to vector<128x768xi32>
    %eq3A_257 = arith.cmpi eq, %eq3A_256, %iota3A : vector<128x768xi32>
    %convert_element_type3A_258 = arith.extui %eq3A_257 : vector<128x768xi1> to vector<128x768xi32>
    %convert_element_type3A_259 = arith.sitofp %convert_element_type3A_258 : vector<128x768xi32> to vector<128x768xf32>
    %convert_element_type3A_260 = arith.truncf %convert_element_type3A_259 : vector<128x768xf32> to vector<128x768xbf16>
    %slice3A_261 = vector.extract_strided_slice %transpose3A {offsets = [0, 12, 0], sizes = [128, 1, 16], strides = [1, 1, 1]} : vector<128x40x16xf32> to vector<128x1x16xf32>
    %squeeze3A_262 = vector.shape_cast %slice3A_261 : vector<128x1x16xf32> to vector<128x16xf32>
    %dot_general3A_263 = arith.constant dense<0.000000e+00> : vector<128x1024xf32>
    %dot_general3A_264 = tpu.matmul %squeeze3A_262, %convert_element_type3A_33, %dot_general3A_263 {dimension_numbers = #tpu.dot_dimension_numbers<[1], [0], [0], [1], [0, 0, 1, 1], [], []>, transpose_lhs_hint = false} : vector<128x16xf32>, vector<16x1024xf32>, vector<128x1024xf32> -> vector<128x1024xf32>
    %dot_general3A_265 = arith.constant dense<0.000000e+00> : vector<128x1024xf32>
    %dot_general3A_266 = tpu.matmul %convert_element_type3A_260, %convert_element_type3A, %dot_general3A_265 {dimension_numbers = #tpu.dot_dimension_numbers<[1], [0], [0], [1], [0, 0, 1, 1], [], []>, transpose_lhs_hint = false} : vector<128x768xbf16>, vector<768x1024xbf16>, vector<128x1024xf32> -> vector<128x1024xf32>
    %mul3A_267 = arith.mulf %dot_general3A_266, %dot_general3A_264 : vector<128x1024xf32>
    %add3A_268 = arith.addf %add3A_250, %mul3A_267 : vector<128x1024xf32>
    %get3A_269 = arith.constant 0 : index
    %get3A_270 = arith.constant 13 : index
    %get3A_271 = vector.load %arg3[%get3A_269, %get3A_270] : memref<128x40xi32, #tpu.memory_space<vmem>>, vector<128x1xi32>
    %sub3A_272 = vector.broadcast %multiple_of3A : i32 to vector<128x1xi32>
    %sub3A_273 = arith.subi %get3A_271, %sub3A_272 : vector<128x1xi32>
    %eq3A_274 = vector.broadcast %sub3A_273 : vector<128x1xi32> to vector<128x768xi32>
    %eq3A_275 = arith.cmpi eq, %eq3A_274, %iota3A : vector<128x768xi32>
    %convert_element_type3A_276 = arith.extui %eq3A_275 : vector<128x768xi1> to vector<128x768xi32>
    %convert_element_type3A_277 = arith.sitofp %convert_element_type3A_276 : vector<128x768xi32> to vector<128x768xf32>
    %convert_element_type3A_278 = arith.truncf %convert_element_type3A_277 : vector<128x768xf32> to vector<128x768xbf16>
    %slice3A_279 = vector.extract_strided_slice %transpose3A {offsets = [0, 13, 0], sizes = [128, 1, 16], strides = [1, 1, 1]} : vector<128x40x16xf32> to vector<128x1x16xf32>
    %squeeze3A_280 = vector.shape_cast %slice3A_279 : vector<128x1x16xf32> to vector<128x16xf32>
    %dot_general3A_281 = arith.constant dense<0.000000e+00> : vector<128x1024xf32>
    %dot_general3A_282 = tpu.matmul %squeeze3A_280, %convert_element_type3A_33, %dot_general3A_281 {dimension_numbers = #tpu.dot_dimension_numbers<[1], [0], [0], [1], [0, 0, 1, 1], [], []>, transpose_lhs_hint = false} : vector<128x16xf32>, vector<16x1024xf32>, vector<128x1024xf32> -> vector<128x1024xf32>
    %dot_general3A_283 = arith.constant dense<0.000000e+00> : vector<128x1024xf32>
    %dot_general3A_284 = tpu.matmul %convert_element_type3A_278, %convert_element_type3A, %dot_general3A_283 {dimension_numbers = #tpu.dot_dimension_numbers<[1], [0], [0], [1], [0, 0, 1, 1], [], []>, transpose_lhs_hint = false} : vector<128x768xbf16>, vector<768x1024xbf16>, vector<128x1024xf32> -> vector<128x1024xf32>
    %mul3A_285 = arith.mulf %dot_general3A_284, %dot_general3A_282 : vector<128x1024xf32>
    %add3A_286 = arith.addf %add3A_268, %mul3A_285 : vector<128x1024xf32>
    %get3A_287 = arith.constant 0 : index
    %get3A_288 = arith.constant 14 : index
    %get3A_289 = vector.load %arg3[%get3A_287, %get3A_288] : memref<128x40xi32, #tpu.memory_space<vmem>>, vector<128x1xi32>
    %sub3A_290 = vector.broadcast %multiple_of3A : i32 to vector<128x1xi32>
    %sub3A_291 = arith.subi %get3A_289, %sub3A_290 : vector<128x1xi32>
    %eq3A_292 = vector.broadcast %sub3A_291 : vector<128x1xi32> to vector<128x768xi32>
    %eq3A_293 = arith.cmpi eq, %eq3A_292, %iota3A : vector<128x768xi32>
    %convert_element_type3A_294 = arith.extui %eq3A_293 : vector<128x768xi1> to vector<128x768xi32>
    %convert_element_type3A_295 = arith.sitofp %convert_element_type3A_294 : vector<128x768xi32> to vector<128x768xf32>
    %convert_element_type3A_296 = arith.truncf %convert_element_type3A_295 : vector<128x768xf32> to vector<128x768xbf16>
    %slice3A_297 = vector.extract_strided_slice %transpose3A {offsets = [0, 14, 0], sizes = [128, 1, 16], strides = [1, 1, 1]} : vector<128x40x16xf32> to vector<128x1x16xf32>
    %squeeze3A_298 = vector.shape_cast %slice3A_297 : vector<128x1x16xf32> to vector<128x16xf32>
    %dot_general3A_299 = arith.constant dense<0.000000e+00> : vector<128x1024xf32>
    %dot_general3A_300 = tpu.matmul %squeeze3A_298, %convert_element_type3A_33, %dot_general3A_299 {dimension_numbers = #tpu.dot_dimension_numbers<[1], [0], [0], [1], [0, 0, 1, 1], [], []>, transpose_lhs_hint = false} : vector<128x16xf32>, vector<16x1024xf32>, vector<128x1024xf32> -> vector<128x1024xf32>
    %dot_general3A_301 = arith.constant dense<0.000000e+00> : vector<128x1024xf32>
    %dot_general3A_302 = tpu.matmul %convert_element_type3A_296, %convert_element_type3A, %dot_general3A_301 {dimension_numbers = #tpu.dot_dimension_numbers<[1], [0], [0], [1], [0, 0, 1, 1], [], []>, transpose_lhs_hint = false} : vector<128x768xbf16>, vector<768x1024xbf16>, vector<128x1024xf32> -> vector<128x1024xf32>
    %mul3A_303 = arith.mulf %dot_general3A_302, %dot_general3A_300 : vector<128x1024xf32>
    %add3A_304 = arith.addf %add3A_286, %mul3A_303 : vector<128x1024xf32>
    %get3A_305 = arith.constant 0 : index
    %get3A_306 = arith.constant 15 : index
    %get3A_307 = vector.load %arg3[%get3A_305, %get3A_306] : memref<128x40xi32, #tpu.memory_space<vmem>>, vector<128x1xi32>
    %sub3A_308 = vector.broadcast %multiple_of3A : i32 to vector<128x1xi32>
    %sub3A_309 = arith.subi %get3A_307, %sub3A_308 : vector<128x1xi32>
    %eq3A_310 = vector.broadcast %sub3A_309 : vector<128x1xi32> to vector<128x768xi32>
    %eq3A_311 = arith.cmpi eq, %eq3A_310, %iota3A : vector<128x768xi32>
    %convert_element_type3A_312 = arith.extui %eq3A_311 : vector<128x768xi1> to vector<128x768xi32>
    %convert_element_type3A_313 = arith.sitofp %convert_element_type3A_312 : vector<128x768xi32> to vector<128x768xf32>
    %convert_element_type3A_314 = arith.truncf %convert_element_type3A_313 : vector<128x768xf32> to vector<128x768xbf16>
    %slice3A_315 = vector.extract_strided_slice %transpose3A {offsets = [0, 15, 0], sizes = [128, 1, 16], strides = [1, 1, 1]} : vector<128x40x16xf32> to vector<128x1x16xf32>
    %squeeze3A_316 = vector.shape_cast %slice3A_315 : vector<128x1x16xf32> to vector<128x16xf32>
    %dot_general3A_317 = arith.constant dense<0.000000e+00> : vector<128x1024xf32>
    %dot_general3A_318 = tpu.matmul %squeeze3A_316, %convert_element_type3A_33, %dot_general3A_317 {dimension_numbers = #tpu.dot_dimension_numbers<[1], [0], [0], [1], [0, 0, 1, 1], [], []>, transpose_lhs_hint = false} : vector<128x16xf32>, vector<16x1024xf32>, vector<128x1024xf32> -> vector<128x1024xf32>
    %dot_general3A_319 = arith.constant dense<0.000000e+00> : vector<128x1024xf32>
    %dot_general3A_320 = tpu.matmul %convert_element_type3A_314, %convert_element_type3A, %dot_general3A_319 {dimension_numbers = #tpu.dot_dimension_numbers<[1], [0], [0], [1], [0, 0, 1, 1], [], []>, transpose_lhs_hint = false} : vector<128x768xbf16>, vector<768x1024xbf16>, vector<128x1024xf32> -> vector<128x1024xf32>
    %mul3A_321 = arith.mulf %dot_general3A_320, %dot_general3A_318 : vector<128x1024xf32>
    %add3A_322 = arith.addf %add3A_304, %mul3A_321 : vector<128x1024xf32>
    %get3A_323 = arith.constant 0 : index
    %get3A_324 = arith.constant 16 : index
    %get3A_325 = vector.load %arg3[%get3A_323, %get3A_324] : memref<128x40xi32, #tpu.memory_space<vmem>>, vector<128x1xi32>
    %sub3A_326 = vector.broadcast %multiple_of3A : i32 to vector<128x1xi32>
    %sub3A_327 = arith.subi %get3A_325, %sub3A_326 : vector<128x1xi32>
    %eq3A_328 = vector.broadcast %sub3A_327 : vector<128x1xi32> to vector<128x768xi32>
    %eq3A_329 = arith.cmpi eq, %eq3A_328, %iota3A : vector<128x768xi32>
    %convert_element_type3A_330 = arith.extui %eq3A_329 : vector<128x768xi1> to vector<128x768xi32>
    %convert_element_type3A_331 = arith.sitofp %convert_element_type3A_330 : vector<128x768xi32> to vector<128x768xf32>
    %convert_element_type3A_332 = arith.truncf %convert_element_type3A_331 : vector<128x768xf32> to vector<128x768xbf16>
    %slice3A_333 = vector.extract_strided_slice %transpose3A {offsets = [0, 16, 0], sizes = [128, 1, 16], strides = [1, 1, 1]} : vector<128x40x16xf32> to vector<128x1x16xf32>
    %squeeze3A_334 = vector.shape_cast %slice3A_333 : vector<128x1x16xf32> to vector<128x16xf32>
    %dot_general3A_335 = arith.constant dense<0.000000e+00> : vector<128x1024xf32>
    %dot_general3A_336 = tpu.matmul %squeeze3A_334, %convert_element_type3A_33, %dot_general3A_335 {dimension_numbers = #tpu.dot_dimension_numbers<[1], [0], [0], [1], [0, 0, 1, 1], [], []>, transpose_lhs_hint = false} : vector<128x16xf32>, vector<16x1024xf32>, vector<128x1024xf32> -> vector<128x1024xf32>
    %dot_general3A_337 = arith.constant dense<0.000000e+00> : vector<128x1024xf32>
    %dot_general3A_338 = tpu.matmul %convert_element_type3A_332, %convert_element_type3A, %dot_general3A_337 {dimension_numbers = #tpu.dot_dimension_numbers<[1], [0], [0], [1], [0, 0, 1, 1], [], []>, transpose_lhs_hint = false} : vector<128x768xbf16>, vector<768x1024xbf16>, vector<128x1024xf32> -> vector<128x1024xf32>
    %mul3A_339 = arith.mulf %dot_general3A_338, %dot_general3A_336 : vector<128x1024xf32>
    %add3A_340 = arith.addf %add3A_322, %mul3A_339 : vector<128x1024xf32>
    %get3A_341 = arith.constant 0 : index
    %get3A_342 = arith.constant 17 : index
    %get3A_343 = vector.load %arg3[%get3A_341, %get3A_342] : memref<128x40xi32, #tpu.memory_space<vmem>>, vector<128x1xi32>
    %sub3A_344 = vector.broadcast %multiple_of3A : i32 to vector<128x1xi32>
    %sub3A_345 = arith.subi %get3A_343, %sub3A_344 : vector<128x1xi32>
    %eq3A_346 = vector.broadcast %sub3A_345 : vector<128x1xi32> to vector<128x768xi32>
    %eq3A_347 = arith.cmpi eq, %eq3A_346, %iota3A : vector<128x768xi32>
    %convert_element_type3A_348 = arith.extui %eq3A_347 : vector<128x768xi1> to vector<128x768xi32>
    %convert_element_type3A_349 = arith.sitofp %convert_element_type3A_348 : vector<128x768xi32> to vector<128x768xf32>
    %convert_element_type3A_350 = arith.truncf %convert_element_type3A_349 : vector<128x768xf32> to vector<128x768xbf16>
    %slice3A_351 = vector.extract_strided_slice %transpose3A {offsets = [0, 17, 0], sizes = [128, 1, 16], strides = [1, 1, 1]} : vector<128x40x16xf32> to vector<128x1x16xf32>
    %squeeze3A_352 = vector.shape_cast %slice3A_351 : vector<128x1x16xf32> to vector<128x16xf32>
    %dot_general3A_353 = arith.constant dense<0.000000e+00> : vector<128x1024xf32>
    %dot_general3A_354 = tpu.matmul %squeeze3A_352, %convert_element_type3A_33, %dot_general3A_353 {dimension_numbers = #tpu.dot_dimension_numbers<[1], [0], [0], [1], [0, 0, 1, 1], [], []>, transpose_lhs_hint = false} : vector<128x16xf32>, vector<16x1024xf32>, vector<128x1024xf32> -> vector<128x1024xf32>
    %dot_general3A_355 = arith.constant dense<0.000000e+00> : vector<128x1024xf32>
    %dot_general3A_356 = tpu.matmul %convert_element_type3A_350, %convert_element_type3A, %dot_general3A_355 {dimension_numbers = #tpu.dot_dimension_numbers<[1], [0], [0], [1], [0, 0, 1, 1], [], []>, transpose_lhs_hint = false} : vector<128x768xbf16>, vector<768x1024xbf16>, vector<128x1024xf32> -> vector<128x1024xf32>
    %mul3A_357 = arith.mulf %dot_general3A_356, %dot_general3A_354 : vector<128x1024xf32>
    %add3A_358 = arith.addf %add3A_340, %mul3A_357 : vector<128x1024xf32>
    %get3A_359 = arith.constant 0 : index
    %get3A_360 = arith.constant 18 : index
    %get3A_361 = vector.load %arg3[%get3A_359, %get3A_360] : memref<128x40xi32, #tpu.memory_space<vmem>>, vector<128x1xi32>
    %sub3A_362 = vector.broadcast %multiple_of3A : i32 to vector<128x1xi32>
    %sub3A_363 = arith.subi %get3A_361, %sub3A_362 : vector<128x1xi32>
    %eq3A_364 = vector.broadcast %sub3A_363 : vector<128x1xi32> to vector<128x768xi32>
    %eq3A_365 = arith.cmpi eq, %eq3A_364, %iota3A : vector<128x768xi32>
    %convert_element_type3A_366 = arith.extui %eq3A_365 : vector<128x768xi1> to vector<128x768xi32>
    %convert_element_type3A_367 = arith.sitofp %convert_element_type3A_366 : vector<128x768xi32> to vector<128x768xf32>
    %convert_element_type3A_368 = arith.truncf %convert_element_type3A_367 : vector<128x768xf32> to vector<128x768xbf16>
    %slice3A_369 = vector.extract_strided_slice %transpose3A {offsets = [0, 18, 0], sizes = [128, 1, 16], strides = [1, 1, 1]} : vector<128x40x16xf32> to vector<128x1x16xf32>
    %squeeze3A_370 = vector.shape_cast %slice3A_369 : vector<128x1x16xf32> to vector<128x16xf32>
    %dot_general3A_371 = arith.constant dense<0.000000e+00> : vector<128x1024xf32>
    %dot_general3A_372 = tpu.matmul %squeeze3A_370, %convert_element_type3A_33, %dot_general3A_371 {dimension_numbers = #tpu.dot_dimension_numbers<[1], [0], [0], [1], [0, 0, 1, 1], [], []>, transpose_lhs_hint = false} : vector<128x16xf32>, vector<16x1024xf32>, vector<128x1024xf32> -> vector<128x1024xf32>
    %dot_general3A_373 = arith.constant dense<0.000000e+00> : vector<128x1024xf32>
    %dot_general3A_374 = tpu.matmul %convert_element_type3A_368, %convert_element_type3A, %dot_general3A_373 {dimension_numbers = #tpu.dot_dimension_numbers<[1], [0], [0], [1], [0, 0, 1, 1], [], []>, transpose_lhs_hint = false} : vector<128x768xbf16>, vector<768x1024xbf16>, vector<128x1024xf32> -> vector<128x1024xf32>
    %mul3A_375 = arith.mulf %dot_general3A_374, %dot_general3A_372 : vector<128x1024xf32>
    %add3A_376 = arith.addf %add3A_358, %mul3A_375 : vector<128x1024xf32>
    %get3A_377 = arith.constant 0 : index
    %get3A_378 = arith.constant 19 : index
    %get3A_379 = vector.load %arg3[%get3A_377, %get3A_378] : memref<128x40xi32, #tpu.memory_space<vmem>>, vector<128x1xi32>
    %sub3A_380 = vector.broadcast %multiple_of3A : i32 to vector<128x1xi32>
    %sub3A_381 = arith.subi %get3A_379, %sub3A_380 : vector<128x1xi32>
    %eq3A_382 = vector.broadcast %sub3A_381 : vector<128x1xi32> to vector<128x768xi32>
    %eq3A_383 = arith.cmpi eq, %eq3A_382, %iota3A : vector<128x768xi32>
    %convert_element_type3A_384 = arith.extui %eq3A_383 : vector<128x768xi1> to vector<128x768xi32>
    %convert_element_type3A_385 = arith.sitofp %convert_element_type3A_384 : vector<128x768xi32> to vector<128x768xf32>
    %convert_element_type3A_386 = arith.truncf %convert_element_type3A_385 : vector<128x768xf32> to vector<128x768xbf16>
    %slice3A_387 = vector.extract_strided_slice %transpose3A {offsets = [0, 19, 0], sizes = [128, 1, 16], strides = [1, 1, 1]} : vector<128x40x16xf32> to vector<128x1x16xf32>
    %squeeze3A_388 = vector.shape_cast %slice3A_387 : vector<128x1x16xf32> to vector<128x16xf32>
    %dot_general3A_389 = arith.constant dense<0.000000e+00> : vector<128x1024xf32>
    %dot_general3A_390 = tpu.matmul %squeeze3A_388, %convert_element_type3A_33, %dot_general3A_389 {dimension_numbers = #tpu.dot_dimension_numbers<[1], [0], [0], [1], [0, 0, 1, 1], [], []>, transpose_lhs_hint = false} : vector<128x16xf32>, vector<16x1024xf32>, vector<128x1024xf32> -> vector<128x1024xf32>
    %dot_general3A_391 = arith.constant dense<0.000000e+00> : vector<128x1024xf32>
    %dot_general3A_392 = tpu.matmul %convert_element_type3A_386, %convert_element_type3A, %dot_general3A_391 {dimension_numbers = #tpu.dot_dimension_numbers<[1], [0], [0], [1], [0, 0, 1, 1], [], []>, transpose_lhs_hint = false} : vector<128x768xbf16>, vector<768x1024xbf16>, vector<128x1024xf32> -> vector<128x1024xf32>
    %mul3A_393 = arith.mulf %dot_general3A_392, %dot_general3A_390 : vector<128x1024xf32>
    %add3A_394 = arith.addf %add3A_376, %mul3A_393 : vector<128x1024xf32>
    %get3A_395 = arith.constant 0 : index
    %get3A_396 = arith.constant 20 : index
    %get3A_397 = vector.load %arg3[%get3A_395, %get3A_396] : memref<128x40xi32, #tpu.memory_space<vmem>>, vector<128x1xi32>
    %sub3A_398 = vector.broadcast %multiple_of3A : i32 to vector<128x1xi32>
    %sub3A_399 = arith.subi %get3A_397, %sub3A_398 : vector<128x1xi32>
    %eq3A_400 = vector.broadcast %sub3A_399 : vector<128x1xi32> to vector<128x768xi32>
    %eq3A_401 = arith.cmpi eq, %eq3A_400, %iota3A : vector<128x768xi32>
    %convert_element_type3A_402 = arith.extui %eq3A_401 : vector<128x768xi1> to vector<128x768xi32>
    %convert_element_type3A_403 = arith.sitofp %convert_element_type3A_402 : vector<128x768xi32> to vector<128x768xf32>
    %convert_element_type3A_404 = arith.truncf %convert_element_type3A_403 : vector<128x768xf32> to vector<128x768xbf16>
    %slice3A_405 = vector.extract_strided_slice %transpose3A {offsets = [0, 20, 0], sizes = [128, 1, 16], strides = [1, 1, 1]} : vector<128x40x16xf32> to vector<128x1x16xf32>
    %squeeze3A_406 = vector.shape_cast %slice3A_405 : vector<128x1x16xf32> to vector<128x16xf32>
    %dot_general3A_407 = arith.constant dense<0.000000e+00> : vector<128x1024xf32>
    %dot_general3A_408 = tpu.matmul %squeeze3A_406, %convert_element_type3A_33, %dot_general3A_407 {dimension_numbers = #tpu.dot_dimension_numbers<[1], [0], [0], [1], [0, 0, 1, 1], [], []>, transpose_lhs_hint = false} : vector<128x16xf32>, vector<16x1024xf32>, vector<128x1024xf32> -> vector<128x1024xf32>
    %dot_general3A_409 = arith.constant dense<0.000000e+00> : vector<128x1024xf32>
    %dot_general3A_410 = tpu.matmul %convert_element_type3A_404, %convert_element_type3A, %dot_general3A_409 {dimension_numbers = #tpu.dot_dimension_numbers<[1], [0], [0], [1], [0, 0, 1, 1], [], []>, transpose_lhs_hint = false} : vector<128x768xbf16>, vector<768x1024xbf16>, vector<128x1024xf32> -> vector<128x1024xf32>
    %mul3A_411 = arith.mulf %dot_general3A_410, %dot_general3A_408 : vector<128x1024xf32>
    %add3A_412 = arith.addf %add3A_394, %mul3A_411 : vector<128x1024xf32>
    %get3A_413 = arith.constant 0 : index
    %get3A_414 = arith.constant 21 : index
    %get3A_415 = vector.load %arg3[%get3A_413, %get3A_414] : memref<128x40xi32, #tpu.memory_space<vmem>>, vector<128x1xi32>
    %sub3A_416 = vector.broadcast %multiple_of3A : i32 to vector<128x1xi32>
    %sub3A_417 = arith.subi %get3A_415, %sub3A_416 : vector<128x1xi32>
    %eq3A_418 = vector.broadcast %sub3A_417 : vector<128x1xi32> to vector<128x768xi32>
    %eq3A_419 = arith.cmpi eq, %eq3A_418, %iota3A : vector<128x768xi32>
    %convert_element_type3A_420 = arith.extui %eq3A_419 : vector<128x768xi1> to vector<128x768xi32>
    %convert_element_type3A_421 = arith.sitofp %convert_element_type3A_420 : vector<128x768xi32> to vector<128x768xf32>
    %convert_element_type3A_422 = arith.truncf %convert_element_type3A_421 : vector<128x768xf32> to vector<128x768xbf16>
    %slice3A_423 = vector.extract_strided_slice %transpose3A {offsets = [0, 21, 0], sizes = [128, 1, 16], strides = [1, 1, 1]} : vector<128x40x16xf32> to vector<128x1x16xf32>
    %squeeze3A_424 = vector.shape_cast %slice3A_423 : vector<128x1x16xf32> to vector<128x16xf32>
    %dot_general3A_425 = arith.constant dense<0.000000e+00> : vector<128x1024xf32>
    %dot_general3A_426 = tpu.matmul %squeeze3A_424, %convert_element_type3A_33, %dot_general3A_425 {dimension_numbers = #tpu.dot_dimension_numbers<[1], [0], [0], [1], [0, 0, 1, 1], [], []>, transpose_lhs_hint = false} : vector<128x16xf32>, vector<16x1024xf32>, vector<128x1024xf32> -> vector<128x1024xf32>
    %dot_general3A_427 = arith.constant dense<0.000000e+00> : vector<128x1024xf32>
    %dot_general3A_428 = tpu.matmul %convert_element_type3A_422, %convert_element_type3A, %dot_general3A_427 {dimension_numbers = #tpu.dot_dimension_numbers<[1], [0], [0], [1], [0, 0, 1, 1], [], []>, transpose_lhs_hint = false} : vector<128x768xbf16>, vector<768x1024xbf16>, vector<128x1024xf32> -> vector<128x1024xf32>
    %mul3A_429 = arith.mulf %dot_general3A_428, %dot_general3A_426 : vector<128x1024xf32>
    %add3A_430 = arith.addf %add3A_412, %mul3A_429 : vector<128x1024xf32>
    %get3A_431 = arith.constant 0 : index
    %get3A_432 = arith.constant 22 : index
    %get3A_433 = vector.load %arg3[%get3A_431, %get3A_432] : memref<128x40xi32, #tpu.memory_space<vmem>>, vector<128x1xi32>
    %sub3A_434 = vector.broadcast %multiple_of3A : i32 to vector<128x1xi32>
    %sub3A_435 = arith.subi %get3A_433, %sub3A_434 : vector<128x1xi32>
    %eq3A_436 = vector.broadcast %sub3A_435 : vector<128x1xi32> to vector<128x768xi32>
    %eq3A_437 = arith.cmpi eq, %eq3A_436, %iota3A : vector<128x768xi32>
    %convert_element_type3A_438 = arith.extui %eq3A_437 : vector<128x768xi1> to vector<128x768xi32>
    %convert_element_type3A_439 = arith.sitofp %convert_element_type3A_438 : vector<128x768xi32> to vector<128x768xf32>
    %convert_element_type3A_440 = arith.truncf %convert_element_type3A_439 : vector<128x768xf32> to vector<128x768xbf16>
    %slice3A_441 = vector.extract_strided_slice %transpose3A {offsets = [0, 22, 0], sizes = [128, 1, 16], strides = [1, 1, 1]} : vector<128x40x16xf32> to vector<128x1x16xf32>
    %squeeze3A_442 = vector.shape_cast %slice3A_441 : vector<128x1x16xf32> to vector<128x16xf32>
    %dot_general3A_443 = arith.constant dense<0.000000e+00> : vector<128x1024xf32>
    %dot_general3A_444 = tpu.matmul %squeeze3A_442, %convert_element_type3A_33, %dot_general3A_443 {dimension_numbers = #tpu.dot_dimension_numbers<[1], [0], [0], [1], [0, 0, 1, 1], [], []>, transpose_lhs_hint = false} : vector<128x16xf32>, vector<16x1024xf32>, vector<128x1024xf32> -> vector<128x1024xf32>
    %dot_general3A_445 = arith.constant dense<0.000000e+00> : vector<128x1024xf32>
    %dot_general3A_446 = tpu.matmul %convert_element_type3A_440, %convert_element_type3A, %dot_general3A_445 {dimension_numbers = #tpu.dot_dimension_numbers<[1], [0], [0], [1], [0, 0, 1, 1], [], []>, transpose_lhs_hint = false} : vector<128x768xbf16>, vector<768x1024xbf16>, vector<128x1024xf32> -> vector<128x1024xf32>
    %mul3A_447 = arith.mulf %dot_general3A_446, %dot_general3A_444 : vector<128x1024xf32>
    %add3A_448 = arith.addf %add3A_430, %mul3A_447 : vector<128x1024xf32>
    %get3A_449 = arith.constant 0 : index
    %get3A_450 = arith.constant 23 : index
    %get3A_451 = vector.load %arg3[%get3A_449, %get3A_450] : memref<128x40xi32, #tpu.memory_space<vmem>>, vector<128x1xi32>
    %sub3A_452 = vector.broadcast %multiple_of3A : i32 to vector<128x1xi32>
    %sub3A_453 = arith.subi %get3A_451, %sub3A_452 : vector<128x1xi32>
    %eq3A_454 = vector.broadcast %sub3A_453 : vector<128x1xi32> to vector<128x768xi32>
    %eq3A_455 = arith.cmpi eq, %eq3A_454, %iota3A : vector<128x768xi32>
    %convert_element_type3A_456 = arith.extui %eq3A_455 : vector<128x768xi1> to vector<128x768xi32>
    %convert_element_type3A_457 = arith.sitofp %convert_element_type3A_456 : vector<128x768xi32> to vector<128x768xf32>
    %convert_element_type3A_458 = arith.truncf %convert_element_type3A_457 : vector<128x768xf32> to vector<128x768xbf16>
    %slice3A_459 = vector.extract_strided_slice %transpose3A {offsets = [0, 23, 0], sizes = [128, 1, 16], strides = [1, 1, 1]} : vector<128x40x16xf32> to vector<128x1x16xf32>
    %squeeze3A_460 = vector.shape_cast %slice3A_459 : vector<128x1x16xf32> to vector<128x16xf32>
    %dot_general3A_461 = arith.constant dense<0.000000e+00> : vector<128x1024xf32>
    %dot_general3A_462 = tpu.matmul %squeeze3A_460, %convert_element_type3A_33, %dot_general3A_461 {dimension_numbers = #tpu.dot_dimension_numbers<[1], [0], [0], [1], [0, 0, 1, 1], [], []>, transpose_lhs_hint = false} : vector<128x16xf32>, vector<16x1024xf32>, vector<128x1024xf32> -> vector<128x1024xf32>
    %dot_general3A_463 = arith.constant dense<0.000000e+00> : vector<128x1024xf32>
    %dot_general3A_464 = tpu.matmul %convert_element_type3A_458, %convert_element_type3A, %dot_general3A_463 {dimension_numbers = #tpu.dot_dimension_numbers<[1], [0], [0], [1], [0, 0, 1, 1], [], []>, transpose_lhs_hint = false} : vector<128x768xbf16>, vector<768x1024xbf16>, vector<128x1024xf32> -> vector<128x1024xf32>
    %mul3A_465 = arith.mulf %dot_general3A_464, %dot_general3A_462 : vector<128x1024xf32>
    %add3A_466 = arith.addf %add3A_448, %mul3A_465 : vector<128x1024xf32>
    %get3A_467 = arith.constant 0 : index
    %get3A_468 = arith.constant 24 : index
    %get3A_469 = vector.load %arg3[%get3A_467, %get3A_468] : memref<128x40xi32, #tpu.memory_space<vmem>>, vector<128x1xi32>
    %sub3A_470 = vector.broadcast %multiple_of3A : i32 to vector<128x1xi32>
    %sub3A_471 = arith.subi %get3A_469, %sub3A_470 : vector<128x1xi32>
    %eq3A_472 = vector.broadcast %sub3A_471 : vector<128x1xi32> to vector<128x768xi32>
    %eq3A_473 = arith.cmpi eq, %eq3A_472, %iota3A : vector<128x768xi32>
    %convert_element_type3A_474 = arith.extui %eq3A_473 : vector<128x768xi1> to vector<128x768xi32>
    %convert_element_type3A_475 = arith.sitofp %convert_element_type3A_474 : vector<128x768xi32> to vector<128x768xf32>
    %convert_element_type3A_476 = arith.truncf %convert_element_type3A_475 : vector<128x768xf32> to vector<128x768xbf16>
    %slice3A_477 = vector.extract_strided_slice %transpose3A {offsets = [0, 24, 0], sizes = [128, 1, 16], strides = [1, 1, 1]} : vector<128x40x16xf32> to vector<128x1x16xf32>
    %squeeze3A_478 = vector.shape_cast %slice3A_477 : vector<128x1x16xf32> to vector<128x16xf32>
    %dot_general3A_479 = arith.constant dense<0.000000e+00> : vector<128x1024xf32>
    %dot_general3A_480 = tpu.matmul %squeeze3A_478, %convert_element_type3A_33, %dot_general3A_479 {dimension_numbers = #tpu.dot_dimension_numbers<[1], [0], [0], [1], [0, 0, 1, 1], [], []>, transpose_lhs_hint = false} : vector<128x16xf32>, vector<16x1024xf32>, vector<128x1024xf32> -> vector<128x1024xf32>
    %dot_general3A_481 = arith.constant dense<0.000000e+00> : vector<128x1024xf32>
    %dot_general3A_482 = tpu.matmul %convert_element_type3A_476, %convert_element_type3A, %dot_general3A_481 {dimension_numbers = #tpu.dot_dimension_numbers<[1], [0], [0], [1], [0, 0, 1, 1], [], []>, transpose_lhs_hint = false} : vector<128x768xbf16>, vector<768x1024xbf16>, vector<128x1024xf32> -> vector<128x1024xf32>
    %mul3A_483 = arith.mulf %dot_general3A_482, %dot_general3A_480 : vector<128x1024xf32>
    %add3A_484 = arith.addf %add3A_466, %mul3A_483 : vector<128x1024xf32>
    %get3A_485 = arith.constant 0 : index
    %get3A_486 = arith.constant 25 : index
    %get3A_487 = vector.load %arg3[%get3A_485, %get3A_486] : memref<128x40xi32, #tpu.memory_space<vmem>>, vector<128x1xi32>
    %sub3A_488 = vector.broadcast %multiple_of3A : i32 to vector<128x1xi32>
    %sub3A_489 = arith.subi %get3A_487, %sub3A_488 : vector<128x1xi32>
    %eq3A_490 = vector.broadcast %sub3A_489 : vector<128x1xi32> to vector<128x768xi32>
    %eq3A_491 = arith.cmpi eq, %eq3A_490, %iota3A : vector<128x768xi32>
    %convert_element_type3A_492 = arith.extui %eq3A_491 : vector<128x768xi1> to vector<128x768xi32>
    %convert_element_type3A_493 = arith.sitofp %convert_element_type3A_492 : vector<128x768xi32> to vector<128x768xf32>
    %convert_element_type3A_494 = arith.truncf %convert_element_type3A_493 : vector<128x768xf32> to vector<128x768xbf16>
    %slice3A_495 = vector.extract_strided_slice %transpose3A {offsets = [0, 25, 0], sizes = [128, 1, 16], strides = [1, 1, 1]} : vector<128x40x16xf32> to vector<128x1x16xf32>
    %squeeze3A_496 = vector.shape_cast %slice3A_495 : vector<128x1x16xf32> to vector<128x16xf32>
    %dot_general3A_497 = arith.constant dense<0.000000e+00> : vector<128x1024xf32>
    %dot_general3A_498 = tpu.matmul %squeeze3A_496, %convert_element_type3A_33, %dot_general3A_497 {dimension_numbers = #tpu.dot_dimension_numbers<[1], [0], [0], [1], [0, 0, 1, 1], [], []>, transpose_lhs_hint = false} : vector<128x16xf32>, vector<16x1024xf32>, vector<128x1024xf32> -> vector<128x1024xf32>
    %dot_general3A_499 = arith.constant dense<0.000000e+00> : vector<128x1024xf32>
    %dot_general3A_500 = tpu.matmul %convert_element_type3A_494, %convert_element_type3A, %dot_general3A_499 {dimension_numbers = #tpu.dot_dimension_numbers<[1], [0], [0], [1], [0, 0, 1, 1], [], []>, transpose_lhs_hint = false} : vector<128x768xbf16>, vector<768x1024xbf16>, vector<128x1024xf32> -> vector<128x1024xf32>
    %mul3A_501 = arith.mulf %dot_general3A_500, %dot_general3A_498 : vector<128x1024xf32>
    %add3A_502 = arith.addf %add3A_484, %mul3A_501 : vector<128x1024xf32>
    %get3A_503 = arith.constant 0 : index
    %get3A_504 = arith.constant 26 : index
    %get3A_505 = vector.load %arg3[%get3A_503, %get3A_504] : memref<128x40xi32, #tpu.memory_space<vmem>>, vector<128x1xi32>
    %sub3A_506 = vector.broadcast %multiple_of3A : i32 to vector<128x1xi32>
    %sub3A_507 = arith.subi %get3A_505, %sub3A_506 : vector<128x1xi32>
    %eq3A_508 = vector.broadcast %sub3A_507 : vector<128x1xi32> to vector<128x768xi32>
    %eq3A_509 = arith.cmpi eq, %eq3A_508, %iota3A : vector<128x768xi32>
    %convert_element_type3A_510 = arith.extui %eq3A_509 : vector<128x768xi1> to vector<128x768xi32>
    %convert_element_type3A_511 = arith.sitofp %convert_element_type3A_510 : vector<128x768xi32> to vector<128x768xf32>
    %convert_element_type3A_512 = arith.truncf %convert_element_type3A_511 : vector<128x768xf32> to vector<128x768xbf16>
    %slice3A_513 = vector.extract_strided_slice %transpose3A {offsets = [0, 26, 0], sizes = [128, 1, 16], strides = [1, 1, 1]} : vector<128x40x16xf32> to vector<128x1x16xf32>
    %squeeze3A_514 = vector.shape_cast %slice3A_513 : vector<128x1x16xf32> to vector<128x16xf32>
    %dot_general3A_515 = arith.constant dense<0.000000e+00> : vector<128x1024xf32>
    %dot_general3A_516 = tpu.matmul %squeeze3A_514, %convert_element_type3A_33, %dot_general3A_515 {dimension_numbers = #tpu.dot_dimension_numbers<[1], [0], [0], [1], [0, 0, 1, 1], [], []>, transpose_lhs_hint = false} : vector<128x16xf32>, vector<16x1024xf32>, vector<128x1024xf32> -> vector<128x1024xf32>
    %dot_general3A_517 = arith.constant dense<0.000000e+00> : vector<128x1024xf32>
    %dot_general3A_518 = tpu.matmul %convert_element_type3A_512, %convert_element_type3A, %dot_general3A_517 {dimension_numbers = #tpu.dot_dimension_numbers<[1], [0], [0], [1], [0, 0, 1, 1], [], []>, transpose_lhs_hint = false} : vector<128x768xbf16>, vector<768x1024xbf16>, vector<128x1024xf32> -> vector<128x1024xf32>
    %mul3A_519 = arith.mulf %dot_general3A_518, %dot_general3A_516 : vector<128x1024xf32>
    %add3A_520 = arith.addf %add3A_502, %mul3A_519 : vector<128x1024xf32>
    %get3A_521 = arith.constant 0 : index
    %get3A_522 = arith.constant 27 : index
    %get3A_523 = vector.load %arg3[%get3A_521, %get3A_522] : memref<128x40xi32, #tpu.memory_space<vmem>>, vector<128x1xi32>
    %sub3A_524 = vector.broadcast %multiple_of3A : i32 to vector<128x1xi32>
    %sub3A_525 = arith.subi %get3A_523, %sub3A_524 : vector<128x1xi32>
    %eq3A_526 = vector.broadcast %sub3A_525 : vector<128x1xi32> to vector<128x768xi32>
    %eq3A_527 = arith.cmpi eq, %eq3A_526, %iota3A : vector<128x768xi32>
    %convert_element_type3A_528 = arith.extui %eq3A_527 : vector<128x768xi1> to vector<128x768xi32>
    %convert_element_type3A_529 = arith.sitofp %convert_element_type3A_528 : vector<128x768xi32> to vector<128x768xf32>
    %convert_element_type3A_530 = arith.truncf %convert_element_type3A_529 : vector<128x768xf32> to vector<128x768xbf16>
    %slice3A_531 = vector.extract_strided_slice %transpose3A {offsets = [0, 27, 0], sizes = [128, 1, 16], strides = [1, 1, 1]} : vector<128x40x16xf32> to vector<128x1x16xf32>
    %squeeze3A_532 = vector.shape_cast %slice3A_531 : vector<128x1x16xf32> to vector<128x16xf32>
    %dot_general3A_533 = arith.constant dense<0.000000e+00> : vector<128x1024xf32>
    %dot_general3A_534 = tpu.matmul %squeeze3A_532, %convert_element_type3A_33, %dot_general3A_533 {dimension_numbers = #tpu.dot_dimension_numbers<[1], [0], [0], [1], [0, 0, 1, 1], [], []>, transpose_lhs_hint = false} : vector<128x16xf32>, vector<16x1024xf32>, vector<128x1024xf32> -> vector<128x1024xf32>
    %dot_general3A_535 = arith.constant dense<0.000000e+00> : vector<128x1024xf32>
    %dot_general3A_536 = tpu.matmul %convert_element_type3A_530, %convert_element_type3A, %dot_general3A_535 {dimension_numbers = #tpu.dot_dimension_numbers<[1], [0], [0], [1], [0, 0, 1, 1], [], []>, transpose_lhs_hint = false} : vector<128x768xbf16>, vector<768x1024xbf16>, vector<128x1024xf32> -> vector<128x1024xf32>
    %mul3A_537 = arith.mulf %dot_general3A_536, %dot_general3A_534 : vector<128x1024xf32>
    %add3A_538 = arith.addf %add3A_520, %mul3A_537 : vector<128x1024xf32>
    %get3A_539 = arith.constant 0 : index
    %get3A_540 = arith.constant 28 : index
    %get3A_541 = vector.load %arg3[%get3A_539, %get3A_540] : memref<128x40xi32, #tpu.memory_space<vmem>>, vector<128x1xi32>
    %sub3A_542 = vector.broadcast %multiple_of3A : i32 to vector<128x1xi32>
    %sub3A_543 = arith.subi %get3A_541, %sub3A_542 : vector<128x1xi32>
    %eq3A_544 = vector.broadcast %sub3A_543 : vector<128x1xi32> to vector<128x768xi32>
    %eq3A_545 = arith.cmpi eq, %eq3A_544, %iota3A : vector<128x768xi32>
    %convert_element_type3A_546 = arith.extui %eq3A_545 : vector<128x768xi1> to vector<128x768xi32>
    %convert_element_type3A_547 = arith.sitofp %convert_element_type3A_546 : vector<128x768xi32> to vector<128x768xf32>
    %convert_element_type3A_548 = arith.truncf %convert_element_type3A_547 : vector<128x768xf32> to vector<128x768xbf16>
    %slice3A_549 = vector.extract_strided_slice %transpose3A {offsets = [0, 28, 0], sizes = [128, 1, 16], strides = [1, 1, 1]} : vector<128x40x16xf32> to vector<128x1x16xf32>
    %squeeze3A_550 = vector.shape_cast %slice3A_549 : vector<128x1x16xf32> to vector<128x16xf32>
    %dot_general3A_551 = arith.constant dense<0.000000e+00> : vector<128x1024xf32>
    %dot_general3A_552 = tpu.matmul %squeeze3A_550, %convert_element_type3A_33, %dot_general3A_551 {dimension_numbers = #tpu.dot_dimension_numbers<[1], [0], [0], [1], [0, 0, 1, 1], [], []>, transpose_lhs_hint = false} : vector<128x16xf32>, vector<16x1024xf32>, vector<128x1024xf32> -> vector<128x1024xf32>
    %dot_general3A_553 = arith.constant dense<0.000000e+00> : vector<128x1024xf32>
    %dot_general3A_554 = tpu.matmul %convert_element_type3A_548, %convert_element_type3A, %dot_general3A_553 {dimension_numbers = #tpu.dot_dimension_numbers<[1], [0], [0], [1], [0, 0, 1, 1], [], []>, transpose_lhs_hint = false} : vector<128x768xbf16>, vector<768x1024xbf16>, vector<128x1024xf32> -> vector<128x1024xf32>
    %mul3A_555 = arith.mulf %dot_general3A_554, %dot_general3A_552 : vector<128x1024xf32>
    %add3A_556 = arith.addf %add3A_538, %mul3A_555 : vector<128x1024xf32>
    %get3A_557 = arith.constant 0 : index
    %get3A_558 = arith.constant 29 : index
    %get3A_559 = vector.load %arg3[%get3A_557, %get3A_558] : memref<128x40xi32, #tpu.memory_space<vmem>>, vector<128x1xi32>
    %sub3A_560 = vector.broadcast %multiple_of3A : i32 to vector<128x1xi32>
    %sub3A_561 = arith.subi %get3A_559, %sub3A_560 : vector<128x1xi32>
    %eq3A_562 = vector.broadcast %sub3A_561 : vector<128x1xi32> to vector<128x768xi32>
    %eq3A_563 = arith.cmpi eq, %eq3A_562, %iota3A : vector<128x768xi32>
    %convert_element_type3A_564 = arith.extui %eq3A_563 : vector<128x768xi1> to vector<128x768xi32>
    %convert_element_type3A_565 = arith.sitofp %convert_element_type3A_564 : vector<128x768xi32> to vector<128x768xf32>
    %convert_element_type3A_566 = arith.truncf %convert_element_type3A_565 : vector<128x768xf32> to vector<128x768xbf16>
    %slice3A_567 = vector.extract_strided_slice %transpose3A {offsets = [0, 29, 0], sizes = [128, 1, 16], strides = [1, 1, 1]} : vector<128x40x16xf32> to vector<128x1x16xf32>
    %squeeze3A_568 = vector.shape_cast %slice3A_567 : vector<128x1x16xf32> to vector<128x16xf32>
    %dot_general3A_569 = arith.constant dense<0.000000e+00> : vector<128x1024xf32>
    %dot_general3A_570 = tpu.matmul %squeeze3A_568, %convert_element_type3A_33, %dot_general3A_569 {dimension_numbers = #tpu.dot_dimension_numbers<[1], [0], [0], [1], [0, 0, 1, 1], [], []>, transpose_lhs_hint = false} : vector<128x16xf32>, vector<16x1024xf32>, vector<128x1024xf32> -> vector<128x1024xf32>
    %dot_general3A_571 = arith.constant dense<0.000000e+00> : vector<128x1024xf32>
    %dot_general3A_572 = tpu.matmul %convert_element_type3A_566, %convert_element_type3A, %dot_general3A_571 {dimension_numbers = #tpu.dot_dimension_numbers<[1], [0], [0], [1], [0, 0, 1, 1], [], []>, transpose_lhs_hint = false} : vector<128x768xbf16>, vector<768x1024xbf16>, vector<128x1024xf32> -> vector<128x1024xf32>
    %mul3A_573 = arith.mulf %dot_general3A_572, %dot_general3A_570 : vector<128x1024xf32>
    %add3A_574 = arith.addf %add3A_556, %mul3A_573 : vector<128x1024xf32>
    %get3A_575 = arith.constant 0 : index
    %get3A_576 = arith.constant 30 : index
    %get3A_577 = vector.load %arg3[%get3A_575, %get3A_576] : memref<128x40xi32, #tpu.memory_space<vmem>>, vector<128x1xi32>
    %sub3A_578 = vector.broadcast %multiple_of3A : i32 to vector<128x1xi32>
    %sub3A_579 = arith.subi %get3A_577, %sub3A_578 : vector<128x1xi32>
    %eq3A_580 = vector.broadcast %sub3A_579 : vector<128x1xi32> to vector<128x768xi32>
    %eq3A_581 = arith.cmpi eq, %eq3A_580, %iota3A : vector<128x768xi32>
    %convert_element_type3A_582 = arith.extui %eq3A_581 : vector<128x768xi1> to vector<128x768xi32>
    %convert_element_type3A_583 = arith.sitofp %convert_element_type3A_582 : vector<128x768xi32> to vector<128x768xf32>
    %convert_element_type3A_584 = arith.truncf %convert_element_type3A_583 : vector<128x768xf32> to vector<128x768xbf16>
    %slice3A_585 = vector.extract_strided_slice %transpose3A {offsets = [0, 30, 0], sizes = [128, 1, 16], strides = [1, 1, 1]} : vector<128x40x16xf32> to vector<128x1x16xf32>
    %squeeze3A_586 = vector.shape_cast %slice3A_585 : vector<128x1x16xf32> to vector<128x16xf32>
    %dot_general3A_587 = arith.constant dense<0.000000e+00> : vector<128x1024xf32>
    %dot_general3A_588 = tpu.matmul %squeeze3A_586, %convert_element_type3A_33, %dot_general3A_587 {dimension_numbers = #tpu.dot_dimension_numbers<[1], [0], [0], [1], [0, 0, 1, 1], [], []>, transpose_lhs_hint = false} : vector<128x16xf32>, vector<16x1024xf32>, vector<128x1024xf32> -> vector<128x1024xf32>
    %dot_general3A_589 = arith.constant dense<0.000000e+00> : vector<128x1024xf32>
    %dot_general3A_590 = tpu.matmul %convert_element_type3A_584, %convert_element_type3A, %dot_general3A_589 {dimension_numbers = #tpu.dot_dimension_numbers<[1], [0], [0], [1], [0, 0, 1, 1], [], []>, transpose_lhs_hint = false} : vector<128x768xbf16>, vector<768x1024xbf16>, vector<128x1024xf32> -> vector<128x1024xf32>
    %mul3A_591 = arith.mulf %dot_general3A_590, %dot_general3A_588 : vector<128x1024xf32>
    %add3A_592 = arith.addf %add3A_574, %mul3A_591 : vector<128x1024xf32>
    %get3A_593 = arith.constant 0 : index
    %get3A_594 = arith.constant 31 : index
    %get3A_595 = vector.load %arg3[%get3A_593, %get3A_594] : memref<128x40xi32, #tpu.memory_space<vmem>>, vector<128x1xi32>
    %sub3A_596 = vector.broadcast %multiple_of3A : i32 to vector<128x1xi32>
    %sub3A_597 = arith.subi %get3A_595, %sub3A_596 : vector<128x1xi32>
    %eq3A_598 = vector.broadcast %sub3A_597 : vector<128x1xi32> to vector<128x768xi32>
    %eq3A_599 = arith.cmpi eq, %eq3A_598, %iota3A : vector<128x768xi32>
    %convert_element_type3A_600 = arith.extui %eq3A_599 : vector<128x768xi1> to vector<128x768xi32>
    %convert_element_type3A_601 = arith.sitofp %convert_element_type3A_600 : vector<128x768xi32> to vector<128x768xf32>
    %convert_element_type3A_602 = arith.truncf %convert_element_type3A_601 : vector<128x768xf32> to vector<128x768xbf16>
    %slice3A_603 = vector.extract_strided_slice %transpose3A {offsets = [0, 31, 0], sizes = [128, 1, 16], strides = [1, 1, 1]} : vector<128x40x16xf32> to vector<128x1x16xf32>
    %squeeze3A_604 = vector.shape_cast %slice3A_603 : vector<128x1x16xf32> to vector<128x16xf32>
    %dot_general3A_605 = arith.constant dense<0.000000e+00> : vector<128x1024xf32>
    %dot_general3A_606 = tpu.matmul %squeeze3A_604, %convert_element_type3A_33, %dot_general3A_605 {dimension_numbers = #tpu.dot_dimension_numbers<[1], [0], [0], [1], [0, 0, 1, 1], [], []>, transpose_lhs_hint = false} : vector<128x16xf32>, vector<16x1024xf32>, vector<128x1024xf32> -> vector<128x1024xf32>
    %dot_general3A_607 = arith.constant dense<0.000000e+00> : vector<128x1024xf32>
    %dot_general3A_608 = tpu.matmul %convert_element_type3A_602, %convert_element_type3A, %dot_general3A_607 {dimension_numbers = #tpu.dot_dimension_numbers<[1], [0], [0], [1], [0, 0, 1, 1], [], []>, transpose_lhs_hint = false} : vector<128x768xbf16>, vector<768x1024xbf16>, vector<128x1024xf32> -> vector<128x1024xf32>
    %mul3A_609 = arith.mulf %dot_general3A_608, %dot_general3A_606 : vector<128x1024xf32>
    %add3A_610 = arith.addf %add3A_592, %mul3A_609 : vector<128x1024xf32>
    %get3A_611 = arith.constant 0 : index
    %get3A_612 = arith.constant 32 : index
    %get3A_613 = vector.load %arg3[%get3A_611, %get3A_612] : memref<128x40xi32, #tpu.memory_space<vmem>>, vector<128x1xi32>
    %sub3A_614 = vector.broadcast %multiple_of3A : i32 to vector<128x1xi32>
    %sub3A_615 = arith.subi %get3A_613, %sub3A_614 : vector<128x1xi32>
    %eq3A_616 = vector.broadcast %sub3A_615 : vector<128x1xi32> to vector<128x768xi32>
    %eq3A_617 = arith.cmpi eq, %eq3A_616, %iota3A : vector<128x768xi32>
    %convert_element_type3A_618 = arith.extui %eq3A_617 : vector<128x768xi1> to vector<128x768xi32>
    %convert_element_type3A_619 = arith.sitofp %convert_element_type3A_618 : vector<128x768xi32> to vector<128x768xf32>
    %convert_element_type3A_620 = arith.truncf %convert_element_type3A_619 : vector<128x768xf32> to vector<128x768xbf16>
    %slice3A_621 = vector.extract_strided_slice %transpose3A {offsets = [0, 32, 0], sizes = [128, 1, 16], strides = [1, 1, 1]} : vector<128x40x16xf32> to vector<128x1x16xf32>
    %squeeze3A_622 = vector.shape_cast %slice3A_621 : vector<128x1x16xf32> to vector<128x16xf32>
    %dot_general3A_623 = arith.constant dense<0.000000e+00> : vector<128x1024xf32>
    %dot_general3A_624 = tpu.matmul %squeeze3A_622, %convert_element_type3A_33, %dot_general3A_623 {dimension_numbers = #tpu.dot_dimension_numbers<[1], [0], [0], [1], [0, 0, 1, 1], [], []>, transpose_lhs_hint = false} : vector<128x16xf32>, vector<16x1024xf32>, vector<128x1024xf32> -> vector<128x1024xf32>
    %dot_general3A_625 = arith.constant dense<0.000000e+00> : vector<128x1024xf32>
    %dot_general3A_626 = tpu.matmul %convert_element_type3A_620, %convert_element_type3A, %dot_general3A_625 {dimension_numbers = #tpu.dot_dimension_numbers<[1], [0], [0], [1], [0, 0, 1, 1], [], []>, transpose_lhs_hint = false} : vector<128x768xbf16>, vector<768x1024xbf16>, vector<128x1024xf32> -> vector<128x1024xf32>
    %mul3A_627 = arith.mulf %dot_general3A_626, %dot_general3A_624 : vector<128x1024xf32>
    %add3A_628 = arith.addf %add3A_610, %mul3A_627 : vector<128x1024xf32>
    %swap3A = arith.constant 0 : index
    %swap3A_629 = arith.constant 0 : index
    %swap3A_630 = vector.load %arg4[%swap3A, %swap3A_629] : memref<128x1024xf32, #tpu.memory_space<vmem>>, vector<128x1024xf32>
    tpu.vector_store %arg4[%swap3A, %swap3A_629], %add3A_628 {strides = array<i32>} : memref<128x1024xf32, #tpu.memory_space<vmem>>, vector<128x1024xf32>,
    return
  }
  func.func @transform_0(%arg0: i32) -> (i32, i32) {
    %c0_i32 = arith.constant 0 : i32
    %c0_i32_0 = arith.constant 0 : i32
    %c0_i32_1 = arith.constant 0 : i32
    return %c0_i32, %c0_i32_0 : i32, i32
  }
  func.func @transform_1(%arg0: i32) -> (i32, i32, i32) {
    %c0_i32 = arith.constant 0 : i32
    %c0_i32_0 = arith.constant 0 : i32
    %c0_i32_1 = arith.constant 0 : i32
    return %arg0, %c0_i32, %c0_i32_0 : i32, i32, i32
  }
  func.func @transform_2(%arg0: i32) -> (i32, i32) {
    %c0_i32 = arith.constant 0 : i32
    %c0_i32_0 = arith.constant 0 : i32
    return %arg0, %c0_i32 : i32, i32
  }
  func.func @transform_3(%arg0: i32) -> (i32, i32) {
    %c0_i32 = arith.constant 0 : i32
    %c0_i32_0 = arith.constant 0 : i32
    return %arg0, %c0_i32 : i32, i32
  }
}

module attributes {stable_mosaic.version = 14 : i64} {
  func.func @_post_kernel(%arg0: i32, %arg1: memref<256x1024xf32, #tpu.memory_space<vmem>>, %arg2: memref<1024x256xf32, #tpu.memory_space<vmem>>, %arg3: memref<1x256xf32, #tpu.memory_space<vmem>>, %arg4: memref<256x1024xf32, #tpu.memory_space<vmem>>, %arg5: memref<1x1024xf32, #tpu.memory_space<vmem>>, %arg6: memref<1024x1024xf32, #tpu.memory_space<vmem>>, %arg7: memref<1x256x1024xf32, #tpu.memory_space<vmem>>) attributes {dimension_semantics = [#tpu.dimension_semantics<arbitrary>], iteration_bounds = array<i64: 8>, scalar_prefetch = 0 : i64, scratch_operands = 0 : i64, tpu.core_type = #tpu.core_type<tc>, window_params = [{transform_indices = @transform_0, window_bounds = array<i64: 256, 1024>}, {pipeline_mode = #tpu.pipeline_mode<synchronous>, transform_indices = @transform_1, window_bounds = array<i64: 1024, 256>}, {pipeline_mode = #tpu.pipeline_mode<synchronous>, transform_indices = @transform_2, window_bounds = array<i64: 1, 256>}, {pipeline_mode = #tpu.pipeline_mode<synchronous>, transform_indices = @transform_3, window_bounds = array<i64: 256, 1024>}, {pipeline_mode = #tpu.pipeline_mode<synchronous>, transform_indices = @transform_4, window_bounds = array<i64: 1, 1024>}, {pipeline_mode = #tpu.pipeline_mode<synchronous>, transform_indices = @transform_5, window_bounds = array<i64: 1024, 1024>}, {transform_indices = @transform_6, window_bounds = array<i64: 1, 256, 1024>}]} {
    %get3A = arith.constant 0 : index
    %get3A_0 = arith.constant 0 : index
    %get3A_1 = vector.load %arg1[%get3A, %get3A_0] : memref<256x1024xf32, #tpu.memory_space<vmem>>, vector<256x1024xf32>
    %get3A_2 = arith.constant 0 : index
    %get3A_3 = arith.constant 0 : index
    %get3A_4 = vector.load %arg2[%get3A_2, %get3A_3] : memref<1024x256xf32, #tpu.memory_space<vmem>>, vector<1024x256xf32>
    %dot_general3A = arith.constant dense<0.000000e+00> : vector<256x256xf32>
    %dot_general3A_5 = tpu.matmul %get3A_1, %get3A_4, %dot_general3A {dimension_numbers = #tpu.dot_dimension_numbers<[1], [0], [0], [1], [0, 0, 1, 1], [], []>, transpose_lhs_hint = false} : vector<256x1024xf32>, vector<1024x256xf32>, vector<256x256xf32> -> vector<256x256xf32>
    %get3A_6 = arith.constant 0 : index
    %get3A_7 = arith.constant 0 : index
    %get3A_8 = vector.load %arg3[%get3A_6, %get3A_7] : memref<1x256xf32, #tpu.memory_space<vmem>>, vector<1x256xf32>
    %add3A = vector.broadcast %get3A_8 : vector<1x256xf32> to vector<256x256xf32>
    %add3A_9 = arith.addf %dot_general3A_5, %add3A : vector<256x256xf32>
    %logistic3A = arith.negf %add3A_9 : vector<256x256xf32>
    %logistic3A_10 = math.exp %logistic3A : vector<256x256xf32>
    %logistic3A_11 = arith.constant 1.000000e+00 : f32
    %logistic3A_12 = vector.broadcast %logistic3A_11 : f32 to vector<256x256xf32>
    %logistic3A_13 = arith.addf %logistic3A_12, %logistic3A_10 : vector<256x256xf32>
    %logistic3A_14 = arith.divf %logistic3A_12, %logistic3A_13 : vector<256x256xf32>
    %mul3A = arith.mulf %add3A_9, %logistic3A_14 : vector<256x256xf32>
    %get3A_15 = arith.constant 0 : index
    %get3A_16 = arith.constant 0 : index
    %get3A_17 = vector.load %arg4[%get3A_15, %get3A_16] : memref<256x1024xf32, #tpu.memory_space<vmem>>, vector<256x1024xf32>
    %dot_general3A_18 = arith.constant dense<0.000000e+00> : vector<256x1024xf32>
    %dot_general3A_19 = tpu.matmul %mul3A, %get3A_17, %dot_general3A_18 {dimension_numbers = #tpu.dot_dimension_numbers<[1], [0], [0], [1], [0, 0, 1, 1], [], []>, transpose_lhs_hint = false} : vector<256x256xf32>, vector<256x1024xf32>, vector<256x1024xf32> -> vector<256x1024xf32>
    %get3A_20 = arith.constant 0 : index
    %get3A_21 = arith.constant 0 : index
    %get3A_22 = vector.load %arg5[%get3A_20, %get3A_21] : memref<1x1024xf32, #tpu.memory_space<vmem>>, vector<1x1024xf32>
    %add3A_23 = vector.broadcast %get3A_22 : vector<1x1024xf32> to vector<256x1024xf32>
    %add3A_24 = arith.addf %dot_general3A_19, %add3A_23 : vector<256x1024xf32>
    %logistic3A_25 = arith.negf %add3A_24 : vector<256x1024xf32>
    %logistic3A_26 = math.exp %logistic3A_25 : vector<256x1024xf32>
    %logistic3A_27 = arith.constant 1.000000e+00 : f32
    %logistic3A_28 = vector.broadcast %logistic3A_27 : f32 to vector<256x1024xf32>
    %logistic3A_29 = arith.addf %logistic3A_28, %logistic3A_26 : vector<256x1024xf32>
    %logistic3A_30 = arith.divf %logistic3A_28, %logistic3A_29 : vector<256x1024xf32>
    %mul3A_31 = arith.mulf %get3A_1, %logistic3A_30 : vector<256x1024xf32>
    %get3A_32 = arith.constant 0 : index
    %get3A_33 = arith.constant 0 : index
    %get3A_34 = vector.load %arg6[%get3A_32, %get3A_33] : memref<1024x1024xf32, #tpu.memory_space<vmem>>, vector<1024x1024xf32>
    %dot_general3A_35 = arith.constant dense<0.000000e+00> : vector<256x1024xf32>
    %dot_general3A_36 = tpu.matmul %mul3A_31, %get3A_34, %dot_general3A_35 {dimension_numbers = #tpu.dot_dimension_numbers<[1], [0], [0], [1], [0, 0, 1, 1], [], []>, transpose_lhs_hint = false} : vector<256x1024xf32>, vector<1024x1024xf32>, vector<256x1024xf32> -> vector<256x1024xf32>
    %logistic3A_37 = arith.negf %dot_general3A_36 : vector<256x1024xf32>
    %logistic3A_38 = math.exp %logistic3A_37 : vector<256x1024xf32>
    %logistic3A_39 = arith.constant 1.000000e+00 : f32
    %logistic3A_40 = vector.broadcast %logistic3A_39 : f32 to vector<256x1024xf32>
    %logistic3A_41 = arith.addf %logistic3A_40, %logistic3A_38 : vector<256x1024xf32>
    %logistic3A_42 = arith.divf %logistic3A_40, %logistic3A_41 : vector<256x1024xf32>
    %mul3A_43 = arith.mulf %dot_general3A_36, %logistic3A_42 : vector<256x1024xf32>
    %swap3A = arith.constant 0 : index
    %swap3A_44 = arith.constant 0 : index
    %swap3A_45 = arith.constant 0 : index
    %swap3A_46 = vector.load %arg7[%swap3A, %swap3A_44, %swap3A_45] : memref<1x256x1024xf32, #tpu.memory_space<vmem>>, vector<1x256x1024xf32>
    %swap3A_47 = vector.shape_cast %swap3A_46 : vector<1x256x1024xf32> to vector<256x1024xf32>
    %swap3A_48 = vector.shape_cast %mul3A_43 : vector<256x1024xf32> to vector<1x256x1024xf32>
    tpu.vector_store %arg7[%swap3A, %swap3A_44, %swap3A_45], %swap3A_48 {strides = array<i32>} : memref<1x256x1024xf32, #tpu.memory_space<vmem>>, vector<1x256x1024xf32>,
    return
  }
  func.func @transform_0(%arg0: i32) -> (i32, i32) {
    %c0_i32 = arith.constant 0 : i32
    %c0_i32_0 = arith.constant 0 : i32
    return %arg0, %c0_i32 : i32, i32
  }
  func.func @transform_1(%arg0: i32) -> (i32, i32) {
    %c0_i32 = arith.constant 0 : i32
    %c0_i32_0 = arith.constant 0 : i32
    %c0_i32_1 = arith.constant 0 : i32
    return %c0_i32, %c0_i32_0 : i32, i32
  }
  func.func @transform_2(%arg0: i32) -> (i32, i32) {
    %c0_i32 = arith.constant 0 : i32
    %c0_i32_0 = arith.constant 0 : i32
    %c0_i32_1 = arith.constant 0 : i32
    return %c0_i32, %c0_i32_0 : i32, i32
  }
  func.func @transform_3(%arg0: i32) -> (i32, i32) {
    %c0_i32 = arith.constant 0 : i32
    %c0_i32_0 = arith.constant 0 : i32
    %c0_i32_1 = arith.constant 0 : i32
    return %c0_i32, %c0_i32_0 : i32, i32
  }
  func.func @transform_4(%arg0: i32) -> (i32, i32) {
    %c0_i32 = arith.constant 0 : i32
    %c0_i32_0 = arith.constant 0 : i32
    %c0_i32_1 = arith.constant 0 : i32
    return %c0_i32, %c0_i32_0 : i32, i32
  }
  func.func @transform_5(%arg0: i32) -> (i32, i32) {
    %c0_i32 = arith.constant 0 : i32
    %c0_i32_0 = arith.constant 0 : i32
    %c0_i32_1 = arith.constant 0 : i32
    return %c0_i32, %c0_i32_0 : i32, i32
  }
  func.func @transform_6(%arg0: i32) -> (i32, i32, i32) {
    %c0_i32 = arith.constant 0 : i32
    %c0_i32_0 = arith.constant 0 : i32
    %c0_i32_1 = arith.constant 0 : i32
    return %c0_i32, %arg0, %c0_i32_0 : i32, i32, i32
  }
}

</mosaic_0001>

<sc_bundles>
// kernel: kernel.6.cloned.1.call-start
scs
__scs_entry_jumppad:
0x0: {  	(pc) =	sbr.rel $0x88, $3  }
0x1: {  	(tag) =	ssettag $0x0;
	lr =	simm.s32 $0x1  }
0x2: {  	[smem:$0x3F96] =	sst lr;
	_ =	strace $0xD0000000  }
0x3: {  	_ = 	snop  }
0x4: {  	_ = 	snop  }
0x5: {  	_ = 	snop  }
0x6: {  	_ = 	snop  }
0x7: {  	_ = 	snop  }
__scs_overlays_trampoline_lowered:
0x8: {  	[smem:$0x3FA5] =	sst s0  }
0x9: {  	[smem:$0x3FA6] =	sst s1  }
0xa: {  	[smem:$0x3FA7] =	sst s2  }
0xb: {  	[smem:$0x3FA8] =	sst s3  }
0xc: {  	[smem:$0x3FA9] =	sst s4  }
0xd: {  	[smem:$0x3FAA] =	sst s5  }
0xe: {  	[smem:$0x3FAB] =	sst s6  }
0xf: {  	[smem:$0x3FAC] =	sst s7  }
0x10: {  	[smem:$0x3FAD] =	sst s8  }
0x11: {  	[smem:$0x3FAE] =	sst s9;
	s0 =	simm.s32 @!p0 $0x0  }
0x12: {  	s1 =	sld [smem:$0x3F94];
	s0 =	simm.s32 @p0 $0x1  }
0x13: {  	[smem:$0x3FAF] =	sst s0;
	s0 =	simm.s32 @!p1 $0x0  }
0x14: {  	s2 =	sld [smem:$0x3F93];
	s0 =	simm.s32 @p1 $0x1  }
0x15: {  	[smem:$0x3FB0] =	sst s0;
	s0 =	simm.s32 @!p2 $0x0  }
0x16: {  	s3 =	sld [smem:$0x3FDB];
	s0 =	simm.s32 @p2 $0x1  }
0x17: {  	s4 =	simm.s32 $0x1BF5;
	[smem:$0x3FB2] =	sst s0  }
0x18: {  	s0 =	sld [smem:$0x3F95];
	_ =	swait.ge [sflag:s4], $0x0  }
0x19: {  	s7 =	sld [smem:$0x3F96]  }
0x1a: {  	s8 =	sadd.s32 $0xFFFFE003, lr  }
0x1b: {  	s9 =	sadd.s32 $0xFFFFFEF7, lr;
	s5 =	simm.s32 $0xFFFFFFFF;
	p2 =	slt.u32 s8, $0xFFFFF086  }
0x1c: {  	p1 =	slt.u32 s9, $0xF7A;
	s5 =	simm.s32 @!p2 $0x0  }
0x1d: {  	s5 =	simm.s32 @p1 $0x1;
	p0 =	seq.s32 s7, s2  }
0x1e: {  	s7 =	smul.u32 @!p0 $0xF7A, s2;
	p2 =	seq.s32 @!p0 s5, $0x0  }
0x1f: {  	s9 =	smul.u32 $0xF7A, s1;
	s8 =	simm.s32 @!p0 $0x1BF5;
	p2 =	por !p2, p0  }
0x20: {  	[sflag:s8] =	ssyncset.s32 @!p0 $0xFFFFF086;
	s6 =	sadd.s32 @!p0 s3, s7;
	s7 =	simm.s32 @!p0 $0x108  }
0x21: {  	s3 =	sadd.s32 s3, s9;
	s6 =	sadd.s32 @!p0 $0x88, s6;
	s7 =	simm.s32 @p2 $0x1082  }
0x22: {  	[simem:s7], [sflag:s8] =	dma.local @!p0 [hbm:s6], $0xF7A  }
0x23: {  	s9 =	sor.u32 $0xD0000000, s2;
	s6 =	simm.s32 $0x108;
	_ =	swait.ge @!p0 [sflag:s8], $0x0  }
0x24: {  	s3 =	sadd.s32 $0x88, s3;
	s6 =	simm.s32 @!p1 $0x1082;
	[sflag:s4] =	ssyncset.s32 $0xFFFFF086  }
0x25: {  	[simem:s6], [sflag:s4] =	dma.local [hbm:s3], $0xF7A  }
0x26: {  	[smem:$0x3F96] =	sst s1;
	(tag) =	ssettag s2;
	_ =	strace s9  }
0x27: {  	s1 =	sld [smem:$0x3FA6]  }
0x28: {  	s2 =	sld [smem:$0x3FA7]  }
0x29: {  	s4 =	sld [smem:$0x3FA9]  }
0x2a: {  	p0 =	seq.s32 s5, $0x0;
	s5 =	sld [smem:$0x3FAA]  }
0x2b: {  	s6 =	sld [smem:$0x3FAB]  }
0x2c: {  	s7 =	sld [smem:$0x3FAC]  }
0x2d: {  	s3 =	simm.s32 $0x108;
	s8 =	sld [smem:$0x3FAD]  }
0x2e: {  	s3 =	simm.s32 @!p0 $0x1082;
	s9 =	sld [smem:$0x3FAE]  }
0x2f: {  	lr =	sadd.s32 s0, s3;
	s0 =	sld [smem:$0x3FA5]  }
0x30: {  	s3 =	sld [smem:$0x3FA8]  }
0x31: {  	[smem:$0x3FB1] =	sst s10  }
0x32: {  	s10 =	sld [smem:$0x3FAF];
	_ =	sdelay $0x3  }
0x33: {  	p0 =	seq.s32 s10, $0x1;
	s10 =	sld [smem:$0x3FB1];
	_ =	sdelay $0x3  }
0x34: {  	[smem:$0x3FB1] =	sst s10  }
0x35: {  	s10 =	sld [smem:$0x3FB0];
	_ =	sdelay $0x3  }
0x36: {  	p1 =	seq.s32 s10, $0x1;
	s10 =	sld [smem:$0x3FB1];
	_ =	sdelay $0x3  }
0x37: {  	[smem:$0x3FB1] =	sst s10  }
0x38: {  	s10 =	sld [smem:$0x3FB2]  }
0x39: {  	_ = 	snop;
	(pc) =	sbr.ind lr, $3  }
0x3a: {  	_ = 	snop  }
0x3b: {  	_ = 	snop  }
0x3c: {  	p2 =	seq.s32 s10, $0x1;
	s10 =	sld [smem:$0x3FB1]  }
0x3d: {  	_ =	shalt  }
0x3e: {  	_ =	shalt  }
0x3f: {  	_ =	shalt  }
0x40: {  	_ =	shalt  }
0x41: {  	_ =	shalt  }
0x42: {  	_ =	shalt  }
0x43: {  	_ =	shalt  }
0x44: {  	_ =	shalt  }
0x45: {  	_ =	shalt  }
0x46: {  	_ =	shalt  }
0x47: {  	_ =	shalt  }
0x48: {  	_ =	shalt  }
0x49: {  	_ =	shalt  }
0x4a: {  	_ =	shalt  }
0x4b: {  	_ =	shalt  }
0x4c: {  	_ =	shalt  }
0x4d: {  	_ =	shalt  }
0x4e: {  	_ =	shalt  }
0x4f: {  	_ =	shalt  }
0x50: {  	_ =	shalt  }
0x51: {  	_ =	shalt  }
0x52: {  	_ =	shalt  }
0x53: {  	_ =	shalt  }
0x54: {  	_ =	shalt  }
0x55: {  	_ =	shalt  }
0x56: {  	_ =	shalt  }
0x57: {  	_ =	shalt  }
0x58: {  	_ =	shalt  }
0x59: {  	_ =	shalt  }
0x5a: {  	_ =	shalt  }
0x5b: {  	_ =	shalt  }
0x5c: {  	_ =	shalt  }
0x5d: {  	_ =	shalt  }
0x5e: {  	_ =	shalt  }
0x5f: {  	_ =	shalt  }
0x60: {  	_ =	shalt  }
0x61: {  	_ =	shalt  }
0x62: {  	_ =	shalt  }
0x63: {  	_ =	shalt  }
0x64: {  	_ =	shalt  }
0x65: {  	_ =	shalt  }
0x66: {  	_ =	shalt  }
0x67: {  	_ =	shalt  }
0x68: {  	_ =	shalt  }
0x69: {  	_ =	shalt  }
0x6a: {  	_ =	shalt  }
0x6b: {  	_ =	shalt  }
0x6c: {  	_ =	shalt  }
0x6d: {  	_ =	shalt  }
0x6e: {  	_ =	shalt  }
0x6f: {  	_ =	shalt  }
0x70: {  	_ =	shalt  }
0x71: {  	_ =	shalt  }
0x72: {  	_ =	shalt  }
0x73: {  	_ =	shalt  }
0x74: {  	_ =	shalt  }
0x75: {  	_ =	shalt  }
0x76: {  	_ =	shalt  }
0x77: {  	_ =	shalt  }
0x78: {  	_ =	shalt  }
0x79: {  	_ =	shalt  }
0x7a: {  	_ =	shalt  }
0x7b: {  	_ =	shalt  }
0x7c: {  	_ =	shalt  }
0x7d: {  	_ =	shalt  }
0x7e: {  	_ =	shalt  }
0x7f: {  	_ =	shalt  }
0x80: {  	_ =	shalt  }
0x81: {  	_ =	shalt  }
0x82: {  	_ =	shalt  }
0x83: {  	_ =	shalt  }
0x84: {  	_ =	shalt  }
0x85: {  	_ =	shalt  }
0x86: {  	_ =	shalt  }
0x87: {  	_ =	shalt  }
.Lfunc_end0:
.L_simem_size_0:
called_computation_lowered:
.L_overlay_start_0:
0x88: {  	s2 =	sld [smem:$0x3FD9]  }
0x89: {  	s3 =	sld [smem:$0x3FFE];
	_ =	sdelay $0x1  }
0x8a: {  	s1 =	srdreg.scid  }
0x8b: {  	s0 =	sand.u32 $0x1, s1  }
0x8c: {  	s17 =	sshll.u32 s0, $0xA;
	s2 =	sadd.s32 s3, s2  }
0x8d: {  	s2 =	sadd.s32 s2, s17  }
0x8e: {  	[smem:$0x3FBD] =	sst s2  }
0x8f: {  	_ = 	snop  }
0x90: {  	s2 =	sld [smem:$0x3FC9]  }
0x91: {  	s18 =	sld [smem:$0x3FD0];
	(tm) =	ssettm $0x1  }
0x92: {  	s4 =	sld [smem:$0x3FFB];
	_ =	sdelay $0x3  }
0x93: {  	_ =	strace s4  }
0x94: {  	s4 =	sld [smem:$0x3FFC];
	_ =	sdelay $0x3  }
0x95: {  	_ =	strace s4  }
0x96: {  	s4 =	sld [smem:$0x3FFD];
	_ =	sdelay $0x3  }
0x97: {  	_ =	strace s4  }
0x98: {  	_ =	strace $0x8FFFFFFF  }
0x99: {  	s19 =	sld [smem:$0x3FDB];
	_ =	sdelay $0x1  }
0x9a: {  	s5 =	simm.s32 $_scs_section_size  }
0x9b: {  	s6 =	simm.s32 $_size__tile_overlayer_lowered;
	s7 =	simm.s32 $_tile_overlayer_lowered  }
0x9c: {  	s22 =	simm.s32 $0x1BFF;
	s21 =	sshll.u32 s7, $0x1;
	s4 =	sadd.s32 s5, s19  }
0x9d: {  	s8 =	simm.s32 $0x0;
	s20 =	sshll.u32 s6, $0x1;
	s6 =	sadd.s32 s21, s4  }
0x9e: {  	[timem:s8], [sflag:s22] =	dma.local [hbm:s6], s20  }
0x9f: {  	_ =	swait.ge [sflag:s22], s20  }
0xa0: {  	s5 =	ssub.s32 $0x0, s20;
	[sflag:s22] =	ssyncset.done $0x0  }
0xa1: {  	[sflag:s22] =	ssyncadd.s32 s5;
	_ =	sdelay $0x1  }
0xa2: {  	s23 =	simm.s32 $0x1B8B  }
0xa3: {  	_ =	swait.ge [sflag:s23], $0x1  }
0xa4: {  	[sflag:s23] =	ssyncset.done $0x0  }
0xa5: {  	s25 =	simm.s32 $0x1B8E;
	s24 =	sld [smem:$0x3FFE];
	[sflag:s23] =	ssyncadd.s32 $0xFFFFFFFF  }
0xa6: {  	s26 =	simm.s32 $execute0_lowered;
	[smem:$0x3FD2] =	sst s25  }
0xa7: {  	s6 =	sshll.u32 s26, $0x1;
	_ =	strace $0x80000046;
	[dreg:$0x1] =	wrdreg $0xFFFFFFFF  }
0xa8: {  	s28 =	simm.s32 $_size_execute0_lowered;
	s4 =	sadd.s32 s4, s6;
	[dreg:$0x0] =	wrdreg $0x0  }
0xa9: {  	s6 =	sshll.u32 s28, $0x1;
	[dreg:$0x2] =	wrdreg s4  }
0xaa: {  	[dreg:$0x3] =	wrdreg s6  }
0xab: {  	[dreg:$0x4] =	wrdreg $0xC0  }
0xac: {  	_ =	task [dreg:s8], $0x5FFFF  }
0xad: {  	[dreg:$0x1] =	wrdreg $0xFFFFFFFF  }
0xae: {  	[dreg:$0x0] =	wrdreg $0x60  }
0xaf: {  	[dreg:$0x2] =	wrdreg s2  }
0xb0: {  	[dreg:$0x3] =	wrdreg s18  }
0xb1: {  	[dreg:$0x4] =	wrdreg s24  }
0xb2: {  	[dreg:$0x5] =	wrdreg $0x9  }
0xb3: {  	_ =	task.clear_ibuf [dreg:s8], $0x6FFFF;
	_ =	strace $0x90000046  }
0xb4: {  	s29 =	simm.s32 $0x9;
	_ =	strace $0x80000048  }
0xb5: {  	_ =	swait.ge [sflag:s29], $0x1  }
0xb6: {  	[sflag:s29] =	ssyncadd.s32 $0xFFFFFFFF  }
0xb7: {  	_ =	strace $0x90000048  }
0xb8: {  	_ =	sfence  }
0xb9: {  	s30 =	sld [smem:$0x0];
	_ =	sdelay $0x2  }
0xba: {  	s31 =	sshll.u32 s1, $0xD;
	s1 =	sshrl.u32 s1, $0x2  }
0xbb: {  	s3 =	sand.u32 $0x4000, s31;
	s1 =	sadd.s32 s1, s30  }
0xbc: {  	s0 =	sor.u32 s3, s0;
	s1 =	sshll.u32 s1, $0x11  }
0xbd: {  	s0 =	sor.u32 s1, s0  }
0xbe: {  	s0 =	sadd.s32 $0x8F2B, s0  }
0xbf: {  	[sflag:s0] =	ssyncadd.remote.s32 $0x1  }
0xc0: {  	_ =	sfence.sel $0xFFFF  }
0xc1: {  	[dreg:$0x0] =	wrdreg $0xFFFFFFFF;
	(pc) =	sbr.abs _section_cstart, $3  }
0xc2: {  	[dreg:$0x1] =	wrdreg $0xFFFFFFFF  }
0xc3: {  	_ =	task.clear_ibuf [dreg:s8], $0x2FFFF;
	_ =	strace $0x9FFFFFFF  }
0xc4: {  	(tm) =	ssettm $0x7FFFFFFF  }
0xc5: {  	_ =	shalt  }
tec
execute0_lowered:
.L_overlay_start_1:
0x0: {  	(tag) =	ssettag $0x1  }
0x1: {  	s1 =	rddreg [dreg:$0x0]  }
0x2: {  	s0 =	rddreg [dreg:$0x1];
	s2 =	srdreg.scid  }
0x3: {  	s3 =	stileid.u32;
	s5 =	rddreg [dreg:$0x2];
	s12 =	simm.s32 $0x3  }
0x4: {  	v2 =	vlaneseq.u32;
	s13 =	simm.s32 $0x2;
	s2 =	sand.u32 $0x1, s2;
	s4 =	sshll.u32 s3, $0x1  }
0x5: {  	vm0 =	vmmov $0xffff;
	vm1 =	vcmask $0x2320;
	vm2 =	vcmask $0x300;
	s3 =	simm.s32 $0x0;
	s10 =	sadd.s32 $0x300, s1;
	s6 =	sor.u32 s2, s4  }
0x6: {  	v3 =	vimm.s32 $0x0;
	v4 =	vimm.s32 $0x1;
	v5 =	vimm.s32 $0x2;
	[smem:$0x7FF] =	sst s3;
	s2 =	ssub.s32 $0x2, s2;
	s4 =	sadd.s32 $0x84600, s5  }
0x7: {  	v6 =	vimm.s32 $0x3;
	v7 =	vimm.s32 $0x4;
	v8 =	vimm.s32 $0x5;
	s7 =	smul.u32 $0x8C, s6;
	_ =	strace $0x80000047;
	s8 =	sshrl.u32 s2, $0x1  }
0x8: {  	v9 =	vimm.s32 $0x6;
	v1 =	vshrl.u32 v2, $0x3;
	v0 =	vand.u32 $0x7, v2;
	s9 =	smul.u32 $0x8C0, s6;
	s2 =	ssub.s32 s2, s8;
	s8 =	sadd.s32 $0x100, s1  }
0x9: {  	v10 =	vimm.s32 $0x7;
	v11 =	vimm.s32 $0x8;
	[tilespmem:$0x1FFD0] =	vst v0;
	v0 =	vmul.u32 $0x8, v1;
	s7 =	sadd.s32 s5, s7;
	s5 =	smul.u32 $0x1C, s6;
	s31 =	smax.u32 s2, $0x1  }
0xa: {  	v12 =	vimm.s32 $0x9;
	v13 =	vimm.s32 $0xA;
	v14 =	vimm.s32 $0xB;
	s0 =	sadd.s32 s0, s9;
	s30 =	sadd.s32 $0x83480, s7;
	[dreg:$0x6] =	wrdreg s31  }
0xb: {  	v15 =	vimm.s32 $0xC;
	v16 =	vimm.s32 $0xD;
	s9 =	sadd.s32 $0x200, s1;
	[tilespmem:$0x1FFE0] =	vst v0;
	v0 =	vor.u32 $0x8, v2;
	s0 =	sadd.s32 $0x16800, s0;
	[dreg:$0x4] =	wrdreg s30  }
0xc: {  	v17 =	vimm.s32 $0xE;
	v18 =	vimm.s32 $0xF;
	vm1 =	vmor vm2, vm1;
	s2 =	simm.s32 $0x1;
	s6 =	simm.s32 $0x0;
	[tilespmem:$0x1FFF0] =	vst v0;
	[dreg:$0x5] =	wrdreg s0  }
.LBB2_1:
0xd: {  	[dreg:$0x7] =	wrdreg s6  }
0xe: {  	s0 =	rddreg [dreg:$0x4]  }
0xf: {  	[tilespmem:s3], [sflag:$0x3] =	stream.linear.gather [hbm4b:s0+s3], $0x460, $0x38;
	[tilespmem:$0x18F00] =	vst v63  }
0x10: {  	_ =	swait.ge [sflag:s12], $0x460  }
0x11: {  	[sflag:s12] =	ssyncset.done $0x0  }
0x12: {  	s31 =	simm.s32 $0x480;
	s30 =	rddreg [dreg:$0x5];
	[sflag:s12] =	ssyncadd.s32 $0xFFFFFBA0  }
0x13: {  	[tilespmem:s31], [sflag:$0x3] =	stream.linear.gather [hbm4b:s30+s3], $0x4600, $0x38;
	[tilespmem:$0x18F00] =	vst v63  }
0x14: {  	_ =	swait.ge [sflag:s12], $0x4600  }
0x15: {  	[sflag:s12] =	ssyncset.done $0x0  }
0x16: {  	[sflag:s12] =	ssyncadd.s32 $0xFFFFBA00  }
0x17: {  	v19 =	vld [tilespmem:$0x0];
	_ =	sdelay $0x2  }
0x18: {  	v0 =	vld [tilespmem:$0x1FFD0];
	_ =	sdelay $0x1  }
0x19: {  	v1 =	vld [tilespmem:$0x1FFE0];
	v20 =	vshll.u32 v19, $0x3  }
0x1a: {  	v19 =	vand.u32 $0x7, v19;
	v20 =	vand.u32 $0xFFFFFFC0, v20  }
0x1b: {  	v19 =	vor.u32 v19, v20  }
0x1c: {  	v20 =	vperm.xlane v19, v0;
	_ =	sdelay $0x1  }
0x1d: {  	v20 =	vadd.s32 v1, v20  }
0x1e: {  	v2 =	vld [tilespmem:$0x1FFF0];
	_ =	sdelay $0x2  }
0x1f: {  	s6 =	simm.s32 $0x4B00  }
0x20: {  	[tilespmem:s6], [sflag:$0x1] =	stream.indirect_vreg.gather [hbm4b:s1+s3], $0x80, v20, vm0, $0xb8;
	[tilespmem:$0x18F00] =	vst v63  }
0x21: {  	s7 =	simm.s32 $0x5300;
	v19 =	vperm.xlane v19, v2  }
0x22: {  	[tilespmem:s7], [sflag:$0x1] =	stream.indirect_vreg.gather [hbm4b:s8+s3], $0x80, v20, vm0, $0xb8;
	[tilespmem:$0x18F00] =	vst v63  }
0x23: {  	s11 =	simm.s32 $0x5B00;
	v19 =	vadd.s32 v1, v19  }
0x24: {  	[tilespmem:s11], [sflag:$0x1] =	stream.indirect_vreg.gather [hbm4b:s9+s3], $0x80, v20, vm0, $0xb8;
	[tilespmem:$0x18F00] =	vst v63  }
0x25: {  	s14 =	simm.s32 $0x6300  }
0x26: {  	[tilespmem:s14], [sflag:$0x1] =	stream.indirect_vreg.gather [hbm4b:s10+s3], $0x80, v20, vm0, $0xb8;
	[tilespmem:$0x18F00] =	vst v63  }
0x27: {  	s15 =	simm.s32 $0x6B00  }
0x28: {  	[tilespmem:s15], [sflag:$0x1] =	stream.indirect_vreg.gather [hbm4b:s1+s3], $0x80, v19, vm0, $0xb8;
	[tilespmem:$0x18F00] =	vst v63  }
0x29: {  	s16 =	simm.s32 $0x7300  }
0x2a: {  	[tilespmem:s16], [sflag:$0x1] =	stream.indirect_vreg.gather [hbm4b:s8+s3], $0x80, v19, vm0, $0xb8;
	[tilespmem:$0x18F00] =	vst v63  }
0x2b: {  	s17 =	simm.s32 $0x7B00  }
0x2c: {  	[tilespmem:s17], [sflag:$0x1] =	stream.indirect_vreg.gather [hbm4b:s9+s3], $0x80, v19, vm0, $0xb8;
	[tilespmem:$0x18F00] =	vst v63  }
0x2d: {  	s18 =	simm.s32 $0x8300  }
0x2e: {  	[tilespmem:s18], [sflag:$0x1] =	stream.indirect_vreg.gather [hbm4b:s10+s3], $0x80, v19, vm0, $0xb8;
	[tilespmem:$0x18F00] =	vst v63  }
0x2f: {  	v19 =	vld [tilespmem:$0x10];
	_ =	sdelay $0x4  }
0x30: {  	v20 =	vshll.u32 v19, $0x3  }
0x31: {  	v19 =	vand.u32 $0x7, v19;
	v20 =	vand.u32 $0xFFFFFFC0, v20  }
0x32: {  	v19 =	vor.u32 v19, v20  }
0x33: {  	v20 =	vperm.xlane v19, v0;
	_ =	sdelay $0x1  }
0x34: {  	v20 =	vadd.s32 v1, v20;
	_ =	sdelay $0x3  }
0x35: {  	s19 =	simm.s32 $0x8B00  }
0x36: {  	[tilespmem:s19], [sflag:$0x1] =	stream.indirect_vreg.gather [hbm4b:s1+s3], $0x80, v20, vm0, $0xb8;
	[tilespmem:$0x18F00] =	vst v63  }
0x37: {  	s20 =	simm.s32 $0x9300;
	v19 =	vperm.xlane v19, v2  }
0x38: {  	[tilespmem:s20], [sflag:$0x1] =	stream.indirect_vreg.gather [hbm4b:s8+s3], $0x80, v20, vm0, $0xb8;
	[tilespmem:$0x18F00] =	vst v63  }
0x39: {  	s21 =	simm.s32 $0x9B00;
	v19 =	vadd.s32 v1, v19  }
0x3a: {  	[tilespmem:s21], [sflag:$0x1] =	stream.indirect_vreg.gather [hbm4b:s9+s3], $0x80, v20, vm0, $0xb8;
	[tilespmem:$0x18F00] =	vst v63  }
0x3b: {  	s22 =	simm.s32 $0xA300  }
0x3c: {  	[tilespmem:s22], [sflag:$0x1] =	stream.indirect_vreg.gather [hbm4b:s10+s3], $0x80, v20, vm0, $0xb8;
	[tilespmem:$0x18F00] =	vst v63  }
0x3d: {  	s23 =	simm.s32 $0xAB00  }
0x3e: {  	[tilespmem:s23], [sflag:$0x1] =	stream.indirect_vreg.gather [hbm4b:s1+s3], $0x80, v19, vm0, $0xb8;
	[tilespmem:$0x18F00] =	vst v63  }
0x3f: {  	s24 =	simm.s32 $0xB300  }
0x40: {  	[tilespmem:s24], [sflag:$0x1] =	stream.indirect_vreg.gather [hbm4b:s8+s3], $0x80, v19, vm0, $0xb8;
	[tilespmem:$0x18F00] =	vst v63  }
0x41: {  	s25 =	simm.s32 $0xBB00  }
0x42: {  	[tilespmem:s25], [sflag:$0x1] =	stream.indirect_vreg.gather [hbm4b:s9+s3], $0x80, v19, vm0, $0xb8;
	[tilespmem:$0x18F00] =	vst v63  }
0x43: {  	s26 =	simm.s32 $0xC300  }
0x44: {  	[tilespmem:s26], [sflag:$0x1] =	stream.indirect_vreg.gather [hbm4b:s10+s3], $0x80, v19, vm0, $0xb8;
	[tilespmem:$0x18F00] =	vst v63  }
0x45: {  	v19 =	vld.msk [tilespmem:$0x20], $0x1;
	_ =	sdelay $0x4  }
0x46: {  	v20 =	vshll.u32 v19, $0x3  }
0x47: {  	v19 =	vand.u32 $0x7, v19;
	v20 =	vand.u32 $0xFFFFFFC0, v20  }
0x48: {  	v19 =	vor.u32 v19, v20  }
0x49: {  	v19 =	vperm.xlane v19, v0;
	_ =	sdelay $0x1  }
0x4a: {  	v19 =	vadd.s32 v1, v19;
	_ =	sdelay $0x3  }
0x4b: {  	s28 =	simm.s32 $0xCB00  }
0x4c: {  	[tilespmem:s28], [sflag:$0x1] =	stream.indirect_vreg.gather [hbm4b:s1+s3], $0x80, v19, vm1, $0xb8;
	[tilespmem:$0x18F00] =	vst v63  }
0x4d: {  	s29 =	simm.s32 $0xD300;
	s30 =	simm.s32 $0xDB00  }
0x4e: {  	[tilespmem:s29], [sflag:$0x1] =	stream.indirect_vreg.gather [hbm4b:s8+s3], $0x80, v19, vm1, $0xb8;
	[tilespmem:$0x18F00] =	vst v63  }
0x4f: {  	s31 =	simm.s32 $0xE300;
	s7 =	simm.s32 $0x280;
	s11 =	simm.s32 $0x720  }
0x50: {  	[tilespmem:s30], [sflag:$0x1] =	stream.indirect_vreg.gather [hbm4b:s9+s3], $0x80, v19, vm1, $0xb8;
	[tilespmem:$0x18F00] =	vst v63  }
0x51: {  	s14 =	simm.s32 $0x0;
	s15 =	simm.s32 $0x0;
	s20 =	simm.s32 $0x4A0  }
0x52: {  	[tilespmem:s31], [sflag:$0x1] =	stream.indirect_vreg.gather [hbm4b:s10+s3], $0x80, v19, vm1, $0xb8;
	[tilespmem:$0x18F00] =	vst v63  }
.LBB2_2:
0x53: {  	s16 =	sshllo.u32 s15, $0x1  }
0x54: {  	s6 =	smul.u32 $0xA0, s16;
	_ =	sdelay $0x1  }
0x55: {  	s6 =	sshra.s32 s6, $0x2  }
0x56: {  	v19 =	vld [tilespmem:s6+$0x0];
	_ =	sdelay $0x2  }
0x57: {  	v0 =	vld [tilespmem:$0x1FFD0];
	_ =	sdelay $0x1  }
0x58: {  	v1 =	vld [tilespmem:$0x1FFE0];
	v20 =	vshll.u32 v19, $0x3  }
0x59: {  	v19 =	vand.u32 $0x7, v19;
	v20 =	vand.u32 $0xFFFFFFC0, v20  }
0x5a: {  	v19 =	vor.u32 v19, v20  }
0x5b: {  	v20 =	vperm.xlane v19, v0;
	_ =	sdelay $0x1  }
0x5c: {  	v20 =	vadd.s32 v1, v20  }
0x5d: {  	v2 =	vld [tilespmem:$0x1FFF0];
	_ =	sdelay $0x2  }
0x5e: {  	s17 =	simm.s32 $0x0;
	s0 =	simm.s32 $0xEB00  }
0x5f: {  	[tilespmem:s0], [sflag:$0x2] =	stream.indirect_vreg.gather [hbm4b:s1+s17], $0x80, v20, vm0, $0xb8;
	[tilespmem:$0x18F00] =	vst v63  }
0x60: {  	s24 =	simm.s32 $0xF300;
	v19 =	vperm.xlane v19, v2  }
0x61: {  	[tilespmem:s24], [sflag:$0x2] =	stream.indirect_vreg.gather [hbm4b:s8+s17], $0x80, v20, vm0, $0xb8;
	[tilespmem:$0x18F00] =	vst v63  }
0x62: {  	s25 =	simm.s32 $0xFB00;
	v19 =	vadd.s32 v1, v19  }
0x63: {  	[tilespmem:s25], [sflag:$0x2] =	stream.indirect_vreg.gather [hbm4b:s9+s17], $0x80, v20, vm0, $0xb8;
	[tilespmem:$0x18F00] =	vst v63  }
0x64: {  	s26 =	simm.s32 $0x10300  }
0x65: {  	[tilespmem:s26], [sflag:$0x2] =	stream.indirect_vreg.gather [hbm4b:s10+s17], $0x80, v20, vm0, $0xb8;
	[tilespmem:$0x18F00] =	vst v63  }
0x66: {  	s28 =	simm.s32 $0x10B00  }
0x67: {  	[tilespmem:s28], [sflag:$0x2] =	stream.indirect_vreg.gather [hbm4b:s1+s17], $0x80, v19, vm0, $0xb8;
	[tilespmem:$0x18F00] =	vst v63  }
0x68: {  	s29 =	simm.s32 $0x11300  }
0x69: {  	[tilespmem:s29], [sflag:$0x2] =	stream.indirect_vreg.gather [hbm4b:s8+s17], $0x80, v19, vm0, $0xb8;
	[tilespmem:$0x18F00] =	vst v63  }
0x6a: {  	s30 =	simm.s32 $0x11B00  }
0x6b: {  	[tilespmem:s30], [sflag:$0x2] =	stream.indirect_vreg.gather [hbm4b:s9+s17], $0x80, v19, vm0, $0xb8;
	[tilespmem:$0x18F00] =	vst v63  }
0x6c: {  	s31 =	simm.s32 $0x12300  }
0x6d: {  	[tilespmem:s31], [sflag:$0x2] =	stream.indirect_vreg.gather [hbm4b:s10+s17], $0x80, v19, vm0, $0xb8;
	[tilespmem:$0x18F00] =	vst v63  }
0x6e: {  	v19 =	vld [tilespmem:s6+$0x10];
	_ =	sdelay $0x4  }
0x6f: {  	v20 =	vshll.u32 v19, $0x3  }
0x70: {  	v19 =	vand.u32 $0x7, v19;
	v20 =	vand.u32 $0xFFFFFFC0, v20  }
0x71: {  	v19 =	vor.u32 v19, v20  }
0x72: {  	v20 =	vperm.xlane v19, v0;
	_ =	sdelay $0x1  }
0x73: {  	v20 =	vadd.s32 v1, v20;
	_ =	sdelay $0x3  }
0x74: {  	s18 =	simm.s32 $0x12B00  }
0x75: {  	[tilespmem:s18], [sflag:$0x2] =	stream.indirect_vreg.gather [hbm4b:s1+s17], $0x80, v20, vm0, $0xb8;
	[tilespmem:$0x18F00] =	vst v63  }
0x76: {  	s19 =	simm.s32 $0x13300;
	v19 =	vperm.xlane v19, v2  }
0x77: {  	[tilespmem:s19], [sflag:$0x2] =	stream.indirect_vreg.gather [hbm4b:s8+s17], $0x80, v20, vm0, $0xb8;
	[tilespmem:$0x18F00] =	vst v63  }
0x78: {  	s21 =	simm.s32 $0x13B00;
	v19 =	vadd.s32 v1, v19  }
0x79: {  	[tilespmem:s21], [sflag:$0x2] =	stream.indirect_vreg.gather [hbm4b:s9+s17], $0x80, v20, vm0, $0xb8;
	[tilespmem:$0x18F00] =	vst v63  }
0x7a: {  	s22 =	simm.s32 $0x14300  }
0x7b: {  	[tilespmem:s22], [sflag:$0x2] =	stream.indirect_vreg.gather [hbm4b:s10+s17], $0x80, v20, vm0, $0xb8;
	[tilespmem:$0x18F00] =	vst v63  }
0x7c: {  	s23 =	simm.s32 $0x14B00  }
0x7d: {  	[tilespmem:s23], [sflag:$0x2] =	stream.indirect_vreg.gather [hbm4b:s1+s17], $0x80, v19, vm0, $0xb8;
	[tilespmem:$0x18F00] =	vst v63  }
0x7e: {  	s24 =	simm.s32 $0x15300  }
0x7f: {  	[tilespmem:s24], [sflag:$0x2] =	stream.indirect_vreg.gather [hbm4b:s8+s17], $0x80, v19, vm0, $0xb8;
	[tilespmem:$0x18F00] =	vst v63  }
0x80: {  	s25 =	simm.s32 $0x15B00  }
0x81: {  	[tilespmem:s25], [sflag:$0x2] =	stream.indirect_vreg.gather [hbm4b:s9+s17], $0x80, v19, vm0, $0xb8;
	[tilespmem:$0x18F00] =	vst v63  }
0x82: {  	s26 =	simm.s32 $0x16300  }
0x83: {  	[tilespmem:s26], [sflag:$0x2] =	stream.indirect_vreg.gather [hbm4b:s10+s17], $0x80, v19, vm0, $0xb8;
	[tilespmem:$0x18F00] =	vst v63  }
0x84: {  	v19 =	vld.msk [tilespmem:s6+$0x20], $0x1;
	_ =	sdelay $0x4  }
0x85: {  	v20 =	vshll.u32 v19, $0x3  }
0x86: {  	v19 =	vand.u32 $0x7, v19;
	v20 =	vand.u32 $0xFFFFFFC0, v20  }
0x87: {  	v19 =	vor.u32 v19, v20  }
0x88: {  	v19 =	vperm.xlane v19, v0;
	_ =	sdelay $0x1  }
0x89: {  	v19 =	vadd.s32 v1, v19;
	_ =	sdelay $0x3  }
0x8a: {  	s28 =	simm.s32 $0x16B00  }
0x8b: {  	[tilespmem:s28], [sflag:$0x2] =	stream.indirect_vreg.gather [hbm4b:s1+s17], $0x80, v19, vm1, $0xb8;
	[tilespmem:$0x18F00] =	vst v63  }
0x8c: {  	s29 =	simm.s32 $0x17300  }
0x8d: {  	[tilespmem:s29], [sflag:$0x2] =	stream.indirect_vreg.gather [hbm4b:s8+s17], $0x80, v19, vm1, $0xb8;
	[tilespmem:$0x18F00] =	vst v63  }
0x8e: {  	s30 =	simm.s32 $0x17B00  }
0x8f: {  	[tilespmem:s30], [sflag:$0x2] =	stream.indirect_vreg.gather [hbm4b:s9+s17], $0x80, v19, vm1, $0xb8;
	[tilespmem:$0x18F00] =	vst v63  }
0x90: {  	s31 =	simm.s32 $0x18300  }
0x91: {  	[tilespmem:s31], [sflag:$0x2] =	stream.indirect_vreg.gather [hbm4b:s10+s17], $0x80, v19, vm1, $0xb8;
	[tilespmem:$0x18F00] =	vst v63  }
0x92: {  	s18 =	sshll.u32 s15, $0x1;
	_ =	swait.ge [sflag:s2], $0x8400  }
0x93: {  	s19 =	simm.s32 $0x18B00;
	s21 =	simm.s32 $0x0;
	[sflag:s2] =	ssyncset.done $0x0  }
0x94: {  	s22 =	simm.s32 $0x0;
	s6 =	smov.u32 s20;
	[sflag:s2] =	ssyncadd.s32 $0xFFFF7C00  }
.LBB2_3:
0x95: {  	s23 =	sadd.s32 s22, s14  }
0x96: {  	s24 =	sand.u32 $0x78, s22;
	s28 =	sand.u32 $0x1C00, s21;
	v20 =	vld [tilespmem:s6+$0xFFFFFFF0];
	s23 =	sand.u32 $0xFF80, s23  }
0x97: {  	s26 =	sand.u32 $0x40, s17;
	v19 =	vld [tilespmem:s6+$0x0];
	s29 =	sadd.s32 $0x4B00, s28;
	s23 =	sor.u32 s24, s23  }
0x98: {  	s30 =	sor.u32 s26, s29;
	v21 =	vld [tilespmem:s23+$0x480]  }
0x99: {  	v22 =	vld [tilespmem:s30+$0x0]  }
0x9a: {  	v32 =	vld [tilespmem:s30+$0x80]  }
0x9b: {  	v38 =	vld [tilespmem:s30+$0x100]  }
0x9c: {  	v43 =	vld [tilespmem:s30+$0x180]  }
0x9d: {  	v49 =	vld [tilespmem:s30+$0x200]  }
0x9e: {  	v53 =	vld [tilespmem:s30+$0x280]  }
0x9f: {  	s24 =	sor.u32 $0x20, s26;
	v57 =	vld [tilespmem:s30+$0x300]  }
0xa0: {  	s0 =	sor.u32 s24, s29;
	v44 =	vld [tilespmem:s30+$0x380]  }
0xa1: {  	v25 =	vld [tilespmem:s0+$0x0]  }
0xa2: {  	v36 =	vld [tilespmem:s0+$0x80]  }
0xa3: {  	v40 =	vld [tilespmem:s0+$0x100]  }
0xa4: {  	v47 =	vld [tilespmem:s0+$0x180]  }
0xa5: {  	v51 =	vld [tilespmem:s0+$0x200]  }
0xa6: {  	v55 =	vld [tilespmem:s0+$0x280]  }
0xa7: {  	s23 =	sor.u32 $0x10, s26;
	v59 =	vld [tilespmem:s0+$0x300]  }
0xa8: {  	s25 =	sor.u32 $0x30, s26;
	s31 =	sor.u32 s23, s29;
	v42 =	vld [tilespmem:s0+$0x380]  }
0xa9: {  	s29 =	sor.u32 s25, s29;
	v23 =	vld [tilespmem:s31+$0x0]  }
0xaa: {  	v26 =	vld [tilespmem:s29+$0x0]  }
0xab: {  	v33 =	vld [tilespmem:s31+$0x80]  }
0xac: {  	v37 =	vld [tilespmem:s29+$0x80]  }
0xad: {  	v39 =	vld [tilespmem:s31+$0x100]  }
0xae: {  	v41 =	vld [tilespmem:s29+$0x100]  }
0xaf: {  	v46 =	vld [tilespmem:s31+$0x180]  }
0xb0: {  	v48 =	vld [tilespmem:s29+$0x180]  }
0xb1: {  	v50 =	vld [tilespmem:s31+$0x200]  }
0xb2: {  	v52 =	vld [tilespmem:s29+$0x200]  }
0xb3: {  	v54 =	vld [tilespmem:s31+$0x280]  }
0xb4: {  	v56 =	vld [tilespmem:s29+$0x280]  }
0xb5: {  	v58 =	vld [tilespmem:s31+$0x300]  }
0xb6: {  	v60 =	vld [tilespmem:s29+$0x300]  }
0xb7: {  	s0 =	sadd.s32 $0x6B00, s28;
	v45 =	vld [tilespmem:s31+$0x380]  }
0xb8: {  	v35 =	vld [tilespmem:s29+$0x380];
	s30 =	sor.u32 s26, s0  }
0xb9: {  	s31 =	sor.u32 s23, s0;
	v34 =	vld [tilespmem:s30+$0x0]  }
0xba: {  	v31 =	vld [tilespmem:s31+$0x0];
	s30 =	sor.u32 s24, s0  }
0xbb: {  	s29 =	sadd.s32 $0x6B80, s28;
	s0 =	sor.u32 s25, s0;
	v24 =	vld [tilespmem:s30+$0x0]  }
0xbc: {  	s31 =	sor.u32 s26, s29;
	v29 =	vld [tilespmem:s0+$0x0]  }
0xbd: {  	v27 =	vld [tilespmem:s31+$0x0];
	s30 =	sor.u32 s23, s29  }
0xbe: {  	v19 =	vperm.xlane v19, v3;
	s31 =	sor.u32 s24, s29;
	v61 =	vperm.xlane v21, v3;
	v30 =	vld [tilespmem:s30+$0x0]  }
0xbf: {  	v28 =	vld [tilespmem:s31+$0x0];
	s30 =	sor.u32 s25, s29;
	s29 =	sadd.s32 $0x6C00, s28;
	v2 =	vperm.xlane v21, v4;
	v1 =	vperm.xlane v21, v5  }
0xc0: {  	s31 =	sor.u32 s26, s29;
	v62 =	vmul.f32 v22, v61;
	v63 =	vmul.f32 v23, v61;
	v22 =	vld [tilespmem:s30+$0x0]  }
0xc1: {  	v0 =	vmul.f32 v25, v61;
	v61 =	vmul.f32 v26, v61;
	v23 =	vld [tilespmem:s31+$0x0];
	s30 =	sor.u32 s23, s29  }
0xc2: {  	v32 =	vmul.f32 v32, v2;
	v33 =	vmul.f32 v33, v2;
	s31 =	sor.u32 s24, s29;
	v25 =	vld [tilespmem:s30+$0x0];
	v62 =	vadd.f32 $0.0e+00, v62  }
0xc3: {  	v36 =	vmul.f32 v36, v2;
	v26 =	vld [tilespmem:s31+$0x0];
	s30 =	sor.u32 s25, s29;
	s29 =	sadd.s32 $0x6C80, s28;
	v63 =	vadd.f32 $0.0e+00, v63;
	v0 =	vadd.f32 $0.0e+00, v0  }
0xc4: {  	v2 =	vmul.f32 v37, v2;
	v61 =	vadd.f32 $0.0e+00, v61;
	s31 =	sor.u32 s26, s29;
	v62 =	vadd.f32 v32, v62;
	v32 =	vld [tilespmem:s30+$0x0]  }
0xc5: {  	v37 =	vmul.f32 v38, v1;
	v38 =	vmul.f32 v39, v1;
	v63 =	vadd.f32 v33, v63;
	v33 =	vld [tilespmem:s31+$0x0];
	s30 =	sor.u32 s23, s29  }
0xc6: {  	v0 =	vadd.f32 v36, v0;
	v2 =	vadd.f32 v2, v61;
	v61 =	vperm.xlane v21, v6;
	s31 =	sor.u32 s24, s29;
	v36 =	vld [tilespmem:s30+$0x0]  }
0xc7: {  	v39 =	vmul.f32 v40, v1;
	v1 =	vmul.f32 v41, v1;
	s30 =	sor.u32 s25, s29;
	s29 =	sadd.s32 $0x6D00, s28;
	v62 =	vadd.f32 v37, v62;
	v37 =	vld [tilespmem:s31+$0x0]  }
0xc8: {  	v41 =	vadd.f32 v38, v63;
	v40 =	vmul.f32 v43, v61;
	v63 =	vmul.f32 v46, v61;
	v38 =	vld [tilespmem:s30+$0x0];
	s31 =	sor.u32 s26, s29  }
0xc9: {  	v0 =	vadd.f32 v39, v0;
	v46 =	vmul.f32 v47, v61;
	v47 =	vperm.xlane v21, v7;
	s30 =	sor.u32 s23, s29;
	v39 =	vld [tilespmem:s31+$0x0]  }
0xca: {  	v1 =	vadd.f32 v1, v2;
	v48 =	vmul.f32 v48, v61;
	s31 =	sor.u32 s24, s29;
	v2 =	vadd.f32 v40, v62;
	v40 =	vld [tilespmem:s30+$0x0]  }
0xcb: {  	v61 =	vadd.f32 v63, v41;
	v0 =	vadd.f32 v46, v0;
	v63 =	vmul.f32 v49, v47;
	v41 =	vld [tilespmem:s31+$0x0];
	s30 =	sor.u32 s25, s29;
	s29 =	sadd.s32 $0x6D80, s28  }
0xcc: {  	v1 =	vadd.f32 v48, v1;
	v62 =	vmul.f32 v50, v47;
	v49 =	vperm.xlane v21, v8;
	v43 =	vld [tilespmem:s30+$0x0];
	s31 =	sor.u32 s26, s29  }
0xcd: {  	s30 =	sor.u32 s23, s29;
	v2 =	vadd.f32 v63, v2;
	v63 =	vmul.f32 v51, v47;
	v47 =	vmul.f32 v52, v47;
	v46 =	vld [tilespmem:s31+$0x0]  }
0xce: {  	v48 =	vadd.f32 v62, v61;
	v61 =	vmul.f32 v53, v49;
	v62 =	vmul.f32 v54, v49;
	v53 =	vld [tilespmem:s30+$0x0];
	s31 =	sor.u32 s24, s29  }
0xcf: {  	v54 =	vperm.xlane v21, v9;
	s30 =	sor.u32 s25, s29;
	s29 =	sadd.s32 $0x6E00, s28;
	v0 =	vadd.f32 v63, v0;
	v63 =	vmul.f32 v55, v49;
	v55 =	vld [tilespmem:s31+$0x0]  }
0xd0: {  	v1 =	vadd.f32 v47, v1;
	v2 =	vadd.f32 v61, v2;
	v61 =	vmul.f32 v56, v49;
	v49 =	vld [tilespmem:s30+$0x0];
	s31 =	sor.u32 s26, s29  }
0xd1: {  	v48 =	vadd.f32 v62, v48;
	v62 =	vmul.f32 v57, v54;
	s30 =	sor.u32 s23, s29;
	v51 =	vld [tilespmem:s31+$0x0];
	v0 =	vadd.f32 v63, v0  }
0xd2: {  	v56 =	vld [tilespmem:s30+$0x0];
	s31 =	sor.u32 s24, s29;
	s30 =	sor.u32 s25, s29;
	s29 =	sadd.s32 $0x6E80, s28;
	v1 =	vadd.f32 v61, v1;
	v63 =	vmul.f32 v58, v54;
	v61 =	vperm.xlane v21, v10  }
0xd3: {  	v2 =	vadd.f32 v62, v2;
	v62 =	vmul.f32 v59, v54;
	v54 =	vmul.f32 v60, v54;
	v57 =	vld [tilespmem:s31+$0x0];
	s31 =	sor.u32 s26, s29  }
0xd4: {  	v60 =	vperm.xlane v21, v13;
	v58 =	vld [tilespmem:s31+$0x0];
	v47 =	vadd.f32 v63, v48;
	v44 =	vmul.f32 v44, v61  }
0xd5: {  	v48 =	vld [tilespmem:s30+$0x0];
	v0 =	vadd.f32 v62, v0;
	v42 =	vmul.f32 v42, v61;
	v63 =	vperm.xlane v21, v11;
	s30 =	sor.u32 s23, s29  }
0xd6: {  	s31 =	sor.u32 s24, s29;
	v45 =	vmul.f32 v45, v61;
	v1 =	vadd.f32 v54, v1;
	v2 =	vadd.f32 v44, v2;
	v44 =	vld [tilespmem:s30+$0x0]  }
0xd7: {  	v35 =	vmul.f32 v35, v61;
	v0 =	vadd.f32 v42, v0;
	v34 =	vmul.f32 v34, v63;
	v42 =	vld [tilespmem:s31+$0x0];
	s30 =	sor.u32 s25, s29;
	s29 =	sadd.s32 $0x8B00, s28  }
0xd8: {  	v54 =	vperm.xlane v21, v12;
	v45 =	vadd.f32 v45, v47;
	v31 =	vmul.f32 v31, v63;
	v47 =	vld [tilespmem:s30+$0x0];
	s31 =	sor.u32 s26, s29  }
0xd9: {  	v23 =	vmul.f32 v23, v60;
	v62 =	vmul.f32 v25, v60;
	s30 =	sor.u32 s23, s29;
	v2 =	vadd.f32 v34, v2;
	v34 =	vld [tilespmem:s31+$0x0]  }
0xda: {  	v52 =	vmul.f32 v26, v60;
	v27 =	vmul.f32 v27, v54;
	v31 =	vadd.f32 v31, v45;
	v45 =	vld [tilespmem:s30+$0x0];
	s31 =	sor.u32 s24, s29  }
0xdb: {  	v1 =	vadd.f32 v35, v1;
	v24 =	vmul.f32 v24, v63;
	v29 =	vmul.f32 v29, v63;
	s30 =	sor.u32 s25, s29;
	s29 =	sadd.s32 $0x8B80, s28;
	v50 =	vld [tilespmem:s31+$0x0]  }
0xdc: {  	v30 =	vmul.f32 v30, v54;
	v59 =	vmul.f32 v28, v54;
	s31 =	sor.u32 s26, s29;
	v2 =	vadd.f32 v27, v2;
	v27 =	vld [tilespmem:s30+$0x0]  }
0xdd: {  	v22 =	vmul.f32 v22, v54;
	v63 =	vperm.xlane v21, v14;
	v0 =	vadd.f32 v24, v0;
	v24 =	vld [tilespmem:s31+$0x0];
	s30 =	sor.u32 s23, s29  }
0xde: {  	v54 =	vmul.f32 v32, v60;
	v1 =	vadd.f32 v29, v1;
	v61 =	vadd.f32 v30, v31;
	s31 =	sor.u32 s24, s29;
	v30 =	vld [tilespmem:s30+$0x0]  }
0xdf: {  	v60 =	vmul.f32 v36, v63;
	v25 =	vmul.f32 v38, v63;
	v0 =	vadd.f32 v59, v0;
	v28 =	vld [tilespmem:s31+$0x0];
	s30 =	sor.u32 s25, s29;
	s29 =	sadd.s32 $0x8C00, s28  }
0xe0: {  	v1 =	vadd.f32 v22, v1;
	v59 =	vmul.f32 v33, v63;
	v2 =	vadd.f32 v23, v2;
	v32 =	vld [tilespmem:s30+$0x0];
	s31 =	sor.u32 s26, s29  }
0xe1: {  	v22 =	vadd.f32 v62, v61;
	v0 =	vadd.f32 v52, v0;
	v62 =	vperm.xlane v21, v15;
	s30 =	sor.u32 s23, s29;
	v35 =	vld [tilespmem:s31+$0x0]  }
0xe2: {  	v61 =	vmul.f32 v37, v63;
	v1 =	vadd.f32 v54, v1;
	v54 =	vperm.xlane v21, v16;
	v26 =	vld [tilespmem:s30+$0x0];
	s31 =	sor.u32 s24, s29  }
0xe3: {  	s30 =	sor.u32 s25, s29;
	s29 =	sadd.s32 $0x8C80, s28;
	v2 =	vadd.f32 v59, v2;
	v63 =	vmul.f32 v39, v62;
	v29 =	vld [tilespmem:s31+$0x0];
	v52 =	vmul.f32 v40, v62  }
0xe4: {  	v22 =	vadd.f32 v60, v22;
	v36 =	vld [tilespmem:s30+$0x0];
	s31 =	sor.u32 s26, s29;
	v59 =	vmul.f32 v41, v62;
	v33 =	vmul.f32 v43, v62  }
0xe5: {  	v0 =	vadd.f32 v61, v0;
	s30 =	sor.u32 s23, s29;
	v60 =	vmul.f32 v46, v54;
	v61 =	vmul.f32 v53, v54;
	v37 =	vld [tilespmem:s31+$0x0]  }
0xe6: {  	v1 =	vadd.f32 v25, v1;
	v62 =	vmul.f32 v55, v54;
	v55 =	vperm.xlane v20, v3;
	v39 =	vld [tilespmem:s30+$0x0];
	s31 =	sor.u32 s24, s29  }
0xe7: {  	v46 =	vmul.f32 v49, v54;
	s30 =	sor.u32 s25, s29;
	s29 =	sadd.s32 $0x8D00, s28;
	v2 =	vadd.f32 v63, v2;
	v63 =	vperm.xlane v21, v17;
	v41 =	vld [tilespmem:s31+$0x0]  }
0xe8: {  	v0 =	vadd.f32 v59, v0;
	v31 =	vld [tilespmem:s30+$0x0];
	s31 =	sor.u32 s26, s29;
	v21 =	vperm.xlane v21, v18;
	v59 =	vmul.f32 v50, v55  }
0xe9: {  	v1 =	vadd.f32 v33, v1;
	s30 =	sor.u32 s23, s29;
	v27 =	vmul.f32 v27, v55;
	v33 =	vld [tilespmem:s31+$0x0];
	v49 =	vmul.f32 v51, v63  }
0xea: {  	v22 =	vadd.f32 v52, v22;
	v38 =	vld [tilespmem:s30+$0x0];
	s31 =	sor.u32 s24, s29;
	v51 =	vmul.f32 v56, v63;
	v52 =	vmul.f32 v57, v63  }
0xeb: {  	s30 =	sor.u32 s25, s29;
	s29 =	sadd.s32 $0x8D80, s28;
	v2 =	vadd.f32 v60, v2;
	v40 =	vmul.f32 v48, v63;
	v43 =	vld [tilespmem:s31+$0x0];
	v53 =	vmul.f32 v58, v21  }
0xec: {  	v1 =	vadd.f32 v46, v1;
	v44 =	vmul.f32 v44, v21;
	v46 =	vld [tilespmem:s30+$0x0];
	s31 =	sor.u32 s26, s29;
	v54 =	vmul.f32 v42, v21  }
0xed: {  	v22 =	vadd.f32 v61, v22;
	s30 =	sor.u32 s23, s29;
	v21 =	vmul.f32 v47, v21;
	v56 =	vmul.f32 v34, v55;
	v48 =	vld [tilespmem:s31+$0x0]  }
0xee: {  	v0 =	vadd.f32 v62, v0;
	v57 =	vmul.f32 v45, v55;
	v58 =	vperm.xlane v20, v4;
	v25 =	vld [tilespmem:s30+$0x0];
	s31 =	sor.u32 s24, s29;
	s30 =	sor.u32 s25, s29;
	s29 =	sadd.s32 $0x8E00, s28  }
0xef: {  	v63 =	vperm.xlane v20, v5;
	v2 =	vadd.f32 v49, v2;
	v22 =	vadd.f32 v51, v22;
	v34 =	vld [tilespmem:s31+$0x0];
	s31 =	sor.u32 s26, s29  }
0xf0: {  	v1 =	vadd.f32 v40, v1;
	v60 =	vmul.f32 v24, v58;
	v61 =	vmul.f32 v30, v58;
	v42 =	vld [tilespmem:s31+$0x0]  }
0xf1: {  	v62 =	vmul.f32 v28, v58;
	v32 =	vmul.f32 v32, v58;
	s31 =	sor.u32 s24, s29;
	v22 =	vadd.f32 v44, v22;
	v44 =	vld [tilespmem:s30+$0x0]  }
0xf2: {  	v40 =	vmul.f32 v35, v63;
	v47 =	vmul.f32 v26, v63;
	v1 =	vadd.f32 v21, v1;
	s30 =	sor.u32 s23, s29;
	v45 =	vld [tilespmem:s31+$0x0]  }
0xf3: {  	v0 =	vadd.f32 v52, v0;
	v49 =	vperm.xlane v20, v6;
	v50 =	vmul.f32 v29, v63;
	v30 =	vld [tilespmem:s30+$0x0];
	s30 =	sor.u32 s25, s29;
	s29 =	sadd.s32 $0x8E80, s28  }
0xf4: {  	v28 =	vmul.f32 v36, v63;
	v58 =	vperm.xlane v20, v8;
	v1 =	vadd.f32 v27, v1;
	v27 =	vld [tilespmem:s30+$0x0];
	s31 =	sor.u32 s26, s29  }
0xf5: {  	v63 =	vperm.xlane v20, v9;
	v2 =	vadd.f32 v53, v2;
	v51 =	vmul.f32 v37, v49;
	s30 =	sor.u32 s23, s29;
	v24 =	vld [tilespmem:s31+$0x0]  }
0xf6: {  	v52 =	vmul.f32 v39, v49;
	v53 =	vmul.f32 v41, v49;
	s31 =	sor.u32 s24, s29;
	v1 =	vadd.f32 v32, v1;
	v32 =	vld [tilespmem:s30+$0x0]  }
0xf7: {  	v0 =	vadd.f32 v54, v0;
	v54 =	vperm.xlane v20, v7;
	v55 =	vmul.f32 v31, v49;
	v29 =	vld [tilespmem:s31+$0x0];
	s30 =	sor.u32 s25, s29;
	s29 =	sadd.s32 $0xAB00, s28  }
0xf8: {  	v49 =	vperm.xlane v20, v10;
	v2 =	vadd.f32 v56, v2;
	v21 =	vadd.f32 v57, v22;
	v36 =	vld [tilespmem:s30+$0x0];
	s31 =	sor.u32 s26, s29  }
0xf9: {  	v0 =	vadd.f32 v59, v0;
	v56 =	vmul.f32 v33, v54;
	v57 =	vmul.f32 v38, v54;
	s30 =	sor.u32 s23, s29;
	v39 =	vld [tilespmem:s31+$0x0]  }
0xfa: {  	v59 =	vmul.f32 v43, v54;
	v25 =	vmul.f32 v25, v58;
	v2 =	vadd.f32 v60, v2;
	v26 =	vld [tilespmem:s30+$0x0];
	s31 =	sor.u32 s24, s29  }
0xfb: {  	v21 =	vadd.f32 v61, v21;
	v60 =	vmul.f32 v46, v54;
	v1 =	vadd.f32 v28, v1;
	s30 =	sor.u32 s25, s29;
	s29 =	sadd.s32 $0xAB80, s28;
	v28 =	vld [tilespmem:s31+$0x0]  }
0xfc: {  	v0 =	vadd.f32 v62, v0;
	v61 =	vmul.f32 v48, v58;
	v62 =	vmul.f32 v34, v58;
	v33 =	vld [tilespmem:s30+$0x0];
	s31 =	sor.u32 s26, s29  }
0xfd: {  	v54 =	vperm.xlane v20, v11;
	v44 =	vmul.f32 v44, v58;
	v21 =	vadd.f32 v47, v21;
	s30 =	sor.u32 s23, s29;
	v37 =	vld [tilespmem:s31+$0x0]  }
0xfe: {  	v2 =	vadd.f32 v40, v2;
	v0 =	vadd.f32 v50, v0;
	v47 =	vmul.f32 v42, v63;
	v38 =	vld [tilespmem:s30+$0x0];
	s31 =	sor.u32 s24, s29  }
0xff: {  	v48 =	vmul.f32 v30, v63;
	v50 =	vmul.f32 v45, v63;
	v21 =	vadd.f32 v52, v21;
	s30 =	sor.u32 s25, s29;
	s29 =	sadd.s32 $0xAC00, s28;
	v40 =	vld [tilespmem:s31+$0x0]  }
0x100: {  	v27 =	vmul.f32 v27, v63;
	v2 =	vadd.f32 v51, v2;
	v1 =	vadd.f32 v55, v1;
	v46 =	vld [tilespmem:s30+$0x0];
	s30 =	sor.u32 s23, s29  }
0x101: {  	v0 =	vadd.f32 v53, v0;
	v51 =	vmul.f32 v24, v49;
	v21 =	vadd.f32 v57, v21;
	v35 =	vld [tilespmem:s30+$0x0];
	s30 =	sor.u32 s25, s29  }
0x102: {  	s31 =	sor.u32 s26, s29;
	v52 =	vmul.f32 v32, v49;
	v2 =	vadd.f32 v56, v2;
	v1 =	vadd.f32 v60, v1;
	v32 =	vld [tilespmem:s30+$0x0]  }
0x103: {  	v53 =	vmul.f32 v29, v49;
	v0 =	vadd.f32 v59, v0;
	v21 =	vadd.f32 v25, v21;
	v25 =	vld [tilespmem:s31+$0x0];
	s31 =	sor.u32 s24, s29;
	s29 =	sadd.s32 $0xAC80, s28  }
0x104: {  	v55 =	vmul.f32 v36, v49;
	v59 =	vperm.xlane v20, v12;
	v1 =	vadd.f32 v44, v1;
	v34 =	vld [tilespmem:s31+$0x0];
	s31 =	sor.u32 s26, s29  }
0x105: {  	v56 =	vmul.f32 v39, v54;
	v58 =	vmul.f32 v26, v54;
	s30 =	sor.u32 s23, s29;
	v41 =	vld [tilespmem:s31+$0x0]  }
0x106: {  	v39 =	vperm.xlane v20, v16;
	v2 =	vadd.f32 v61, v2;
	v1 =	vadd.f32 v27, v1;
	v27 =	vld [tilespmem:s30+$0x0];
	s31 =	sor.u32 s24, s29  }
0x107: {  	v0 =	vadd.f32 v62, v0;
	v60 =	vmul.f32 v28, v54;
	v61 =	vmul.f32 v33, v54;
	s30 =	sor.u32 s25, s29;
	s29 =	sadd.s32 $0xAD00, s28;
	v57 =	vld [tilespmem:s31+$0x0]  }
0x108: {  	v44 =	vperm.xlane v20, v13;
	v62 =	vmul.f32 v37, v59;
	v2 =	vadd.f32 v47, v2;
	v30 =	vld [tilespmem:s30+$0x0];
	s31 =	sor.u32 s26, s29  }
0x109: {  	v63 =	vmul.f32 v38, v59;
	v21 =	vadd.f32 v48, v21;
	v0 =	vadd.f32 v50, v0;
	s30 =	sor.u32 s23, s29;
	v29 =	vld [tilespmem:s31+$0x0]  }
0x10a: {  	v43 =	vmul.f32 v40, v59;
	v46 =	vmul.f32 v46, v59;
	v2 =	vadd.f32 v51, v2;
	v42 =	vld [tilespmem:s30+$0x0];
	s31 =	sor.u32 s24, s29  }
0x10b: {  	v50 =	vmul.f32 v35, v44;
	v21 =	vadd.f32 v52, v21;
	v0 =	vadd.f32 v53, v0;
	s30 =	sor.u32 s25, s29;
	s29 =	sadd.s32 $0xAD80, s28;
	v45 =	vld [tilespmem:s31+$0x0]  }
0x10c: {  	v1 =	vadd.f32 v55, v1;
	v51 =	vperm.xlane v20, v14;
	v32 =	vmul.f32 v32, v44;
	v47 =	vld [tilespmem:s30+$0x0];
	s31 =	sor.u32 s26, s29  }
0x10d: {  	v48 =	vmul.f32 v25, v44;
	s30 =	sor.u32 s23, s29;
	v2 =	vadd.f32 v56, v2;
	v21 =	vadd.f32 v58, v21;
	v49 =	vld [tilespmem:s31+$0x0]  }
0x10e: {  	v0 =	vadd.f32 v60, v0;
	v1 =	vadd.f32 v61, v1;
	v52 =	vld [tilespmem:s30+$0x0];
	s31 =	sor.u32 s24, s29;
	v53 =	vmul.f32 v34, v44  }
0x10f: {  	s30 =	sor.u32 s25, s29;
	s29 =	sadd.s32 $0xAE00, s28;
	v58 =	vperm.xlane v20, v15;
	v54 =	vld [tilespmem:s31+$0x0];
	v55 =	vmul.f32 v41, v51;
	v2 =	vadd.f32 v62, v2  }
0x110: {  	v27 =	vmul.f32 v27, v51;
	v56 =	vld [tilespmem:s30+$0x0];
	s31 =	sor.u32 s26, s29;
	v21 =	vadd.f32 v63, v21;
	v0 =	vadd.f32 v43, v0  }
0x111: {  	s30 =	sor.u32 s23, s29;
	v1 =	vadd.f32 v46, v1;
	v57 =	vmul.f32 v57, v51;
	v59 =	vld [tilespmem:s31+$0x0];
	v60 =	vmul.f32 v30, v51  }
0x112: {  	v61 =	vld [tilespmem:s30+$0x0];
	s31 =	sor.u32 s24, s29;
	v62 =	vmul.f32 v29, v58;
	v37 =	vmul.f32 v42, v58;
	v2 =	vadd.f32 v48, v2  }
0x113: {  	s30 =	sor.u32 s25, s29;
	s29 =	sadd.s32 $0xAE80, s28;
	v63 =	vld [tilespmem:s31+$0x0];
	v21 =	vadd.f32 v50, v21;
	v0 =	vadd.f32 v53, v0;
	v41 =	vmul.f32 v45, v58  }
0x114: {  	v40 =	vld [tilespmem:s30+$0x0];
	s31 =	sor.u32 s26, s29;
	v1 =	vadd.f32 v32, v1;
	v24 =	vmul.f32 v47, v58;
	v47 =	vperm.xlane v20, v17  }
0x115: {  	s30 =	sor.u32 s23, s29;
	v42 =	vld [tilespmem:s31+$0x0];
	v20 =	vperm.xlane v20, v18;
	v43 =	vmul.f32 v49, v39;
	v2 =	vadd.f32 v55, v2  }
0x116: {  	s28 =	sadd.s32 $0xCB00, s28;
	v45 =	vld [tilespmem:s30+$0x0];
	s31 =	sor.u32 s24, s29;
	v44 =	vmul.f32 v52, v39;
	v21 =	vadd.f32 v27, v21;
	v0 =	vadd.f32 v57, v0  }
0x117: {  	s30 =	sor.u32 s26, s28;
	v48 =	vld [tilespmem:s31+$0x0];
	v1 =	vadd.f32 v60, v1;
	v46 =	vmul.f32 v54, v39;
	v49 =	vmul.f32 v56, v39  }
0x118: {  	s29 =	sor.u32 s25, s29;
	v52 =	vld [tilespmem:s30+$0x0];
	v51 =	vmul.f32 v59, v47;
	v2 =	vadd.f32 v62, v2;
	v21 =	vadd.f32 v37, v21  }
0x119: {  	v50 =	vld [tilespmem:s29+$0x0];
	s31 =	sor.u32 s23, s28;
	v53 =	vmul.f32 v61, v47;
	v0 =	vadd.f32 v41, v0;
	v1 =	vadd.f32 v24, v1  }
0x11a: {  	s26 =	sor.u32 s24, s28;
	v54 =	vld [tilespmem:s31+$0x0];
	v55 =	vmul.f32 v63, v47;
	v56 =	vmul.f32 v40, v47;
	v2 =	vadd.f32 v43, v2  }
0x11b: {  	s29 =	sor.u32 s25, s28;
	v57 =	vld [tilespmem:s26+$0x0];
	v58 =	vmul.f32 v42, v20;
	v21 =	vadd.f32 v44, v21;
	v0 =	vadd.f32 v46, v0  }
0x11c: {  	v59 =	vld [tilespmem:s29+$0x0];
	v60 =	vmul.f32 v45, v20;
	v1 =	vadd.f32 v49, v1;
	v2 =	vadd.f32 v51, v2  }
0x11d: {  	v61 =	vmul.f32 v48, v20;
	v25 =	vmul.f32 v52, v19;
	v21 =	vadd.f32 v53, v21  }
0x11e: {  	v20 =	vmul.f32 v50, v20;
	v0 =	vadd.f32 v55, v0;
	v2 =	vadd.f32 v58, v2  }
0x11f: {  	v62 =	vmul.f32 v54, v19;
	v1 =	vadd.f32 v56, v1;
	v21 =	vadd.f32 v60, v21  }
0x120: {  	p0 =	sne.s32 s22, $0x258;
	s30 =	sand.u32 $0x380, s17;
	v63 =	vmul.f32 v57, v19;
	v0 =	vadd.f32 v61, v0;
	v2 =	vadd.f32 v25, v2  }
.Ltmp0:
0x121: {  	s0 =	sadd.s32 $0x18B00, s30;
	v19 =	vmul.f32 v59, v19;
	v1 =	vadd.f32 v20, v1;
	v20 =	vadd.f32 v62, v21;
	(pc) =	sbr.rel @p0 .LBB2_3-.Ltmp0, $4  }
0x122: {  	s23 =	sor.u32 s23, s0;
	v0 =	vadd.f32 v63, v0;
	[tilespmem:s19+$0x0] =	vst v2  }
0x123: {  	s31 =	sor.u32 s24, s0;
	v1 =	vadd.f32 v19, v1;
	[tilespmem:s23+$0x0] =	vst v20  }
0x124: {  	s21 =	sadd.s32 $0x200, s21;
	s6 =	sadd.s32 $0x28, s6;
	s0 =	sor.u32 s25, s0;
	[tilespmem:s31+$0x0] =	vst v0  }
0x125: {  	s22 =	sadd.s32 $0x28, s22;
	s17 =	sadd.s32 $0x40, s17;
	s19 =	sadd.s32 $0x40, s19;
	[tilespmem:s0+$0x0] =	vst v1  }
0x126: {  	s0 =	sadd.s32 s5, s18  }
0x127: {  	p0 =	seq.s32 s15, $0xD;
	s0 =	sshll.u32 s0, $0x7  }
.Ltmp1:
0x128: {  	s31 =	simm.s32 $0x18B00;
	s0 =	sadd.s32 s4, s0;
	(pc) =	sbr.rel @p0 .LBB2_6-.Ltmp1, $4  }
0x129: {  	[hbm4b:s0+s3] =	stream.linear.scatter [tilespmem:s31], [sflag:$0x3], $0x400, $0x38;
	[tilespmem:$0x18F00] =	vst v63  }
0x12a: {  	_ =	swait.ge [sflag:s12], $0x400  }
0x12b: {  	[sflag:s12] =	ssyncset.done $0x0  }
0x12c: {  	[sflag:s12] =	ssyncadd.s32 $0xFFFFFC00  }
0x12d: {  	s0 =	smul.u32 $0x140, s15;
	_ =	sdelay $0x1  }
0x12e: {  	s0 =	sshra.s32 s0, $0x2  }
0x12f: {  	v0 =	vld [tilespmem:s0+$0x50];
	_ =	sdelay $0x2  }
0x130: {  	v2 =	vld [tilespmem:$0x1FFD0];
	_ =	sdelay $0x1  }
0x131: {  	v4 =	vld [tilespmem:$0x1FFE0];
	v1 =	vshll.u32 v0, $0x3  }
0x132: {  	v0 =	vand.u32 $0x7, v0;
	v1 =	vand.u32 $0xFFFFFFC0, v1  }
0x133: {  	v0 =	vor.u32 v0, v1  }
0x134: {  	v1 =	vperm.xlane v0, v2;
	_ =	sdelay $0x1  }
0x135: {  	v1 =	vadd.s32 v4, v1  }
0x136: {  	v19 =	vld [tilespmem:$0x1FFF0];
	_ =	sdelay $0x2  }
0x137: {  	s6 =	simm.s32 $0x4B00  }
0x138: {  	[tilespmem:s6], [sflag:$0x1] =	stream.indirect_vreg.gather [hbm4b:s1+s3], $0x80, v1, vm0, $0xb8;
	[tilespmem:$0x18F00] =	vst v63  }
0x139: {  	s23 =	simm.s32 $0x5300;
	v0 =	vperm.xlane v0, v19  }
0x13a: {  	[tilespmem:s23], [sflag:$0x1] =	stream.indirect_vreg.gather [hbm4b:s8+s3], $0x80, v1, vm0, $0xb8;
	[tilespmem:$0x18F00] =	vst v63  }
0x13b: {  	s24 =	simm.s32 $0x5B00;
	v0 =	vadd.s32 v4, v0  }
0x13c: {  	[tilespmem:s24], [sflag:$0x1] =	stream.indirect_vreg.gather [hbm4b:s9+s3], $0x80, v1, vm0, $0xb8;
	[tilespmem:$0x18F00] =	vst v63  }
0x13d: {  	s25 =	simm.s32 $0x6300  }
0x13e: {  	[tilespmem:s25], [sflag:$0x1] =	stream.indirect_vreg.gather [hbm4b:s10+s3], $0x80, v1, vm0, $0xb8;
	[tilespmem:$0x18F00] =	vst v63  }
0x13f: {  	s26 =	simm.s32 $0x6B00  }
0x140: {  	[tilespmem:s26], [sflag:$0x1] =	stream.indirect_vreg.gather [hbm4b:s1+s3], $0x80, v0, vm0, $0xb8;
	[tilespmem:$0x18F00] =	vst v63  }
0x141: {  	s28 =	simm.s32 $0x7300  }
0x142: {  	[tilespmem:s28], [sflag:$0x1] =	stream.indirect_vreg.gather [hbm4b:s8+s3], $0x80, v0, vm0, $0xb8;
	[tilespmem:$0x18F00] =	vst v63  }
0x143: {  	s29 =	simm.s32 $0x7B00  }
0x144: {  	[tilespmem:s29], [sflag:$0x1] =	stream.indirect_vreg.gather [hbm4b:s9+s3], $0x80, v0, vm0, $0xb8;
	[tilespmem:$0x18F00] =	vst v63  }
0x145: {  	s30 =	simm.s32 $0x8300  }
0x146: {  	[tilespmem:s30], [sflag:$0x1] =	stream.indirect_vreg.gather [hbm4b:s10+s3], $0x80, v0, vm0, $0xb8;
	[tilespmem:$0x18F00] =	vst v63  }
0x147: {  	v0 =	vld [tilespmem:s0+$0x60];
	_ =	sdelay $0x4  }
0x148: {  	v1 =	vshll.u32 v0, $0x3  }
0x149: {  	v0 =	vand.u32 $0x7, v0;
	v1 =	vand.u32 $0xFFFFFFC0, v1  }
0x14a: {  	v0 =	vor.u32 v0, v1  }
0x14b: {  	v1 =	vperm.xlane v0, v2;
	_ =	sdelay $0x1  }
0x14c: {  	v1 =	vadd.s32 v4, v1;
	_ =	sdelay $0x3  }
0x14d: {  	s17 =	simm.s32 $0x8B00  }
0x14e: {  	[tilespmem:s17], [sflag:$0x1] =	stream.indirect_vreg.gather [hbm4b:s1+s3], $0x80, v1, vm0, $0xb8;
	[tilespmem:$0x18F00] =	vst v63  }
0x14f: {  	s18 =	simm.s32 $0x9300;
	v0 =	vperm.xlane v0, v19  }
0x150: {  	[tilespmem:s18], [sflag:$0x1] =	stream.indirect_vreg.gather [hbm4b:s8+s3], $0x80, v1, vm0, $0xb8;
	[tilespmem:$0x18F00] =	vst v63  }
0x151: {  	s19 =	simm.s32 $0x9B00;
	v0 =	vadd.s32 v4, v0  }
0x152: {  	[tilespmem:s19], [sflag:$0x1] =	stream.indirect_vreg.gather [hbm4b:s9+s3], $0x80, v1, vm0, $0xb8;
	[tilespmem:$0x18F00] =	vst v63  }
0x153: {  	s21 =	simm.s32 $0xA300  }
0x154: {  	[tilespmem:s21], [sflag:$0x1] =	stream.indirect_vreg.gather [hbm4b:s10+s3], $0x80, v1, vm0, $0xb8;
	[tilespmem:$0x18F00] =	vst v63  }
0x155: {  	s22 =	simm.s32 $0xAB00  }
0x156: {  	[tilespmem:s22], [sflag:$0x1] =	stream.indirect_vreg.gather [hbm4b:s1+s3], $0x80, v0, vm0, $0xb8;
	[tilespmem:$0x18F00] =	vst v63  }
0x157: {  	s23 =	simm.s32 $0xB300  }
0x158: {  	[tilespmem:s23], [sflag:$0x1] =	stream.indirect_vreg.gather [hbm4b:s8+s3], $0x80, v0, vm0, $0xb8;
	[tilespmem:$0x18F00] =	vst v63  }
0x159: {  	s24 =	simm.s32 $0xBB00  }
0x15a: {  	[tilespmem:s24], [sflag:$0x1] =	stream.indirect_vreg.gather [hbm4b:s9+s3], $0x80, v0, vm0, $0xb8;
	[tilespmem:$0x18F00] =	vst v63  }
0x15b: {  	s25 =	simm.s32 $0xC300  }
0x15c: {  	[tilespmem:s25], [sflag:$0x1] =	stream.indirect_vreg.gather [hbm4b:s10+s3], $0x80, v0, vm0, $0xb8;
	[tilespmem:$0x18F00] =	vst v63  }
0x15d: {  	v0 =	vld.msk [tilespmem:s0+$0x70], $0x1;
	_ =	sdelay $0x4  }
0x15e: {  	v1 =	vshll.u32 v0, $0x3  }
0x15f: {  	v0 =	vand.u32 $0x7, v0;
	v1 =	vand.u32 $0xFFFFFFC0, v1  }
0x160: {  	v0 =	vor.u32 v0, v1  }
0x161: {  	v0 =	vperm.xlane v0, v2;
	_ =	sdelay $0x1  }
0x162: {  	v0 =	vadd.s32 v4, v0;
	_ =	sdelay $0x3  }
0x163: {  	s26 =	simm.s32 $0xCB00  }
0x164: {  	[tilespmem:s26], [sflag:$0x1] =	stream.indirect_vreg.gather [hbm4b:s1+s3], $0x80, v0, vm1, $0xb8;
	[tilespmem:$0x18F00] =	vst v63  }
0x165: {  	s28 =	simm.s32 $0xD300  }
0x166: {  	[tilespmem:s28], [sflag:$0x1] =	stream.indirect_vreg.gather [hbm4b:s8+s3], $0x80, v0, vm1, $0xb8;
	[tilespmem:$0x18F00] =	vst v63  }
0x167: {  	s29 =	simm.s32 $0xDB00  }
0x168: {  	[tilespmem:s29], [sflag:$0x1] =	stream.indirect_vreg.gather [hbm4b:s9+s3], $0x80, v0, vm1, $0xb8;
	[tilespmem:$0x18F00] =	vst v63  }
0x169: {  	s30 =	simm.s32 $0xE300  }
0x16a: {  	v4 =	vimm.s32 $0x1;
	[tilespmem:s30], [sflag:$0x1] =	stream.indirect_vreg.gather [hbm4b:s10+s3], $0x80, v0, vm1, $0xb8;
	[tilespmem:$0x18F00] =	vst v63  }
.LBB2_6:
0x16b: {  	_ =	swait.ge [sflag:s13], $0x8400;
	s17 =	simm.s32 $0x0  }
0x16c: {  	s18 =	simm.s32 $0x18B00;
	s6 =	smov.u32 s11;
	[sflag:s13] =	ssyncset.done $0x0  }
0x16d: {  	s19 =	simm.s32 $0x0;
	s21 =	simm.s32 $0x0;
	[sflag:s13] =	ssyncadd.s32 $0xFFFF7C00  }
.LBB2_7:
0x16e: {  	s0 =	sadd.s32 s21, s7  }
0x16f: {  	s22 =	sand.u32 $0x78, s21;
	s0 =	sand.u32 $0xFF80, s0  }
0x170: {  	s26 =	sand.u32 $0x1C00, s19;
	v20 =	vld [tilespmem:s6+$0xFFFFFFF0];
	s0 =	sor.u32 s22, s0  }
0x171: {  	s25 =	sand.u32 $0x40, s17;
	v21 =	vld [tilespmem:s0+$0x480];
	s0 =	sadd.s32 $0xEB00, s26  }
0x172: {  	v19 =	vld [tilespmem:s6+$0x0];
	s22 =	sor.u32 $0x10, s25;
	s28 =	sor.u32 s25, s0  }
0x173: {  	s23 =	sor.u32 $0x20, s25;
	s29 =	sor.u32 s22, s0;
	v0 =	vld [tilespmem:s28+$0x0]  }
0x174: {  	s24 =	sor.u32 $0x30, s25;
	s30 =	sor.u32 s23, s0;
	v1 =	vld [tilespmem:s29+$0x0]  }
0x175: {  	s0 =	sor.u32 s24, s0;
	v2 =	vld [tilespmem:s30+$0x0]  }
0x176: {  	v23 =	vld [tilespmem:s0+$0x0]  }
0x177: {  	v25 =	vld [tilespmem:s28+$0x80]  }
0x178: {  	v26 =	vld [tilespmem:s29+$0x80]  }
0x179: {  	v32 =	vld [tilespmem:s30+$0x80]  }
0x17a: {  	v33 =	vld [tilespmem:s0+$0x80]  }
0x17b: {  	v36 =	vld [tilespmem:s28+$0x100]  }
0x17c: {  	v37 =	vld [tilespmem:s29+$0x100]  }
0x17d: {  	v38 =	vld [tilespmem:s30+$0x100]  }
0x17e: {  	v39 =	vld [tilespmem:s0+$0x100]  }
0x17f: {  	v40 =	vld [tilespmem:s28+$0x180]  }
0x180: {  	v41 =	vld [tilespmem:s29+$0x180]  }
0x181: {  	v43 =	vld [tilespmem:s30+$0x180]  }
0x182: {  	v46 =	vld [tilespmem:s0+$0x180]  }
0x183: {  	v47 =	vld [tilespmem:s28+$0x200]  }
0x184: {  	v48 =	vld [tilespmem:s29+$0x200]  }
0x185: {  	v49 =	vld [tilespmem:s30+$0x200]  }
0x186: {  	v50 =	vld [tilespmem:s0+$0x200]  }
0x187: {  	v51 =	vld [tilespmem:s28+$0x280]  }
0x188: {  	v52 =	vld [tilespmem:s29+$0x280]  }
0x189: {  	v53 =	vld [tilespmem:s30+$0x280]  }
0x18a: {  	v54 =	vld [tilespmem:s0+$0x280]  }
0x18b: {  	v55 =	vld [tilespmem:s28+$0x300]  }
0x18c: {  	v56 =	vld [tilespmem:s29+$0x300]  }
0x18d: {  	v57 =	vld [tilespmem:s30+$0x300]  }
0x18e: {  	v58 =	vld [tilespmem:s0+$0x300]  }
0x18f: {  	v44 =	vld [tilespmem:s28+$0x380]  }
0x190: {  	v45 =	vld [tilespmem:s29+$0x380]  }
0x191: {  	v42 =	vld [tilespmem:s30+$0x380];
	s28 =	sadd.s32 $0x10B00, s26  }
0x192: {  	v35 =	vld [tilespmem:s0+$0x380];
	s30 =	sor.u32 s25, s28  }
0x193: {  	s29 =	sor.u32 s22, s28;
	v34 =	vld [tilespmem:s30+$0x0]  }
0x194: {  	v31 =	vld [tilespmem:s29+$0x0];
	s30 =	sor.u32 s23, s28  }
0x195: {  	s29 =	sor.u32 s24, s28;
	s28 =	sadd.s32 $0x10B80, s26;
	v24 =	vld [tilespmem:s30+$0x0]  }
0x196: {  	v29 =	vld [tilespmem:s29+$0x0];
	s30 =	sor.u32 s25, s28  }
0x197: {  	v59 =	vperm.xlane v21, v3;
	s29 =	sor.u32 s22, s28;
	v60 =	vperm.xlane v21, v4;
	v4 =	vimm.s32 $0x2;
	v27 =	vld [tilespmem:s30+$0x0]  }
0x198: {  	v19 =	vperm.xlane v19, v3;
	v30 =	vld [tilespmem:s29+$0x0];
	s30 =	sor.u32 s23, s28;
	v4 =	vperm.xlane v21, v4  }
0x199: {  	s29 =	sor.u32 s24, s28;
	s28 =	sadd.s32 $0x10C00, s26;
	v0 =	vmul.f32 v0, v59;
	v28 =	vld [tilespmem:s30+$0x0];
	v1 =	vmul.f32 v1, v59  }
0x19a: {  	v22 =	vld [tilespmem:s29+$0x0];
	s30 =	sor.u32 s25, s28;
	v2 =	vmul.f32 v2, v59;
	v59 =	vmul.f32 v23, v59  }
0x19b: {  	s29 =	sor.u32 s22, s28;
	v61 =	vmul.f32 v25, v60;
	v62 =	vmul.f32 v26, v60;
	v23 =	vld [tilespmem:s30+$0x0]  }
0x19c: {  	v63 =	vmul.f32 v32, v60;
	v25 =	vld [tilespmem:s29+$0x0];
	s30 =	sor.u32 s23, s28;
	v0 =	vadd.f32 $0.0e+00, v0;
	v1 =	vadd.f32 $0.0e+00, v1  }
0x19d: {  	v60 =	vmul.f32 v33, v60;
	s29 =	sor.u32 s24, s28;
	s28 =	sadd.s32 $0x10C80, s26;
	v2 =	vadd.f32 $0.0e+00, v2;
	v26 =	vld [tilespmem:s30+$0x0];
	v59 =	vadd.f32 $0.0e+00, v59  }
0x19e: {  	v32 =	vld [tilespmem:s29+$0x0];
	s30 =	sor.u32 s25, s28;
	v0 =	vadd.f32 v61, v0;
	v1 =	vadd.f32 v62, v1;
	v61 =	vmul.f32 v36, v4  }
0x19f: {  	s29 =	sor.u32 s22, s28;
	v33 =	vld [tilespmem:s30+$0x0];
	v59 =	vadd.f32 v60, v59;
	v60 =	vmul.f32 v37, v4;
	v62 =	vperm.xlane v21, v6  }
0x1a0: {  	s30 =	sor.u32 s23, s28;
	v36 =	vld [tilespmem:s29+$0x0];
	v0 =	vadd.f32 v61, v0;
	v61 =	vmul.f32 v38, v4;
	v4 =	vmul.f32 v39, v4  }
0x1a1: {  	v2 =	vadd.f32 v63, v2;
	v37 =	vld [tilespmem:s30+$0x0];
	s29 =	sor.u32 s24, s28;
	s28 =	sadd.s32 $0x10D00, s26;
	v40 =	vmul.f32 v40, v62;
	v41 =	vmul.f32 v41, v62  }
0x1a2: {  	s30 =	sor.u32 s25, s28;
	v1 =	vadd.f32 v60, v1;
	v38 =	vld [tilespmem:s29+$0x0];
	v43 =	vmul.f32 v43, v62;
	v60 =	vperm.xlane v21, v7  }
0x1a3: {  	v39 =	vld [tilespmem:s30+$0x0];
	s29 =	sor.u32 s22, s28;
	v46 =	vmul.f32 v46, v62;
	v2 =	vadd.f32 v61, v2;
	v4 =	vadd.f32 v4, v59  }
0x1a4: {  	s30 =	sor.u32 s23, s28;
	v0 =	vadd.f32 v40, v0;
	v40 =	vld [tilespmem:s29+$0x0];
	v47 =	vmul.f32 v47, v60;
	v48 =	vmul.f32 v48, v60  }
0x1a5: {  	v1 =	vadd.f32 v41, v1;
	v41 =	vld [tilespmem:s30+$0x0];
	s29 =	sor.u32 s24, s28;
	s28 =	sadd.s32 $0x10D80, s26;
	v59 =	vperm.xlane v21, v8;
	v63 =	vmul.f32 v49, v60  }
0x1a6: {  	v60 =	vmul.f32 v50, v60;
	s30 =	sor.u32 s25, s28;
	v2 =	vadd.f32 v43, v2;
	v4 =	vadd.f32 v46, v4;
	v43 =	vld [tilespmem:s29+$0x0]  }
0x1a7: {  	v0 =	vadd.f32 v47, v0;
	v46 =	vld [tilespmem:s30+$0x0];
	s29 =	sor.u32 s22, s28;
	v1 =	vadd.f32 v48, v1;
	v61 =	vmul.f32 v51, v59  }
0x1a8: {  	v62 =	vmul.f32 v52, v59;
	s30 =	sor.u32 s23, s28;
	v52 =	vperm.xlane v21, v9;
	v51 =	vld [tilespmem:s29+$0x0];
	v2 =	vadd.f32 v63, v2  }
0x1a9: {  	s29 =	sor.u32 s24, s28;
	s28 =	sadd.s32 $0x10E00, s26;
	v63 =	vmul.f32 v53, v59;
	v53 =	vld [tilespmem:s30+$0x0];
	v4 =	vadd.f32 v60, v4;
	v59 =	vmul.f32 v54, v59  }
0x1aa: {  	v0 =	vadd.f32 v61, v0;
	v49 =	vld [tilespmem:s29+$0x0];
	s30 =	sor.u32 s25, s28;
	v60 =	vmul.f32 v55, v52;
	v61 =	vmul.f32 v56, v52  }
0x1ab: {  	v1 =	vadd.f32 v62, v1;
	s29 =	sor.u32 s22, s28;
	v62 =	vperm.xlane v21, v10;
	v54 =	vperm.xlane v21, v14;
	v50 =	vld [tilespmem:s30+$0x0]  }
0x1ac: {  	v55 =	vld [tilespmem:s29+$0x0];
	s30 =	sor.u32 s23, s28;
	v2 =	vadd.f32 v63, v2;
	v4 =	vadd.f32 v59, v4;
	v63 =	vmul.f32 v57, v52  }
0x1ad: {  	s29 =	sor.u32 s24, s28;
	s28 =	sadd.s32 $0x10E80, s26;
	v0 =	vadd.f32 v60, v0;
	v52 =	vmul.f32 v58, v52;
	v56 =	vld [tilespmem:s30+$0x0];
	v44 =	vmul.f32 v44, v62  }
0x1ae: {  	v1 =	vadd.f32 v61, v1;
	v45 =	vmul.f32 v45, v62;
	v48 =	vld [tilespmem:s29+$0x0];
	s30 =	sor.u32 s25, s28;
	v42 =	vmul.f32 v42, v62  }
0x1af: {  	v60 =	vperm.xlane v21, v11;
	s29 =	sor.u32 s22, s28;
	v35 =	vmul.f32 v35, v62;
	v57 =	vld [tilespmem:s30+$0x0];
	v2 =	vadd.f32 v63, v2  }
0x1b0: {  	v61 =	vperm.xlane v21, v12;
	v4 =	vadd.f32 v52, v4;
	v0 =	vadd.f32 v44, v0;
	v44 =	vld [tilespmem:s29+$0x0];
	s29 =	sor.u32 s24, s28  }
0x1b1: {  	s30 =	sor.u32 s23, s28;
	v1 =	vadd.f32 v45, v1;
	v34 =	vmul.f32 v34, v60;
	s28 =	sadd.s32 $0x12B00, s26;
	v31 =	vmul.f32 v31, v60;
	v45 =	vld [tilespmem:s29+$0x0]  }
0x1b2: {  	v24 =	vmul.f32 v24, v60;
	v29 =	vmul.f32 v29, v60;
	s29 =	sor.u32 s22, s28;
	v2 =	vadd.f32 v42, v2;
	v42 =	vld [tilespmem:s30+$0x0]  }
0x1b3: {  	v27 =	vmul.f32 v27, v61;
	v30 =	vmul.f32 v30, v61;
	s30 =	sor.u32 s25, s28;
	v1 =	vadd.f32 v31, v1;
	v31 =	vld [tilespmem:s29+$0x0]  }
0x1b4: {  	v62 =	vmul.f32 v28, v61;
	v63 =	vperm.xlane v21, v13;
	v0 =	vadd.f32 v34, v0;
	v34 =	vld [tilespmem:s30+$0x0];
	s30 =	sor.u32 s23, s28  }
0x1b5: {  	v5 =	vimm.s32 $0x1;
	v22 =	vmul.f32 v22, v61;
	v60 =	vmul.f32 v33, v54;
	s29 =	sor.u32 s24, s28;
	s28 =	sadd.s32 $0x12B80, s26;
	v47 =	vld [tilespmem:s30+$0x0]  }
0x1b6: {  	v4 =	vadd.f32 v35, v4;
	v23 =	vmul.f32 v23, v63;
	v0 =	vadd.f32 v27, v0;
	v27 =	vld [tilespmem:s29+$0x0];
	s30 =	sor.u32 s25, s28  }
0x1b7: {  	v52 =	vmul.f32 v25, v63;
	v58 =	vmul.f32 v26, v63;
	v2 =	vadd.f32 v24, v2;
	s29 =	sor.u32 s22, s28;
	v24 =	vld [tilespmem:s30+$0x0]  }
0x1b8: {  	v59 =	vmul.f32 v32, v63;
	v63 =	vperm.xlane v21, v15;
	v4 =	vadd.f32 v29, v4;
	v29 =	vld [tilespmem:s29+$0x0];
	s30 =	sor.u32 s23, s28  }
0x1b9: {  	v61 =	vmul.f32 v36, v54;
	v1 =	vadd.f32 v30, v1;
	s29 =	sor.u32 s24, s28;
	s28 =	sadd.s32 $0x12C00, s26;
	v2 =	vadd.f32 v62, v2;
	v28 =	vld [tilespmem:s30+$0x0]  }
0x1ba: {  	v33 =	vmul.f32 v43, v63;
	v4 =	vadd.f32 v22, v4;
	v0 =	vadd.f32 v23, v0;
	v32 =	vld [tilespmem:s29+$0x0];
	s30 =	sor.u32 s25, s28  }
0x1bb: {  	v1 =	vadd.f32 v52, v1;
	v62 =	vmul.f32 v37, v54;
	s29 =	sor.u32 s22, s28;
	v52 =	vmul.f32 v38, v54;
	v35 =	vld [tilespmem:s30+$0x0]  }
0x1bc: {  	v54 =	vmul.f32 v39, v63;
	v25 =	vld [tilespmem:s29+$0x0];
	s30 =	sor.u32 s23, s28;
	v4 =	vadd.f32 v59, v4;
	v59 =	vperm.xlane v21, v16  }
0x1bd: {  	s29 =	sor.u32 s24, s28;
	s28 =	sadd.s32 $0x12C80, s26;
	v2 =	vadd.f32 v58, v2;
	v0 =	vadd.f32 v60, v0;
	v26 =	vld [tilespmem:s30+$0x0];
	v58 =	vmul.f32 v40, v63  }
0x1be: {  	v1 =	vadd.f32 v61, v1;
	v36 =	vld [tilespmem:s29+$0x0];
	s30 =	sor.u32 s25, s28;
	v60 =	vmul.f32 v41, v63;
	v61 =	vmul.f32 v46, v59  }
0x1bf: {  	s29 =	sor.u32 s22, s28;
	v37 =	vld [tilespmem:s30+$0x0];
	v2 =	vadd.f32 v62, v2;
	v62 =	vmul.f32 v51, v59;
	v63 =	vmul.f32 v53, v59  }
0x1c0: {  	v39 =	vld [tilespmem:s29+$0x0];
	s30 =	sor.u32 s23, s28;
	v4 =	vadd.f32 v52, v4;
	v46 =	vperm.xlane v21, v17;
	v49 =	vmul.f32 v49, v59  }
0x1c1: {  	s29 =	sor.u32 s24, s28;
	s28 =	sadd.s32 $0x12D00, s26;
	v1 =	vadd.f32 v58, v1;
	v41 =	vld [tilespmem:s30+$0x0];
	v21 =	vperm.xlane v21, v18;
	v58 =	vperm.xlane v20, v5  }
0x1c2: {  	v0 =	vadd.f32 v54, v0;
	v30 =	vld [tilespmem:s29+$0x0];
	s29 =	sor.u32 s22, s28;
	v50 =	vmul.f32 v50, v46;
	v51 =	vmul.f32 v55, v46  }
0x1c3: {  	s30 =	sor.u32 s25, s28;
	v5 =	vimm.s32 $0x2;
	v38 =	vld [tilespmem:s29+$0x0];
	v52 =	vmul.f32 v56, v46;
	v40 =	vmul.f32 v48, v46  }
0x1c4: {  	s29 =	sor.u32 s24, s28;
	v4 =	vadd.f32 v33, v4;
	v33 =	vld [tilespmem:s30+$0x0];
	v53 =	vmul.f32 v57, v21;
	v44 =	vmul.f32 v44, v21  }
0x1c5: {  	v2 =	vadd.f32 v60, v2;
	s30 =	sor.u32 s23, s28;
	s28 =	sadd.s32 $0x12D80, s26;
	v46 =	vld [tilespmem:s29+$0x0];
	v54 =	vmul.f32 v42, v21;
	v55 =	vperm.xlane v20, v3  }
0x1c6: {  	v0 =	vadd.f32 v61, v0;
	v21 =	vmul.f32 v45, v21;
	v60 =	vmul.f32 v24, v58;
	v43 =	vld [tilespmem:s30+$0x0];
	s30 =	sor.u32 s25, s28  }
0x1c7: {  	v1 =	vadd.f32 v62, v1;
	v61 =	vmul.f32 v29, v58;
	v62 =	vmul.f32 v28, v58;
	s29 =	sor.u32 s22, s28;
	v48 =	vld [tilespmem:s30+$0x0]  }
0x1c8: {  	v32 =	vmul.f32 v32, v58;
	v2 =	vadd.f32 v63, v2;
	v4 =	vadd.f32 v49, v4;
	v22 =	vld [tilespmem:s29+$0x0];
	s30 =	sor.u32 s23, s28  }
0x1c9: {  	v1 =	vadd.f32 v51, v1;
	v56 =	vmul.f32 v34, v55;
	s29 =	sor.u32 s24, s28;
	s28 =	sadd.s32 $0x12E00, s26;
	v57 =	vmul.f32 v31, v55;
	v34 =	vld [tilespmem:s30+$0x0]  }
0x1ca: {  	v59 =	vmul.f32 v47, v55;
	v27 =	vmul.f32 v27, v55;
	s30 =	sor.u32 s25, s28;
	v4 =	vadd.f32 v40, v4;
	v40 =	vld [tilespmem:s29+$0x0]  }
0x1cb: {  	v0 =	vadd.f32 v50, v0;
	v63 =	vperm.xlane v20, v5;
	v49 =	vperm.xlane v20, v6;
	v42 =	vld [tilespmem:s30+$0x0];
	s29 =	sor.u32 s22, s28  }
0x1cc: {  	v55 =	vperm.xlane v20, v7;
	v2 =	vadd.f32 v52, v2;
	v1 =	vadd.f32 v44, v1;
	s30 =	sor.u32 s23, s28;
	v29 =	vld [tilespmem:s29+$0x0];
	s29 =	sor.u32 s24, s28;
	s28 =	sadd.s32 $0x12E80, s26  }
0x1cd: {  	v45 =	vmul.f32 v35, v63;
	v47 =	vmul.f32 v25, v63;
	v44 =	vld [tilespmem:s30+$0x0];
	v4 =	vadd.f32 v21, v4;
	s30 =	sor.u32 s25, s28  }
0x1ce: {  	v0 =	vadd.f32 v53, v0;
	v50 =	vmul.f32 v26, v63;
	v51 =	vmul.f32 v36, v63;
	v24 =	vld [tilespmem:s30+$0x0]  }
0x1cf: {  	v52 =	vmul.f32 v37, v49;
	v53 =	vmul.f32 v39, v49;
	s30 =	sor.u32 s23, s28;
	v4 =	vadd.f32 v27, v4;
	v27 =	vld [tilespmem:s29+$0x0]  }
0x1d0: {  	v58 =	vmul.f32 v38, v55;
	v39 =	vperm.xlane v20, v16;
	s29 =	sor.u32 s22, s28;
	v28 =	vld [tilespmem:s30+$0x0]  }
0x1d1: {  	v2 =	vadd.f32 v54, v2;
	v0 =	vadd.f32 v56, v0;
	v54 =	vmul.f32 v41, v49;
	v31 =	vld [tilespmem:s29+$0x0];
	s29 =	sor.u32 s24, s28;
	s28 =	sadd.s32 $0x14B00, s26  }
0x1d2: {  	v1 =	vadd.f32 v57, v1;
	v56 =	vmul.f32 v30, v49;
	v57 =	vmul.f32 v33, v55;
	v35 =	vld [tilespmem:s29+$0x0];
	s30 =	sor.u32 s25, s28  }
0x1d3: {  	v2 =	vadd.f32 v59, v2;
	v0 =	vadd.f32 v60, v0;
	v59 =	vperm.xlane v20, v8;
	s29 =	sor.u32 s22, s28;
	v37 =	vld [tilespmem:s30+$0x0]  }
0x1d4: {  	v1 =	vadd.f32 v61, v1;
	v60 =	vmul.f32 v43, v55;
	v61 =	vmul.f32 v46, v55;
	v25 =	vld [tilespmem:s29+$0x0];
	s30 =	sor.u32 s23, s28  }
0x1d5: {  	v43 =	vperm.xlane v20, v9;
	v55 =	vperm.xlane v20, v11;
	v2 =	vadd.f32 v62, v2;
	s29 =	sor.u32 s24, s28;
	s28 =	sadd.s32 $0x14B80, s26;
	v26 =	vld [tilespmem:s30+$0x0]  }
0x1d6: {  	v4 =	vadd.f32 v32, v4;
	v0 =	vadd.f32 v45, v0;
	v62 =	vmul.f32 v48, v59;
	v32 =	vld [tilespmem:s29+$0x0];
	s30 =	sor.u32 s25, s28  }
0x1d7: {  	v1 =	vadd.f32 v47, v1;
	v22 =	vmul.f32 v22, v59;
	v63 =	vmul.f32 v34, v59;
	s29 =	sor.u32 s22, s28;
	v36 =	vld [tilespmem:s30+$0x0]  }
0x1d8: {  	v46 =	vmul.f32 v40, v59;
	v48 =	vmul.f32 v42, v43;
	v2 =	vadd.f32 v50, v2;
	v38 =	vld [tilespmem:s29+$0x0];
	s30 =	sor.u32 s23, s28  }
0x1d9: {  	v49 =	vmul.f32 v29, v43;
	v4 =	vadd.f32 v51, v4;
	v0 =	vadd.f32 v52, v0;
	s29 =	sor.u32 s24, s28;
	s28 =	sadd.s32 $0x14C00, s26;
	v45 =	vld [tilespmem:s30+$0x0]  }
0x1da: {  	v1 =	vadd.f32 v53, v1;
	v50 =	vperm.xlane v20, v10;
	v51 =	vmul.f32 v44, v43;
	v47 =	vld [tilespmem:s29+$0x0];
	s30 =	sor.u32 s25, s28  }
0x1db: {  	v27 =	vmul.f32 v27, v43;
	v2 =	vadd.f32 v54, v2;
	v4 =	vadd.f32 v56, v4;
	s29 =	sor.u32 s22, s28;
	v23 =	vld [tilespmem:s30+$0x0]  }
0x1dc: {  	v0 =	vadd.f32 v57, v0;
	v1 =	vadd.f32 v58, v1;
	v52 =	vmul.f32 v24, v50;
	v33 =	vld [tilespmem:s29+$0x0];
	s30 =	sor.u32 s23, s28  }
0x1dd: {  	v53 =	vmul.f32 v31, v50;
	v54 =	vmul.f32 v28, v50;
	s29 =	sor.u32 s24, s28;
	s28 =	sadd.s32 $0x14C80, s26;
	v4 =	vadd.f32 v61, v4;
	v34 =	vld [tilespmem:s30+$0x0]  }
0x1de: {  	v56 =	vmul.f32 v35, v50;
	v2 =	vadd.f32 v60, v2;
	v0 =	vadd.f32 v62, v0;
	v31 =	vld [tilespmem:s29+$0x0];
	s30 =	sor.u32 s25, s28  }
0x1df: {  	v57 =	vmul.f32 v37, v55;
	v59 =	vmul.f32 v25, v55;
	v40 =	vld [tilespmem:s30+$0x0];
	s30 =	sor.u32 s23, s28;
	v4 =	vadd.f32 v46, v4  }
0x1e0: {  	v1 =	vadd.f32 v22, v1;
	s29 =	sor.u32 s22, s28;
	v60 =	vperm.xlane v20, v12;
	v61 =	vmul.f32 v26, v55;
	v58 =	vld [tilespmem:s30+$0x0]  }
0x1e1: {  	v62 =	vmul.f32 v32, v55;
	v2 =	vadd.f32 v63, v2;
	v4 =	vadd.f32 v27, v4;
	v27 =	vld [tilespmem:s29+$0x0];
	s29 =	sor.u32 s24, s28;
	s28 =	sadd.s32 $0x14D00, s26  }
0x1e2: {  	v0 =	vadd.f32 v48, v0;
	v41 =	vmul.f32 v36, v60;
	v42 =	vmul.f32 v38, v60;
	v29 =	vld [tilespmem:s29+$0x0];
	s30 =	sor.u32 s25, s28  }
0x1e3: {  	v1 =	vadd.f32 v49, v1;
	v44 =	vmul.f32 v45, v60;
	v45 =	vperm.xlane v20, v13;
	s29 =	sor.u32 s22, s28;
	v63 =	vld [tilespmem:s30+$0x0]  }
0x1e4: {  	v47 =	vmul.f32 v47, v60;
	v2 =	vadd.f32 v51, v2;
	v0 =	vadd.f32 v52, v0;
	v43 =	vld [tilespmem:s29+$0x0];
	s30 =	sor.u32 s23, s28  }
0x1e5: {  	v1 =	vadd.f32 v53, v1;
	v52 =	vperm.xlane v20, v14;
	v49 =	vmul.f32 v23, v45;
	s29 =	sor.u32 s24, s28;
	s28 =	sadd.s32 $0x14D80, s26;
	v46 =	vld [tilespmem:s30+$0x0]  }
0x1e6: {  	v51 =	vmul.f32 v33, v45;
	v2 =	vadd.f32 v54, v2;
	v4 =	vadd.f32 v56, v4;
	v48 =	vld [tilespmem:s29+$0x0];
	s30 =	sor.u32 s25, s28  }
0x1e7: {  	v31 =	vmul.f32 v31, v45;
	v0 =	vadd.f32 v57, v0;
	v1 =	vadd.f32 v59, v1;
	s29 =	sor.u32 s22, s28;
	v50 =	vld [tilespmem:s30+$0x0]  }
0x1e8: {  	v54 =	vmul.f32 v34, v45;
	v56 =	vmul.f32 v40, v52;
	v2 =	vadd.f32 v61, v2;
	v53 =	vld [tilespmem:s29+$0x0];
	s30 =	sor.u32 s23, s28  }
0x1e9: {  	v59 =	vperm.xlane v20, v15;
	v4 =	vadd.f32 v62, v4;
	v0 =	vadd.f32 v41, v0;
	s29 =	sor.u32 s24, s28;
	s28 =	sadd.s32 $0x14E00, s26;
	v55 =	vld [tilespmem:s30+$0x0]  }
0x1ea: {  	v58 =	vmul.f32 v58, v52;
	v1 =	vadd.f32 v42, v1;
	v57 =	vld [tilespmem:s29+$0x0];
	s30 =	sor.u32 s25, s28;
	v2 =	vadd.f32 v44, v2  }
0x1eb: {  	v27 =	vmul.f32 v27, v52;
	s29 =	sor.u32 s22, s28;
	v4 =	vadd.f32 v47, v4;
	v0 =	vadd.f32 v49, v0;
	v60 =	vld [tilespmem:s30+$0x0]  }
0x1ec: {  	v1 =	vadd.f32 v51, v1;
	v61 =	vmul.f32 v29, v52;
	v62 =	vld [tilespmem:s29+$0x0];
	s30 =	sor.u32 s23, s28;
	v47 =	vperm.xlane v20, v17  }
0x1ed: {  	s29 =	sor.u32 s24, s28;
	s28 =	sadd.s32 $0x14E80, s26;
	v20 =	vperm.xlane v20, v18;
	v63 =	vmul.f32 v63, v59;
	v36 =	vld [tilespmem:s30+$0x0];
	v2 =	vadd.f32 v54, v2  }
0x1ee: {  	v38 =	vmul.f32 v43, v59;
	v40 =	vld [tilespmem:s29+$0x0];
	s30 =	sor.u32 s25, s28;
	v4 =	vadd.f32 v31, v4;
	v0 =	vadd.f32 v56, v0  }
0x1ef: {  	s29 =	sor.u32 s22, s28;
	v1 =	vadd.f32 v27, v1;
	v41 =	vmul.f32 v46, v59;
	v24 =	vmul.f32 v48, v59;
	v42 =	vld [tilespmem:s30+$0x0]  }
0x1f0: {  	s26 =	sadd.s32 $0x16B00, s26;
	v45 =	vld [tilespmem:s29+$0x0];
	s30 =	sor.u32 s23, s28;
	v43 =	vmul.f32 v50, v39;
	v44 =	vmul.f32 v53, v39;
	v2 =	vadd.f32 v58, v2  }
0x1f1: {  	s29 =	sor.u32 s25, s26;
	v48 =	vld [tilespmem:s30+$0x0];
	v4 =	vadd.f32 v61, v4;
	v0 =	vadd.f32 v63, v0;
	v46 =	vmul.f32 v55, v39  }
0x1f2: {  	s28 =	sor.u32 s24, s28;
	v52 =	vld [tilespmem:s29+$0x0];
	v1 =	vadd.f32 v38, v1;
	v49 =	vmul.f32 v57, v39;
	v51 =	vmul.f32 v60, v47  }
0x1f3: {  	v50 =	vld [tilespmem:s28+$0x0];
	s30 =	sor.u32 s22, s26;
	v53 =	vmul.f32 v62, v47;
	v2 =	vadd.f32 v41, v2;
	v4 =	vadd.f32 v24, v4  }
0x1f4: {  	s25 =	sor.u32 s23, s26;
	v54 =	vld [tilespmem:s30+$0x0];
	v0 =	vadd.f32 v43, v0;
	v1 =	vadd.f32 v44, v1;
	v55 =	vmul.f32 v36, v47  }
0x1f5: {  	s28 =	sor.u32 s24, s26;
	v57 =	vld [tilespmem:s25+$0x0];
	v56 =	vmul.f32 v40, v47;
	v58 =	vmul.f32 v42, v20;
	v2 =	vadd.f32 v46, v2  }
0x1f6: {  	v59 =	vld [tilespmem:s28+$0x0];
	v60 =	vmul.f32 v45, v20;
	v4 =	vadd.f32 v49, v4;
	v0 =	vadd.f32 v51, v0  }
0x1f7: {  	v1 =	vadd.f32 v53, v1;
	v61 =	vmul.f32 v48, v20;
	v23 =	vmul.f32 v52, v19  }
0x1f8: {  	v20 =	vmul.f32 v50, v20;
	v2 =	vadd.f32 v55, v2;
	v0 =	vadd.f32 v58, v0  }
0x1f9: {  	v62 =	vmul.f32 v54, v19;
	v4 =	vadd.f32 v56, v4;
	v1 =	vadd.f32 v60, v1  }
0x1fa: {  	p0 =	sne.s32 s21, $0x258;
	s29 =	sand.u32 $0x380, s17;
	v63 =	vmul.f32 v57, v19;
	v2 =	vadd.f32 v61, v2;
	v0 =	vadd.f32 v23, v0  }
.Ltmp2:
0x1fb: {  	s0 =	sadd.s32 $0x18B00, s29;
	v19 =	vmul.f32 v59, v19;
	v4 =	vadd.f32 v20, v4;
	v1 =	vadd.f32 v62, v1;
	(pc) =	sbr.rel @p0 .LBB2_7-.Ltmp2, $4  }
0x1fc: {  	s22 =	sor.u32 s22, s0;
	v2 =	vadd.f32 v63, v2;
	[tilespmem:s18+$0x0] =	vst v0  }
0x1fd: {  	s30 =	sor.u32 s23, s0;
	v0 =	vadd.f32 v19, v4;
	[tilespmem:s22+$0x0] =	vst v1  }
0x1fe: {  	s19 =	sadd.s32 $0x200, s19;
	s6 =	sadd.s32 $0x28, s6;
	s0 =	sor.u32 s24, s0;
	[tilespmem:s30+$0x0] =	vst v2  }
0x1ff: {  	s21 =	sadd.s32 $0x28, s21;
	s17 =	sadd.s32 $0x40, s17;
	v4 =	vimm.s32 $0x1;
	s18 =	sadd.s32 $0x40, s18;
	[tilespmem:s0+$0x0] =	vst v0  }
0x200: {  	s0 =	sadd.s32 s5, s16  }
0x201: {  	s15 =	sadd.s32 $0x1, s15;
	s0 =	sshll.u32 s0, $0x7  }
0x202: {  	p0 =	sne.s32 s15, $0xE;
	s0 =	sand.u32 $0x1FFFFF80, s0  }
.Ltmp3:
0x203: {  	s0 =	sadd.s32 s4, s0;
	(pc) =	sbr.rel @p0 .LBB2_2-.Ltmp3, $4  }
0x204: {  	[hbm4b:s0+s3] =	stream.linear.scatter [tilespmem:s31], [sflag:$0x3], $0x400, $0x38;
	[tilespmem:$0x18F00] =	vst v63  }
0x205: {  	_ =	swait.ge [sflag:s12], $0x400  }
0x206: {  	s14 =	sadd.s32 $0x500, s14;
	s20 =	sadd.s32 $0x500, s20;
	[sflag:s12] =	ssyncset.done $0x0  }
0x207: {  	s7 =	sadd.s32 $0x500, s7;
	s11 =	sadd.s32 $0x500, s11;
	[sflag:s12] =	ssyncadd.s32 $0xFFFFFC00  }
0x208: {  	s6 =	rddreg [dreg:$0x7]  }
0x209: {  	s0 =	rddreg [dreg:$0x6];
	s6 =	sadd.s32 $0x1, s6  }
0x20a: {  	p0 =	sne.s32 s6, s0  }
.Ltmp4:
0x20b: {  	_ = 	snop;
	(pc) =	sbr.rel @p0 .LBB2_1-.Ltmp4, $1  }
0x20c: {  	_ =	sdelay $0x3  }
0x20d: {  	_ =	sfence.sel $0x180000  }
0x20e: {  	[bflag:$0x0] =	sbarrier.arrive $0xFFFF  }
0x20f: {  	_ =	strace $0x90000047  }
0x210: {  	s0 =	stileid.u32;
	[bflag:$0x2] =	sbarrier.arrive $0xFFFF  }
0x211: {  	p0 =	sne.s32 s0, $0x0;
	s0 =	rddreg [dreg:$0x3]  }
0x212: {  	s0 =	sadd.s32 @!p0 $0x100000, s0  }
0x213: {  	[sflag:s0] =	ssyncadd.tile.s32 @!p0 $0x1;
	_ =	shalt  }
.Lfunc_end2:
_tile_overlayer_lowered:
.L_overlay_start_2:
0x214: {  	(tag) =	ssettag $0x2  }
0x215: {  	s0 =	rddreg [dreg:$0x0];
	s2 =	stileid.u32  }
0x216: {  	s1 =	rddreg [dreg:$0x1];
	p0 =	sne.s32 s2, $0x0  }
0x217: {  	s3 =	rddreg [dreg:$0x2];
	[bflag:$0x3] =	sbarrier.arrive $0xFFFF;
	s2 =	simm.s32 @!p0 $0x1C03  }
0x218: {  	[timem:s3], [sflag:s2] =	dma.local @!p0 [hbm:s0], s1  }
0x219: {  	s0 =	simm.s32 @!p0 $0x3  }
0x21a: {  	_ =	swait.ge @!p0 [sflag:s0], s1  }
0x21b: {  	s1 =	ssub.s32 @!p0 $0x0, s1;
	[sflag:s0] =	ssyncset.done @!p0 $0x0  }
0x21c: {  	[sflag:s0] =	ssyncadd.s32 @!p0 s1  }
0x21d: {  	[bflag:$0x3] =	sbarrier.arrive $0xFFFF  }
0x21e: {  	_ =	shalt  }

</sc_bundles>
